<compile_context>
chip_gen: v7x
topology: tpu7x:2x2x1
jax: 0.10.2.dev20260603
libtpu: 0.0.44.dev20260713+nightly
codegen_flags: <defaults>
</compile_context>

<pallas_src>
import functools

import jax
import jax.numpy as jnp
from jax import lax
from jax.experimental import pallas as pl
from jax.experimental.pallas import tpu as pltpu
from jax.experimental.pallas import tpu_sc as plsc

N_NODES = 10000
N_EDGES = 320000
F_IN = 128
F_HID = 16

NC = 2
NS = 16
NW = NC * NS
NPAD = 10240
ROWS_PER_TILE = NPAD // NS
EPW = N_EDGES // NW
CHUNK = 125
NCHUNK = EPW // CHUNK
NB = 10
PD = 5
ZROWS = 64
ZITER = ROWS_PER_TILE // ZROWS

_mesh = plsc.VectorSubcoreMesh(core_axis_name="c", subcore_axis_name="s")
_sc_params = pltpu.CompilerParams(use_tc_tiling_on_sc=False)


def _zero_acc_slice(zbuf, acc, row0):
    zero = jnp.zeros((F_HID,), jnp.float32)

    @pl.loop(0, ZROWS)
    def _(i):
        zbuf[i, :] = zero

    @pl.loop(0, ZITER)
    def _(j):
        pltpu.sync_copy(zbuf, acc.at[pl.ds(row0 + j * ZROWS, ZROWS)])


def _sc_degree(edge3):

    @functools.partial(
        pl.kernel,
        out_type=[jax.ShapeDtypeStruct((NC, NPAD, F_HID), jnp.float32),
                  jax.ShapeDtypeStruct((NC, NPAD), jnp.float32)],
        mesh=_mesh,
        compiler_params=_sc_params,
        scratch_types=[
            pltpu.VMEM((NCHUNK, CHUNK), jnp.int32),
            pltpu.VMEM((CHUNK, F_HID), jnp.float32),
            pltpu.VMEM((128,), jnp.float32),
            pltpu.VMEM((ZROWS, F_HID), jnp.float32),
            pltpu.VMEM((ROWS_PER_TILE,), jnp.float32),
            pltpu.VMEM_SHARED((NPAD, F_HID), jnp.float32),
            pltpu.VMEM_SHARED((NPAD,), jnp.float32),
        ] + [pltpu.SemaphoreType.DMA] * (2 * PD),
    )
    def k(e_hbm, out16_hbm, out1_hbm, idx_d, ones, ones1f, zbuf, zbuf1,
          acc, acc1, *sems):
        ssems, tsems = sems[:PD], sems[PD:]
        ones1 = ones1f.at[pl.ds(0, CHUNK)]
        cid = lax.axis_index("c")
        sid = lax.axis_index("s")
        wid = sid * NC + cid
        row0 = sid * ROWS_PER_TILE

        pltpu.sync_copy(e_hbm.at[1, wid], idx_d)

        one = jnp.ones((F_HID,), jnp.float32)

        @pl.loop(0, CHUNK)
        def _(i):
            ones[i, :] = one

        @pl.loop(0, 8)
        def _(i):
            ones1f[pl.ds(i * 16, 16)] = jnp.ones((16,), jnp.float32)

        @pl.loop(0, ROWS_PER_TILE // 16)
        def _(i):
            zbuf1[pl.ds(i * 16, 16)] = jnp.zeros((16,), jnp.float32)

        _zero_acc_slice(zbuf, acc, row0)
        pltpu.sync_copy(zbuf1, acc1.at[pl.ds(row0, ROWS_PER_TILE)])
        plsc.subcore_barrier()

        @pl.loop(0, NCHUNK, step=PD)
        def _(jo):
            for b in range(PD):
                j = jo + b

                @pl.when(j >= PD)
                def _():
                    pltpu.make_async_copy(
                        ones, acc.at[idx_d.at[j - PD]], ssems[b]).wait()
                    pltpu.make_async_copy(
                        ones1, acc1.at[idx_d.at[j - PD]], tsems[b]).wait()

                pltpu.async_copy(ones, acc.at[idx_d.at[j]], ssems[b],
                                 add=True)
                pltpu.async_copy(ones1, acc1.at[idx_d.at[j]], tsems[b],
                                 add=True)

        for b in range(PD):
            j = NCHUNK - PD + b
            pltpu.make_async_copy(ones, acc.at[idx_d.at[j]], ssems[b]).wait()
            pltpu.make_async_copy(ones1, acc1.at[idx_d.at[j]],
                                  tsems[b]).wait()

        plsc.subcore_barrier()
        pltpu.sync_copy(acc.at[pl.ds(row0, ROWS_PER_TILE)],
                        out16_hbm.at[cid, pl.ds(row0, ROWS_PER_TILE)])
        pltpu.sync_copy(acc1.at[pl.ds(row0, ROWS_PER_TILE)],
                        out1_hbm.at[cid, pl.ds(row0, ROWS_PER_TILE)])

    return k(edge3)


def _sc_scatter(edge3, hs):

    @functools.partial(
        pl.kernel,
        out_type=jax.ShapeDtypeStruct((NC, NPAD, F_HID), jnp.float32),
        mesh=_mesh,
        compiler_params=_sc_params,
        scratch_types=[
            pltpu.VMEM((NCHUNK, CHUNK), jnp.int32),
            pltpu.VMEM((NCHUNK, CHUNK), jnp.int32),
            pltpu.VMEM((NB, CHUNK, F_HID), jnp.float32),
            pltpu.VMEM((ZROWS, F_HID), jnp.float32),
            pltpu.VMEM_SHARED((NPAD, F_HID), jnp.float32),
        ] + [pltpu.SemaphoreType.DMA] * (2 * NB),
    )
    def k(e_hbm, hs_hbm, out_hbm, idx_s, idx_d, rows, zbuf, acc, *sems):
        gsems, ssems = sems[:NB], sems[NB:]
        cid = lax.axis_index("c")
        sid = lax.axis_index("s")
        wid = sid * NC + cid
        row0 = sid * ROWS_PER_TILE

        pltpu.sync_copy(e_hbm.at[0, wid], idx_s)
        pltpu.sync_copy(e_hbm.at[1, wid], idx_d)

        @pl.when(cid == 0)
        def _():
            pltpu.sync_copy(hs_hbm.at[pl.ds(row0, ROWS_PER_TILE)],
                            acc.at[pl.ds(row0, ROWS_PER_TILE)])

        @pl.when(cid != 0)
        def _():
            _zero_acc_slice(zbuf, acc, row0)

        plsc.subcore_barrier()

        for b in range(PD):
            pltpu.async_copy(hs_hbm.at[idx_s.at[b]], rows.at[b], gsems[b])

        @pl.loop(0, NCHUNK, step=NB)
        def _(jo):
            for b in range(NB):
                j = jo + b
                bp = (b + PD) % NB
                pltpu.make_async_copy(
                    hs_hbm.at[idx_s.at[j]], rows.at[b], gsems[b]).wait()
                pltpu.async_copy(rows.at[b], acc.at[idx_d.at[j]], ssems[b],
                                 add=True)
                @pl.when(j >= PD)
                def _():
                    pltpu.make_async_copy(
                        rows.at[bp], acc.at[idx_d.at[j - PD]],
                        ssems[bp]).wait()

                @pl.when(j + PD < NCHUNK)
                def _():
                    pltpu.async_copy(hs_hbm.at[idx_s.at[j + PD]],
                                     rows.at[bp], gsems[bp])

        for b in range(PD):
            j = NCHUNK - PD + b
            pltpu.make_async_copy(rows.at[(j % NB)], acc.at[idx_d.at[j]],
                                  ssems[j % NB]).wait()

        plsc.subcore_barrier()
        pltpu.sync_copy(acc.at[pl.ds(row0, ROWS_PER_TILE)],
                        out_hbm.at[cid, pl.ds(row0, ROWS_PER_TILE)])

    return k(edge3, hs)


NPK = NPAD // 8



def _tc_matmul_scale(x, w, deg1):

    def body(x_ref, w_ref, d_ref, hs_ref):
        h1 = jnp.dot(x_ref[...], w_ref[...],
                     preferred_element_type=jnp.float32)
        deg = d_ref[0, pl.ds(0, N_NODES)] + d_ref[1, pl.ds(0, N_NODES)] + 1.0
        dinv = lax.rsqrt(jnp.maximum(deg, 1.0))[:, None]
        hs_ref[pl.ds(0, N_NODES), :] = dinv * h1
        hs_ref[pl.ds(N_NODES, NPAD - N_NODES), :] = jnp.zeros(
            (NPAD - N_NODES, F_HID), jnp.float32)

    return pl.pallas_call(
        body,
        out_shape=jax.ShapeDtypeStruct((NPAD, F_HID), jnp.float32),
    )(x, w, deg1)


def _tc_layer2(m_pk, degpk, b1_pk, w2_g):

    def body(m_ref, d_ref, b_ref, w_ref, o_ref):
        dinv = lax.rsqrt(jnp.maximum(d_ref[0] + d_ref[1] + 1.0, 1.0))
        agg = m_ref[0] + m_ref[1]
        o1 = jnp.maximum(dinv * agg + b_ref[...], 0.0)
        h2 = jnp.dot(o1, w_ref[...], preferred_element_type=jnp.float32)
        o_ref[...] = dinv * h2

    return pl.pallas_call(
        body,
        out_shape=jax.ShapeDtypeStruct((NPK, 128), jnp.float32),
    )(m_pk, degpk, b1_pk, w2_g)


def _tc_out(m_pk, degpk, b2_pk, g_sum):

    def body(m_ref, d_ref, b_ref, g_ref, o_ref):
        dinv = lax.rsqrt(jnp.maximum(d_ref[0] + d_ref[1] + 1.0, 1.0))
        o2 = dinv * (m_ref[0] + m_ref[1]) + b_ref[...]
        e = jnp.exp(o2 - jnp.max(o2))
        ssum = jnp.dot(e, g_ref[...], preferred_element_type=jnp.float32)
        o_ref[...] = o2 - jnp.max(o2) - jnp.log(ssum)

    return pl.pallas_call(
        body,
        out_shape=jax.ShapeDtypeStruct((NPK, 128), jnp.float32),
    )(m_pk, degpk, b2_pk, g_sum)


def kernel(x, edge_index, W1, b1, W2, b2):
    edge3 = edge_index.reshape(2, NW, NCHUNK, CHUNK)
    b1_pk = jnp.tile(b1, 8).reshape(1, 128)
    b2_pk = jnp.tile(b2, 8).reshape(1, 128)
    w2_g = jnp.kron(jnp.eye(8, dtype=W2.dtype), W2)
    g_sum = jnp.kron(jnp.eye(8, dtype=W2.dtype), jnp.ones((16, 16), W2.dtype))

    deg16, deg1 = _sc_degree(edge3)
    degpk = deg16.reshape(NC, NPK, 128)
    hs1 = _tc_matmul_scale(x, W1, deg1)
    msg1 = _sc_scatter(edge3, hs1)
    hs2_pk = _tc_layer2(msg1.reshape(NC, NPK, 128), degpk, b1_pk, w2_g)
    msg2 = _sc_scatter(edge3, hs2_pk.reshape(NPAD, F_HID))
    out_pk = _tc_out(msg2.reshape(NC, NPK, 128), degpk, b2_pk, g_sum)
    return out_pk.reshape(NPAD, F_HID)[:N_NODES]

# --- scband reference (transcript-rebuilt; emitter-appended) ---
"""Pipeline reference for scband-gcn-57045755625627 (READ-ONLY COPY).

The authoritative reference and input builder live on the scoring server;
editing this copy changes nothing except your own understanding.
"""

import jax, jax.numpy as jnp
import numpy as np

N = 10000
E = 320000
F_IN = 128
HID = 16
CLS = 16


def setup_inputs(seed: int = 0) -> dict:
    key = jax.random.key(seed)
    k1, k2, k3, k4 = jax.random.split(key, 4)
    x = jax.random.normal(k1, (N, F_IN), dtype=jnp.float32)
    edge_index = jax.random.randint(k2, (2, E), 0, N, dtype=jnp.int32)
    W1 = jax.random.normal(k3, (F_IN, HID), dtype=jnp.float32) / np.sqrt(F_IN)
    b1 = jnp.zeros((HID,), dtype=jnp.float32)
    W2 = jax.random.normal(k4, (HID, CLS), dtype=jnp.float32) / np.sqrt(HID)
    b2 = jnp.zeros((CLS,), dtype=jnp.float32)
    return {"x": x, "edge_index": edge_index, "W1": W1, "b1": b1, "W2": W2, "b2": b2}


def _gcn_conv(x, edge_index, W, b, n):
    # PyG GCNConv: x' = D^{-1/2} (A + I) D^{-1/2} X W + b
    h = x @ W
    loop = jnp.arange(n, dtype=edge_index.dtype)
    src = jnp.concatenate([edge_index[0], loop])
    dst = jnp.concatenate([edge_index[1], loop])
    deg = jnp.zeros((n,), dtype=h.dtype).at[dst].add(1.0)
    dinv = jax.lax.rsqrt(jnp.maximum(deg, 1.0))
    norm = dinv[src] * dinv[dst]
    msg = h[src] * norm[:, None]
    out = jnp.zeros((n, h.shape[1]), dtype=h.dtype).at[dst].add(msg)
    return out + b


def reference(x, edge_index, W1, b1, W2, b2):
    n = x.shape[0]
    h = _gcn_conv(x, edge_index, W1, b1, n)
    h = jax.nn.relu(h)
    # dropout(p=0.5, training=self.training) is identity in eval mode
    h = _gcn_conv(h, edge_index, W2, b2, n)
    return jax.nn.log_softmax(h, axis=1)

if __name__ == "__main__":
    import jax
    _d = setup_inputs()
    print(jax.jit(kernel)(*tuple(_d.values())))

</pallas_src>

<mosaic_0001>
#map = affine_map<(d0, d1) -> (0, 0, 0, 0)>
#map1 = affine_map<(d0, d1) -> (0, 0, 0)>
#map2 = affine_map<(d0, d1) -> (0, 0)>
module attributes {stable_mosaic.version = 14 : i64} {
  func.func @k(%arg0: i32, %arg1: i32, %arg2: memref<2x32x80x125xi32, #tpu.memory_space<hbm>>, %arg3: memref<2x10240x16xf32, #tpu.memory_space<hbm>>, %arg4: memref<2x10240xf32, #tpu.memory_space<hbm>>, %arg5: memref<80x125xi32, #tpu.memory_space<vmem>>, %arg6: memref<125x16xf32, #tpu.memory_space<vmem>>, %arg7: memref<128xf32, #tpu.memory_space<vmem>>, %arg8: memref<64x16xf32, #tpu.memory_space<vmem>>, %arg9: memref<640xf32, #tpu.memory_space<vmem>>, %arg10: memref<10240x16xf32, #tpu.memory_space<vmem_shared>>, %arg11: memref<10240xf32, #tpu.memory_space<vmem_shared>>, %arg12: memref<!tpu.dma_semaphore, #tpu.memory_space<semaphore_mem>>, %arg13: memref<!tpu.dma_semaphore, #tpu.memory_space<semaphore_mem>>, %arg14: memref<!tpu.dma_semaphore, #tpu.memory_space<semaphore_mem>>, %arg15: memref<!tpu.dma_semaphore, #tpu.memory_space<semaphore_mem>>, %arg16: memref<!tpu.dma_semaphore, #tpu.memory_space<semaphore_mem>>, %arg17: memref<!tpu.dma_semaphore, #tpu.memory_space<semaphore_mem>>, %arg18: memref<!tpu.dma_semaphore, #tpu.memory_space<semaphore_mem>>, %arg19: memref<!tpu.dma_semaphore, #tpu.memory_space<semaphore_mem>>, %arg20: memref<!tpu.dma_semaphore, #tpu.memory_space<semaphore_mem>>, %arg21: memref<!tpu.dma_semaphore, #tpu.memory_space<semaphore_mem>>) attributes {dimension_semantics = [#tpu.dimension_semantics<core_parallel>, #tpu.dimension_semantics<subcore_parallel>], iteration_bounds = array<i64: 2, 16>, scalar_prefetch = 0 : i64, scratch_operands = 17 : i64, tpu.core_type = #tpu.core_type<sc_vector_subcore>, window_params = [{transform_indices = #map}, {transform_indices = #map1}, {transform_indices = #map2}]} {
    %mul3A = arith.constant 2 : i32
    %mul3A_0 = arith.muli %arg1, %mul3A : i32
    %add3A = arith.addi %mul3A_0, %arg0 : i32
    %mul3A_1 = arith.constant 640 : i32
    %mul3A_2 = arith.muli %arg1, %mul3A_1 : i32
    %run_scoped3A = arith.constant 1 : i32
    "tpu.region"() ({
      %run_scoped3A_110 = tpu.sem_alloc : memref<!tpu.dma_semaphore, #tpu.memory_space<semaphore_mem>>
      %dma_start3A = arith.constant 0 : i32
      %dma_start3A_111 = arith.constant 0 : i32
      %dma_start3A_112 = tpu.memref_slice %arg2[%run_scoped3A, %add3A, %dma_start3A, %dma_start3A_111] : memref<2x32x80x125xi32, #tpu.memory_space<hbm>> -> memref<1x1x80x125xi32, #tpu.memory_space<hbm>>
      %dma_start3A_113 = tpu.memref_squeeze %dma_start3A_112 : memref<1x1x80x125xi32, #tpu.memory_space<hbm>> -> memref<80x125xi32, #tpu.memory_space<hbm>>
      %dma_start3A_114 = arith.constant 0 : i32
      %dma_start3A_115 = arith.constant 0 : i32
      %dma_start3A_116 = tpu.memref_slice %arg2[%run_scoped3A, %add3A, %dma_start3A_114, %dma_start3A_115] : memref<2x32x80x125xi32, #tpu.memory_space<hbm>> -> memref<1x1x80x125xi32, #tpu.memory_space<hbm>>
      %dma_start3A_117 = tpu.memref_squeeze %dma_start3A_116 : memref<1x1x80x125xi32, #tpu.memory_space<hbm>> -> memref<80x125xi32, #tpu.memory_space<hbm>>
      tpu.enqueue_dma source(%dma_start3A_117 : memref<80x125xi32, #tpu.memory_space<hbm>>) target(%arg5 : memref<80x125xi32, #tpu.memory_space<vmem>>) target_semaphore(%run_scoped3A_110 : memref<!tpu.dma_semaphore, #tpu.memory_space<semaphore_mem>>)
      %dma_wait3A_118 = arith.constant 0 : i32
      %dma_wait3A_119 = arith.constant 0 : i32
      %dma_wait3A_120 = tpu.memref_slice %arg2[%run_scoped3A, %add3A, %dma_wait3A_118, %dma_wait3A_119] : memref<2x32x80x125xi32, #tpu.memory_space<hbm>> -> memref<1x1x80x125xi32, #tpu.memory_space<hbm>>
      %dma_wait3A_121 = tpu.memref_squeeze %dma_wait3A_120 : memref<1x1x80x125xi32, #tpu.memory_space<hbm>> -> memref<80x125xi32, #tpu.memory_space<hbm>>
      %dma_wait3A_122 = arith.constant 0 : i32
      %dma_wait3A_123 = arith.constant 0 : i32
      %dma_wait3A_124 = tpu.memref_slice %arg2[%run_scoped3A, %add3A, %dma_wait3A_122, %dma_wait3A_123] : memref<2x32x80x125xi32, #tpu.memory_space<hbm>> -> memref<1x1x80x125xi32, #tpu.memory_space<hbm>>
      %dma_wait3A_125 = tpu.memref_squeeze %dma_wait3A_124 : memref<1x1x80x125xi32, #tpu.memory_space<hbm>> -> memref<80x125xi32, #tpu.memory_space<hbm>>
      tpu.wait_dma2 semaphore(%run_scoped3A_110 : memref<!tpu.dma_semaphore, #tpu.memory_space<semaphore_mem>>) src(%dma_wait3A_125 : memref<80x125xi32, #tpu.memory_space<hbm>>) dst(%arg5 : memref<80x125xi32, #tpu.memory_space<vmem>>)
      tpu.yield
    }) : () -> ()
    %broadcast_in_dim3A = arith.constant 1.000000e+00 : f32
    %broadcast_in_dim3A_3 = vector.broadcast %broadcast_in_dim3A : f32 to vector<16xf32>
    %scan3A = arith.constant 0 : i32
    %scan3A_4 = arith.constant 125 : i32
    %scan3A_5 = arith.addi %scan3A, %scan3A_4 : i32
    %scan3A_6 = arith.constant 1 : i32
    scf.for %scan3A_110 = %scan3A to %scan3A_5 step %scan3A_6  : i32 {
      %mul3A_111 = arith.constant 1 : i32
      %mul3A_112 = arith.muli %scan3A_110, %mul3A_111 : i32
      %add3A_113 = arith.constant 0 : i32
      %add3A_114 = arith.addi %add3A_113, %mul3A_112 : i32
      %swap3A = arith.index_cast %add3A_114 : i32 to index
      %swap3A_115 = arith.constant 0 : index
      %swap3A_116 = tpu.vector_load %arg6[%swap3A, %swap3A_115] {strides = array<i32>} : memref<125x16xf32, #tpu.memory_space<vmem>>, vector<1x16xf32>,
      %swap3A_117 = vector.shape_cast %swap3A_116 : vector<1x16xf32> to vector<16xf32>
      %swap3A_118 = vector.shape_cast %broadcast_in_dim3A_3 : vector<16xf32> to vector<1x16xf32>
      tpu.vector_store %arg6[%swap3A, %swap3A_115], %swap3A_118 {strides = array<i32>} : memref<125x16xf32, #tpu.memory_space<vmem>>, vector<1x16xf32>,
    }
    %scan3A_7 = arith.constant 125 : i32
    %scan3A_8 = arith.constant 0 : i32
    %scan3A_9 = arith.constant 8 : i32
    %scan3A_10 = arith.addi %scan3A_8, %scan3A_9 : i32
    %scan3A_11 = arith.constant 1 : i32
    scf.for %scan3A_110 = %scan3A_8 to %scan3A_10 step %scan3A_11  : i32 {
      %mul3A_111 = arith.constant 1 : i32
      %mul3A_112 = arith.muli %scan3A_110, %mul3A_111 : i32
      %add3A_113 = arith.constant 0 : i32
      %add3A_114 = arith.addi %add3A_113, %mul3A_112 : i32
      %broadcast_in_dim3A_115 = arith.constant 1.000000e+00 : f32
      %broadcast_in_dim3A_116 = vector.broadcast %broadcast_in_dim3A_115 : f32 to vector<16xf32>
      %mul3A_117 = arith.constant 16 : i32
      %mul3A_118 = arith.muli %add3A_114, %mul3A_117 : i32
      %swap3A = arith.index_cast %mul3A_118 : i32 to index
      %swap3A_119 = tpu.vector_load %arg7[%swap3A] {strides = array<i32>} : memref<128xf32, #tpu.memory_space<vmem>>, vector<16xf32>,
      %swap3A_120 = vector.shape_cast %swap3A_119 : vector<16xf32> to vector<16xf32>
      %swap3A_121 = vector.shape_cast %broadcast_in_dim3A_116 : vector<16xf32> to vector<16xf32>
      tpu.vector_store %arg7[%swap3A], %swap3A_121 {strides = array<i32>} : memref<128xf32, #tpu.memory_space<vmem>>, vector<16xf32>,
    }
    %scan3A_12 = arith.constant 8 : i32
    %scan3A_13 = arith.constant 0 : i32
    %scan3A_14 = arith.constant 40 : i32
    %scan3A_15 = arith.addi %scan3A_13, %scan3A_14 : i32
    %scan3A_16 = arith.constant 1 : i32
    scf.for %scan3A_110 = %scan3A_13 to %scan3A_15 step %scan3A_16  : i32 {
      %mul3A_111 = arith.constant 1 : i32
      %mul3A_112 = arith.muli %scan3A_110, %mul3A_111 : i32
      %add3A_113 = arith.constant 0 : i32
      %add3A_114 = arith.addi %add3A_113, %mul3A_112 : i32
      %broadcast_in_dim3A_115 = arith.constant 0.000000e+00 : f32
      %broadcast_in_dim3A_116 = vector.broadcast %broadcast_in_dim3A_115 : f32 to vector<16xf32>
      %mul3A_117 = arith.constant 16 : i32
      %mul3A_118 = arith.muli %add3A_114, %mul3A_117 : i32
      %swap3A = arith.index_cast %mul3A_118 : i32 to index
      %swap3A_119 = tpu.vector_load %arg9[%swap3A] {strides = array<i32>} : memref<640xf32, #tpu.memory_space<vmem>>, vector<16xf32>,
      %swap3A_120 = vector.shape_cast %swap3A_119 : vector<16xf32> to vector<16xf32>
      %swap3A_121 = vector.shape_cast %broadcast_in_dim3A_116 : vector<16xf32> to vector<16xf32>
      tpu.vector_store %arg9[%swap3A], %swap3A_121 {strides = array<i32>} : memref<640xf32, #tpu.memory_space<vmem>>, vector<16xf32>,
    }
    %scan3A_17 = arith.constant 40 : i32
    %broadcast_in_dim3A_18 = arith.constant 0.000000e+00 : f32
    %broadcast_in_dim3A_19 = vector.broadcast %broadcast_in_dim3A_18 : f32 to vector<16xf32>
    %scan3A_20 = arith.constant 0 : i32
    %scan3A_21 = arith.constant 64 : i32
    %scan3A_22 = arith.addi %scan3A_20, %scan3A_21 : i32
    %scan3A_23 = arith.constant 1 : i32
    scf.for %scan3A_110 = %scan3A_20 to %scan3A_22 step %scan3A_23  : i32 {
      %mul3A_111 = arith.constant 1 : i32
      %mul3A_112 = arith.muli %scan3A_110, %mul3A_111 : i32
      %add3A_113 = arith.constant 0 : i32
      %add3A_114 = arith.addi %add3A_113, %mul3A_112 : i32
      %swap3A = arith.index_cast %add3A_114 : i32 to index
      %swap3A_115 = arith.constant 0 : index
      %swap3A_116 = tpu.vector_load %arg8[%swap3A, %swap3A_115] {strides = array<i32>} : memref<64x16xf32, #tpu.memory_space<vmem>>, vector<1x16xf32>,
      %swap3A_117 = vector.shape_cast %swap3A_116 : vector<1x16xf32> to vector<16xf32>
      %swap3A_118 = vector.shape_cast %broadcast_in_dim3A_19 : vector<16xf32> to vector<1x16xf32>
      tpu.vector_store %arg8[%swap3A, %swap3A_115], %swap3A_118 {strides = array<i32>} : memref<64x16xf32, #tpu.memory_space<vmem>>, vector<1x16xf32>,
    }
    %scan3A_24 = arith.constant 64 : i32
    %scan3A_25 = arith.constant 0 : i32
    %scan3A_26 = arith.constant 10 : i32
    %scan3A_27 = arith.addi %scan3A_25, %scan3A_26 : i32
    %scan3A_28 = arith.constant 1 : i32
    scf.for %scan3A_110 = %scan3A_25 to %scan3A_27 step %scan3A_28  : i32 {
      %mul3A_111 = arith.constant 1 : i32
      %mul3A_112 = arith.muli %scan3A_110, %mul3A_111 : i32
      %add3A_113 = arith.constant 0 : i32
      %add3A_114 = arith.addi %add3A_113, %mul3A_112 : i32
      %mul3A_115 = arith.constant 64 : i32
      %mul3A_116 = arith.muli %add3A_114, %mul3A_115 : i32
      %add3A_117 = arith.addi %mul3A_2, %mul3A_116 : i32
      "tpu.region"() ({
        %run_scoped3A_118 = tpu.sem_alloc : memref<!tpu.dma_semaphore, #tpu.memory_space<semaphore_mem>>
        %dma_start3A = arith.constant 0 : i32
        %dma_start3A_119 = tpu.memref_slice %arg10[%add3A_117, %dma_start3A] : memref<10240x16xf32, #tpu.memory_space<vmem_shared>> -> memref<64x16xf32, #tpu.memory_space<vmem_shared>>
        %dma_start3A_120 = arith.constant 0 : i32
        %dma_start3A_121 = tpu.memref_slice %arg10[%add3A_117, %dma_start3A_120] : memref<10240x16xf32, #tpu.memory_space<vmem_shared>> -> memref<64x16xf32, #tpu.memory_space<vmem_shared>>
        tpu.enqueue_dma source(%arg8 : memref<64x16xf32, #tpu.memory_space<vmem>>) target(%dma_start3A_121 : memref<64x16xf32, #tpu.memory_space<vmem_shared>>) target_semaphore(%run_scoped3A_118 : memref<!tpu.dma_semaphore, #tpu.memory_space<semaphore_mem>>)
        %dma_wait3A_122 = arith.constant 0 : i32
        %dma_wait3A_123 = tpu.memref_slice %arg10[%add3A_117, %dma_wait3A_122] : memref<10240x16xf32, #tpu.memory_space<vmem_shared>> -> memref<64x16xf32, #tpu.memory_space<vmem_shared>>
        %dma_wait3A_124 = arith.constant 0 : i32
        %dma_wait3A_125 = tpu.memref_slice %arg10[%add3A_117, %dma_wait3A_124] : memref<10240x16xf32, #tpu.memory_space<vmem_shared>> -> memref<64x16xf32, #tpu.memory_space<vmem_shared>>
        tpu.wait_dma2 semaphore(%run_scoped3A_118 : memref<!tpu.dma_semaphore, #tpu.memory_space<semaphore_mem>>) src(%arg8 : memref<64x16xf32, #tpu.memory_space<vmem>>) dst(%dma_wait3A_125 : memref<64x16xf32, #tpu.memory_space<vmem_shared>>)
        tpu.yield
      }) : () -> ()
    }
    %scan3A_29 = arith.constant 10 : i32
    "tpu.region"() ({
      %run_scoped3A_110 = tpu.sem_alloc : memref<!tpu.dma_semaphore, #tpu.memory_space<semaphore_mem>>
      %dma_start3A = tpu.memref_slice %arg11[%mul3A_2] : memref<10240xf32, #tpu.memory_space<vmem_shared>> -> memref<640xf32, #tpu.memory_space<vmem_shared>>
      %dma_start3A_111 = tpu.memref_slice %arg11[%mul3A_2] : memref<10240xf32, #tpu.memory_space<vmem_shared>> -> memref<640xf32, #tpu.memory_space<vmem_shared>>
      tpu.enqueue_dma source(%arg9 : memref<640xf32, #tpu.memory_space<vmem>>) target(%dma_start3A_111 : memref<640xf32, #tpu.memory_space<vmem_shared>>) target_semaphore(%run_scoped3A_110 : memref<!tpu.dma_semaphore, #tpu.memory_space<semaphore_mem>>)
      %dma_wait3A_112 = tpu.memref_slice %arg11[%mul3A_2] : memref<10240xf32, #tpu.memory_space<vmem_shared>> -> memref<640xf32, #tpu.memory_space<vmem_shared>>
      %dma_wait3A_113 = tpu.memref_slice %arg11[%mul3A_2] : memref<10240xf32, #tpu.memory_space<vmem_shared>> -> memref<640xf32, #tpu.memory_space<vmem_shared>>
      tpu.wait_dma2 semaphore(%run_scoped3A_110 : memref<!tpu.dma_semaphore, #tpu.memory_space<semaphore_mem>>) src(%arg9 : memref<640xf32, #tpu.memory_space<vmem>>) dst(%dma_wait3A_113 : memref<640xf32, #tpu.memory_space<vmem_shared>>)
      tpu.yield
    }) : () -> ()
    %barrier3A = arith.constant 0 : index
    tpu.barrier barrier_id(%barrier3A)
    %scan3A_30 = arith.constant 0 : i32
    %scan3A_31 = arith.constant 16 : i32
    %scan3A_32 = arith.addi %scan3A_30, %scan3A_31 : i32
    %scan3A_33 = arith.constant 1 : i32
    scf.for %scan3A_110 = %scan3A_30 to %scan3A_32 step %scan3A_33  : i32 {
      %mul3A_111 = arith.constant 5 : i32
      %mul3A_112 = arith.muli %scan3A_110, %mul3A_111 : i32
      %add3A_113 = arith.constant 0 : i32
      %add3A_114 = arith.addi %add3A_113, %mul3A_112 : i32
      %add3A_115 = arith.constant 0 : i32
      %add3A_116 = arith.addi %add3A_114, %add3A_115 : i32
      %ge3A = arith.constant 5 : i32
      %ge3A_117 = arith.cmpi sge, %add3A_116, %ge3A : i32
      %convert_element_type3A = arith.extui %ge3A_117 : i1 to i32
      %cond3A = arith.constant 0 : i32
      %cond3A_118 = arith.cmpi ne, %convert_element_type3A, %cond3A : i32
      scf.if %cond3A_118 {
        %sub3A = arith.constant 5 : i32
        %sub3A_211 = arith.subi %add3A_116, %sub3A : i32
        %dma_wait3A_212 = arith.constant 0 : i32
        %dma_wait3A_213 = tpu.memref_slice %arg5[%sub3A_211, %dma_wait3A_212] : memref<80x125xi32, #tpu.memory_space<vmem>> -> memref<1x125xi32, #tpu.memory_space<vmem>>
        %dma_wait3A_214 = tpu.memref_squeeze %dma_wait3A_213 : memref<1x125xi32, #tpu.memory_space<vmem>> -> memref<125xi32, #tpu.memory_space<vmem>>
        %dma_wait3A_215 = arith.constant 0 : i32
        %dma_wait3A_216 = arith.constant 0 : i32
        %dma_wait3A_217 = tpu.memref_slice %arg10[%dma_wait3A_215, %dma_wait3A_216] : memref<10240x16xf32, #tpu.memory_space<vmem_shared>> -> memref<10240x16xf32, #tpu.memory_space<vmem_shared>>
        tpu.wait_indirect_dma semaphore(%arg12 : memref<!tpu.dma_semaphore, #tpu.memory_space<semaphore_mem>>) src(%arg6 : memref<125x16xf32, #tpu.memory_space<vmem>>) dst(%dma_wait3A_217 : memref<10240x16xf32, #tpu.memory_space<vmem_shared>>)
        %sub3A_218 = arith.constant 5 : i32
        %sub3A_219 = arith.subi %add3A_116, %sub3A_218 : i32
        %dma_wait3A_220 = arith.constant 0 : i32
        %dma_wait3A_221 = tpu.memref_slice %arg7[%dma_wait3A_220] : memref<128xf32, #tpu.memory_space<vmem>> -> memref<125xf32, #tpu.memory_space<vmem>>
        %dma_wait3A_222 = arith.constant 0 : i32
        %dma_wait3A_223 = tpu.memref_slice %arg5[%sub3A_219, %dma_wait3A_222] : memref<80x125xi32, #tpu.memory_space<vmem>> -> memref<1x125xi32, #tpu.memory_space<vmem>>
        %dma_wait3A_224 = tpu.memref_squeeze %dma_wait3A_223 : memref<1x125xi32, #tpu.memory_space<vmem>> -> memref<125xi32, #tpu.memory_space<vmem>>
        %dma_wait3A_225 = arith.constant 0 : i32
        %dma_wait3A_226 = tpu.memref_slice %arg11[%dma_wait3A_225] : memref<10240xf32, #tpu.memory_space<vmem_shared>> -> memref<10240xf32, #tpu.memory_space<vmem_shared>>
        tpu.wait_indirect_dma semaphore(%arg17 : memref<!tpu.dma_semaphore, #tpu.memory_space<semaphore_mem>>) src(%dma_wait3A_221 : memref<125xf32, #tpu.memory_space<vmem>>) dst(%dma_wait3A_226 : memref<10240xf32, #tpu.memory_space<vmem_shared>>)
      } else {
      }
      %dma_start3A = arith.constant 0 : i32
      %dma_start3A_119 = tpu.memref_slice %arg5[%add3A_116, %dma_start3A] : memref<80x125xi32, #tpu.memory_space<vmem>> -> memref<1x125xi32, #tpu.memory_space<vmem>>
      %dma_start3A_120 = tpu.memref_squeeze %dma_start3A_119 : memref<1x125xi32, #tpu.memory_space<vmem>> -> memref<125xi32, #tpu.memory_space<vmem>>
      %dma_start3A_121 = arith.constant 0 : i32
      %dma_start3A_122 = arith.constant 0 : i32
      %dma_start3A_123 = tpu.memref_slice %arg10[%dma_start3A_121, %dma_start3A_122] : memref<10240x16xf32, #tpu.memory_space<vmem_shared>> -> memref<10240x16xf32, #tpu.memory_space<vmem_shared>>
      tpu.enqueue_indirect_dma source(%arg6 : memref<125x16xf32, #tpu.memory_space<vmem>>) target(%dma_start3A_123 : memref<10240x16xf32, #tpu.memory_space<vmem_shared>>) offsets(%dma_start3A_120 : memref<125xi32, #tpu.memory_space<vmem>>) semaphore(%arg12 : memref<!tpu.dma_semaphore, #tpu.memory_space<semaphore_mem>>) {add = true}
      %dma_start3A_124 = arith.constant 0 : i32
      %dma_start3A_125 = tpu.memref_slice %arg7[%dma_start3A_124] : memref<128xf32, #tpu.memory_space<vmem>> -> memref<125xf32, #tpu.memory_space<vmem>>
      %dma_start3A_126 = arith.constant 0 : i32
      %dma_start3A_127 = tpu.memref_slice %arg5[%add3A_116, %dma_start3A_126] : memref<80x125xi32, #tpu.memory_space<vmem>> -> memref<1x125xi32, #tpu.memory_space<vmem>>
      %dma_start3A_128 = tpu.memref_squeeze %dma_start3A_127 : memref<1x125xi32, #tpu.memory_space<vmem>> -> memref<125xi32, #tpu.memory_space<vmem>>
      %dma_start3A_129 = arith.constant 0 : i32
      %dma_start3A_130 = tpu.memref_slice %arg11[%dma_start3A_129] : memref<10240xf32, #tpu.memory_space<vmem_shared>> -> memref<10240xf32, #tpu.memory_space<vmem_shared>>
      tpu.enqueue_indirect_dma source(%dma_start3A_125 : memref<125xf32, #tpu.memory_space<vmem>>) target(%dma_start3A_130 : memref<10240xf32, #tpu.memory_space<vmem_shared>>) offsets(%dma_start3A_128 : memref<125xi32, #tpu.memory_space<vmem>>) semaphore(%arg17 : memref<!tpu.dma_semaphore, #tpu.memory_space<semaphore_mem>>) {add = true}
      %add3A_131 = arith.constant 1 : i32
      %add3A_132 = arith.addi %add3A_114, %add3A_131 : i32
      %ge3A_133 = arith.constant 5 : i32
      %ge3A_134 = arith.cmpi sge, %add3A_132, %ge3A_133 : i32
      %convert_element_type3A_135 = arith.extui %ge3A_134 : i1 to i32
      %cond3A_136 = arith.constant 0 : i32
      %cond3A_137 = arith.cmpi ne, %convert_element_type3A_135, %cond3A_136 : i32
      scf.if %cond3A_137 {
        %sub3A = arith.constant 5 : i32
        %sub3A_211 = arith.subi %add3A_132, %sub3A : i32
        %dma_wait3A_212 = arith.constant 0 : i32
        %dma_wait3A_213 = tpu.memref_slice %arg5[%sub3A_211, %dma_wait3A_212] : memref<80x125xi32, #tpu.memory_space<vmem>> -> memref<1x125xi32, #tpu.memory_space<vmem>>
        %dma_wait3A_214 = tpu.memref_squeeze %dma_wait3A_213 : memref<1x125xi32, #tpu.memory_space<vmem>> -> memref<125xi32, #tpu.memory_space<vmem>>
        %dma_wait3A_215 = arith.constant 0 : i32
        %dma_wait3A_216 = arith.constant 0 : i32
        %dma_wait3A_217 = tpu.memref_slice %arg10[%dma_wait3A_215, %dma_wait3A_216] : memref<10240x16xf32, #tpu.memory_space<vmem_shared>> -> memref<10240x16xf32, #tpu.memory_space<vmem_shared>>
        tpu.wait_indirect_dma semaphore(%arg13 : memref<!tpu.dma_semaphore, #tpu.memory_space<semaphore_mem>>) src(%arg6 : memref<125x16xf32, #tpu.memory_space<vmem>>) dst(%dma_wait3A_217 : memref<10240x16xf32, #tpu.memory_space<vmem_shared>>)
        %sub3A_218 = arith.constant 5 : i32
        %sub3A_219 = arith.subi %add3A_132, %sub3A_218 : i32
        %dma_wait3A_220 = arith.constant 0 : i32
        %dma_wait3A_221 = tpu.memref_slice %arg7[%dma_wait3A_220] : memref<128xf32, #tpu.memory_space<vmem>> -> memref<125xf32, #tpu.memory_space<vmem>>
        %dma_wait3A_222 = arith.constant 0 : i32
        %dma_wait3A_223 = tpu.memref_slice %arg5[%sub3A_219, %dma_wait3A_222] : memref<80x125xi32, #tpu.memory_space<vmem>> -> memref<1x125xi32, #tpu.memory_space<vmem>>
        %dma_wait3A_224 = tpu.memref_squeeze %dma_wait3A_223 : memref<1x125xi32, #tpu.memory_space<vmem>> -> memref<125xi32, #tpu.memory_space<vmem>>
        %dma_wait3A_225 = arith.constant 0 : i32
        %dma_wait3A_226 = tpu.memref_slice %arg11[%dma_wait3A_225] : memref<10240xf32, #tpu.memory_space<vmem_shared>> -> memref<10240xf32, #tpu.memory_space<vmem_shared>>
        tpu.wait_indirect_dma semaphore(%arg18 : memref<!tpu.dma_semaphore, #tpu.memory_space<semaphore_mem>>) src(%dma_wait3A_221 : memref<125xf32, #tpu.memory_space<vmem>>) dst(%dma_wait3A_226 : memref<10240xf32, #tpu.memory_space<vmem_shared>>)
      } else {
      }
      %dma_start3A_138 = arith.constant 0 : i32
      %dma_start3A_139 = tpu.memref_slice %arg5[%add3A_132, %dma_start3A_138] : memref<80x125xi32, #tpu.memory_space<vmem>> -> memref<1x125xi32, #tpu.memory_space<vmem>>
      %dma_start3A_140 = tpu.memref_squeeze %dma_start3A_139 : memref<1x125xi32, #tpu.memory_space<vmem>> -> memref<125xi32, #tpu.memory_space<vmem>>
      %dma_start3A_141 = arith.constant 0 : i32
      %dma_start3A_142 = arith.constant 0 : i32
      %dma_start3A_143 = tpu.memref_slice %arg10[%dma_start3A_141, %dma_start3A_142] : memref<10240x16xf32, #tpu.memory_space<vmem_shared>> -> memref<10240x16xf32, #tpu.memory_space<vmem_shared>>
      tpu.enqueue_indirect_dma source(%arg6 : memref<125x16xf32, #tpu.memory_space<vmem>>) target(%dma_start3A_143 : memref<10240x16xf32, #tpu.memory_space<vmem_shared>>) offsets(%dma_start3A_140 : memref<125xi32, #tpu.memory_space<vmem>>) semaphore(%arg13 : memref<!tpu.dma_semaphore, #tpu.memory_space<semaphore_mem>>) {add = true}
      %dma_start3A_144 = arith.constant 0 : i32
      %dma_start3A_145 = tpu.memref_slice %arg7[%dma_start3A_144] : memref<128xf32, #tpu.memory_space<vmem>> -> memref<125xf32, #tpu.memory_space<vmem>>
      %dma_start3A_146 = arith.constant 0 : i32
      %dma_start3A_147 = tpu.memref_slice %arg5[%add3A_132, %dma_start3A_146] : memref<80x125xi32, #tpu.memory_space<vmem>> -> memref<1x125xi32, #tpu.memory_space<vmem>>
      %dma_start3A_148 = tpu.memref_squeeze %dma_start3A_147 : memref<1x125xi32, #tpu.memory_space<vmem>> -> memref<125xi32, #tpu.memory_space<vmem>>
      %dma_start3A_149 = arith.constant 0 : i32
      %dma_start3A_150 = tpu.memref_slice %arg11[%dma_start3A_149] : memref<10240xf32, #tpu.memory_space<vmem_shared>> -> memref<10240xf32, #tpu.memory_space<vmem_shared>>
      tpu.enqueue_indirect_dma source(%dma_start3A_145 : memref<125xf32, #tpu.memory_space<vmem>>) target(%dma_start3A_150 : memref<10240xf32, #tpu.memory_space<vmem_shared>>) offsets(%dma_start3A_148 : memref<125xi32, #tpu.memory_space<vmem>>) semaphore(%arg18 : memref<!tpu.dma_semaphore, #tpu.memory_space<semaphore_mem>>) {add = true}
      %add3A_151 = arith.constant 2 : i32
      %add3A_152 = arith.addi %add3A_114, %add3A_151 : i32
      %ge3A_153 = arith.constant 5 : i32
      %ge3A_154 = arith.cmpi sge, %add3A_152, %ge3A_153 : i32
      %convert_element_type3A_155 = arith.extui %ge3A_154 : i1 to i32
      %cond3A_156 = arith.constant 0 : i32
      %cond3A_157 = arith.cmpi ne, %convert_element_type3A_155, %cond3A_156 : i32
      scf.if %cond3A_157 {
        %sub3A = arith.constant 5 : i32
        %sub3A_211 = arith.subi %add3A_152, %sub3A : i32
        %dma_wait3A_212 = arith.constant 0 : i32
        %dma_wait3A_213 = tpu.memref_slice %arg5[%sub3A_211, %dma_wait3A_212] : memref<80x125xi32, #tpu.memory_space<vmem>> -> memref<1x125xi32, #tpu.memory_space<vmem>>
        %dma_wait3A_214 = tpu.memref_squeeze %dma_wait3A_213 : memref<1x125xi32, #tpu.memory_space<vmem>> -> memref<125xi32, #tpu.memory_space<vmem>>
        %dma_wait3A_215 = arith.constant 0 : i32
        %dma_wait3A_216 = arith.constant 0 : i32
        %dma_wait3A_217 = tpu.memref_slice %arg10[%dma_wait3A_215, %dma_wait3A_216] : memref<10240x16xf32, #tpu.memory_space<vmem_shared>> -> memref<10240x16xf32, #tpu.memory_space<vmem_shared>>
        tpu.wait_indirect_dma semaphore(%arg14 : memref<!tpu.dma_semaphore, #tpu.memory_space<semaphore_mem>>) src(%arg6 : memref<125x16xf32, #tpu.memory_space<vmem>>) dst(%dma_wait3A_217 : memref<10240x16xf32, #tpu.memory_space<vmem_shared>>)
        %sub3A_218 = arith.constant 5 : i32
        %sub3A_219 = arith.subi %add3A_152, %sub3A_218 : i32
        %dma_wait3A_220 = arith.constant 0 : i32
        %dma_wait3A_221 = tpu.memref_slice %arg7[%dma_wait3A_220] : memref<128xf32, #tpu.memory_space<vmem>> -> memref<125xf32, #tpu.memory_space<vmem>>
        %dma_wait3A_222 = arith.constant 0 : i32
        %dma_wait3A_223 = tpu.memref_slice %arg5[%sub3A_219, %dma_wait3A_222] : memref<80x125xi32, #tpu.memory_space<vmem>> -> memref<1x125xi32, #tpu.memory_space<vmem>>
        %dma_wait3A_224 = tpu.memref_squeeze %dma_wait3A_223 : memref<1x125xi32, #tpu.memory_space<vmem>> -> memref<125xi32, #tpu.memory_space<vmem>>
        %dma_wait3A_225 = arith.constant 0 : i32
        %dma_wait3A_226 = tpu.memref_slice %arg11[%dma_wait3A_225] : memref<10240xf32, #tpu.memory_space<vmem_shared>> -> memref<10240xf32, #tpu.memory_space<vmem_shared>>
        tpu.wait_indirect_dma semaphore(%arg19 : memref<!tpu.dma_semaphore, #tpu.memory_space<semaphore_mem>>) src(%dma_wait3A_221 : memref<125xf32, #tpu.memory_space<vmem>>) dst(%dma_wait3A_226 : memref<10240xf32, #tpu.memory_space<vmem_shared>>)
      } else {
      }
      %dma_start3A_158 = arith.constant 0 : i32
      %dma_start3A_159 = tpu.memref_slice %arg5[%add3A_152, %dma_start3A_158] : memref<80x125xi32, #tpu.memory_space<vmem>> -> memref<1x125xi32, #tpu.memory_space<vmem>>
      %dma_start3A_160 = tpu.memref_squeeze %dma_start3A_159 : memref<1x125xi32, #tpu.memory_space<vmem>> -> memref<125xi32, #tpu.memory_space<vmem>>
      %dma_start3A_161 = arith.constant 0 : i32
      %dma_start3A_162 = arith.constant 0 : i32
      %dma_start3A_163 = tpu.memref_slice %arg10[%dma_start3A_161, %dma_start3A_162] : memref<10240x16xf32, #tpu.memory_space<vmem_shared>> -> memref<10240x16xf32, #tpu.memory_space<vmem_shared>>
      tpu.enqueue_indirect_dma source(%arg6 : memref<125x16xf32, #tpu.memory_space<vmem>>) target(%dma_start3A_163 : memref<10240x16xf32, #tpu.memory_space<vmem_shared>>) offsets(%dma_start3A_160 : memref<125xi32, #tpu.memory_space<vmem>>) semaphore(%arg14 : memref<!tpu.dma_semaphore, #tpu.memory_space<semaphore_mem>>) {add = true}
      %dma_start3A_164 = arith.constant 0 : i32
      %dma_start3A_165 = tpu.memref_slice %arg7[%dma_start3A_164] : memref<128xf32, #tpu.memory_space<vmem>> -> memref<125xf32, #tpu.memory_space<vmem>>
      %dma_start3A_166 = arith.constant 0 : i32
      %dma_start3A_167 = tpu.memref_slice %arg5[%add3A_152, %dma_start3A_166] : memref<80x125xi32, #tpu.memory_space<vmem>> -> memref<1x125xi32, #tpu.memory_space<vmem>>
      %dma_start3A_168 = tpu.memref_squeeze %dma_start3A_167 : memref<1x125xi32, #tpu.memory_space<vmem>> -> memref<125xi32, #tpu.memory_space<vmem>>
      %dma_start3A_169 = arith.constant 0 : i32
      %dma_start3A_170 = tpu.memref_slice %arg11[%dma_start3A_169] : memref<10240xf32, #tpu.memory_space<vmem_shared>> -> memref<10240xf32, #tpu.memory_space<vmem_shared>>
      tpu.enqueue_indirect_dma source(%dma_start3A_165 : memref<125xf32, #tpu.memory_space<vmem>>) target(%dma_start3A_170 : memref<10240xf32, #tpu.memory_space<vmem_shared>>) offsets(%dma_start3A_168 : memref<125xi32, #tpu.memory_space<vmem>>) semaphore(%arg19 : memref<!tpu.dma_semaphore, #tpu.memory_space<semaphore_mem>>) {add = true}
      %add3A_171 = arith.constant 3 : i32
      %add3A_172 = arith.addi %add3A_114, %add3A_171 : i32
      %ge3A_173 = arith.constant 5 : i32
      %ge3A_174 = arith.cmpi sge, %add3A_172, %ge3A_173 : i32
      %convert_element_type3A_175 = arith.extui %ge3A_174 : i1 to i32
      %cond3A_176 = arith.constant 0 : i32
      %cond3A_177 = arith.cmpi ne, %convert_element_type3A_175, %cond3A_176 : i32
      scf.if %cond3A_177 {
        %sub3A = arith.constant 5 : i32
        %sub3A_211 = arith.subi %add3A_172, %sub3A : i32
        %dma_wait3A_212 = arith.constant 0 : i32
        %dma_wait3A_213 = tpu.memref_slice %arg5[%sub3A_211, %dma_wait3A_212] : memref<80x125xi32, #tpu.memory_space<vmem>> -> memref<1x125xi32, #tpu.memory_space<vmem>>
        %dma_wait3A_214 = tpu.memref_squeeze %dma_wait3A_213 : memref<1x125xi32, #tpu.memory_space<vmem>> -> memref<125xi32, #tpu.memory_space<vmem>>
        %dma_wait3A_215 = arith.constant 0 : i32
        %dma_wait3A_216 = arith.constant 0 : i32
        %dma_wait3A_217 = tpu.memref_slice %arg10[%dma_wait3A_215, %dma_wait3A_216] : memref<10240x16xf32, #tpu.memory_space<vmem_shared>> -> memref<10240x16xf32, #tpu.memory_space<vmem_shared>>
        tpu.wait_indirect_dma semaphore(%arg15 : memref<!tpu.dma_semaphore, #tpu.memory_space<semaphore_mem>>) src(%arg6 : memref<125x16xf32, #tpu.memory_space<vmem>>) dst(%dma_wait3A_217 : memref<10240x16xf32, #tpu.memory_space<vmem_shared>>)
        %sub3A_218 = arith.constant 5 : i32
        %sub3A_219 = arith.subi %add3A_172, %sub3A_218 : i32
        %dma_wait3A_220 = arith.constant 0 : i32
        %dma_wait3A_221 = tpu.memref_slice %arg7[%dma_wait3A_220] : memref<128xf32, #tpu.memory_space<vmem>> -> memref<125xf32, #tpu.memory_space<vmem>>
        %dma_wait3A_222 = arith.constant 0 : i32
        %dma_wait3A_223 = tpu.memref_slice %arg5[%sub3A_219, %dma_wait3A_222] : memref<80x125xi32, #tpu.memory_space<vmem>> -> memref<1x125xi32, #tpu.memory_space<vmem>>
        %dma_wait3A_224 = tpu.memref_squeeze %dma_wait3A_223 : memref<1x125xi32, #tpu.memory_space<vmem>> -> memref<125xi32, #tpu.memory_space<vmem>>
        %dma_wait3A_225 = arith.constant 0 : i32
        %dma_wait3A_226 = tpu.memref_slice %arg11[%dma_wait3A_225] : memref<10240xf32, #tpu.memory_space<vmem_shared>> -> memref<10240xf32, #tpu.memory_space<vmem_shared>>
        tpu.wait_indirect_dma semaphore(%arg20 : memref<!tpu.dma_semaphore, #tpu.memory_space<semaphore_mem>>) src(%dma_wait3A_221 : memref<125xf32, #tpu.memory_space<vmem>>) dst(%dma_wait3A_226 : memref<10240xf32, #tpu.memory_space<vmem_shared>>)
      } else {
      }
      %dma_start3A_178 = arith.constant 0 : i32
      %dma_start3A_179 = tpu.memref_slice %arg5[%add3A_172, %dma_start3A_178] : memref<80x125xi32, #tpu.memory_space<vmem>> -> memref<1x125xi32, #tpu.memory_space<vmem>>
      %dma_start3A_180 = tpu.memref_squeeze %dma_start3A_179 : memref<1x125xi32, #tpu.memory_space<vmem>> -> memref<125xi32, #tpu.memory_space<vmem>>
      %dma_start3A_181 = arith.constant 0 : i32
      %dma_start3A_182 = arith.constant 0 : i32
      %dma_start3A_183 = tpu.memref_slice %arg10[%dma_start3A_181, %dma_start3A_182] : memref<10240x16xf32, #tpu.memory_space<vmem_shared>> -> memref<10240x16xf32, #tpu.memory_space<vmem_shared>>
      tpu.enqueue_indirect_dma source(%arg6 : memref<125x16xf32, #tpu.memory_space<vmem>>) target(%dma_start3A_183 : memref<10240x16xf32, #tpu.memory_space<vmem_shared>>) offsets(%dma_start3A_180 : memref<125xi32, #tpu.memory_space<vmem>>) semaphore(%arg15 : memref<!tpu.dma_semaphore, #tpu.memory_space<semaphore_mem>>) {add = true}
      %dma_start3A_184 = arith.constant 0 : i32
      %dma_start3A_185 = tpu.memref_slice %arg7[%dma_start3A_184] : memref<128xf32, #tpu.memory_space<vmem>> -> memref<125xf32, #tpu.memory_space<vmem>>
      %dma_start3A_186 = arith.constant 0 : i32
      %dma_start3A_187 = tpu.memref_slice %arg5[%add3A_172, %dma_start3A_186] : memref<80x125xi32, #tpu.memory_space<vmem>> -> memref<1x125xi32, #tpu.memory_space<vmem>>
      %dma_start3A_188 = tpu.memref_squeeze %dma_start3A_187 : memref<1x125xi32, #tpu.memory_space<vmem>> -> memref<125xi32, #tpu.memory_space<vmem>>
      %dma_start3A_189 = arith.constant 0 : i32
      %dma_start3A_190 = tpu.memref_slice %arg11[%dma_start3A_189] : memref<10240xf32, #tpu.memory_space<vmem_shared>> -> memref<10240xf32, #tpu.memory_space<vmem_shared>>
      tpu.enqueue_indirect_dma source(%dma_start3A_185 : memref<125xf32, #tpu.memory_space<vmem>>) target(%dma_start3A_190 : memref<10240xf32, #tpu.memory_space<vmem_shared>>) offsets(%dma_start3A_188 : memref<125xi32, #tpu.memory_space<vmem>>) semaphore(%arg20 : memref<!tpu.dma_semaphore, #tpu.memory_space<semaphore_mem>>) {add = true}
      %add3A_191 = arith.constant 4 : i32
      %add3A_192 = arith.addi %add3A_114, %add3A_191 : i32
      %ge3A_193 = arith.constant 5 : i32
      %ge3A_194 = arith.cmpi sge, %add3A_192, %ge3A_193 : i32
      %convert_element_type3A_195 = arith.extui %ge3A_194 : i1 to i32
      %cond3A_196 = arith.constant 0 : i32
      %cond3A_197 = arith.cmpi ne, %convert_element_type3A_195, %cond3A_196 : i32
      scf.if %cond3A_197 {
        %sub3A = arith.constant 5 : i32
        %sub3A_211 = arith.subi %add3A_192, %sub3A : i32
        %dma_wait3A_212 = arith.constant 0 : i32
        %dma_wait3A_213 = tpu.memref_slice %arg5[%sub3A_211, %dma_wait3A_212] : memref<80x125xi32, #tpu.memory_space<vmem>> -> memref<1x125xi32, #tpu.memory_space<vmem>>
        %dma_wait3A_214 = tpu.memref_squeeze %dma_wait3A_213 : memref<1x125xi32, #tpu.memory_space<vmem>> -> memref<125xi32, #tpu.memory_space<vmem>>
        %dma_wait3A_215 = arith.constant 0 : i32
        %dma_wait3A_216 = arith.constant 0 : i32
        %dma_wait3A_217 = tpu.memref_slice %arg10[%dma_wait3A_215, %dma_wait3A_216] : memref<10240x16xf32, #tpu.memory_space<vmem_shared>> -> memref<10240x16xf32, #tpu.memory_space<vmem_shared>>
        tpu.wait_indirect_dma semaphore(%arg16 : memref<!tpu.dma_semaphore, #tpu.memory_space<semaphore_mem>>) src(%arg6 : memref<125x16xf32, #tpu.memory_space<vmem>>) dst(%dma_wait3A_217 : memref<10240x16xf32, #tpu.memory_space<vmem_shared>>)
        %sub3A_218 = arith.constant 5 : i32
        %sub3A_219 = arith.subi %add3A_192, %sub3A_218 : i32
        %dma_wait3A_220 = arith.constant 0 : i32
        %dma_wait3A_221 = tpu.memref_slice %arg7[%dma_wait3A_220] : memref<128xf32, #tpu.memory_space<vmem>> -> memref<125xf32, #tpu.memory_space<vmem>>
        %dma_wait3A_222 = arith.constant 0 : i32
        %dma_wait3A_223 = tpu.memref_slice %arg5[%sub3A_219, %dma_wait3A_222] : memref<80x125xi32, #tpu.memory_space<vmem>> -> memref<1x125xi32, #tpu.memory_space<vmem>>
        %dma_wait3A_224 = tpu.memref_squeeze %dma_wait3A_223 : memref<1x125xi32, #tpu.memory_space<vmem>> -> memref<125xi32, #tpu.memory_space<vmem>>
        %dma_wait3A_225 = arith.constant 0 : i32
        %dma_wait3A_226 = tpu.memref_slice %arg11[%dma_wait3A_225] : memref<10240xf32, #tpu.memory_space<vmem_shared>> -> memref<10240xf32, #tpu.memory_space<vmem_shared>>
        tpu.wait_indirect_dma semaphore(%arg21 : memref<!tpu.dma_semaphore, #tpu.memory_space<semaphore_mem>>) src(%dma_wait3A_221 : memref<125xf32, #tpu.memory_space<vmem>>) dst(%dma_wait3A_226 : memref<10240xf32, #tpu.memory_space<vmem_shared>>)
      } else {
      }
      %dma_start3A_198 = arith.constant 0 : i32
      %dma_start3A_199 = tpu.memref_slice %arg5[%add3A_192, %dma_start3A_198] : memref<80x125xi32, #tpu.memory_space<vmem>> -> memref<1x125xi32, #tpu.memory_space<vmem>>
      %dma_start3A_200 = tpu.memref_squeeze %dma_start3A_199 : memref<1x125xi32, #tpu.memory_space<vmem>> -> memref<125xi32, #tpu.memory_space<vmem>>
      %dma_start3A_201 = arith.constant 0 : i32
      %dma_start3A_202 = arith.constant 0 : i32
      %dma_start3A_203 = tpu.memref_slice %arg10[%dma_start3A_201, %dma_start3A_202] : memref<10240x16xf32, #tpu.memory_space<vmem_shared>> -> memref<10240x16xf32, #tpu.memory_space<vmem_shared>>
      tpu.enqueue_indirect_dma source(%arg6 : memref<125x16xf32, #tpu.memory_space<vmem>>) target(%dma_start3A_203 : memref<10240x16xf32, #tpu.memory_space<vmem_shared>>) offsets(%dma_start3A_200 : memref<125xi32, #tpu.memory_space<vmem>>) semaphore(%arg16 : memref<!tpu.dma_semaphore, #tpu.memory_space<semaphore_mem>>) {add = true}
      %dma_start3A_204 = arith.constant 0 : i32
      %dma_start3A_205 = tpu.memref_slice %arg7[%dma_start3A_204] : memref<128xf32, #tpu.memory_space<vmem>> -> memref<125xf32, #tpu.memory_space<vmem>>
      %dma_start3A_206 = arith.constant 0 : i32
      %dma_start3A_207 = tpu.memref_slice %arg5[%add3A_192, %dma_start3A_206] : memref<80x125xi32, #tpu.memory_space<vmem>> -> memref<1x125xi32, #tpu.memory_space<vmem>>
      %dma_start3A_208 = tpu.memref_squeeze %dma_start3A_207 : memref<1x125xi32, #tpu.memory_space<vmem>> -> memref<125xi32, #tpu.memory_space<vmem>>
      %dma_start3A_209 = arith.constant 0 : i32
      %dma_start3A_210 = tpu.memref_slice %arg11[%dma_start3A_209] : memref<10240xf32, #tpu.memory_space<vmem_shared>> -> memref<10240xf32, #tpu.memory_space<vmem_shared>>
      tpu.enqueue_indirect_dma source(%dma_start3A_205 : memref<125xf32, #tpu.memory_space<vmem>>) target(%dma_start3A_210 : memref<10240xf32, #tpu.memory_space<vmem_shared>>) offsets(%dma_start3A_208 : memref<125xi32, #tpu.memory_space<vmem>>) semaphore(%arg21 : memref<!tpu.dma_semaphore, #tpu.memory_space<semaphore_mem>>) {add = true}
    }
    %scan3A_34 = arith.constant 16 : i32
    %dma_wait3A = arith.constant 75 : i32
    %dma_wait3A_35 = arith.constant 0 : i32
    %dma_wait3A_36 = tpu.memref_slice %arg5[%dma_wait3A, %dma_wait3A_35] : memref<80x125xi32, #tpu.memory_space<vmem>> -> memref<1x125xi32, #tpu.memory_space<vmem>>
    %dma_wait3A_37 = tpu.memref_squeeze %dma_wait3A_36 : memref<1x125xi32, #tpu.memory_space<vmem>> -> memref<125xi32, #tpu.memory_space<vmem>>
    %dma_wait3A_38 = arith.constant 0 : i32
    %dma_wait3A_39 = arith.constant 0 : i32
    %dma_wait3A_40 = tpu.memref_slice %arg10[%dma_wait3A_38, %dma_wait3A_39] : memref<10240x16xf32, #tpu.memory_space<vmem_shared>> -> memref<10240x16xf32, #tpu.memory_space<vmem_shared>>
    tpu.wait_indirect_dma semaphore(%arg12 : memref<!tpu.dma_semaphore, #tpu.memory_space<semaphore_mem>>) src(%arg6 : memref<125x16xf32, #tpu.memory_space<vmem>>) dst(%dma_wait3A_40 : memref<10240x16xf32, #tpu.memory_space<vmem_shared>>)
    %dma_wait3A_41 = arith.constant 75 : i32
    %dma_wait3A_42 = arith.constant 0 : i32
    %dma_wait3A_43 = tpu.memref_slice %arg7[%dma_wait3A_42] : memref<128xf32, #tpu.memory_space<vmem>> -> memref<125xf32, #tpu.memory_space<vmem>>
    %dma_wait3A_44 = arith.constant 0 : i32
    %dma_wait3A_45 = tpu.memref_slice %arg5[%dma_wait3A_41, %dma_wait3A_44] : memref<80x125xi32, #tpu.memory_space<vmem>> -> memref<1x125xi32, #tpu.memory_space<vmem>>
    %dma_wait3A_46 = tpu.memref_squeeze %dma_wait3A_45 : memref<1x125xi32, #tpu.memory_space<vmem>> -> memref<125xi32, #tpu.memory_space<vmem>>
    %dma_wait3A_47 = arith.constant 0 : i32
    %dma_wait3A_48 = tpu.memref_slice %arg11[%dma_wait3A_47] : memref<10240xf32, #tpu.memory_space<vmem_shared>> -> memref<10240xf32, #tpu.memory_space<vmem_shared>>
    tpu.wait_indirect_dma semaphore(%arg17 : memref<!tpu.dma_semaphore, #tpu.memory_space<semaphore_mem>>) src(%dma_wait3A_43 : memref<125xf32, #tpu.memory_space<vmem>>) dst(%dma_wait3A_48 : memref<10240xf32, #tpu.memory_space<vmem_shared>>)
    %dma_wait3A_49 = arith.constant 76 : i32
    %dma_wait3A_50 = arith.constant 0 : i32
    %dma_wait3A_51 = tpu.memref_slice %arg5[%dma_wait3A_49, %dma_wait3A_50] : memref<80x125xi32, #tpu.memory_space<vmem>> -> memref<1x125xi32, #tpu.memory_space<vmem>>
    %dma_wait3A_52 = tpu.memref_squeeze %dma_wait3A_51 : memref<1x125xi32, #tpu.memory_space<vmem>> -> memref<125xi32, #tpu.memory_space<vmem>>
    %dma_wait3A_53 = arith.constant 0 : i32
    %dma_wait3A_54 = arith.constant 0 : i32
    %dma_wait3A_55 = tpu.memref_slice %arg10[%dma_wait3A_53, %dma_wait3A_54] : memref<10240x16xf32, #tpu.memory_space<vmem_shared>> -> memref<10240x16xf32, #tpu.memory_space<vmem_shared>>
    tpu.wait_indirect_dma semaphore(%arg13 : memref<!tpu.dma_semaphore, #tpu.memory_space<semaphore_mem>>) src(%arg6 : memref<125x16xf32, #tpu.memory_space<vmem>>) dst(%dma_wait3A_55 : memref<10240x16xf32, #tpu.memory_space<vmem_shared>>)
    %dma_wait3A_56 = arith.constant 76 : i32
    %dma_wait3A_57 = arith.constant 0 : i32
    %dma_wait3A_58 = tpu.memref_slice %arg7[%dma_wait3A_57] : memref<128xf32, #tpu.memory_space<vmem>> -> memref<125xf32, #tpu.memory_space<vmem>>
    %dma_wait3A_59 = arith.constant 0 : i32
    %dma_wait3A_60 = tpu.memref_slice %arg5[%dma_wait3A_56, %dma_wait3A_59] : memref<80x125xi32, #tpu.memory_space<vmem>> -> memref<1x125xi32, #tpu.memory_space<vmem>>
    %dma_wait3A_61 = tpu.memref_squeeze %dma_wait3A_60 : memref<1x125xi32, #tpu.memory_space<vmem>> -> memref<125xi32, #tpu.memory_space<vmem>>
    %dma_wait3A_62 = arith.constant 0 : i32
    %dma_wait3A_63 = tpu.memref_slice %arg11[%dma_wait3A_62] : memref<10240xf32, #tpu.memory_space<vmem_shared>> -> memref<10240xf32, #tpu.memory_space<vmem_shared>>
    tpu.wait_indirect_dma semaphore(%arg18 : memref<!tpu.dma_semaphore, #tpu.memory_space<semaphore_mem>>) src(%dma_wait3A_58 : memref<125xf32, #tpu.memory_space<vmem>>) dst(%dma_wait3A_63 : memref<10240xf32, #tpu.memory_space<vmem_shared>>)
    %dma_wait3A_64 = arith.constant 77 : i32
    %dma_wait3A_65 = arith.constant 0 : i32
    %dma_wait3A_66 = tpu.memref_slice %arg5[%dma_wait3A_64, %dma_wait3A_65] : memref<80x125xi32, #tpu.memory_space<vmem>> -> memref<1x125xi32, #tpu.memory_space<vmem>>
    %dma_wait3A_67 = tpu.memref_squeeze %dma_wait3A_66 : memref<1x125xi32, #tpu.memory_space<vmem>> -> memref<125xi32, #tpu.memory_space<vmem>>
    %dma_wait3A_68 = arith.constant 0 : i32
    %dma_wait3A_69 = arith.constant 0 : i32
    %dma_wait3A_70 = tpu.memref_slice %arg10[%dma_wait3A_68, %dma_wait3A_69] : memref<10240x16xf32, #tpu.memory_space<vmem_shared>> -> memref<10240x16xf32, #tpu.memory_space<vmem_shared>>
    tpu.wait_indirect_dma semaphore(%arg14 : memref<!tpu.dma_semaphore, #tpu.memory_space<semaphore_mem>>) src(%arg6 : memref<125x16xf32, #tpu.memory_space<vmem>>) dst(%dma_wait3A_70 : memref<10240x16xf32, #tpu.memory_space<vmem_shared>>)
    %dma_wait3A_71 = arith.constant 77 : i32
    %dma_wait3A_72 = arith.constant 0 : i32
    %dma_wait3A_73 = tpu.memref_slice %arg7[%dma_wait3A_72] : memref<128xf32, #tpu.memory_space<vmem>> -> memref<125xf32, #tpu.memory_space<vmem>>
    %dma_wait3A_74 = arith.constant 0 : i32
    %dma_wait3A_75 = tpu.memref_slice %arg5[%dma_wait3A_71, %dma_wait3A_74] : memref<80x125xi32, #tpu.memory_space<vmem>> -> memref<1x125xi32, #tpu.memory_space<vmem>>
    %dma_wait3A_76 = tpu.memref_squeeze %dma_wait3A_75 : memref<1x125xi32, #tpu.memory_space<vmem>> -> memref<125xi32, #tpu.memory_space<vmem>>
    %dma_wait3A_77 = arith.constant 0 : i32
    %dma_wait3A_78 = tpu.memref_slice %arg11[%dma_wait3A_77] : memref<10240xf32, #tpu.memory_space<vmem_shared>> -> memref<10240xf32, #tpu.memory_space<vmem_shared>>
    tpu.wait_indirect_dma semaphore(%arg19 : memref<!tpu.dma_semaphore, #tpu.memory_space<semaphore_mem>>) src(%dma_wait3A_73 : memref<125xf32, #tpu.memory_space<vmem>>) dst(%dma_wait3A_78 : memref<10240xf32, #tpu.memory_space<vmem_shared>>)
    %dma_wait3A_79 = arith.constant 78 : i32
    %dma_wait3A_80 = arith.constant 0 : i32
    %dma_wait3A_81 = tpu.memref_slice %arg5[%dma_wait3A_79, %dma_wait3A_80] : memref<80x125xi32, #tpu.memory_space<vmem>> -> memref<1x125xi32, #tpu.memory_space<vmem>>
    %dma_wait3A_82 = tpu.memref_squeeze %dma_wait3A_81 : memref<1x125xi32, #tpu.memory_space<vmem>> -> memref<125xi32, #tpu.memory_space<vmem>>
    %dma_wait3A_83 = arith.constant 0 : i32
    %dma_wait3A_84 = arith.constant 0 : i32
    %dma_wait3A_85 = tpu.memref_slice %arg10[%dma_wait3A_83, %dma_wait3A_84] : memref<10240x16xf32, #tpu.memory_space<vmem_shared>> -> memref<10240x16xf32, #tpu.memory_space<vmem_shared>>
    tpu.wait_indirect_dma semaphore(%arg15 : memref<!tpu.dma_semaphore, #tpu.memory_space<semaphore_mem>>) src(%arg6 : memref<125x16xf32, #tpu.memory_space<vmem>>) dst(%dma_wait3A_85 : memref<10240x16xf32, #tpu.memory_space<vmem_shared>>)
    %dma_wait3A_86 = arith.constant 78 : i32
    %dma_wait3A_87 = arith.constant 0 : i32
    %dma_wait3A_88 = tpu.memref_slice %arg7[%dma_wait3A_87] : memref<128xf32, #tpu.memory_space<vmem>> -> memref<125xf32, #tpu.memory_space<vmem>>
    %dma_wait3A_89 = arith.constant 0 : i32
    %dma_wait3A_90 = tpu.memref_slice %arg5[%dma_wait3A_86, %dma_wait3A_89] : memref<80x125xi32, #tpu.memory_space<vmem>> -> memref<1x125xi32, #tpu.memory_space<vmem>>
    %dma_wait3A_91 = tpu.memref_squeeze %dma_wait3A_90 : memref<1x125xi32, #tpu.memory_space<vmem>> -> memref<125xi32, #tpu.memory_space<vmem>>
    %dma_wait3A_92 = arith.constant 0 : i32
    %dma_wait3A_93 = tpu.memref_slice %arg11[%dma_wait3A_92] : memref<10240xf32, #tpu.memory_space<vmem_shared>> -> memref<10240xf32, #tpu.memory_space<vmem_shared>>
    tpu.wait_indirect_dma semaphore(%arg20 : memref<!tpu.dma_semaphore, #tpu.memory_space<semaphore_mem>>) src(%dma_wait3A_88 : memref<125xf32, #tpu.memory_space<vmem>>) dst(%dma_wait3A_93 : memref<10240xf32, #tpu.memory_space<vmem_shared>>)
    %dma_wait3A_94 = arith.constant 79 : i32
    %dma_wait3A_95 = arith.constant 0 : i32
    %dma_wait3A_96 = tpu.memref_slice %arg5[%dma_wait3A_94, %dma_wait3A_95] : memref<80x125xi32, #tpu.memory_space<vmem>> -> memref<1x125xi32, #tpu.memory_space<vmem>>
    %dma_wait3A_97 = tpu.memref_squeeze %dma_wait3A_96 : memref<1x125xi32, #tpu.memory_space<vmem>> -> memref<125xi32, #tpu.memory_space<vmem>>
    %dma_wait3A_98 = arith.constant 0 : i32
    %dma_wait3A_99 = arith.constant 0 : i32
    %dma_wait3A_100 = tpu.memref_slice %arg10[%dma_wait3A_98, %dma_wait3A_99] : memref<10240x16xf32, #tpu.memory_space<vmem_shared>> -> memref<10240x16xf32, #tpu.memory_space<vmem_shared>>
    tpu.wait_indirect_dma semaphore(%arg16 : memref<!tpu.dma_semaphore, #tpu.memory_space<semaphore_mem>>) src(%arg6 : memref<125x16xf32, #tpu.memory_space<vmem>>) dst(%dma_wait3A_100 : memref<10240x16xf32, #tpu.memory_space<vmem_shared>>)
    %dma_wait3A_101 = arith.constant 79 : i32
    %dma_wait3A_102 = arith.constant 0 : i32
    %dma_wait3A_103 = tpu.memref_slice %arg7[%dma_wait3A_102] : memref<128xf32, #tpu.memory_space<vmem>> -> memref<125xf32, #tpu.memory_space<vmem>>
    %dma_wait3A_104 = arith.constant 0 : i32
    %dma_wait3A_105 = tpu.memref_slice %arg5[%dma_wait3A_101, %dma_wait3A_104] : memref<80x125xi32, #tpu.memory_space<vmem>> -> memref<1x125xi32, #tpu.memory_space<vmem>>
    %dma_wait3A_106 = tpu.memref_squeeze %dma_wait3A_105 : memref<1x125xi32, #tpu.memory_space<vmem>> -> memref<125xi32, #tpu.memory_space<vmem>>
    %dma_wait3A_107 = arith.constant 0 : i32
    %dma_wait3A_108 = tpu.memref_slice %arg11[%dma_wait3A_107] : memref<10240xf32, #tpu.memory_space<vmem_shared>> -> memref<10240xf32, #tpu.memory_space<vmem_shared>>
    tpu.wait_indirect_dma semaphore(%arg21 : memref<!tpu.dma_semaphore, #tpu.memory_space<semaphore_mem>>) src(%dma_wait3A_103 : memref<125xf32, #tpu.memory_space<vmem>>) dst(%dma_wait3A_108 : memref<10240xf32, #tpu.memory_space<vmem_shared>>)
    %barrier3A_109 = arith.constant 0 : index
    tpu.barrier barrier_id(%barrier3A_109)
    "tpu.region"() ({
      %run_scoped3A_110 = tpu.sem_alloc : memref<!tpu.dma_semaphore, #tpu.memory_space<semaphore_mem>>
      %dma_start3A = arith.constant 0 : i32
      %dma_start3A_111 = tpu.memref_slice %arg3[%arg0, %mul3A_2, %dma_start3A] : memref<2x10240x16xf32, #tpu.memory_space<hbm>> -> memref<1x640x16xf32, #tpu.memory_space<hbm>>
      %dma_start3A_112 = tpu.memref_squeeze %dma_start3A_111 : memref<1x640x16xf32, #tpu.memory_space<hbm>> -> memref<640x16xf32, #tpu.memory_space<hbm>>
      %dma_start3A_113 = arith.constant 0 : i32
      %dma_start3A_114 = tpu.memref_slice %arg10[%mul3A_2, %dma_start3A_113] : memref<10240x16xf32, #tpu.memory_space<vmem_shared>> -> memref<640x16xf32, #tpu.memory_space<vmem_shared>>
      tpu.enqueue_dma source(%dma_start3A_114 : memref<640x16xf32, #tpu.memory_space<vmem_shared>>) target(%dma_start3A_112 : memref<640x16xf32, #tpu.memory_space<hbm>>) target_semaphore(%run_scoped3A_110 : memref<!tpu.dma_semaphore, #tpu.memory_space<semaphore_mem>>)
      %dma_wait3A_115 = arith.constant 0 : i32
      %dma_wait3A_116 = tpu.memref_slice %arg3[%arg0, %mul3A_2, %dma_wait3A_115] : memref<2x10240x16xf32, #tpu.memory_space<hbm>> -> memref<1x640x16xf32, #tpu.memory_space<hbm>>
      %dma_wait3A_117 = tpu.memref_squeeze %dma_wait3A_116 : memref<1x640x16xf32, #tpu.memory_space<hbm>> -> memref<640x16xf32, #tpu.memory_space<hbm>>
      %dma_wait3A_118 = arith.constant 0 : i32
      %dma_wait3A_119 = tpu.memref_slice %arg10[%mul3A_2, %dma_wait3A_118] : memref<10240x16xf32, #tpu.memory_space<vmem_shared>> -> memref<640x16xf32, #tpu.memory_space<vmem_shared>>
      tpu.wait_dma2 semaphore(%run_scoped3A_110 : memref<!tpu.dma_semaphore, #tpu.memory_space<semaphore_mem>>) src(%dma_wait3A_119 : memref<640x16xf32, #tpu.memory_space<vmem_shared>>) dst(%dma_wait3A_117 : memref<640x16xf32, #tpu.memory_space<hbm>>)
      tpu.yield
    }) : () -> ()
    "tpu.region"() ({
      %run_scoped3A_110 = tpu.sem_alloc : memref<!tpu.dma_semaphore, #tpu.memory_space<semaphore_mem>>
      %dma_start3A = tpu.memref_slice %arg4[%arg0, %mul3A_2] : memref<2x10240xf32, #tpu.memory_space<hbm>> -> memref<1x640xf32, #tpu.memory_space<hbm>>
      %dma_start3A_111 = tpu.memref_squeeze %dma_start3A : memref<1x640xf32, #tpu.memory_space<hbm>> -> memref<640xf32, #tpu.memory_space<hbm>>
      %dma_start3A_112 = tpu.memref_slice %arg11[%mul3A_2] : memref<10240xf32, #tpu.memory_space<vmem_shared>> -> memref<640xf32, #tpu.memory_space<vmem_shared>>
      tpu.enqueue_dma source(%dma_start3A_112 : memref<640xf32, #tpu.memory_space<vmem_shared>>) target(%dma_start3A_111 : memref<640xf32, #tpu.memory_space<hbm>>) target_semaphore(%run_scoped3A_110 : memref<!tpu.dma_semaphore, #tpu.memory_space<semaphore_mem>>)
      %dma_wait3A_113 = tpu.memref_slice %arg4[%arg0, %mul3A_2] : memref<2x10240xf32, #tpu.memory_space<hbm>> -> memref<1x640xf32, #tpu.memory_space<hbm>>
      %dma_wait3A_114 = tpu.memref_squeeze %dma_wait3A_113 : memref<1x640xf32, #tpu.memory_space<hbm>> -> memref<640xf32, #tpu.memory_space<hbm>>
      %dma_wait3A_115 = tpu.memref_slice %arg11[%mul3A_2] : memref<10240xf32, #tpu.memory_space<vmem_shared>> -> memref<640xf32, #tpu.memory_space<vmem_shared>>
      tpu.wait_dma2 semaphore(%run_scoped3A_110 : memref<!tpu.dma_semaphore, #tpu.memory_space<semaphore_mem>>) src(%dma_wait3A_115 : memref<640xf32, #tpu.memory_space<vmem_shared>>) dst(%dma_wait3A_114 : memref<640xf32, #tpu.memory_space<hbm>>)
      tpu.yield
    }) : () -> ()
    return
  }
}

#map = affine_map<(d0, d1) -> (0, 0, 0, 0)>
#map1 = affine_map<(d0, d1) -> (0, 0)>
#map2 = affine_map<(d0, d1) -> (0, 0, 0)>
module attributes {stable_mosaic.version = 14 : i64} {
  func.func @k(%arg0: i32, %arg1: i32, %arg2: memref<2x32x80x125xi32, #tpu.memory_space<hbm>>, %arg3: memref<10240x16xf32, #tpu.memory_space<hbm>>, %arg4: memref<2x10240x16xf32, #tpu.memory_space<hbm>>, %arg5: memref<80x125xi32, #tpu.memory_space<vmem>>, %arg6: memref<80x125xi32, #tpu.memory_space<vmem>>, %arg7: memref<10x125x16xf32, #tpu.memory_space<vmem>>, %arg8: memref<64x16xf32, #tpu.memory_space<vmem>>, %arg9: memref<10240x16xf32, #tpu.memory_space<vmem_shared>>, %arg10: memref<!tpu.dma_semaphore, #tpu.memory_space<semaphore_mem>>, %arg11: memref<!tpu.dma_semaphore, #tpu.memory_space<semaphore_mem>>, %arg12: memref<!tpu.dma_semaphore, #tpu.memory_space<semaphore_mem>>, %arg13: memref<!tpu.dma_semaphore, #tpu.memory_space<semaphore_mem>>, %arg14: memref<!tpu.dma_semaphore, #tpu.memory_space<semaphore_mem>>, %arg15: memref<!tpu.dma_semaphore, #tpu.memory_space<semaphore_mem>>, %arg16: memref<!tpu.dma_semaphore, #tpu.memory_space<semaphore_mem>>, %arg17: memref<!tpu.dma_semaphore, #tpu.memory_space<semaphore_mem>>, %arg18: memref<!tpu.dma_semaphore, #tpu.memory_space<semaphore_mem>>, %arg19: memref<!tpu.dma_semaphore, #tpu.memory_space<semaphore_mem>>, %arg20: memref<!tpu.dma_semaphore, #tpu.memory_space<semaphore_mem>>, %arg21: memref<!tpu.dma_semaphore, #tpu.memory_space<semaphore_mem>>, %arg22: memref<!tpu.dma_semaphore, #tpu.memory_space<semaphore_mem>>, %arg23: memref<!tpu.dma_semaphore, #tpu.memory_space<semaphore_mem>>, %arg24: memref<!tpu.dma_semaphore, #tpu.memory_space<semaphore_mem>>, %arg25: memref<!tpu.dma_semaphore, #tpu.memory_space<semaphore_mem>>, %arg26: memref<!tpu.dma_semaphore, #tpu.memory_space<semaphore_mem>>, %arg27: memref<!tpu.dma_semaphore, #tpu.memory_space<semaphore_mem>>, %arg28: memref<!tpu.dma_semaphore, #tpu.memory_space<semaphore_mem>>, %arg29: memref<!tpu.dma_semaphore, #tpu.memory_space<semaphore_mem>>) attributes {dimension_semantics = [#tpu.dimension_semantics<core_parallel>, #tpu.dimension_semantics<subcore_parallel>], iteration_bounds = array<i64: 2, 16>, scalar_prefetch = 0 : i64, scratch_operands = 25 : i64, tpu.core_type = #tpu.core_type<sc_vector_subcore>, window_params = [{transform_indices = #map}, {transform_indices = #map1}, {transform_indices = #map2}]} {
    %mul3A = arith.constant 2 : i32
    %mul3A_0 = arith.muli %arg1, %mul3A : i32
    %add3A = arith.addi %mul3A_0, %arg0 : i32
    %mul3A_1 = arith.constant 640 : i32
    %mul3A_2 = arith.muli %arg1, %mul3A_1 : i32
    %run_scoped3A = arith.constant 0 : i32
    "tpu.region"() ({
      %run_scoped3A_133 = tpu.sem_alloc : memref<!tpu.dma_semaphore, #tpu.memory_space<semaphore_mem>>
      %dma_start3A_134 = arith.constant 0 : i32
      %dma_start3A_135 = arith.constant 0 : i32
      %dma_start3A_136 = tpu.memref_slice %arg2[%run_scoped3A, %add3A, %dma_start3A_134, %dma_start3A_135] : memref<2x32x80x125xi32, #tpu.memory_space<hbm>> -> memref<1x1x80x125xi32, #tpu.memory_space<hbm>>
      %dma_start3A_137 = tpu.memref_squeeze %dma_start3A_136 : memref<1x1x80x125xi32, #tpu.memory_space<hbm>> -> memref<80x125xi32, #tpu.memory_space<hbm>>
      %dma_start3A_138 = arith.constant 0 : i32
      %dma_start3A_139 = arith.constant 0 : i32
      %dma_start3A_140 = tpu.memref_slice %arg2[%run_scoped3A, %add3A, %dma_start3A_138, %dma_start3A_139] : memref<2x32x80x125xi32, #tpu.memory_space<hbm>> -> memref<1x1x80x125xi32, #tpu.memory_space<hbm>>
      %dma_start3A_141 = tpu.memref_squeeze %dma_start3A_140 : memref<1x1x80x125xi32, #tpu.memory_space<hbm>> -> memref<80x125xi32, #tpu.memory_space<hbm>>
      tpu.enqueue_dma source(%dma_start3A_141 : memref<80x125xi32, #tpu.memory_space<hbm>>) target(%arg5 : memref<80x125xi32, #tpu.memory_space<vmem>>) target_semaphore(%run_scoped3A_133 : memref<!tpu.dma_semaphore, #tpu.memory_space<semaphore_mem>>)
      %dma_wait3A_142 = arith.constant 0 : i32
      %dma_wait3A_143 = arith.constant 0 : i32
      %dma_wait3A_144 = tpu.memref_slice %arg2[%run_scoped3A, %add3A, %dma_wait3A_142, %dma_wait3A_143] : memref<2x32x80x125xi32, #tpu.memory_space<hbm>> -> memref<1x1x80x125xi32, #tpu.memory_space<hbm>>
      %dma_wait3A_145 = tpu.memref_squeeze %dma_wait3A_144 : memref<1x1x80x125xi32, #tpu.memory_space<hbm>> -> memref<80x125xi32, #tpu.memory_space<hbm>>
      %dma_wait3A_146 = arith.constant 0 : i32
      %dma_wait3A_147 = arith.constant 0 : i32
      %dma_wait3A_148 = tpu.memref_slice %arg2[%run_scoped3A, %add3A, %dma_wait3A_146, %dma_wait3A_147] : memref<2x32x80x125xi32, #tpu.memory_space<hbm>> -> memref<1x1x80x125xi32, #tpu.memory_space<hbm>>
      %dma_wait3A_149 = tpu.memref_squeeze %dma_wait3A_148 : memref<1x1x80x125xi32, #tpu.memory_space<hbm>> -> memref<80x125xi32, #tpu.memory_space<hbm>>
      tpu.wait_dma2 semaphore(%run_scoped3A_133 : memref<!tpu.dma_semaphore, #tpu.memory_space<semaphore_mem>>) src(%dma_wait3A_149 : memref<80x125xi32, #tpu.memory_space<hbm>>) dst(%arg5 : memref<80x125xi32, #tpu.memory_space<vmem>>)
      tpu.yield
    }) : () -> ()
    %run_scoped3A_3 = arith.constant 1 : i32
    "tpu.region"() ({
      %run_scoped3A_133 = tpu.sem_alloc : memref<!tpu.dma_semaphore, #tpu.memory_space<semaphore_mem>>
      %dma_start3A_134 = arith.constant 0 : i32
      %dma_start3A_135 = arith.constant 0 : i32
      %dma_start3A_136 = tpu.memref_slice %arg2[%run_scoped3A_3, %add3A, %dma_start3A_134, %dma_start3A_135] : memref<2x32x80x125xi32, #tpu.memory_space<hbm>> -> memref<1x1x80x125xi32, #tpu.memory_space<hbm>>
      %dma_start3A_137 = tpu.memref_squeeze %dma_start3A_136 : memref<1x1x80x125xi32, #tpu.memory_space<hbm>> -> memref<80x125xi32, #tpu.memory_space<hbm>>
      %dma_start3A_138 = arith.constant 0 : i32
      %dma_start3A_139 = arith.constant 0 : i32
      %dma_start3A_140 = tpu.memref_slice %arg2[%run_scoped3A_3, %add3A, %dma_start3A_138, %dma_start3A_139] : memref<2x32x80x125xi32, #tpu.memory_space<hbm>> -> memref<1x1x80x125xi32, #tpu.memory_space<hbm>>
      %dma_start3A_141 = tpu.memref_squeeze %dma_start3A_140 : memref<1x1x80x125xi32, #tpu.memory_space<hbm>> -> memref<80x125xi32, #tpu.memory_space<hbm>>
      tpu.enqueue_dma source(%dma_start3A_141 : memref<80x125xi32, #tpu.memory_space<hbm>>) target(%arg6 : memref<80x125xi32, #tpu.memory_space<vmem>>) target_semaphore(%run_scoped3A_133 : memref<!tpu.dma_semaphore, #tpu.memory_space<semaphore_mem>>)
      %dma_wait3A_142 = arith.constant 0 : i32
      %dma_wait3A_143 = arith.constant 0 : i32
      %dma_wait3A_144 = tpu.memref_slice %arg2[%run_scoped3A_3, %add3A, %dma_wait3A_142, %dma_wait3A_143] : memref<2x32x80x125xi32, #tpu.memory_space<hbm>> -> memref<1x1x80x125xi32, #tpu.memory_space<hbm>>
      %dma_wait3A_145 = tpu.memref_squeeze %dma_wait3A_144 : memref<1x1x80x125xi32, #tpu.memory_space<hbm>> -> memref<80x125xi32, #tpu.memory_space<hbm>>
      %dma_wait3A_146 = arith.constant 0 : i32
      %dma_wait3A_147 = arith.constant 0 : i32
      %dma_wait3A_148 = tpu.memref_slice %arg2[%run_scoped3A_3, %add3A, %dma_wait3A_146, %dma_wait3A_147] : memref<2x32x80x125xi32, #tpu.memory_space<hbm>> -> memref<1x1x80x125xi32, #tpu.memory_space<hbm>>
      %dma_wait3A_149 = tpu.memref_squeeze %dma_wait3A_148 : memref<1x1x80x125xi32, #tpu.memory_space<hbm>> -> memref<80x125xi32, #tpu.memory_space<hbm>>
      tpu.wait_dma2 semaphore(%run_scoped3A_133 : memref<!tpu.dma_semaphore, #tpu.memory_space<semaphore_mem>>) src(%dma_wait3A_149 : memref<80x125xi32, #tpu.memory_space<hbm>>) dst(%arg6 : memref<80x125xi32, #tpu.memory_space<vmem>>)
      tpu.yield
    }) : () -> ()
    %eq3A = arith.constant 0 : i32
    %eq3A_4 = arith.cmpi eq, %arg0, %eq3A : i32
    %convert_element_type3A = arith.extui %eq3A_4 : i1 to i32
    %cond3A = arith.constant 0 : i32
    %cond3A_5 = arith.cmpi ne, %convert_element_type3A, %cond3A : i32
    scf.if %cond3A_5 {
      "tpu.region"() ({
        %run_scoped3A_133 = tpu.sem_alloc : memref<!tpu.dma_semaphore, #tpu.memory_space<semaphore_mem>>
        %dma_start3A_134 = arith.constant 0 : i32
        %dma_start3A_135 = tpu.memref_slice %arg9[%mul3A_2, %dma_start3A_134] : memref<10240x16xf32, #tpu.memory_space<vmem_shared>> -> memref<640x16xf32, #tpu.memory_space<vmem_shared>>
        %dma_start3A_136 = arith.constant 0 : i32
        %dma_start3A_137 = tpu.memref_slice %arg3[%mul3A_2, %dma_start3A_136] : memref<10240x16xf32, #tpu.memory_space<hbm>> -> memref<640x16xf32, #tpu.memory_space<hbm>>
        tpu.enqueue_dma source(%dma_start3A_137 : memref<640x16xf32, #tpu.memory_space<hbm>>) target(%dma_start3A_135 : memref<640x16xf32, #tpu.memory_space<vmem_shared>>) target_semaphore(%run_scoped3A_133 : memref<!tpu.dma_semaphore, #tpu.memory_space<semaphore_mem>>)
        %dma_wait3A_138 = arith.constant 0 : i32
        %dma_wait3A_139 = tpu.memref_slice %arg9[%mul3A_2, %dma_wait3A_138] : memref<10240x16xf32, #tpu.memory_space<vmem_shared>> -> memref<640x16xf32, #tpu.memory_space<vmem_shared>>
        %dma_wait3A_140 = arith.constant 0 : i32
        %dma_wait3A_141 = tpu.memref_slice %arg3[%mul3A_2, %dma_wait3A_140] : memref<10240x16xf32, #tpu.memory_space<hbm>> -> memref<640x16xf32, #tpu.memory_space<hbm>>
        tpu.wait_dma2 semaphore(%run_scoped3A_133 : memref<!tpu.dma_semaphore, #tpu.memory_space<semaphore_mem>>) src(%dma_wait3A_141 : memref<640x16xf32, #tpu.memory_space<hbm>>) dst(%dma_wait3A_139 : memref<640x16xf32, #tpu.memory_space<vmem_shared>>)
        tpu.yield
      }) : () -> ()
    } else {
    }
    %ne3A = arith.constant 0 : i32
    %ne3A_6 = arith.cmpi ne, %arg0, %ne3A : i32
    %convert_element_type3A_7 = arith.extui %ne3A_6 : i1 to i32
    %cond3A_8 = arith.constant 0 : i32
    %cond3A_9 = arith.cmpi ne, %convert_element_type3A_7, %cond3A_8 : i32
    scf.if %cond3A_9 {
      %broadcast_in_dim3A = arith.constant 0.000000e+00 : f32
      %broadcast_in_dim3A_133 = vector.broadcast %broadcast_in_dim3A : f32 to vector<16xf32>
      %scan3A_134 = arith.constant 0 : i32
      %scan3A_135 = arith.constant 64 : i32
      %scan3A_136 = arith.addi %scan3A_134, %scan3A_135 : i32
      %scan3A_137 = arith.constant 1 : i32
      scf.for %scan3A_144 = %scan3A_134 to %scan3A_136 step %scan3A_137  : i32 {
        %mul3A_145 = arith.constant 1 : i32
        %mul3A_146 = arith.muli %scan3A_144, %mul3A_145 : i32
        %add3A_147 = arith.constant 0 : i32
        %add3A_148 = arith.addi %add3A_147, %mul3A_146 : i32
        %swap3A = arith.index_cast %add3A_148 : i32 to index
        %swap3A_149 = arith.constant 0 : index
        %swap3A_150 = tpu.vector_load %arg8[%swap3A, %swap3A_149] {strides = array<i32>} : memref<64x16xf32, #tpu.memory_space<vmem>>, vector<1x16xf32>,
        %swap3A_151 = vector.shape_cast %swap3A_150 : vector<1x16xf32> to vector<16xf32>
        %swap3A_152 = vector.shape_cast %broadcast_in_dim3A_133 : vector<16xf32> to vector<1x16xf32>
        tpu.vector_store %arg8[%swap3A, %swap3A_149], %swap3A_152 {strides = array<i32>} : memref<64x16xf32, #tpu.memory_space<vmem>>, vector<1x16xf32>,
      }
      %scan3A_138 = arith.constant 64 : i32
      %scan3A_139 = arith.constant 0 : i32
      %scan3A_140 = arith.constant 10 : i32
      %scan3A_141 = arith.addi %scan3A_139, %scan3A_140 : i32
      %scan3A_142 = arith.constant 1 : i32
      scf.for %scan3A_144 = %scan3A_139 to %scan3A_141 step %scan3A_142  : i32 {
        %mul3A_145 = arith.constant 1 : i32
        %mul3A_146 = arith.muli %scan3A_144, %mul3A_145 : i32
        %add3A_147 = arith.constant 0 : i32
        %add3A_148 = arith.addi %add3A_147, %mul3A_146 : i32
        %mul3A_149 = arith.constant 64 : i32
        %mul3A_150 = arith.muli %add3A_148, %mul3A_149 : i32
        %add3A_151 = arith.addi %mul3A_2, %mul3A_150 : i32
        "tpu.region"() ({
          %run_scoped3A_152 = tpu.sem_alloc : memref<!tpu.dma_semaphore, #tpu.memory_space<semaphore_mem>>
          %dma_start3A_153 = arith.constant 0 : i32
          %dma_start3A_154 = tpu.memref_slice %arg9[%add3A_151, %dma_start3A_153] : memref<10240x16xf32, #tpu.memory_space<vmem_shared>> -> memref<64x16xf32, #tpu.memory_space<vmem_shared>>
          %dma_start3A_155 = arith.constant 0 : i32
          %dma_start3A_156 = tpu.memref_slice %arg9[%add3A_151, %dma_start3A_155] : memref<10240x16xf32, #tpu.memory_space<vmem_shared>> -> memref<64x16xf32, #tpu.memory_space<vmem_shared>>
          tpu.enqueue_dma source(%arg8 : memref<64x16xf32, #tpu.memory_space<vmem>>) target(%dma_start3A_156 : memref<64x16xf32, #tpu.memory_space<vmem_shared>>) target_semaphore(%run_scoped3A_152 : memref<!tpu.dma_semaphore, #tpu.memory_space<semaphore_mem>>)
          %dma_wait3A_157 = arith.constant 0 : i32
          %dma_wait3A_158 = tpu.memref_slice %arg9[%add3A_151, %dma_wait3A_157] : memref<10240x16xf32, #tpu.memory_space<vmem_shared>> -> memref<64x16xf32, #tpu.memory_space<vmem_shared>>
          %dma_wait3A_159 = arith.constant 0 : i32
          %dma_wait3A_160 = tpu.memref_slice %arg9[%add3A_151, %dma_wait3A_159] : memref<10240x16xf32, #tpu.memory_space<vmem_shared>> -> memref<64x16xf32, #tpu.memory_space<vmem_shared>>
          tpu.wait_dma2 semaphore(%run_scoped3A_152 : memref<!tpu.dma_semaphore, #tpu.memory_space<semaphore_mem>>) src(%arg8 : memref<64x16xf32, #tpu.memory_space<vmem>>) dst(%dma_wait3A_160 : memref<64x16xf32, #tpu.memory_space<vmem_shared>>)
          tpu.yield
        }) : () -> ()
      }
      %scan3A_143 = arith.constant 10 : i32
    } else {
    }
    %barrier3A = arith.constant 0 : index
    tpu.barrier barrier_id(%barrier3A)
    %dma_start3A = arith.constant 0 : i32
    %dma_start3A_10 = arith.constant 0 : i32
    %dma_start3A_11 = arith.constant 0 : i32
    %dma_start3A_12 = arith.constant 0 : i32
    %dma_start3A_13 = tpu.memref_slice %arg7[%dma_start3A_10, %dma_start3A_11, %dma_start3A_12] : memref<10x125x16xf32, #tpu.memory_space<vmem>> -> memref<1x125x16xf32, #tpu.memory_space<vmem>>
    %dma_start3A_14 = tpu.memref_squeeze %dma_start3A_13 : memref<1x125x16xf32, #tpu.memory_space<vmem>> -> memref<125x16xf32, #tpu.memory_space<vmem>>
    %dma_start3A_15 = arith.constant 0 : i32
    %dma_start3A_16 = tpu.memref_slice %arg5[%dma_start3A, %dma_start3A_15] : memref<80x125xi32, #tpu.memory_space<vmem>> -> memref<1x125xi32, #tpu.memory_space<vmem>>
    %dma_start3A_17 = tpu.memref_squeeze %dma_start3A_16 : memref<1x125xi32, #tpu.memory_space<vmem>> -> memref<125xi32, #tpu.memory_space<vmem>>
    %dma_start3A_18 = arith.constant 0 : i32
    %dma_start3A_19 = arith.constant 0 : i32
    %dma_start3A_20 = tpu.memref_slice %arg3[%dma_start3A_18, %dma_start3A_19] : memref<10240x16xf32, #tpu.memory_space<hbm>> -> memref<10240x16xf32, #tpu.memory_space<hbm>>
    tpu.enqueue_indirect_dma source(%dma_start3A_20 : memref<10240x16xf32, #tpu.memory_space<hbm>>) target(%dma_start3A_14 : memref<125x16xf32, #tpu.memory_space<vmem>>) offsets(%dma_start3A_17 : memref<125xi32, #tpu.memory_space<vmem>>) semaphore(%arg10 : memref<!tpu.dma_semaphore, #tpu.memory_space<semaphore_mem>>)
    %dma_start3A_21 = arith.constant 1 : i32
    %dma_start3A_22 = arith.constant 1 : i32
    %dma_start3A_23 = arith.constant 0 : i32
    %dma_start3A_24 = arith.constant 0 : i32
    %dma_start3A_25 = tpu.memref_slice %arg7[%dma_start3A_22, %dma_start3A_23, %dma_start3A_24] : memref<10x125x16xf32, #tpu.memory_space<vmem>> -> memref<1x125x16xf32, #tpu.memory_space<vmem>>
    %dma_start3A_26 = tpu.memref_squeeze %dma_start3A_25 : memref<1x125x16xf32, #tpu.memory_space<vmem>> -> memref<125x16xf32, #tpu.memory_space<vmem>>
    %dma_start3A_27 = arith.constant 0 : i32
    %dma_start3A_28 = tpu.memref_slice %arg5[%dma_start3A_21, %dma_start3A_27] : memref<80x125xi32, #tpu.memory_space<vmem>> -> memref<1x125xi32, #tpu.memory_space<vmem>>
    %dma_start3A_29 = tpu.memref_squeeze %dma_start3A_28 : memref<1x125xi32, #tpu.memory_space<vmem>> -> memref<125xi32, #tpu.memory_space<vmem>>
    %dma_start3A_30 = arith.constant 0 : i32
    %dma_start3A_31 = arith.constant 0 : i32
    %dma_start3A_32 = tpu.memref_slice %arg3[%dma_start3A_30, %dma_start3A_31] : memref<10240x16xf32, #tpu.memory_space<hbm>> -> memref<10240x16xf32, #tpu.memory_space<hbm>>
    tpu.enqueue_indirect_dma source(%dma_start3A_32 : memref<10240x16xf32, #tpu.memory_space<hbm>>) target(%dma_start3A_26 : memref<125x16xf32, #tpu.memory_space<vmem>>) offsets(%dma_start3A_29 : memref<125xi32, #tpu.memory_space<vmem>>) semaphore(%arg11 : memref<!tpu.dma_semaphore, #tpu.memory_space<semaphore_mem>>)
    %dma_start3A_33 = arith.constant 2 : i32
    %dma_start3A_34 = arith.constant 2 : i32
    %dma_start3A_35 = arith.constant 0 : i32
    %dma_start3A_36 = arith.constant 0 : i32
    %dma_start3A_37 = tpu.memref_slice %arg7[%dma_start3A_34, %dma_start3A_35, %dma_start3A_36] : memref<10x125x16xf32, #tpu.memory_space<vmem>> -> memref<1x125x16xf32, #tpu.memory_space<vmem>>
    %dma_start3A_38 = tpu.memref_squeeze %dma_start3A_37 : memref<1x125x16xf32, #tpu.memory_space<vmem>> -> memref<125x16xf32, #tpu.memory_space<vmem>>
    %dma_start3A_39 = arith.constant 0 : i32
    %dma_start3A_40 = tpu.memref_slice %arg5[%dma_start3A_33, %dma_start3A_39] : memref<80x125xi32, #tpu.memory_space<vmem>> -> memref<1x125xi32, #tpu.memory_space<vmem>>
    %dma_start3A_41 = tpu.memref_squeeze %dma_start3A_40 : memref<1x125xi32, #tpu.memory_space<vmem>> -> memref<125xi32, #tpu.memory_space<vmem>>
    %dma_start3A_42 = arith.constant 0 : i32
    %dma_start3A_43 = arith.constant 0 : i32
    %dma_start3A_44 = tpu.memref_slice %arg3[%dma_start3A_42, %dma_start3A_43] : memref<10240x16xf32, #tpu.memory_space<hbm>> -> memref<10240x16xf32, #tpu.memory_space<hbm>>
    tpu.enqueue_indirect_dma source(%dma_start3A_44 : memref<10240x16xf32, #tpu.memory_space<hbm>>) target(%dma_start3A_38 : memref<125x16xf32, #tpu.memory_space<vmem>>) offsets(%dma_start3A_41 : memref<125xi32, #tpu.memory_space<vmem>>) semaphore(%arg12 : memref<!tpu.dma_semaphore, #tpu.memory_space<semaphore_mem>>)
    %dma_start3A_45 = arith.constant 3 : i32
    %dma_start3A_46 = arith.constant 3 : i32
    %dma_start3A_47 = arith.constant 0 : i32
    %dma_start3A_48 = arith.constant 0 : i32
    %dma_start3A_49 = tpu.memref_slice %arg7[%dma_start3A_46, %dma_start3A_47, %dma_start3A_48] : memref<10x125x16xf32, #tpu.memory_space<vmem>> -> memref<1x125x16xf32, #tpu.memory_space<vmem>>
    %dma_start3A_50 = tpu.memref_squeeze %dma_start3A_49 : memref<1x125x16xf32, #tpu.memory_space<vmem>> -> memref<125x16xf32, #tpu.memory_space<vmem>>
    %dma_start3A_51 = arith.constant 0 : i32
    %dma_start3A_52 = tpu.memref_slice %arg5[%dma_start3A_45, %dma_start3A_51] : memref<80x125xi32, #tpu.memory_space<vmem>> -> memref<1x125xi32, #tpu.memory_space<vmem>>
    %dma_start3A_53 = tpu.memref_squeeze %dma_start3A_52 : memref<1x125xi32, #tpu.memory_space<vmem>> -> memref<125xi32, #tpu.memory_space<vmem>>
    %dma_start3A_54 = arith.constant 0 : i32
    %dma_start3A_55 = arith.constant 0 : i32
    %dma_start3A_56 = tpu.memref_slice %arg3[%dma_start3A_54, %dma_start3A_55] : memref<10240x16xf32, #tpu.memory_space<hbm>> -> memref<10240x16xf32, #tpu.memory_space<hbm>>
    tpu.enqueue_indirect_dma source(%dma_start3A_56 : memref<10240x16xf32, #tpu.memory_space<hbm>>) target(%dma_start3A_50 : memref<125x16xf32, #tpu.memory_space<vmem>>) offsets(%dma_start3A_53 : memref<125xi32, #tpu.memory_space<vmem>>) semaphore(%arg13 : memref<!tpu.dma_semaphore, #tpu.memory_space<semaphore_mem>>)
    %dma_start3A_57 = arith.constant 4 : i32
    %dma_start3A_58 = arith.constant 4 : i32
    %dma_start3A_59 = arith.constant 0 : i32
    %dma_start3A_60 = arith.constant 0 : i32
    %dma_start3A_61 = tpu.memref_slice %arg7[%dma_start3A_58, %dma_start3A_59, %dma_start3A_60] : memref<10x125x16xf32, #tpu.memory_space<vmem>> -> memref<1x125x16xf32, #tpu.memory_space<vmem>>
    %dma_start3A_62 = tpu.memref_squeeze %dma_start3A_61 : memref<1x125x16xf32, #tpu.memory_space<vmem>> -> memref<125x16xf32, #tpu.memory_space<vmem>>
    %dma_start3A_63 = arith.constant 0 : i32
    %dma_start3A_64 = tpu.memref_slice %arg5[%dma_start3A_57, %dma_start3A_63] : memref<80x125xi32, #tpu.memory_space<vmem>> -> memref<1x125xi32, #tpu.memory_space<vmem>>
    %dma_start3A_65 = tpu.memref_squeeze %dma_start3A_64 : memref<1x125xi32, #tpu.memory_space<vmem>> -> memref<125xi32, #tpu.memory_space<vmem>>
    %dma_start3A_66 = arith.constant 0 : i32
    %dma_start3A_67 = arith.constant 0 : i32
    %dma_start3A_68 = tpu.memref_slice %arg3[%dma_start3A_66, %dma_start3A_67] : memref<10240x16xf32, #tpu.memory_space<hbm>> -> memref<10240x16xf32, #tpu.memory_space<hbm>>
    tpu.enqueue_indirect_dma source(%dma_start3A_68 : memref<10240x16xf32, #tpu.memory_space<hbm>>) target(%dma_start3A_62 : memref<125x16xf32, #tpu.memory_space<vmem>>) offsets(%dma_start3A_65 : memref<125xi32, #tpu.memory_space<vmem>>) semaphore(%arg14 : memref<!tpu.dma_semaphore, #tpu.memory_space<semaphore_mem>>)
    %scan3A = arith.constant 0 : i32
    %scan3A_69 = arith.constant 8 : i32
    %scan3A_70 = arith.addi %scan3A, %scan3A_69 : i32
    %scan3A_71 = arith.constant 1 : i32
    scf.for %scan3A_133 = %scan3A to %scan3A_70 step %scan3A_71  : i32 {
      %mul3A_134 = arith.constant 10 : i32
      %mul3A_135 = arith.muli %scan3A_133, %mul3A_134 : i32
      %add3A_136 = arith.constant 0 : i32
      %add3A_137 = arith.addi %add3A_136, %mul3A_135 : i32
      %add3A_138 = arith.constant 0 : i32
      %add3A_139 = arith.addi %add3A_137, %add3A_138 : i32
      %dma_wait3A_140 = arith.constant 0 : i32
      %dma_wait3A_141 = arith.constant 0 : i32
      %dma_wait3A_142 = arith.constant 0 : i32
      %dma_wait3A_143 = tpu.memref_slice %arg7[%dma_wait3A_140, %dma_wait3A_141, %dma_wait3A_142] : memref<10x125x16xf32, #tpu.memory_space<vmem>> -> memref<1x125x16xf32, #tpu.memory_space<vmem>>
      %dma_wait3A_144 = tpu.memref_squeeze %dma_wait3A_143 : memref<1x125x16xf32, #tpu.memory_space<vmem>> -> memref<125x16xf32, #tpu.memory_space<vmem>>
      %dma_wait3A_145 = arith.constant 0 : i32
      %dma_wait3A_146 = tpu.memref_slice %arg5[%add3A_139, %dma_wait3A_145] : memref<80x125xi32, #tpu.memory_space<vmem>> -> memref<1x125xi32, #tpu.memory_space<vmem>>
      %dma_wait3A_147 = tpu.memref_squeeze %dma_wait3A_146 : memref<1x125xi32, #tpu.memory_space<vmem>> -> memref<125xi32, #tpu.memory_space<vmem>>
      %dma_wait3A_148 = arith.constant 0 : i32
      %dma_wait3A_149 = arith.constant 0 : i32
      %dma_wait3A_150 = tpu.memref_slice %arg3[%dma_wait3A_148, %dma_wait3A_149] : memref<10240x16xf32, #tpu.memory_space<hbm>> -> memref<10240x16xf32, #tpu.memory_space<hbm>>
      tpu.wait_indirect_dma semaphore(%arg10 : memref<!tpu.dma_semaphore, #tpu.memory_space<semaphore_mem>>) src(%dma_wait3A_150 : memref<10240x16xf32, #tpu.memory_space<hbm>>) dst(%dma_wait3A_144 : memref<125x16xf32, #tpu.memory_space<vmem>>)
      %dma_start3A_151 = arith.constant 0 : i32
      %dma_start3A_152 = arith.constant 0 : i32
      %dma_start3A_153 = arith.constant 0 : i32
      %dma_start3A_154 = tpu.memref_slice %arg7[%dma_start3A_151, %dma_start3A_152, %dma_start3A_153] : memref<10x125x16xf32, #tpu.memory_space<vmem>> -> memref<1x125x16xf32, #tpu.memory_space<vmem>>
      %dma_start3A_155 = tpu.memref_squeeze %dma_start3A_154 : memref<1x125x16xf32, #tpu.memory_space<vmem>> -> memref<125x16xf32, #tpu.memory_space<vmem>>
      %dma_start3A_156 = arith.constant 0 : i32
      %dma_start3A_157 = tpu.memref_slice %arg6[%add3A_139, %dma_start3A_156] : memref<80x125xi32, #tpu.memory_space<vmem>> -> memref<1x125xi32, #tpu.memory_space<vmem>>
      %dma_start3A_158 = tpu.memref_squeeze %dma_start3A_157 : memref<1x125xi32, #tpu.memory_space<vmem>> -> memref<125xi32, #tpu.memory_space<vmem>>
      %dma_start3A_159 = arith.constant 0 : i32
      %dma_start3A_160 = arith.constant 0 : i32
      %dma_start3A_161 = tpu.memref_slice %arg9[%dma_start3A_159, %dma_start3A_160] : memref<10240x16xf32, #tpu.memory_space<vmem_shared>> -> memref<10240x16xf32, #tpu.memory_space<vmem_shared>>
      tpu.enqueue_indirect_dma source(%dma_start3A_155 : memref<125x16xf32, #tpu.memory_space<vmem>>) target(%dma_start3A_161 : memref<10240x16xf32, #tpu.memory_space<vmem_shared>>) offsets(%dma_start3A_158 : memref<125xi32, #tpu.memory_space<vmem>>) semaphore(%arg20 : memref<!tpu.dma_semaphore, #tpu.memory_space<semaphore_mem>>) {add = true}
      %ge3A = arith.constant 5 : i32
      %ge3A_162 = arith.cmpi sge, %add3A_139, %ge3A : i32
      %convert_element_type3A_163 = arith.extui %ge3A_162 : i1 to i32
      %cond3A_164 = arith.constant 0 : i32
      %cond3A_165 = arith.cmpi ne, %convert_element_type3A_163, %cond3A_164 : i32
      scf.if %cond3A_165 {
        %sub3A = arith.constant 5 : i32
        %sub3A_496 = arith.subi %add3A_139, %sub3A : i32
        %dma_wait3A_497 = arith.constant 5 : i32
        %dma_wait3A_498 = arith.constant 0 : i32
        %dma_wait3A_499 = arith.constant 0 : i32
        %dma_wait3A_500 = tpu.memref_slice %arg7[%dma_wait3A_497, %dma_wait3A_498, %dma_wait3A_499] : memref<10x125x16xf32, #tpu.memory_space<vmem>> -> memref<1x125x16xf32, #tpu.memory_space<vmem>>
        %dma_wait3A_501 = tpu.memref_squeeze %dma_wait3A_500 : memref<1x125x16xf32, #tpu.memory_space<vmem>> -> memref<125x16xf32, #tpu.memory_space<vmem>>
        %dma_wait3A_502 = arith.constant 0 : i32
        %dma_wait3A_503 = tpu.memref_slice %arg6[%sub3A_496, %dma_wait3A_502] : memref<80x125xi32, #tpu.memory_space<vmem>> -> memref<1x125xi32, #tpu.memory_space<vmem>>
        %dma_wait3A_504 = tpu.memref_squeeze %dma_wait3A_503 : memref<1x125xi32, #tpu.memory_space<vmem>> -> memref<125xi32, #tpu.memory_space<vmem>>
        %dma_wait3A_505 = arith.constant 0 : i32
        %dma_wait3A_506 = arith.constant 0 : i32
        %dma_wait3A_507 = tpu.memref_slice %arg9[%dma_wait3A_505, %dma_wait3A_506] : memref<10240x16xf32, #tpu.memory_space<vmem_shared>> -> memref<10240x16xf32, #tpu.memory_space<vmem_shared>>
        tpu.wait_indirect_dma semaphore(%arg25 : memref<!tpu.dma_semaphore, #tpu.memory_space<semaphore_mem>>) src(%dma_wait3A_501 : memref<125x16xf32, #tpu.memory_space<vmem>>) dst(%dma_wait3A_507 : memref<10240x16xf32, #tpu.memory_space<vmem_shared>>)
      } else {
      }
      %add3A_166 = arith.constant 5 : i32
      %add3A_167 = arith.addi %add3A_139, %add3A_166 : i32
      %lt3A = arith.constant 80 : i32
      %lt3A_168 = arith.cmpi slt, %add3A_167, %lt3A : i32
      %convert_element_type3A_169 = arith.extui %lt3A_168 : i1 to i32
      %cond3A_170 = arith.constant 0 : i32
      %cond3A_171 = arith.cmpi ne, %convert_element_type3A_169, %cond3A_170 : i32
      scf.if %cond3A_171 {
        %add3A_496 = arith.constant 5 : i32
        %add3A_497 = arith.addi %add3A_139, %add3A_496 : i32
        %dma_start3A_498 = arith.constant 5 : i32
        %dma_start3A_499 = arith.constant 0 : i32
        %dma_start3A_500 = arith.constant 0 : i32
        %dma_start3A_501 = tpu.memref_slice %arg7[%dma_start3A_498, %dma_start3A_499, %dma_start3A_500] : memref<10x125x16xf32, #tpu.memory_space<vmem>> -> memref<1x125x16xf32, #tpu.memory_space<vmem>>
        %dma_start3A_502 = tpu.memref_squeeze %dma_start3A_501 : memref<1x125x16xf32, #tpu.memory_space<vmem>> -> memref<125x16xf32, #tpu.memory_space<vmem>>
        %dma_start3A_503 = arith.constant 0 : i32
        %dma_start3A_504 = tpu.memref_slice %arg5[%add3A_497, %dma_start3A_503] : memref<80x125xi32, #tpu.memory_space<vmem>> -> memref<1x125xi32, #tpu.memory_space<vmem>>
        %dma_start3A_505 = tpu.memref_squeeze %dma_start3A_504 : memref<1x125xi32, #tpu.memory_space<vmem>> -> memref<125xi32, #tpu.memory_space<vmem>>
        %dma_start3A_506 = arith.constant 0 : i32
        %dma_start3A_507 = arith.constant 0 : i32
        %dma_start3A_508 = tpu.memref_slice %arg3[%dma_start3A_506, %dma_start3A_507] : memref<10240x16xf32, #tpu.memory_space<hbm>> -> memref<10240x16xf32, #tpu.memory_space<hbm>>
        tpu.enqueue_indirect_dma source(%dma_start3A_508 : memref<10240x16xf32, #tpu.memory_space<hbm>>) target(%dma_start3A_502 : memref<125x16xf32, #tpu.memory_space<vmem>>) offsets(%dma_start3A_505 : memref<125xi32, #tpu.memory_space<vmem>>) semaphore(%arg15 : memref<!tpu.dma_semaphore, #tpu.memory_space<semaphore_mem>>)
      } else {
      }
      %add3A_172 = arith.constant 1 : i32
      %add3A_173 = arith.addi %add3A_137, %add3A_172 : i32
      %dma_wait3A_174 = arith.constant 1 : i32
      %dma_wait3A_175 = arith.constant 0 : i32
      %dma_wait3A_176 = arith.constant 0 : i32
      %dma_wait3A_177 = tpu.memref_slice %arg7[%dma_wait3A_174, %dma_wait3A_175, %dma_wait3A_176] : memref<10x125x16xf32, #tpu.memory_space<vmem>> -> memref<1x125x16xf32, #tpu.memory_space<vmem>>
      %dma_wait3A_178 = tpu.memref_squeeze %dma_wait3A_177 : memref<1x125x16xf32, #tpu.memory_space<vmem>> -> memref<125x16xf32, #tpu.memory_space<vmem>>
      %dma_wait3A_179 = arith.constant 0 : i32
      %dma_wait3A_180 = tpu.memref_slice %arg5[%add3A_173, %dma_wait3A_179] : memref<80x125xi32, #tpu.memory_space<vmem>> -> memref<1x125xi32, #tpu.memory_space<vmem>>
      %dma_wait3A_181 = tpu.memref_squeeze %dma_wait3A_180 : memref<1x125xi32, #tpu.memory_space<vmem>> -> memref<125xi32, #tpu.memory_space<vmem>>
      %dma_wait3A_182 = arith.constant 0 : i32
      %dma_wait3A_183 = arith.constant 0 : i32
      %dma_wait3A_184 = tpu.memref_slice %arg3[%dma_wait3A_182, %dma_wait3A_183] : memref<10240x16xf32, #tpu.memory_space<hbm>> -> memref<10240x16xf32, #tpu.memory_space<hbm>>
      tpu.wait_indirect_dma semaphore(%arg11 : memref<!tpu.dma_semaphore, #tpu.memory_space<semaphore_mem>>) src(%dma_wait3A_184 : memref<10240x16xf32, #tpu.memory_space<hbm>>) dst(%dma_wait3A_178 : memref<125x16xf32, #tpu.memory_space<vmem>>)
      %dma_start3A_185 = arith.constant 1 : i32
      %dma_start3A_186 = arith.constant 0 : i32
      %dma_start3A_187 = arith.constant 0 : i32
      %dma_start3A_188 = tpu.memref_slice %arg7[%dma_start3A_185, %dma_start3A_186, %dma_start3A_187] : memref<10x125x16xf32, #tpu.memory_space<vmem>> -> memref<1x125x16xf32, #tpu.memory_space<vmem>>
      %dma_start3A_189 = tpu.memref_squeeze %dma_start3A_188 : memref<1x125x16xf32, #tpu.memory_space<vmem>> -> memref<125x16xf32, #tpu.memory_space<vmem>>
      %dma_start3A_190 = arith.constant 0 : i32
      %dma_start3A_191 = tpu.memref_slice %arg6[%add3A_173, %dma_start3A_190] : memref<80x125xi32, #tpu.memory_space<vmem>> -> memref<1x125xi32, #tpu.memory_space<vmem>>
      %dma_start3A_192 = tpu.memref_squeeze %dma_start3A_191 : memref<1x125xi32, #tpu.memory_space<vmem>> -> memref<125xi32, #tpu.memory_space<vmem>>
      %dma_start3A_193 = arith.constant 0 : i32
      %dma_start3A_194 = arith.constant 0 : i32
      %dma_start3A_195 = tpu.memref_slice %arg9[%dma_start3A_193, %dma_start3A_194] : memref<10240x16xf32, #tpu.memory_space<vmem_shared>> -> memref<10240x16xf32, #tpu.memory_space<vmem_shared>>
      tpu.enqueue_indirect_dma source(%dma_start3A_189 : memref<125x16xf32, #tpu.memory_space<vmem>>) target(%dma_start3A_195 : memref<10240x16xf32, #tpu.memory_space<vmem_shared>>) offsets(%dma_start3A_192 : memref<125xi32, #tpu.memory_space<vmem>>) semaphore(%arg21 : memref<!tpu.dma_semaphore, #tpu.memory_space<semaphore_mem>>) {add = true}
      %ge3A_196 = arith.constant 5 : i32
      %ge3A_197 = arith.cmpi sge, %add3A_173, %ge3A_196 : i32
      %convert_element_type3A_198 = arith.extui %ge3A_197 : i1 to i32
      %cond3A_199 = arith.constant 0 : i32
      %cond3A_200 = arith.cmpi ne, %convert_element_type3A_198, %cond3A_199 : i32
      scf.if %cond3A_200 {
        %sub3A = arith.constant 5 : i32
        %sub3A_496 = arith.subi %add3A_173, %sub3A : i32
        %dma_wait3A_497 = arith.constant 6 : i32
        %dma_wait3A_498 = arith.constant 0 : i32
        %dma_wait3A_499 = arith.constant 0 : i32
        %dma_wait3A_500 = tpu.memref_slice %arg7[%dma_wait3A_497, %dma_wait3A_498, %dma_wait3A_499] : memref<10x125x16xf32, #tpu.memory_space<vmem>> -> memref<1x125x16xf32, #tpu.memory_space<vmem>>
        %dma_wait3A_501 = tpu.memref_squeeze %dma_wait3A_500 : memref<1x125x16xf32, #tpu.memory_space<vmem>> -> memref<125x16xf32, #tpu.memory_space<vmem>>
        %dma_wait3A_502 = arith.constant 0 : i32
        %dma_wait3A_503 = tpu.memref_slice %arg6[%sub3A_496, %dma_wait3A_502] : memref<80x125xi32, #tpu.memory_space<vmem>> -> memref<1x125xi32, #tpu.memory_space<vmem>>
        %dma_wait3A_504 = tpu.memref_squeeze %dma_wait3A_503 : memref<1x125xi32, #tpu.memory_space<vmem>> -> memref<125xi32, #tpu.memory_space<vmem>>
        %dma_wait3A_505 = arith.constant 0 : i32
        %dma_wait3A_506 = arith.constant 0 : i32
        %dma_wait3A_507 = tpu.memref_slice %arg9[%dma_wait3A_505, %dma_wait3A_506] : memref<10240x16xf32, #tpu.memory_space<vmem_shared>> -> memref<10240x16xf32, #tpu.memory_space<vmem_shared>>
        tpu.wait_indirect_dma semaphore(%arg26 : memref<!tpu.dma_semaphore, #tpu.memory_space<semaphore_mem>>) src(%dma_wait3A_501 : memref<125x16xf32, #tpu.memory_space<vmem>>) dst(%dma_wait3A_507 : memref<10240x16xf32, #tpu.memory_space<vmem_shared>>)
      } else {
      }
      %add3A_201 = arith.constant 5 : i32
      %add3A_202 = arith.addi %add3A_173, %add3A_201 : i32
      %lt3A_203 = arith.constant 80 : i32
      %lt3A_204 = arith.cmpi slt, %add3A_202, %lt3A_203 : i32
      %convert_element_type3A_205 = arith.extui %lt3A_204 : i1 to i32
      %cond3A_206 = arith.constant 0 : i32
      %cond3A_207 = arith.cmpi ne, %convert_element_type3A_205, %cond3A_206 : i32
      scf.if %cond3A_207 {
        %add3A_496 = arith.constant 5 : i32
        %add3A_497 = arith.addi %add3A_173, %add3A_496 : i32
        %dma_start3A_498 = arith.constant 6 : i32
        %dma_start3A_499 = arith.constant 0 : i32
        %dma_start3A_500 = arith.constant 0 : i32
        %dma_start3A_501 = tpu.memref_slice %arg7[%dma_start3A_498, %dma_start3A_499, %dma_start3A_500] : memref<10x125x16xf32, #tpu.memory_space<vmem>> -> memref<1x125x16xf32, #tpu.memory_space<vmem>>
        %dma_start3A_502 = tpu.memref_squeeze %dma_start3A_501 : memref<1x125x16xf32, #tpu.memory_space<vmem>> -> memref<125x16xf32, #tpu.memory_space<vmem>>
        %dma_start3A_503 = arith.constant 0 : i32
        %dma_start3A_504 = tpu.memref_slice %arg5[%add3A_497, %dma_start3A_503] : memref<80x125xi32, #tpu.memory_space<vmem>> -> memref<1x125xi32, #tpu.memory_space<vmem>>
        %dma_start3A_505 = tpu.memref_squeeze %dma_start3A_504 : memref<1x125xi32, #tpu.memory_space<vmem>> -> memref<125xi32, #tpu.memory_space<vmem>>
        %dma_start3A_506 = arith.constant 0 : i32
        %dma_start3A_507 = arith.constant 0 : i32
        %dma_start3A_508 = tpu.memref_slice %arg3[%dma_start3A_506, %dma_start3A_507] : memref<10240x16xf32, #tpu.memory_space<hbm>> -> memref<10240x16xf32, #tpu.memory_space<hbm>>
        tpu.enqueue_indirect_dma source(%dma_start3A_508 : memref<10240x16xf32, #tpu.memory_space<hbm>>) target(%dma_start3A_502 : memref<125x16xf32, #tpu.memory_space<vmem>>) offsets(%dma_start3A_505 : memref<125xi32, #tpu.memory_space<vmem>>) semaphore(%arg16 : memref<!tpu.dma_semaphore, #tpu.memory_space<semaphore_mem>>)
      } else {
      }
      %add3A_208 = arith.constant 2 : i32
      %add3A_209 = arith.addi %add3A_137, %add3A_208 : i32
      %dma_wait3A_210 = arith.constant 2 : i32
      %dma_wait3A_211 = arith.constant 0 : i32
      %dma_wait3A_212 = arith.constant 0 : i32
      %dma_wait3A_213 = tpu.memref_slice %arg7[%dma_wait3A_210, %dma_wait3A_211, %dma_wait3A_212] : memref<10x125x16xf32, #tpu.memory_space<vmem>> -> memref<1x125x16xf32, #tpu.memory_space<vmem>>
      %dma_wait3A_214 = tpu.memref_squeeze %dma_wait3A_213 : memref<1x125x16xf32, #tpu.memory_space<vmem>> -> memref<125x16xf32, #tpu.memory_space<vmem>>
      %dma_wait3A_215 = arith.constant 0 : i32
      %dma_wait3A_216 = tpu.memref_slice %arg5[%add3A_209, %dma_wait3A_215] : memref<80x125xi32, #tpu.memory_space<vmem>> -> memref<1x125xi32, #tpu.memory_space<vmem>>
      %dma_wait3A_217 = tpu.memref_squeeze %dma_wait3A_216 : memref<1x125xi32, #tpu.memory_space<vmem>> -> memref<125xi32, #tpu.memory_space<vmem>>
      %dma_wait3A_218 = arith.constant 0 : i32
      %dma_wait3A_219 = arith.constant 0 : i32
      %dma_wait3A_220 = tpu.memref_slice %arg3[%dma_wait3A_218, %dma_wait3A_219] : memref<10240x16xf32, #tpu.memory_space<hbm>> -> memref<10240x16xf32, #tpu.memory_space<hbm>>
      tpu.wait_indirect_dma semaphore(%arg12 : memref<!tpu.dma_semaphore, #tpu.memory_space<semaphore_mem>>) src(%dma_wait3A_220 : memref<10240x16xf32, #tpu.memory_space<hbm>>) dst(%dma_wait3A_214 : memref<125x16xf32, #tpu.memory_space<vmem>>)
      %dma_start3A_221 = arith.constant 2 : i32
      %dma_start3A_222 = arith.constant 0 : i32
      %dma_start3A_223 = arith.constant 0 : i32
      %dma_start3A_224 = tpu.memref_slice %arg7[%dma_start3A_221, %dma_start3A_222, %dma_start3A_223] : memref<10x125x16xf32, #tpu.memory_space<vmem>> -> memref<1x125x16xf32, #tpu.memory_space<vmem>>
      %dma_start3A_225 = tpu.memref_squeeze %dma_start3A_224 : memref<1x125x16xf32, #tpu.memory_space<vmem>> -> memref<125x16xf32, #tpu.memory_space<vmem>>
      %dma_start3A_226 = arith.constant 0 : i32
      %dma_start3A_227 = tpu.memref_slice %arg6[%add3A_209, %dma_start3A_226] : memref<80x125xi32, #tpu.memory_space<vmem>> -> memref<1x125xi32, #tpu.memory_space<vmem>>
      %dma_start3A_228 = tpu.memref_squeeze %dma_start3A_227 : memref<1x125xi32, #tpu.memory_space<vmem>> -> memref<125xi32, #tpu.memory_space<vmem>>
      %dma_start3A_229 = arith.constant 0 : i32
      %dma_start3A_230 = arith.constant 0 : i32
      %dma_start3A_231 = tpu.memref_slice %arg9[%dma_start3A_229, %dma_start3A_230] : memref<10240x16xf32, #tpu.memory_space<vmem_shared>> -> memref<10240x16xf32, #tpu.memory_space<vmem_shared>>
      tpu.enqueue_indirect_dma source(%dma_start3A_225 : memref<125x16xf32, #tpu.memory_space<vmem>>) target(%dma_start3A_231 : memref<10240x16xf32, #tpu.memory_space<vmem_shared>>) offsets(%dma_start3A_228 : memref<125xi32, #tpu.memory_space<vmem>>) semaphore(%arg22 : memref<!tpu.dma_semaphore, #tpu.memory_space<semaphore_mem>>) {add = true}
      %ge3A_232 = arith.constant 5 : i32
      %ge3A_233 = arith.cmpi sge, %add3A_209, %ge3A_232 : i32
      %convert_element_type3A_234 = arith.extui %ge3A_233 : i1 to i32
      %cond3A_235 = arith.constant 0 : i32
      %cond3A_236 = arith.cmpi ne, %convert_element_type3A_234, %cond3A_235 : i32
      scf.if %cond3A_236 {
        %sub3A = arith.constant 5 : i32
        %sub3A_496 = arith.subi %add3A_209, %sub3A : i32
        %dma_wait3A_497 = arith.constant 7 : i32
        %dma_wait3A_498 = arith.constant 0 : i32
        %dma_wait3A_499 = arith.constant 0 : i32
        %dma_wait3A_500 = tpu.memref_slice %arg7[%dma_wait3A_497, %dma_wait3A_498, %dma_wait3A_499] : memref<10x125x16xf32, #tpu.memory_space<vmem>> -> memref<1x125x16xf32, #tpu.memory_space<vmem>>
        %dma_wait3A_501 = tpu.memref_squeeze %dma_wait3A_500 : memref<1x125x16xf32, #tpu.memory_space<vmem>> -> memref<125x16xf32, #tpu.memory_space<vmem>>
        %dma_wait3A_502 = arith.constant 0 : i32
        %dma_wait3A_503 = tpu.memref_slice %arg6[%sub3A_496, %dma_wait3A_502] : memref<80x125xi32, #tpu.memory_space<vmem>> -> memref<1x125xi32, #tpu.memory_space<vmem>>
        %dma_wait3A_504 = tpu.memref_squeeze %dma_wait3A_503 : memref<1x125xi32, #tpu.memory_space<vmem>> -> memref<125xi32, #tpu.memory_space<vmem>>
        %dma_wait3A_505 = arith.constant 0 : i32
        %dma_wait3A_506 = arith.constant 0 : i32
        %dma_wait3A_507 = tpu.memref_slice %arg9[%dma_wait3A_505, %dma_wait3A_506] : memref<10240x16xf32, #tpu.memory_space<vmem_shared>> -> memref<10240x16xf32, #tpu.memory_space<vmem_shared>>
        tpu.wait_indirect_dma semaphore(%arg27 : memref<!tpu.dma_semaphore, #tpu.memory_space<semaphore_mem>>) src(%dma_wait3A_501 : memref<125x16xf32, #tpu.memory_space<vmem>>) dst(%dma_wait3A_507 : memref<10240x16xf32, #tpu.memory_space<vmem_shared>>)
      } else {
      }
      %add3A_237 = arith.constant 5 : i32
      %add3A_238 = arith.addi %add3A_209, %add3A_237 : i32
      %lt3A_239 = arith.constant 80 : i32
      %lt3A_240 = arith.cmpi slt, %add3A_238, %lt3A_239 : i32
      %convert_element_type3A_241 = arith.extui %lt3A_240 : i1 to i32
      %cond3A_242 = arith.constant 0 : i32
      %cond3A_243 = arith.cmpi ne, %convert_element_type3A_241, %cond3A_242 : i32
      scf.if %cond3A_243 {
        %add3A_496 = arith.constant 5 : i32
        %add3A_497 = arith.addi %add3A_209, %add3A_496 : i32
        %dma_start3A_498 = arith.constant 7 : i32
        %dma_start3A_499 = arith.constant 0 : i32
        %dma_start3A_500 = arith.constant 0 : i32
        %dma_start3A_501 = tpu.memref_slice %arg7[%dma_start3A_498, %dma_start3A_499, %dma_start3A_500] : memref<10x125x16xf32, #tpu.memory_space<vmem>> -> memref<1x125x16xf32, #tpu.memory_space<vmem>>
        %dma_start3A_502 = tpu.memref_squeeze %dma_start3A_501 : memref<1x125x16xf32, #tpu.memory_space<vmem>> -> memref<125x16xf32, #tpu.memory_space<vmem>>
        %dma_start3A_503 = arith.constant 0 : i32
        %dma_start3A_504 = tpu.memref_slice %arg5[%add3A_497, %dma_start3A_503] : memref<80x125xi32, #tpu.memory_space<vmem>> -> memref<1x125xi32, #tpu.memory_space<vmem>>
        %dma_start3A_505 = tpu.memref_squeeze %dma_start3A_504 : memref<1x125xi32, #tpu.memory_space<vmem>> -> memref<125xi32, #tpu.memory_space<vmem>>
        %dma_start3A_506 = arith.constant 0 : i32
        %dma_start3A_507 = arith.constant 0 : i32
        %dma_start3A_508 = tpu.memref_slice %arg3[%dma_start3A_506, %dma_start3A_507] : memref<10240x16xf32, #tpu.memory_space<hbm>> -> memref<10240x16xf32, #tpu.memory_space<hbm>>
        tpu.enqueue_indirect_dma source(%dma_start3A_508 : memref<10240x16xf32, #tpu.memory_space<hbm>>) target(%dma_start3A_502 : memref<125x16xf32, #tpu.memory_space<vmem>>) offsets(%dma_start3A_505 : memref<125xi32, #tpu.memory_space<vmem>>) semaphore(%arg17 : memref<!tpu.dma_semaphore, #tpu.memory_space<semaphore_mem>>)
      } else {
      }
      %add3A_244 = arith.constant 3 : i32
      %add3A_245 = arith.addi %add3A_137, %add3A_244 : i32
      %dma_wait3A_246 = arith.constant 3 : i32
      %dma_wait3A_247 = arith.constant 0 : i32
      %dma_wait3A_248 = arith.constant 0 : i32
      %dma_wait3A_249 = tpu.memref_slice %arg7[%dma_wait3A_246, %dma_wait3A_247, %dma_wait3A_248] : memref<10x125x16xf32, #tpu.memory_space<vmem>> -> memref<1x125x16xf32, #tpu.memory_space<vmem>>
      %dma_wait3A_250 = tpu.memref_squeeze %dma_wait3A_249 : memref<1x125x16xf32, #tpu.memory_space<vmem>> -> memref<125x16xf32, #tpu.memory_space<vmem>>
      %dma_wait3A_251 = arith.constant 0 : i32
      %dma_wait3A_252 = tpu.memref_slice %arg5[%add3A_245, %dma_wait3A_251] : memref<80x125xi32, #tpu.memory_space<vmem>> -> memref<1x125xi32, #tpu.memory_space<vmem>>
      %dma_wait3A_253 = tpu.memref_squeeze %dma_wait3A_252 : memref<1x125xi32, #tpu.memory_space<vmem>> -> memref<125xi32, #tpu.memory_space<vmem>>
      %dma_wait3A_254 = arith.constant 0 : i32
      %dma_wait3A_255 = arith.constant 0 : i32
      %dma_wait3A_256 = tpu.memref_slice %arg3[%dma_wait3A_254, %dma_wait3A_255] : memref<10240x16xf32, #tpu.memory_space<hbm>> -> memref<10240x16xf32, #tpu.memory_space<hbm>>
      tpu.wait_indirect_dma semaphore(%arg13 : memref<!tpu.dma_semaphore, #tpu.memory_space<semaphore_mem>>) src(%dma_wait3A_256 : memref<10240x16xf32, #tpu.memory_space<hbm>>) dst(%dma_wait3A_250 : memref<125x16xf32, #tpu.memory_space<vmem>>)
      %dma_start3A_257 = arith.constant 3 : i32
      %dma_start3A_258 = arith.constant 0 : i32
      %dma_start3A_259 = arith.constant 0 : i32
      %dma_start3A_260 = tpu.memref_slice %arg7[%dma_start3A_257, %dma_start3A_258, %dma_start3A_259] : memref<10x125x16xf32, #tpu.memory_space<vmem>> -> memref<1x125x16xf32, #tpu.memory_space<vmem>>
      %dma_start3A_261 = tpu.memref_squeeze %dma_start3A_260 : memref<1x125x16xf32, #tpu.memory_space<vmem>> -> memref<125x16xf32, #tpu.memory_space<vmem>>
      %dma_start3A_262 = arith.constant 0 : i32
      %dma_start3A_263 = tpu.memref_slice %arg6[%add3A_245, %dma_start3A_262] : memref<80x125xi32, #tpu.memory_space<vmem>> -> memref<1x125xi32, #tpu.memory_space<vmem>>
      %dma_start3A_264 = tpu.memref_squeeze %dma_start3A_263 : memref<1x125xi32, #tpu.memory_space<vmem>> -> memref<125xi32, #tpu.memory_space<vmem>>
      %dma_start3A_265 = arith.constant 0 : i32
      %dma_start3A_266 = arith.constant 0 : i32
      %dma_start3A_267 = tpu.memref_slice %arg9[%dma_start3A_265, %dma_start3A_266] : memref<10240x16xf32, #tpu.memory_space<vmem_shared>> -> memref<10240x16xf32, #tpu.memory_space<vmem_shared>>
      tpu.enqueue_indirect_dma source(%dma_start3A_261 : memref<125x16xf32, #tpu.memory_space<vmem>>) target(%dma_start3A_267 : memref<10240x16xf32, #tpu.memory_space<vmem_shared>>) offsets(%dma_start3A_264 : memref<125xi32, #tpu.memory_space<vmem>>) semaphore(%arg23 : memref<!tpu.dma_semaphore, #tpu.memory_space<semaphore_mem>>) {add = true}
      %ge3A_268 = arith.constant 5 : i32
      %ge3A_269 = arith.cmpi sge, %add3A_245, %ge3A_268 : i32
      %convert_element_type3A_270 = arith.extui %ge3A_269 : i1 to i32
      %cond3A_271 = arith.constant 0 : i32
      %cond3A_272 = arith.cmpi ne, %convert_element_type3A_270, %cond3A_271 : i32
      scf.if %cond3A_272 {
        %sub3A = arith.constant 5 : i32
        %sub3A_496 = arith.subi %add3A_245, %sub3A : i32
        %dma_wait3A_497 = arith.constant 8 : i32
        %dma_wait3A_498 = arith.constant 0 : i32
        %dma_wait3A_499 = arith.constant 0 : i32
        %dma_wait3A_500 = tpu.memref_slice %arg7[%dma_wait3A_497, %dma_wait3A_498, %dma_wait3A_499] : memref<10x125x16xf32, #tpu.memory_space<vmem>> -> memref<1x125x16xf32, #tpu.memory_space<vmem>>
        %dma_wait3A_501 = tpu.memref_squeeze %dma_wait3A_500 : memref<1x125x16xf32, #tpu.memory_space<vmem>> -> memref<125x16xf32, #tpu.memory_space<vmem>>
        %dma_wait3A_502 = arith.constant 0 : i32
        %dma_wait3A_503 = tpu.memref_slice %arg6[%sub3A_496, %dma_wait3A_502] : memref<80x125xi32, #tpu.memory_space<vmem>> -> memref<1x125xi32, #tpu.memory_space<vmem>>
        %dma_wait3A_504 = tpu.memref_squeeze %dma_wait3A_503 : memref<1x125xi32, #tpu.memory_space<vmem>> -> memref<125xi32, #tpu.memory_space<vmem>>
        %dma_wait3A_505 = arith.constant 0 : i32
        %dma_wait3A_506 = arith.constant 0 : i32
        %dma_wait3A_507 = tpu.memref_slice %arg9[%dma_wait3A_505, %dma_wait3A_506] : memref<10240x16xf32, #tpu.memory_space<vmem_shared>> -> memref<10240x16xf32, #tpu.memory_space<vmem_shared>>
        tpu.wait_indirect_dma semaphore(%arg28 : memref<!tpu.dma_semaphore, #tpu.memory_space<semaphore_mem>>) src(%dma_wait3A_501 : memref<125x16xf32, #tpu.memory_space<vmem>>) dst(%dma_wait3A_507 : memref<10240x16xf32, #tpu.memory_space<vmem_shared>>)
      } else {
      }
      %add3A_273 = arith.constant 5 : i32
      %add3A_274 = arith.addi %add3A_245, %add3A_273 : i32
      %lt3A_275 = arith.constant 80 : i32
      %lt3A_276 = arith.cmpi slt, %add3A_274, %lt3A_275 : i32
      %convert_element_type3A_277 = arith.extui %lt3A_276 : i1 to i32
      %cond3A_278 = arith.constant 0 : i32
      %cond3A_279 = arith.cmpi ne, %convert_element_type3A_277, %cond3A_278 : i32
      scf.if %cond3A_279 {
        %add3A_496 = arith.constant 5 : i32
        %add3A_497 = arith.addi %add3A_245, %add3A_496 : i32
        %dma_start3A_498 = arith.constant 8 : i32
        %dma_start3A_499 = arith.constant 0 : i32
        %dma_start3A_500 = arith.constant 0 : i32
        %dma_start3A_501 = tpu.memref_slice %arg7[%dma_start3A_498, %dma_start3A_499, %dma_start3A_500] : memref<10x125x16xf32, #tpu.memory_space<vmem>> -> memref<1x125x16xf32, #tpu.memory_space<vmem>>
        %dma_start3A_502 = tpu.memref_squeeze %dma_start3A_501 : memref<1x125x16xf32, #tpu.memory_space<vmem>> -> memref<125x16xf32, #tpu.memory_space<vmem>>
        %dma_start3A_503 = arith.constant 0 : i32
        %dma_start3A_504 = tpu.memref_slice %arg5[%add3A_497, %dma_start3A_503] : memref<80x125xi32, #tpu.memory_space<vmem>> -> memref<1x125xi32, #tpu.memory_space<vmem>>
        %dma_start3A_505 = tpu.memref_squeeze %dma_start3A_504 : memref<1x125xi32, #tpu.memory_space<vmem>> -> memref<125xi32, #tpu.memory_space<vmem>>
        %dma_start3A_506 = arith.constant 0 : i32
        %dma_start3A_507 = arith.constant 0 : i32
        %dma_start3A_508 = tpu.memref_slice %arg3[%dma_start3A_506, %dma_start3A_507] : memref<10240x16xf32, #tpu.memory_space<hbm>> -> memref<10240x16xf32, #tpu.memory_space<hbm>>
        tpu.enqueue_indirect_dma source(%dma_start3A_508 : memref<10240x16xf32, #tpu.memory_space<hbm>>) target(%dma_start3A_502 : memref<125x16xf32, #tpu.memory_space<vmem>>) offsets(%dma_start3A_505 : memref<125xi32, #tpu.memory_space<vmem>>) semaphore(%arg18 : memref<!tpu.dma_semaphore, #tpu.memory_space<semaphore_mem>>)
      } else {
      }
      %add3A_280 = arith.constant 4 : i32
      %add3A_281 = arith.addi %add3A_137, %add3A_280 : i32
      %dma_wait3A_282 = arith.constant 4 : i32
      %dma_wait3A_283 = arith.constant 0 : i32
      %dma_wait3A_284 = arith.constant 0 : i32
      %dma_wait3A_285 = tpu.memref_slice %arg7[%dma_wait3A_282, %dma_wait3A_283, %dma_wait3A_284] : memref<10x125x16xf32, #tpu.memory_space<vmem>> -> memref<1x125x16xf32, #tpu.memory_space<vmem>>
      %dma_wait3A_286 = tpu.memref_squeeze %dma_wait3A_285 : memref<1x125x16xf32, #tpu.memory_space<vmem>> -> memref<125x16xf32, #tpu.memory_space<vmem>>
      %dma_wait3A_287 = arith.constant 0 : i32
      %dma_wait3A_288 = tpu.memref_slice %arg5[%add3A_281, %dma_wait3A_287] : memref<80x125xi32, #tpu.memory_space<vmem>> -> memref<1x125xi32, #tpu.memory_space<vmem>>
      %dma_wait3A_289 = tpu.memref_squeeze %dma_wait3A_288 : memref<1x125xi32, #tpu.memory_space<vmem>> -> memref<125xi32, #tpu.memory_space<vmem>>
      %dma_wait3A_290 = arith.constant 0 : i32
      %dma_wait3A_291 = arith.constant 0 : i32
      %dma_wait3A_292 = tpu.memref_slice %arg3[%dma_wait3A_290, %dma_wait3A_291] : memref<10240x16xf32, #tpu.memory_space<hbm>> -> memref<10240x16xf32, #tpu.memory_space<hbm>>
      tpu.wait_indirect_dma semaphore(%arg14 : memref<!tpu.dma_semaphore, #tpu.memory_space<semaphore_mem>>) src(%dma_wait3A_292 : memref<10240x16xf32, #tpu.memory_space<hbm>>) dst(%dma_wait3A_286 : memref<125x16xf32, #tpu.memory_space<vmem>>)
      %dma_start3A_293 = arith.constant 4 : i32
      %dma_start3A_294 = arith.constant 0 : i32
      %dma_start3A_295 = arith.constant 0 : i32
      %dma_start3A_296 = tpu.memref_slice %arg7[%dma_start3A_293, %dma_start3A_294, %dma_start3A_295] : memref<10x125x16xf32, #tpu.memory_space<vmem>> -> memref<1x125x16xf32, #tpu.memory_space<vmem>>
      %dma_start3A_297 = tpu.memref_squeeze %dma_start3A_296 : memref<1x125x16xf32, #tpu.memory_space<vmem>> -> memref<125x16xf32, #tpu.memory_space<vmem>>
      %dma_start3A_298 = arith.constant 0 : i32
      %dma_start3A_299 = tpu.memref_slice %arg6[%add3A_281, %dma_start3A_298] : memref<80x125xi32, #tpu.memory_space<vmem>> -> memref<1x125xi32, #tpu.memory_space<vmem>>
      %dma_start3A_300 = tpu.memref_squeeze %dma_start3A_299 : memref<1x125xi32, #tpu.memory_space<vmem>> -> memref<125xi32, #tpu.memory_space<vmem>>
      %dma_start3A_301 = arith.constant 0 : i32
      %dma_start3A_302 = arith.constant 0 : i32
      %dma_start3A_303 = tpu.memref_slice %arg9[%dma_start3A_301, %dma_start3A_302] : memref<10240x16xf32, #tpu.memory_space<vmem_shared>> -> memref<10240x16xf32, #tpu.memory_space<vmem_shared>>
      tpu.enqueue_indirect_dma source(%dma_start3A_297 : memref<125x16xf32, #tpu.memory_space<vmem>>) target(%dma_start3A_303 : memref<10240x16xf32, #tpu.memory_space<vmem_shared>>) offsets(%dma_start3A_300 : memref<125xi32, #tpu.memory_space<vmem>>) semaphore(%arg24 : memref<!tpu.dma_semaphore, #tpu.memory_space<semaphore_mem>>) {add = true}
      %ge3A_304 = arith.constant 5 : i32
      %ge3A_305 = arith.cmpi sge, %add3A_281, %ge3A_304 : i32
      %convert_element_type3A_306 = arith.extui %ge3A_305 : i1 to i32
      %cond3A_307 = arith.constant 0 : i32
      %cond3A_308 = arith.cmpi ne, %convert_element_type3A_306, %cond3A_307 : i32
      scf.if %cond3A_308 {
        %sub3A = arith.constant 5 : i32
        %sub3A_496 = arith.subi %add3A_281, %sub3A : i32
        %dma_wait3A_497 = arith.constant 9 : i32
        %dma_wait3A_498 = arith.constant 0 : i32
        %dma_wait3A_499 = arith.constant 0 : i32
        %dma_wait3A_500 = tpu.memref_slice %arg7[%dma_wait3A_497, %dma_wait3A_498, %dma_wait3A_499] : memref<10x125x16xf32, #tpu.memory_space<vmem>> -> memref<1x125x16xf32, #tpu.memory_space<vmem>>
        %dma_wait3A_501 = tpu.memref_squeeze %dma_wait3A_500 : memref<1x125x16xf32, #tpu.memory_space<vmem>> -> memref<125x16xf32, #tpu.memory_space<vmem>>
        %dma_wait3A_502 = arith.constant 0 : i32
        %dma_wait3A_503 = tpu.memref_slice %arg6[%sub3A_496, %dma_wait3A_502] : memref<80x125xi32, #tpu.memory_space<vmem>> -> memref<1x125xi32, #tpu.memory_space<vmem>>
        %dma_wait3A_504 = tpu.memref_squeeze %dma_wait3A_503 : memref<1x125xi32, #tpu.memory_space<vmem>> -> memref<125xi32, #tpu.memory_space<vmem>>
        %dma_wait3A_505 = arith.constant 0 : i32
        %dma_wait3A_506 = arith.constant 0 : i32
        %dma_wait3A_507 = tpu.memref_slice %arg9[%dma_wait3A_505, %dma_wait3A_506] : memref<10240x16xf32, #tpu.memory_space<vmem_shared>> -> memref<10240x16xf32, #tpu.memory_space<vmem_shared>>
        tpu.wait_indirect_dma semaphore(%arg29 : memref<!tpu.dma_semaphore, #tpu.memory_space<semaphore_mem>>) src(%dma_wait3A_501 : memref<125x16xf32, #tpu.memory_space<vmem>>) dst(%dma_wait3A_507 : memref<10240x16xf32, #tpu.memory_space<vmem_shared>>)
      } else {
      }
      %add3A_309 = arith.constant 5 : i32
      %add3A_310 = arith.addi %add3A_281, %add3A_309 : i32
      %lt3A_311 = arith.constant 80 : i32
      %lt3A_312 = arith.cmpi slt, %add3A_310, %lt3A_311 : i32
      %convert_element_type3A_313 = arith.extui %lt3A_312 : i1 to i32
      %cond3A_314 = arith.constant 0 : i32
      %cond3A_315 = arith.cmpi ne, %convert_element_type3A_313, %cond3A_314 : i32
      scf.if %cond3A_315 {
        %add3A_496 = arith.constant 5 : i32
        %add3A_497 = arith.addi %add3A_281, %add3A_496 : i32
        %dma_start3A_498 = arith.constant 9 : i32
        %dma_start3A_499 = arith.constant 0 : i32
        %dma_start3A_500 = arith.constant 0 : i32
        %dma_start3A_501 = tpu.memref_slice %arg7[%dma_start3A_498, %dma_start3A_499, %dma_start3A_500] : memref<10x125x16xf32, #tpu.memory_space<vmem>> -> memref<1x125x16xf32, #tpu.memory_space<vmem>>
        %dma_start3A_502 = tpu.memref_squeeze %dma_start3A_501 : memref<1x125x16xf32, #tpu.memory_space<vmem>> -> memref<125x16xf32, #tpu.memory_space<vmem>>
        %dma_start3A_503 = arith.constant 0 : i32
        %dma_start3A_504 = tpu.memref_slice %arg5[%add3A_497, %dma_start3A_503] : memref<80x125xi32, #tpu.memory_space<vmem>> -> memref<1x125xi32, #tpu.memory_space<vmem>>
        %dma_start3A_505 = tpu.memref_squeeze %dma_start3A_504 : memref<1x125xi32, #tpu.memory_space<vmem>> -> memref<125xi32, #tpu.memory_space<vmem>>
        %dma_start3A_506 = arith.constant 0 : i32
        %dma_start3A_507 = arith.constant 0 : i32
        %dma_start3A_508 = tpu.memref_slice %arg3[%dma_start3A_506, %dma_start3A_507] : memref<10240x16xf32, #tpu.memory_space<hbm>> -> memref<10240x16xf32, #tpu.memory_space<hbm>>
        tpu.enqueue_indirect_dma source(%dma_start3A_508 : memref<10240x16xf32, #tpu.memory_space<hbm>>) target(%dma_start3A_502 : memref<125x16xf32, #tpu.memory_space<vmem>>) offsets(%dma_start3A_505 : memref<125xi32, #tpu.memory_space<vmem>>) semaphore(%arg19 : memref<!tpu.dma_semaphore, #tpu.memory_space<semaphore_mem>>)
      } else {
      }
      %add3A_316 = arith.constant 5 : i32
      %add3A_317 = arith.addi %add3A_137, %add3A_316 : i32
      %dma_wait3A_318 = arith.constant 5 : i32
      %dma_wait3A_319 = arith.constant 0 : i32
      %dma_wait3A_320 = arith.constant 0 : i32
      %dma_wait3A_321 = tpu.memref_slice %arg7[%dma_wait3A_318, %dma_wait3A_319, %dma_wait3A_320] : memref<10x125x16xf32, #tpu.memory_space<vmem>> -> memref<1x125x16xf32, #tpu.memory_space<vmem>>
      %dma_wait3A_322 = tpu.memref_squeeze %dma_wait3A_321 : memref<1x125x16xf32, #tpu.memory_space<vmem>> -> memref<125x16xf32, #tpu.memory_space<vmem>>
      %dma_wait3A_323 = arith.constant 0 : i32
      %dma_wait3A_324 = tpu.memref_slice %arg5[%add3A_317, %dma_wait3A_323] : memref<80x125xi32, #tpu.memory_space<vmem>> -> memref<1x125xi32, #tpu.memory_space<vmem>>
      %dma_wait3A_325 = tpu.memref_squeeze %dma_wait3A_324 : memref<1x125xi32, #tpu.memory_space<vmem>> -> memref<125xi32, #tpu.memory_space<vmem>>
      %dma_wait3A_326 = arith.constant 0 : i32
      %dma_wait3A_327 = arith.constant 0 : i32
      %dma_wait3A_328 = tpu.memref_slice %arg3[%dma_wait3A_326, %dma_wait3A_327] : memref<10240x16xf32, #tpu.memory_space<hbm>> -> memref<10240x16xf32, #tpu.memory_space<hbm>>
      tpu.wait_indirect_dma semaphore(%arg15 : memref<!tpu.dma_semaphore, #tpu.memory_space<semaphore_mem>>) src(%dma_wait3A_328 : memref<10240x16xf32, #tpu.memory_space<hbm>>) dst(%dma_wait3A_322 : memref<125x16xf32, #tpu.memory_space<vmem>>)
      %dma_start3A_329 = arith.constant 5 : i32
      %dma_start3A_330 = arith.constant 0 : i32
      %dma_start3A_331 = arith.constant 0 : i32
      %dma_start3A_332 = tpu.memref_slice %arg7[%dma_start3A_329, %dma_start3A_330, %dma_start3A_331] : memref<10x125x16xf32, #tpu.memory_space<vmem>> -> memref<1x125x16xf32, #tpu.memory_space<vmem>>
      %dma_start3A_333 = tpu.memref_squeeze %dma_start3A_332 : memref<1x125x16xf32, #tpu.memory_space<vmem>> -> memref<125x16xf32, #tpu.memory_space<vmem>>
      %dma_start3A_334 = arith.constant 0 : i32
      %dma_start3A_335 = tpu.memref_slice %arg6[%add3A_317, %dma_start3A_334] : memref<80x125xi32, #tpu.memory_space<vmem>> -> memref<1x125xi32, #tpu.memory_space<vmem>>
      %dma_start3A_336 = tpu.memref_squeeze %dma_start3A_335 : memref<1x125xi32, #tpu.memory_space<vmem>> -> memref<125xi32, #tpu.memory_space<vmem>>
      %dma_start3A_337 = arith.constant 0 : i32
      %dma_start3A_338 = arith.constant 0 : i32
      %dma_start3A_339 = tpu.memref_slice %arg9[%dma_start3A_337, %dma_start3A_338] : memref<10240x16xf32, #tpu.memory_space<vmem_shared>> -> memref<10240x16xf32, #tpu.memory_space<vmem_shared>>
      tpu.enqueue_indirect_dma source(%dma_start3A_333 : memref<125x16xf32, #tpu.memory_space<vmem>>) target(%dma_start3A_339 : memref<10240x16xf32, #tpu.memory_space<vmem_shared>>) offsets(%dma_start3A_336 : memref<125xi32, #tpu.memory_space<vmem>>) semaphore(%arg25 : memref<!tpu.dma_semaphore, #tpu.memory_space<semaphore_mem>>) {add = true}
      %ge3A_340 = arith.constant 5 : i32
      %ge3A_341 = arith.cmpi sge, %add3A_317, %ge3A_340 : i32
      %convert_element_type3A_342 = arith.extui %ge3A_341 : i1 to i32
      %cond3A_343 = arith.constant 0 : i32
      %cond3A_344 = arith.cmpi ne, %convert_element_type3A_342, %cond3A_343 : i32
      scf.if %cond3A_344 {
        %sub3A = arith.constant 5 : i32
        %sub3A_496 = arith.subi %add3A_317, %sub3A : i32
        %dma_wait3A_497 = arith.constant 0 : i32
        %dma_wait3A_498 = arith.constant 0 : i32
        %dma_wait3A_499 = arith.constant 0 : i32
        %dma_wait3A_500 = tpu.memref_slice %arg7[%dma_wait3A_497, %dma_wait3A_498, %dma_wait3A_499] : memref<10x125x16xf32, #tpu.memory_space<vmem>> -> memref<1x125x16xf32, #tpu.memory_space<vmem>>
        %dma_wait3A_501 = tpu.memref_squeeze %dma_wait3A_500 : memref<1x125x16xf32, #tpu.memory_space<vmem>> -> memref<125x16xf32, #tpu.memory_space<vmem>>
        %dma_wait3A_502 = arith.constant 0 : i32
        %dma_wait3A_503 = tpu.memref_slice %arg6[%sub3A_496, %dma_wait3A_502] : memref<80x125xi32, #tpu.memory_space<vmem>> -> memref<1x125xi32, #tpu.memory_space<vmem>>
        %dma_wait3A_504 = tpu.memref_squeeze %dma_wait3A_503 : memref<1x125xi32, #tpu.memory_space<vmem>> -> memref<125xi32, #tpu.memory_space<vmem>>
        %dma_wait3A_505 = arith.constant 0 : i32
        %dma_wait3A_506 = arith.constant 0 : i32
        %dma_wait3A_507 = tpu.memref_slice %arg9[%dma_wait3A_505, %dma_wait3A_506] : memref<10240x16xf32, #tpu.memory_space<vmem_shared>> -> memref<10240x16xf32, #tpu.memory_space<vmem_shared>>
        tpu.wait_indirect_dma semaphore(%arg20 : memref<!tpu.dma_semaphore, #tpu.memory_space<semaphore_mem>>) src(%dma_wait3A_501 : memref<125x16xf32, #tpu.memory_space<vmem>>) dst(%dma_wait3A_507 : memref<10240x16xf32, #tpu.memory_space<vmem_shared>>)
      } else {
      }
      %add3A_345 = arith.constant 5 : i32
      %add3A_346 = arith.addi %add3A_317, %add3A_345 : i32
      %lt3A_347 = arith.constant 80 : i32
      %lt3A_348 = arith.cmpi slt, %add3A_346, %lt3A_347 : i32
      %convert_element_type3A_349 = arith.extui %lt3A_348 : i1 to i32
      %cond3A_350 = arith.constant 0 : i32
      %cond3A_351 = arith.cmpi ne, %convert_element_type3A_349, %cond3A_350 : i32
      scf.if %cond3A_351 {
        %add3A_496 = arith.constant 5 : i32
        %add3A_497 = arith.addi %add3A_317, %add3A_496 : i32
        %dma_start3A_498 = arith.constant 0 : i32
        %dma_start3A_499 = arith.constant 0 : i32
        %dma_start3A_500 = arith.constant 0 : i32
        %dma_start3A_501 = tpu.memref_slice %arg7[%dma_start3A_498, %dma_start3A_499, %dma_start3A_500] : memref<10x125x16xf32, #tpu.memory_space<vmem>> -> memref<1x125x16xf32, #tpu.memory_space<vmem>>
        %dma_start3A_502 = tpu.memref_squeeze %dma_start3A_501 : memref<1x125x16xf32, #tpu.memory_space<vmem>> -> memref<125x16xf32, #tpu.memory_space<vmem>>
        %dma_start3A_503 = arith.constant 0 : i32
        %dma_start3A_504 = tpu.memref_slice %arg5[%add3A_497, %dma_start3A_503] : memref<80x125xi32, #tpu.memory_space<vmem>> -> memref<1x125xi32, #tpu.memory_space<vmem>>
        %dma_start3A_505 = tpu.memref_squeeze %dma_start3A_504 : memref<1x125xi32, #tpu.memory_space<vmem>> -> memref<125xi32, #tpu.memory_space<vmem>>
        %dma_start3A_506 = arith.constant 0 : i32
        %dma_start3A_507 = arith.constant 0 : i32
        %dma_start3A_508 = tpu.memref_slice %arg3[%dma_start3A_506, %dma_start3A_507] : memref<10240x16xf32, #tpu.memory_space<hbm>> -> memref<10240x16xf32, #tpu.memory_space<hbm>>
        tpu.enqueue_indirect_dma source(%dma_start3A_508 : memref<10240x16xf32, #tpu.memory_space<hbm>>) target(%dma_start3A_502 : memref<125x16xf32, #tpu.memory_space<vmem>>) offsets(%dma_start3A_505 : memref<125xi32, #tpu.memory_space<vmem>>) semaphore(%arg10 : memref<!tpu.dma_semaphore, #tpu.memory_space<semaphore_mem>>)
      } else {
      }
      %add3A_352 = arith.constant 6 : i32
      %add3A_353 = arith.addi %add3A_137, %add3A_352 : i32
      %dma_wait3A_354 = arith.constant 6 : i32
      %dma_wait3A_355 = arith.constant 0 : i32
      %dma_wait3A_356 = arith.constant 0 : i32
      %dma_wait3A_357 = tpu.memref_slice %arg7[%dma_wait3A_354, %dma_wait3A_355, %dma_wait3A_356] : memref<10x125x16xf32, #tpu.memory_space<vmem>> -> memref<1x125x16xf32, #tpu.memory_space<vmem>>
      %dma_wait3A_358 = tpu.memref_squeeze %dma_wait3A_357 : memref<1x125x16xf32, #tpu.memory_space<vmem>> -> memref<125x16xf32, #tpu.memory_space<vmem>>
      %dma_wait3A_359 = arith.constant 0 : i32
      %dma_wait3A_360 = tpu.memref_slice %arg5[%add3A_353, %dma_wait3A_359] : memref<80x125xi32, #tpu.memory_space<vmem>> -> memref<1x125xi32, #tpu.memory_space<vmem>>
      %dma_wait3A_361 = tpu.memref_squeeze %dma_wait3A_360 : memref<1x125xi32, #tpu.memory_space<vmem>> -> memref<125xi32, #tpu.memory_space<vmem>>
      %dma_wait3A_362 = arith.constant 0 : i32
      %dma_wait3A_363 = arith.constant 0 : i32
      %dma_wait3A_364 = tpu.memref_slice %arg3[%dma_wait3A_362, %dma_wait3A_363] : memref<10240x16xf32, #tpu.memory_space<hbm>> -> memref<10240x16xf32, #tpu.memory_space<hbm>>
      tpu.wait_indirect_dma semaphore(%arg16 : memref<!tpu.dma_semaphore, #tpu.memory_space<semaphore_mem>>) src(%dma_wait3A_364 : memref<10240x16xf32, #tpu.memory_space<hbm>>) dst(%dma_wait3A_358 : memref<125x16xf32, #tpu.memory_space<vmem>>)
      %dma_start3A_365 = arith.constant 6 : i32
      %dma_start3A_366 = arith.constant 0 : i32
      %dma_start3A_367 = arith.constant 0 : i32
      %dma_start3A_368 = tpu.memref_slice %arg7[%dma_start3A_365, %dma_start3A_366, %dma_start3A_367] : memref<10x125x16xf32, #tpu.memory_space<vmem>> -> memref<1x125x16xf32, #tpu.memory_space<vmem>>
      %dma_start3A_369 = tpu.memref_squeeze %dma_start3A_368 : memref<1x125x16xf32, #tpu.memory_space<vmem>> -> memref<125x16xf32, #tpu.memory_space<vmem>>
      %dma_start3A_370 = arith.constant 0 : i32
      %dma_start3A_371 = tpu.memref_slice %arg6[%add3A_353, %dma_start3A_370] : memref<80x125xi32, #tpu.memory_space<vmem>> -> memref<1x125xi32, #tpu.memory_space<vmem>>
      %dma_start3A_372 = tpu.memref_squeeze %dma_start3A_371 : memref<1x125xi32, #tpu.memory_space<vmem>> -> memref<125xi32, #tpu.memory_space<vmem>>
      %dma_start3A_373 = arith.constant 0 : i32
      %dma_start3A_374 = arith.constant 0 : i32
      %dma_start3A_375 = tpu.memref_slice %arg9[%dma_start3A_373, %dma_start3A_374] : memref<10240x16xf32, #tpu.memory_space<vmem_shared>> -> memref<10240x16xf32, #tpu.memory_space<vmem_shared>>
      tpu.enqueue_indirect_dma source(%dma_start3A_369 : memref<125x16xf32, #tpu.memory_space<vmem>>) target(%dma_start3A_375 : memref<10240x16xf32, #tpu.memory_space<vmem_shared>>) offsets(%dma_start3A_372 : memref<125xi32, #tpu.memory_space<vmem>>) semaphore(%arg26 : memref<!tpu.dma_semaphore, #tpu.memory_space<semaphore_mem>>) {add = true}
      %ge3A_376 = arith.constant 5 : i32
      %ge3A_377 = arith.cmpi sge, %add3A_353, %ge3A_376 : i32
      %convert_element_type3A_378 = arith.extui %ge3A_377 : i1 to i32
      %cond3A_379 = arith.constant 0 : i32
      %cond3A_380 = arith.cmpi ne, %convert_element_type3A_378, %cond3A_379 : i32
      scf.if %cond3A_380 {
        %sub3A = arith.constant 5 : i32
        %sub3A_496 = arith.subi %add3A_353, %sub3A : i32
        %dma_wait3A_497 = arith.constant 1 : i32
        %dma_wait3A_498 = arith.constant 0 : i32
        %dma_wait3A_499 = arith.constant 0 : i32
        %dma_wait3A_500 = tpu.memref_slice %arg7[%dma_wait3A_497, %dma_wait3A_498, %dma_wait3A_499] : memref<10x125x16xf32, #tpu.memory_space<vmem>> -> memref<1x125x16xf32, #tpu.memory_space<vmem>>
        %dma_wait3A_501 = tpu.memref_squeeze %dma_wait3A_500 : memref<1x125x16xf32, #tpu.memory_space<vmem>> -> memref<125x16xf32, #tpu.memory_space<vmem>>
        %dma_wait3A_502 = arith.constant 0 : i32
        %dma_wait3A_503 = tpu.memref_slice %arg6[%sub3A_496, %dma_wait3A_502] : memref<80x125xi32, #tpu.memory_space<vmem>> -> memref<1x125xi32, #tpu.memory_space<vmem>>
        %dma_wait3A_504 = tpu.memref_squeeze %dma_wait3A_503 : memref<1x125xi32, #tpu.memory_space<vmem>> -> memref<125xi32, #tpu.memory_space<vmem>>
        %dma_wait3A_505 = arith.constant 0 : i32
        %dma_wait3A_506 = arith.constant 0 : i32
        %dma_wait3A_507 = tpu.memref_slice %arg9[%dma_wait3A_505, %dma_wait3A_506] : memref<10240x16xf32, #tpu.memory_space<vmem_shared>> -> memref<10240x16xf32, #tpu.memory_space<vmem_shared>>
        tpu.wait_indirect_dma semaphore(%arg21 : memref<!tpu.dma_semaphore, #tpu.memory_space<semaphore_mem>>) src(%dma_wait3A_501 : memref<125x16xf32, #tpu.memory_space<vmem>>) dst(%dma_wait3A_507 : memref<10240x16xf32, #tpu.memory_space<vmem_shared>>)
      } else {
      }
      %add3A_381 = arith.constant 5 : i32
      %add3A_382 = arith.addi %add3A_353, %add3A_381 : i32
      %lt3A_383 = arith.constant 80 : i32
      %lt3A_384 = arith.cmpi slt, %add3A_382, %lt3A_383 : i32
      %convert_element_type3A_385 = arith.extui %lt3A_384 : i1 to i32
      %cond3A_386 = arith.constant 0 : i32
      %cond3A_387 = arith.cmpi ne, %convert_element_type3A_385, %cond3A_386 : i32
      scf.if %cond3A_387 {
        %add3A_496 = arith.constant 5 : i32
        %add3A_497 = arith.addi %add3A_353, %add3A_496 : i32
        %dma_start3A_498 = arith.constant 1 : i32
        %dma_start3A_499 = arith.constant 0 : i32
        %dma_start3A_500 = arith.constant 0 : i32
        %dma_start3A_501 = tpu.memref_slice %arg7[%dma_start3A_498, %dma_start3A_499, %dma_start3A_500] : memref<10x125x16xf32, #tpu.memory_space<vmem>> -> memref<1x125x16xf32, #tpu.memory_space<vmem>>
        %dma_start3A_502 = tpu.memref_squeeze %dma_start3A_501 : memref<1x125x16xf32, #tpu.memory_space<vmem>> -> memref<125x16xf32, #tpu.memory_space<vmem>>
        %dma_start3A_503 = arith.constant 0 : i32
        %dma_start3A_504 = tpu.memref_slice %arg5[%add3A_497, %dma_start3A_503] : memref<80x125xi32, #tpu.memory_space<vmem>> -> memref<1x125xi32, #tpu.memory_space<vmem>>
        %dma_start3A_505 = tpu.memref_squeeze %dma_start3A_504 : memref<1x125xi32, #tpu.memory_space<vmem>> -> memref<125xi32, #tpu.memory_space<vmem>>
        %dma_start3A_506 = arith.constant 0 : i32
        %dma_start3A_507 = arith.constant 0 : i32
        %dma_start3A_508 = tpu.memref_slice %arg3[%dma_start3A_506, %dma_start3A_507] : memref<10240x16xf32, #tpu.memory_space<hbm>> -> memref<10240x16xf32, #tpu.memory_space<hbm>>
        tpu.enqueue_indirect_dma source(%dma_start3A_508 : memref<10240x16xf32, #tpu.memory_space<hbm>>) target(%dma_start3A_502 : memref<125x16xf32, #tpu.memory_space<vmem>>) offsets(%dma_start3A_505 : memref<125xi32, #tpu.memory_space<vmem>>) semaphore(%arg11 : memref<!tpu.dma_semaphore, #tpu.memory_space<semaphore_mem>>)
      } else {
      }
      %add3A_388 = arith.constant 7 : i32
      %add3A_389 = arith.addi %add3A_137, %add3A_388 : i32
      %dma_wait3A_390 = arith.constant 7 : i32
      %dma_wait3A_391 = arith.constant 0 : i32
      %dma_wait3A_392 = arith.constant 0 : i32
      %dma_wait3A_393 = tpu.memref_slice %arg7[%dma_wait3A_390, %dma_wait3A_391, %dma_wait3A_392] : memref<10x125x16xf32, #tpu.memory_space<vmem>> -> memref<1x125x16xf32, #tpu.memory_space<vmem>>
      %dma_wait3A_394 = tpu.memref_squeeze %dma_wait3A_393 : memref<1x125x16xf32, #tpu.memory_space<vmem>> -> memref<125x16xf32, #tpu.memory_space<vmem>>
      %dma_wait3A_395 = arith.constant 0 : i32
      %dma_wait3A_396 = tpu.memref_slice %arg5[%add3A_389, %dma_wait3A_395] : memref<80x125xi32, #tpu.memory_space<vmem>> -> memref<1x125xi32, #tpu.memory_space<vmem>>
      %dma_wait3A_397 = tpu.memref_squeeze %dma_wait3A_396 : memref<1x125xi32, #tpu.memory_space<vmem>> -> memref<125xi32, #tpu.memory_space<vmem>>
      %dma_wait3A_398 = arith.constant 0 : i32
      %dma_wait3A_399 = arith.constant 0 : i32
      %dma_wait3A_400 = tpu.memref_slice %arg3[%dma_wait3A_398, %dma_wait3A_399] : memref<10240x16xf32, #tpu.memory_space<hbm>> -> memref<10240x16xf32, #tpu.memory_space<hbm>>
      tpu.wait_indirect_dma semaphore(%arg17 : memref<!tpu.dma_semaphore, #tpu.memory_space<semaphore_mem>>) src(%dma_wait3A_400 : memref<10240x16xf32, #tpu.memory_space<hbm>>) dst(%dma_wait3A_394 : memref<125x16xf32, #tpu.memory_space<vmem>>)
      %dma_start3A_401 = arith.constant 7 : i32
      %dma_start3A_402 = arith.constant 0 : i32
      %dma_start3A_403 = arith.constant 0 : i32
      %dma_start3A_404 = tpu.memref_slice %arg7[%dma_start3A_401, %dma_start3A_402, %dma_start3A_403] : memref<10x125x16xf32, #tpu.memory_space<vmem>> -> memref<1x125x16xf32, #tpu.memory_space<vmem>>
      %dma_start3A_405 = tpu.memref_squeeze %dma_start3A_404 : memref<1x125x16xf32, #tpu.memory_space<vmem>> -> memref<125x16xf32, #tpu.memory_space<vmem>>
      %dma_start3A_406 = arith.constant 0 : i32
      %dma_start3A_407 = tpu.memref_slice %arg6[%add3A_389, %dma_start3A_406] : memref<80x125xi32, #tpu.memory_space<vmem>> -> memref<1x125xi32, #tpu.memory_space<vmem>>
      %dma_start3A_408 = tpu.memref_squeeze %dma_start3A_407 : memref<1x125xi32, #tpu.memory_space<vmem>> -> memref<125xi32, #tpu.memory_space<vmem>>
      %dma_start3A_409 = arith.constant 0 : i32
      %dma_start3A_410 = arith.constant 0 : i32
      %dma_start3A_411 = tpu.memref_slice %arg9[%dma_start3A_409, %dma_start3A_410] : memref<10240x16xf32, #tpu.memory_space<vmem_shared>> -> memref<10240x16xf32, #tpu.memory_space<vmem_shared>>
      tpu.enqueue_indirect_dma source(%dma_start3A_405 : memref<125x16xf32, #tpu.memory_space<vmem>>) target(%dma_start3A_411 : memref<10240x16xf32, #tpu.memory_space<vmem_shared>>) offsets(%dma_start3A_408 : memref<125xi32, #tpu.memory_space<vmem>>) semaphore(%arg27 : memref<!tpu.dma_semaphore, #tpu.memory_space<semaphore_mem>>) {add = true}
      %ge3A_412 = arith.constant 5 : i32
      %ge3A_413 = arith.cmpi sge, %add3A_389, %ge3A_412 : i32
      %convert_element_type3A_414 = arith.extui %ge3A_413 : i1 to i32
      %cond3A_415 = arith.constant 0 : i32
      %cond3A_416 = arith.cmpi ne, %convert_element_type3A_414, %cond3A_415 : i32
      scf.if %cond3A_416 {
        %sub3A = arith.constant 5 : i32
        %sub3A_496 = arith.subi %add3A_389, %sub3A : i32
        %dma_wait3A_497 = arith.constant 2 : i32
        %dma_wait3A_498 = arith.constant 0 : i32
        %dma_wait3A_499 = arith.constant 0 : i32
        %dma_wait3A_500 = tpu.memref_slice %arg7[%dma_wait3A_497, %dma_wait3A_498, %dma_wait3A_499] : memref<10x125x16xf32, #tpu.memory_space<vmem>> -> memref<1x125x16xf32, #tpu.memory_space<vmem>>
        %dma_wait3A_501 = tpu.memref_squeeze %dma_wait3A_500 : memref<1x125x16xf32, #tpu.memory_space<vmem>> -> memref<125x16xf32, #tpu.memory_space<vmem>>
        %dma_wait3A_502 = arith.constant 0 : i32
        %dma_wait3A_503 = tpu.memref_slice %arg6[%sub3A_496, %dma_wait3A_502] : memref<80x125xi32, #tpu.memory_space<vmem>> -> memref<1x125xi32, #tpu.memory_space<vmem>>
        %dma_wait3A_504 = tpu.memref_squeeze %dma_wait3A_503 : memref<1x125xi32, #tpu.memory_space<vmem>> -> memref<125xi32, #tpu.memory_space<vmem>>
        %dma_wait3A_505 = arith.constant 0 : i32
        %dma_wait3A_506 = arith.constant 0 : i32
        %dma_wait3A_507 = tpu.memref_slice %arg9[%dma_wait3A_505, %dma_wait3A_506] : memref<10240x16xf32, #tpu.memory_space<vmem_shared>> -> memref<10240x16xf32, #tpu.memory_space<vmem_shared>>
        tpu.wait_indirect_dma semaphore(%arg22 : memref<!tpu.dma_semaphore, #tpu.memory_space<semaphore_mem>>) src(%dma_wait3A_501 : memref<125x16xf32, #tpu.memory_space<vmem>>) dst(%dma_wait3A_507 : memref<10240x16xf32, #tpu.memory_space<vmem_shared>>)
      } else {
      }
      %add3A_417 = arith.constant 5 : i32
      %add3A_418 = arith.addi %add3A_389, %add3A_417 : i32
      %lt3A_419 = arith.constant 80 : i32
      %lt3A_420 = arith.cmpi slt, %add3A_418, %lt3A_419 : i32
      %convert_element_type3A_421 = arith.extui %lt3A_420 : i1 to i32
      %cond3A_422 = arith.constant 0 : i32
      %cond3A_423 = arith.cmpi ne, %convert_element_type3A_421, %cond3A_422 : i32
      scf.if %cond3A_423 {
        %add3A_496 = arith.constant 5 : i32
        %add3A_497 = arith.addi %add3A_389, %add3A_496 : i32
        %dma_start3A_498 = arith.constant 2 : i32
        %dma_start3A_499 = arith.constant 0 : i32
        %dma_start3A_500 = arith.constant 0 : i32
        %dma_start3A_501 = tpu.memref_slice %arg7[%dma_start3A_498, %dma_start3A_499, %dma_start3A_500] : memref<10x125x16xf32, #tpu.memory_space<vmem>> -> memref<1x125x16xf32, #tpu.memory_space<vmem>>
        %dma_start3A_502 = tpu.memref_squeeze %dma_start3A_501 : memref<1x125x16xf32, #tpu.memory_space<vmem>> -> memref<125x16xf32, #tpu.memory_space<vmem>>
        %dma_start3A_503 = arith.constant 0 : i32
        %dma_start3A_504 = tpu.memref_slice %arg5[%add3A_497, %dma_start3A_503] : memref<80x125xi32, #tpu.memory_space<vmem>> -> memref<1x125xi32, #tpu.memory_space<vmem>>
        %dma_start3A_505 = tpu.memref_squeeze %dma_start3A_504 : memref<1x125xi32, #tpu.memory_space<vmem>> -> memref<125xi32, #tpu.memory_space<vmem>>
        %dma_start3A_506 = arith.constant 0 : i32
        %dma_start3A_507 = arith.constant 0 : i32
        %dma_start3A_508 = tpu.memref_slice %arg3[%dma_start3A_506, %dma_start3A_507] : memref<10240x16xf32, #tpu.memory_space<hbm>> -> memref<10240x16xf32, #tpu.memory_space<hbm>>
        tpu.enqueue_indirect_dma source(%dma_start3A_508 : memref<10240x16xf32, #tpu.memory_space<hbm>>) target(%dma_start3A_502 : memref<125x16xf32, #tpu.memory_space<vmem>>) offsets(%dma_start3A_505 : memref<125xi32, #tpu.memory_space<vmem>>) semaphore(%arg12 : memref<!tpu.dma_semaphore, #tpu.memory_space<semaphore_mem>>)
      } else {
      }
      %add3A_424 = arith.constant 8 : i32
      %add3A_425 = arith.addi %add3A_137, %add3A_424 : i32
      %dma_wait3A_426 = arith.constant 8 : i32
      %dma_wait3A_427 = arith.constant 0 : i32
      %dma_wait3A_428 = arith.constant 0 : i32
      %dma_wait3A_429 = tpu.memref_slice %arg7[%dma_wait3A_426, %dma_wait3A_427, %dma_wait3A_428] : memref<10x125x16xf32, #tpu.memory_space<vmem>> -> memref<1x125x16xf32, #tpu.memory_space<vmem>>
      %dma_wait3A_430 = tpu.memref_squeeze %dma_wait3A_429 : memref<1x125x16xf32, #tpu.memory_space<vmem>> -> memref<125x16xf32, #tpu.memory_space<vmem>>
      %dma_wait3A_431 = arith.constant 0 : i32
      %dma_wait3A_432 = tpu.memref_slice %arg5[%add3A_425, %dma_wait3A_431] : memref<80x125xi32, #tpu.memory_space<vmem>> -> memref<1x125xi32, #tpu.memory_space<vmem>>
      %dma_wait3A_433 = tpu.memref_squeeze %dma_wait3A_432 : memref<1x125xi32, #tpu.memory_space<vmem>> -> memref<125xi32, #tpu.memory_space<vmem>>
      %dma_wait3A_434 = arith.constant 0 : i32
      %dma_wait3A_435 = arith.constant 0 : i32
      %dma_wait3A_436 = tpu.memref_slice %arg3[%dma_wait3A_434, %dma_wait3A_435] : memref<10240x16xf32, #tpu.memory_space<hbm>> -> memref<10240x16xf32, #tpu.memory_space<hbm>>
      tpu.wait_indirect_dma semaphore(%arg18 : memref<!tpu.dma_semaphore, #tpu.memory_space<semaphore_mem>>) src(%dma_wait3A_436 : memref<10240x16xf32, #tpu.memory_space<hbm>>) dst(%dma_wait3A_430 : memref<125x16xf32, #tpu.memory_space<vmem>>)
      %dma_start3A_437 = arith.constant 8 : i32
      %dma_start3A_438 = arith.constant 0 : i32
      %dma_start3A_439 = arith.constant 0 : i32
      %dma_start3A_440 = tpu.memref_slice %arg7[%dma_start3A_437, %dma_start3A_438, %dma_start3A_439] : memref<10x125x16xf32, #tpu.memory_space<vmem>> -> memref<1x125x16xf32, #tpu.memory_space<vmem>>
      %dma_start3A_441 = tpu.memref_squeeze %dma_start3A_440 : memref<1x125x16xf32, #tpu.memory_space<vmem>> -> memref<125x16xf32, #tpu.memory_space<vmem>>
      %dma_start3A_442 = arith.constant 0 : i32
      %dma_start3A_443 = tpu.memref_slice %arg6[%add3A_425, %dma_start3A_442] : memref<80x125xi32, #tpu.memory_space<vmem>> -> memref<1x125xi32, #tpu.memory_space<vmem>>
      %dma_start3A_444 = tpu.memref_squeeze %dma_start3A_443 : memref<1x125xi32, #tpu.memory_space<vmem>> -> memref<125xi32, #tpu.memory_space<vmem>>
      %dma_start3A_445 = arith.constant 0 : i32
      %dma_start3A_446 = arith.constant 0 : i32
      %dma_start3A_447 = tpu.memref_slice %arg9[%dma_start3A_445, %dma_start3A_446] : memref<10240x16xf32, #tpu.memory_space<vmem_shared>> -> memref<10240x16xf32, #tpu.memory_space<vmem_shared>>
      tpu.enqueue_indirect_dma source(%dma_start3A_441 : memref<125x16xf32, #tpu.memory_space<vmem>>) target(%dma_start3A_447 : memref<10240x16xf32, #tpu.memory_space<vmem_shared>>) offsets(%dma_start3A_444 : memref<125xi32, #tpu.memory_space<vmem>>) semaphore(%arg28 : memref<!tpu.dma_semaphore, #tpu.memory_space<semaphore_mem>>) {add = true}
      %ge3A_448 = arith.constant 5 : i32
      %ge3A_449 = arith.cmpi sge, %add3A_425, %ge3A_448 : i32
      %convert_element_type3A_450 = arith.extui %ge3A_449 : i1 to i32
      %cond3A_451 = arith.constant 0 : i32
      %cond3A_452 = arith.cmpi ne, %convert_element_type3A_450, %cond3A_451 : i32
      scf.if %cond3A_452 {
        %sub3A = arith.constant 5 : i32
        %sub3A_496 = arith.subi %add3A_425, %sub3A : i32
        %dma_wait3A_497 = arith.constant 3 : i32
        %dma_wait3A_498 = arith.constant 0 : i32
        %dma_wait3A_499 = arith.constant 0 : i32
        %dma_wait3A_500 = tpu.memref_slice %arg7[%dma_wait3A_497, %dma_wait3A_498, %dma_wait3A_499] : memref<10x125x16xf32, #tpu.memory_space<vmem>> -> memref<1x125x16xf32, #tpu.memory_space<vmem>>
        %dma_wait3A_501 = tpu.memref_squeeze %dma_wait3A_500 : memref<1x125x16xf32, #tpu.memory_space<vmem>> -> memref<125x16xf32, #tpu.memory_space<vmem>>
        %dma_wait3A_502 = arith.constant 0 : i32
        %dma_wait3A_503 = tpu.memref_slice %arg6[%sub3A_496, %dma_wait3A_502] : memref<80x125xi32, #tpu.memory_space<vmem>> -> memref<1x125xi32, #tpu.memory_space<vmem>>
        %dma_wait3A_504 = tpu.memref_squeeze %dma_wait3A_503 : memref<1x125xi32, #tpu.memory_space<vmem>> -> memref<125xi32, #tpu.memory_space<vmem>>
        %dma_wait3A_505 = arith.constant 0 : i32
        %dma_wait3A_506 = arith.constant 0 : i32
        %dma_wait3A_507 = tpu.memref_slice %arg9[%dma_wait3A_505, %dma_wait3A_506] : memref<10240x16xf32, #tpu.memory_space<vmem_shared>> -> memref<10240x16xf32, #tpu.memory_space<vmem_shared>>
        tpu.wait_indirect_dma semaphore(%arg23 : memref<!tpu.dma_semaphore, #tpu.memory_space<semaphore_mem>>) src(%dma_wait3A_501 : memref<125x16xf32, #tpu.memory_space<vmem>>) dst(%dma_wait3A_507 : memref<10240x16xf32, #tpu.memory_space<vmem_shared>>)
      } else {
      }
      %add3A_453 = arith.constant 5 : i32
      %add3A_454 = arith.addi %add3A_425, %add3A_453 : i32
      %lt3A_455 = arith.constant 80 : i32
      %lt3A_456 = arith.cmpi slt, %add3A_454, %lt3A_455 : i32
      %convert_element_type3A_457 = arith.extui %lt3A_456 : i1 to i32
      %cond3A_458 = arith.constant 0 : i32
      %cond3A_459 = arith.cmpi ne, %convert_element_type3A_457, %cond3A_458 : i32
      scf.if %cond3A_459 {
        %add3A_496 = arith.constant 5 : i32
        %add3A_497 = arith.addi %add3A_425, %add3A_496 : i32
        %dma_start3A_498 = arith.constant 3 : i32
        %dma_start3A_499 = arith.constant 0 : i32
        %dma_start3A_500 = arith.constant 0 : i32
        %dma_start3A_501 = tpu.memref_slice %arg7[%dma_start3A_498, %dma_start3A_499, %dma_start3A_500] : memref<10x125x16xf32, #tpu.memory_space<vmem>> -> memref<1x125x16xf32, #tpu.memory_space<vmem>>
        %dma_start3A_502 = tpu.memref_squeeze %dma_start3A_501 : memref<1x125x16xf32, #tpu.memory_space<vmem>> -> memref<125x16xf32, #tpu.memory_space<vmem>>
        %dma_start3A_503 = arith.constant 0 : i32
        %dma_start3A_504 = tpu.memref_slice %arg5[%add3A_497, %dma_start3A_503] : memref<80x125xi32, #tpu.memory_space<vmem>> -> memref<1x125xi32, #tpu.memory_space<vmem>>
        %dma_start3A_505 = tpu.memref_squeeze %dma_start3A_504 : memref<1x125xi32, #tpu.memory_space<vmem>> -> memref<125xi32, #tpu.memory_space<vmem>>
        %dma_start3A_506 = arith.constant 0 : i32
        %dma_start3A_507 = arith.constant 0 : i32
        %dma_start3A_508 = tpu.memref_slice %arg3[%dma_start3A_506, %dma_start3A_507] : memref<10240x16xf32, #tpu.memory_space<hbm>> -> memref<10240x16xf32, #tpu.memory_space<hbm>>
        tpu.enqueue_indirect_dma source(%dma_start3A_508 : memref<10240x16xf32, #tpu.memory_space<hbm>>) target(%dma_start3A_502 : memref<125x16xf32, #tpu.memory_space<vmem>>) offsets(%dma_start3A_505 : memref<125xi32, #tpu.memory_space<vmem>>) semaphore(%arg13 : memref<!tpu.dma_semaphore, #tpu.memory_space<semaphore_mem>>)
      } else {
      }
      %add3A_460 = arith.constant 9 : i32
      %add3A_461 = arith.addi %add3A_137, %add3A_460 : i32
      %dma_wait3A_462 = arith.constant 9 : i32
      %dma_wait3A_463 = arith.constant 0 : i32
      %dma_wait3A_464 = arith.constant 0 : i32
      %dma_wait3A_465 = tpu.memref_slice %arg7[%dma_wait3A_462, %dma_wait3A_463, %dma_wait3A_464] : memref<10x125x16xf32, #tpu.memory_space<vmem>> -> memref<1x125x16xf32, #tpu.memory_space<vmem>>
      %dma_wait3A_466 = tpu.memref_squeeze %dma_wait3A_465 : memref<1x125x16xf32, #tpu.memory_space<vmem>> -> memref<125x16xf32, #tpu.memory_space<vmem>>
      %dma_wait3A_467 = arith.constant 0 : i32
      %dma_wait3A_468 = tpu.memref_slice %arg5[%add3A_461, %dma_wait3A_467] : memref<80x125xi32, #tpu.memory_space<vmem>> -> memref<1x125xi32, #tpu.memory_space<vmem>>
      %dma_wait3A_469 = tpu.memref_squeeze %dma_wait3A_468 : memref<1x125xi32, #tpu.memory_space<vmem>> -> memref<125xi32, #tpu.memory_space<vmem>>
      %dma_wait3A_470 = arith.constant 0 : i32
      %dma_wait3A_471 = arith.constant 0 : i32
      %dma_wait3A_472 = tpu.memref_slice %arg3[%dma_wait3A_470, %dma_wait3A_471] : memref<10240x16xf32, #tpu.memory_space<hbm>> -> memref<10240x16xf32, #tpu.memory_space<hbm>>
      tpu.wait_indirect_dma semaphore(%arg19 : memref<!tpu.dma_semaphore, #tpu.memory_space<semaphore_mem>>) src(%dma_wait3A_472 : memref<10240x16xf32, #tpu.memory_space<hbm>>) dst(%dma_wait3A_466 : memref<125x16xf32, #tpu.memory_space<vmem>>)
      %dma_start3A_473 = arith.constant 9 : i32
      %dma_start3A_474 = arith.constant 0 : i32
      %dma_start3A_475 = arith.constant 0 : i32
      %dma_start3A_476 = tpu.memref_slice %arg7[%dma_start3A_473, %dma_start3A_474, %dma_start3A_475] : memref<10x125x16xf32, #tpu.memory_space<vmem>> -> memref<1x125x16xf32, #tpu.memory_space<vmem>>
      %dma_start3A_477 = tpu.memref_squeeze %dma_start3A_476 : memref<1x125x16xf32, #tpu.memory_space<vmem>> -> memref<125x16xf32, #tpu.memory_space<vmem>>
      %dma_start3A_478 = arith.constant 0 : i32
      %dma_start3A_479 = tpu.memref_slice %arg6[%add3A_461, %dma_start3A_478] : memref<80x125xi32, #tpu.memory_space<vmem>> -> memref<1x125xi32, #tpu.memory_space<vmem>>
      %dma_start3A_480 = tpu.memref_squeeze %dma_start3A_479 : memref<1x125xi32, #tpu.memory_space<vmem>> -> memref<125xi32, #tpu.memory_space<vmem>>
      %dma_start3A_481 = arith.constant 0 : i32
      %dma_start3A_482 = arith.constant 0 : i32
      %dma_start3A_483 = tpu.memref_slice %arg9[%dma_start3A_481, %dma_start3A_482] : memref<10240x16xf32, #tpu.memory_space<vmem_shared>> -> memref<10240x16xf32, #tpu.memory_space<vmem_shared>>
      tpu.enqueue_indirect_dma source(%dma_start3A_477 : memref<125x16xf32, #tpu.memory_space<vmem>>) target(%dma_start3A_483 : memref<10240x16xf32, #tpu.memory_space<vmem_shared>>) offsets(%dma_start3A_480 : memref<125xi32, #tpu.memory_space<vmem>>) semaphore(%arg29 : memref<!tpu.dma_semaphore, #tpu.memory_space<semaphore_mem>>) {add = true}
      %ge3A_484 = arith.constant 5 : i32
      %ge3A_485 = arith.cmpi sge, %add3A_461, %ge3A_484 : i32
      %convert_element_type3A_486 = arith.extui %ge3A_485 : i1 to i32
      %cond3A_487 = arith.constant 0 : i32
      %cond3A_488 = arith.cmpi ne, %convert_element_type3A_486, %cond3A_487 : i32
      scf.if %cond3A_488 {
        %sub3A = arith.constant 5 : i32
        %sub3A_496 = arith.subi %add3A_461, %sub3A : i32
        %dma_wait3A_497 = arith.constant 4 : i32
        %dma_wait3A_498 = arith.constant 0 : i32
        %dma_wait3A_499 = arith.constant 0 : i32
        %dma_wait3A_500 = tpu.memref_slice %arg7[%dma_wait3A_497, %dma_wait3A_498, %dma_wait3A_499] : memref<10x125x16xf32, #tpu.memory_space<vmem>> -> memref<1x125x16xf32, #tpu.memory_space<vmem>>
        %dma_wait3A_501 = tpu.memref_squeeze %dma_wait3A_500 : memref<1x125x16xf32, #tpu.memory_space<vmem>> -> memref<125x16xf32, #tpu.memory_space<vmem>>
        %dma_wait3A_502 = arith.constant 0 : i32
        %dma_wait3A_503 = tpu.memref_slice %arg6[%sub3A_496, %dma_wait3A_502] : memref<80x125xi32, #tpu.memory_space<vmem>> -> memref<1x125xi32, #tpu.memory_space<vmem>>
        %dma_wait3A_504 = tpu.memref_squeeze %dma_wait3A_503 : memref<1x125xi32, #tpu.memory_space<vmem>> -> memref<125xi32, #tpu.memory_space<vmem>>
        %dma_wait3A_505 = arith.constant 0 : i32
        %dma_wait3A_506 = arith.constant 0 : i32
        %dma_wait3A_507 = tpu.memref_slice %arg9[%dma_wait3A_505, %dma_wait3A_506] : memref<10240x16xf32, #tpu.memory_space<vmem_shared>> -> memref<10240x16xf32, #tpu.memory_space<vmem_shared>>
        tpu.wait_indirect_dma semaphore(%arg24 : memref<!tpu.dma_semaphore, #tpu.memory_space<semaphore_mem>>) src(%dma_wait3A_501 : memref<125x16xf32, #tpu.memory_space<vmem>>) dst(%dma_wait3A_507 : memref<10240x16xf32, #tpu.memory_space<vmem_shared>>)
      } else {
      }
      %add3A_489 = arith.constant 5 : i32
      %add3A_490 = arith.addi %add3A_461, %add3A_489 : i32
      %lt3A_491 = arith.constant 80 : i32
      %lt3A_492 = arith.cmpi slt, %add3A_490, %lt3A_491 : i32
      %convert_element_type3A_493 = arith.extui %lt3A_492 : i1 to i32
      %cond3A_494 = arith.constant 0 : i32
      %cond3A_495 = arith.cmpi ne, %convert_element_type3A_493, %cond3A_494 : i32
      scf.if %cond3A_495 {
        %add3A_496 = arith.constant 5 : i32
        %add3A_497 = arith.addi %add3A_461, %add3A_496 : i32
        %dma_start3A_498 = arith.constant 4 : i32
        %dma_start3A_499 = arith.constant 0 : i32
        %dma_start3A_500 = arith.constant 0 : i32
        %dma_start3A_501 = tpu.memref_slice %arg7[%dma_start3A_498, %dma_start3A_499, %dma_start3A_500] : memref<10x125x16xf32, #tpu.memory_space<vmem>> -> memref<1x125x16xf32, #tpu.memory_space<vmem>>
        %dma_start3A_502 = tpu.memref_squeeze %dma_start3A_501 : memref<1x125x16xf32, #tpu.memory_space<vmem>> -> memref<125x16xf32, #tpu.memory_space<vmem>>
        %dma_start3A_503 = arith.constant 0 : i32
        %dma_start3A_504 = tpu.memref_slice %arg5[%add3A_497, %dma_start3A_503] : memref<80x125xi32, #tpu.memory_space<vmem>> -> memref<1x125xi32, #tpu.memory_space<vmem>>
        %dma_start3A_505 = tpu.memref_squeeze %dma_start3A_504 : memref<1x125xi32, #tpu.memory_space<vmem>> -> memref<125xi32, #tpu.memory_space<vmem>>
        %dma_start3A_506 = arith.constant 0 : i32
        %dma_start3A_507 = arith.constant 0 : i32
        %dma_start3A_508 = tpu.memref_slice %arg3[%dma_start3A_506, %dma_start3A_507] : memref<10240x16xf32, #tpu.memory_space<hbm>> -> memref<10240x16xf32, #tpu.memory_space<hbm>>
        tpu.enqueue_indirect_dma source(%dma_start3A_508 : memref<10240x16xf32, #tpu.memory_space<hbm>>) target(%dma_start3A_502 : memref<125x16xf32, #tpu.memory_space<vmem>>) offsets(%dma_start3A_505 : memref<125xi32, #tpu.memory_space<vmem>>) semaphore(%arg14 : memref<!tpu.dma_semaphore, #tpu.memory_space<semaphore_mem>>)
      } else {
      }
    }
    %scan3A_72 = arith.constant 8 : i32
    %dma_wait3A = arith.constant 5 : i32
    %dma_wait3A_73 = arith.constant 75 : i32
    %dma_wait3A_74 = arith.constant 0 : i32
    %dma_wait3A_75 = arith.constant 0 : i32
    %dma_wait3A_76 = tpu.memref_slice %arg7[%dma_wait3A, %dma_wait3A_74, %dma_wait3A_75] : memref<10x125x16xf32, #tpu.memory_space<vmem>> -> memref<1x125x16xf32, #tpu.memory_space<vmem>>
    %dma_wait3A_77 = tpu.memref_squeeze %dma_wait3A_76 : memref<1x125x16xf32, #tpu.memory_space<vmem>> -> memref<125x16xf32, #tpu.memory_space<vmem>>
    %dma_wait3A_78 = arith.constant 0 : i32
    %dma_wait3A_79 = tpu.memref_slice %arg6[%dma_wait3A_73, %dma_wait3A_78] : memref<80x125xi32, #tpu.memory_space<vmem>> -> memref<1x125xi32, #tpu.memory_space<vmem>>
    %dma_wait3A_80 = tpu.memref_squeeze %dma_wait3A_79 : memref<1x125xi32, #tpu.memory_space<vmem>> -> memref<125xi32, #tpu.memory_space<vmem>>
    %dma_wait3A_81 = arith.constant 0 : i32
    %dma_wait3A_82 = arith.constant 0 : i32
    %dma_wait3A_83 = tpu.memref_slice %arg9[%dma_wait3A_81, %dma_wait3A_82] : memref<10240x16xf32, #tpu.memory_space<vmem_shared>> -> memref<10240x16xf32, #tpu.memory_space<vmem_shared>>
    tpu.wait_indirect_dma semaphore(%arg25 : memref<!tpu.dma_semaphore, #tpu.memory_space<semaphore_mem>>) src(%dma_wait3A_77 : memref<125x16xf32, #tpu.memory_space<vmem>>) dst(%dma_wait3A_83 : memref<10240x16xf32, #tpu.memory_space<vmem_shared>>)
    %dma_wait3A_84 = arith.constant 6 : i32
    %dma_wait3A_85 = arith.constant 76 : i32
    %dma_wait3A_86 = arith.constant 0 : i32
    %dma_wait3A_87 = arith.constant 0 : i32
    %dma_wait3A_88 = tpu.memref_slice %arg7[%dma_wait3A_84, %dma_wait3A_86, %dma_wait3A_87] : memref<10x125x16xf32, #tpu.memory_space<vmem>> -> memref<1x125x16xf32, #tpu.memory_space<vmem>>
    %dma_wait3A_89 = tpu.memref_squeeze %dma_wait3A_88 : memref<1x125x16xf32, #tpu.memory_space<vmem>> -> memref<125x16xf32, #tpu.memory_space<vmem>>
    %dma_wait3A_90 = arith.constant 0 : i32
    %dma_wait3A_91 = tpu.memref_slice %arg6[%dma_wait3A_85, %dma_wait3A_90] : memref<80x125xi32, #tpu.memory_space<vmem>> -> memref<1x125xi32, #tpu.memory_space<vmem>>
    %dma_wait3A_92 = tpu.memref_squeeze %dma_wait3A_91 : memref<1x125xi32, #tpu.memory_space<vmem>> -> memref<125xi32, #tpu.memory_space<vmem>>
    %dma_wait3A_93 = arith.constant 0 : i32
    %dma_wait3A_94 = arith.constant 0 : i32
    %dma_wait3A_95 = tpu.memref_slice %arg9[%dma_wait3A_93, %dma_wait3A_94] : memref<10240x16xf32, #tpu.memory_space<vmem_shared>> -> memref<10240x16xf32, #tpu.memory_space<vmem_shared>>
    tpu.wait_indirect_dma semaphore(%arg26 : memref<!tpu.dma_semaphore, #tpu.memory_space<semaphore_mem>>) src(%dma_wait3A_89 : memref<125x16xf32, #tpu.memory_space<vmem>>) dst(%dma_wait3A_95 : memref<10240x16xf32, #tpu.memory_space<vmem_shared>>)
    %dma_wait3A_96 = arith.constant 7 : i32
    %dma_wait3A_97 = arith.constant 77 : i32
    %dma_wait3A_98 = arith.constant 0 : i32
    %dma_wait3A_99 = arith.constant 0 : i32
    %dma_wait3A_100 = tpu.memref_slice %arg7[%dma_wait3A_96, %dma_wait3A_98, %dma_wait3A_99] : memref<10x125x16xf32, #tpu.memory_space<vmem>> -> memref<1x125x16xf32, #tpu.memory_space<vmem>>
    %dma_wait3A_101 = tpu.memref_squeeze %dma_wait3A_100 : memref<1x125x16xf32, #tpu.memory_space<vmem>> -> memref<125x16xf32, #tpu.memory_space<vmem>>
    %dma_wait3A_102 = arith.constant 0 : i32
    %dma_wait3A_103 = tpu.memref_slice %arg6[%dma_wait3A_97, %dma_wait3A_102] : memref<80x125xi32, #tpu.memory_space<vmem>> -> memref<1x125xi32, #tpu.memory_space<vmem>>
    %dma_wait3A_104 = tpu.memref_squeeze %dma_wait3A_103 : memref<1x125xi32, #tpu.memory_space<vmem>> -> memref<125xi32, #tpu.memory_space<vmem>>
    %dma_wait3A_105 = arith.constant 0 : i32
    %dma_wait3A_106 = arith.constant 0 : i32
    %dma_wait3A_107 = tpu.memref_slice %arg9[%dma_wait3A_105, %dma_wait3A_106] : memref<10240x16xf32, #tpu.memory_space<vmem_shared>> -> memref<10240x16xf32, #tpu.memory_space<vmem_shared>>
    tpu.wait_indirect_dma semaphore(%arg27 : memref<!tpu.dma_semaphore, #tpu.memory_space<semaphore_mem>>) src(%dma_wait3A_101 : memref<125x16xf32, #tpu.memory_space<vmem>>) dst(%dma_wait3A_107 : memref<10240x16xf32, #tpu.memory_space<vmem_shared>>)
    %dma_wait3A_108 = arith.constant 8 : i32
    %dma_wait3A_109 = arith.constant 78 : i32
    %dma_wait3A_110 = arith.constant 0 : i32
    %dma_wait3A_111 = arith.constant 0 : i32
    %dma_wait3A_112 = tpu.memref_slice %arg7[%dma_wait3A_108, %dma_wait3A_110, %dma_wait3A_111] : memref<10x125x16xf32, #tpu.memory_space<vmem>> -> memref<1x125x16xf32, #tpu.memory_space<vmem>>
    %dma_wait3A_113 = tpu.memref_squeeze %dma_wait3A_112 : memref<1x125x16xf32, #tpu.memory_space<vmem>> -> memref<125x16xf32, #tpu.memory_space<vmem>>
    %dma_wait3A_114 = arith.constant 0 : i32
    %dma_wait3A_115 = tpu.memref_slice %arg6[%dma_wait3A_109, %dma_wait3A_114] : memref<80x125xi32, #tpu.memory_space<vmem>> -> memref<1x125xi32, #tpu.memory_space<vmem>>
    %dma_wait3A_116 = tpu.memref_squeeze %dma_wait3A_115 : memref<1x125xi32, #tpu.memory_space<vmem>> -> memref<125xi32, #tpu.memory_space<vmem>>
    %dma_wait3A_117 = arith.constant 0 : i32
    %dma_wait3A_118 = arith.constant 0 : i32
    %dma_wait3A_119 = tpu.memref_slice %arg9[%dma_wait3A_117, %dma_wait3A_118] : memref<10240x16xf32, #tpu.memory_space<vmem_shared>> -> memref<10240x16xf32, #tpu.memory_space<vmem_shared>>
    tpu.wait_indirect_dma semaphore(%arg28 : memref<!tpu.dma_semaphore, #tpu.memory_space<semaphore_mem>>) src(%dma_wait3A_113 : memref<125x16xf32, #tpu.memory_space<vmem>>) dst(%dma_wait3A_119 : memref<10240x16xf32, #tpu.memory_space<vmem_shared>>)
    %dma_wait3A_120 = arith.constant 9 : i32
    %dma_wait3A_121 = arith.constant 79 : i32
    %dma_wait3A_122 = arith.constant 0 : i32
    %dma_wait3A_123 = arith.constant 0 : i32
    %dma_wait3A_124 = tpu.memref_slice %arg7[%dma_wait3A_120, %dma_wait3A_122, %dma_wait3A_123] : memref<10x125x16xf32, #tpu.memory_space<vmem>> -> memref<1x125x16xf32, #tpu.memory_space<vmem>>
    %dma_wait3A_125 = tpu.memref_squeeze %dma_wait3A_124 : memref<1x125x16xf32, #tpu.memory_space<vmem>> -> memref<125x16xf32, #tpu.memory_space<vmem>>
    %dma_wait3A_126 = arith.constant 0 : i32
    %dma_wait3A_127 = tpu.memref_slice %arg6[%dma_wait3A_121, %dma_wait3A_126] : memref<80x125xi32, #tpu.memory_space<vmem>> -> memref<1x125xi32, #tpu.memory_space<vmem>>
    %dma_wait3A_128 = tpu.memref_squeeze %dma_wait3A_127 : memref<1x125xi32, #tpu.memory_space<vmem>> -> memref<125xi32, #tpu.memory_space<vmem>>
    %dma_wait3A_129 = arith.constant 0 : i32
    %dma_wait3A_130 = arith.constant 0 : i32
    %dma_wait3A_131 = tpu.memref_slice %arg9[%dma_wait3A_129, %dma_wait3A_130] : memref<10240x16xf32, #tpu.memory_space<vmem_shared>> -> memref<10240x16xf32, #tpu.memory_space<vmem_shared>>
    tpu.wait_indirect_dma semaphore(%arg29 : memref<!tpu.dma_semaphore, #tpu.memory_space<semaphore_mem>>) src(%dma_wait3A_125 : memref<125x16xf32, #tpu.memory_space<vmem>>) dst(%dma_wait3A_131 : memref<10240x16xf32, #tpu.memory_space<vmem_shared>>)
    %barrier3A_132 = arith.constant 0 : index
    tpu.barrier barrier_id(%barrier3A_132)
    "tpu.region"() ({
      %run_scoped3A_133 = tpu.sem_alloc : memref<!tpu.dma_semaphore, #tpu.memory_space<semaphore_mem>>
      %dma_start3A_134 = arith.constant 0 : i32
      %dma_start3A_135 = tpu.memref_slice %arg4[%arg0, %mul3A_2, %dma_start3A_134] : memref<2x10240x16xf32, #tpu.memory_space<hbm>> -> memref<1x640x16xf32, #tpu.memory_space<hbm>>
      %dma_start3A_136 = tpu.memref_squeeze %dma_start3A_135 : memref<1x640x16xf32, #tpu.memory_space<hbm>> -> memref<640x16xf32, #tpu.memory_space<hbm>>
      %dma_start3A_137 = arith.constant 0 : i32
      %dma_start3A_138 = tpu.memref_slice %arg9[%mul3A_2, %dma_start3A_137] : memref<10240x16xf32, #tpu.memory_space<vmem_shared>> -> memref<640x16xf32, #tpu.memory_space<vmem_shared>>
      tpu.enqueue_dma source(%dma_start3A_138 : memref<640x16xf32, #tpu.memory_space<vmem_shared>>) target(%dma_start3A_136 : memref<640x16xf32, #tpu.memory_space<hbm>>) target_semaphore(%run_scoped3A_133 : memref<!tpu.dma_semaphore, #tpu.memory_space<semaphore_mem>>)
      %dma_wait3A_139 = arith.constant 0 : i32
      %dma_wait3A_140 = tpu.memref_slice %arg4[%arg0, %mul3A_2, %dma_wait3A_139] : memref<2x10240x16xf32, #tpu.memory_space<hbm>> -> memref<1x640x16xf32, #tpu.memory_space<hbm>>
      %dma_wait3A_141 = tpu.memref_squeeze %dma_wait3A_140 : memref<1x640x16xf32, #tpu.memory_space<hbm>> -> memref<640x16xf32, #tpu.memory_space<hbm>>
      %dma_wait3A_142 = arith.constant 0 : i32
      %dma_wait3A_143 = tpu.memref_slice %arg9[%mul3A_2, %dma_wait3A_142] : memref<10240x16xf32, #tpu.memory_space<vmem_shared>> -> memref<640x16xf32, #tpu.memory_space<vmem_shared>>
      tpu.wait_dma2 semaphore(%run_scoped3A_133 : memref<!tpu.dma_semaphore, #tpu.memory_space<semaphore_mem>>) src(%dma_wait3A_143 : memref<640x16xf32, #tpu.memory_space<vmem_shared>>) dst(%dma_wait3A_141 : memref<640x16xf32, #tpu.memory_space<hbm>>)
      tpu.yield
    }) : () -> ()
    return
  }
}

#map = affine_map<(d0, d1) -> (0, 0, 0, 0)>
#map1 = affine_map<(d0, d1) -> (0, 0)>
#map2 = affine_map<(d0, d1) -> (0, 0, 0)>
module attributes {stable_mosaic.version = 14 : i64} {
  func.func @k(%arg0: i32, %arg1: i32, %arg2: memref<2x32x80x125xi32, #tpu.memory_space<hbm>>, %arg3: memref<10240x16xf32, #tpu.memory_space<hbm>>, %arg4: memref<2x10240x16xf32, #tpu.memory_space<hbm>>, %arg5: memref<80x125xi32, #tpu.memory_space<vmem>>, %arg6: memref<80x125xi32, #tpu.memory_space<vmem>>, %arg7: memref<10x125x16xf32, #tpu.memory_space<vmem>>, %arg8: memref<64x16xf32, #tpu.memory_space<vmem>>, %arg9: memref<10240x16xf32, #tpu.memory_space<vmem_shared>>, %arg10: memref<!tpu.dma_semaphore, #tpu.memory_space<semaphore_mem>>, %arg11: memref<!tpu.dma_semaphore, #tpu.memory_space<semaphore_mem>>, %arg12: memref<!tpu.dma_semaphore, #tpu.memory_space<semaphore_mem>>, %arg13: memref<!tpu.dma_semaphore, #tpu.memory_space<semaphore_mem>>, %arg14: memref<!tpu.dma_semaphore, #tpu.memory_space<semaphore_mem>>, %arg15: memref<!tpu.dma_semaphore, #tpu.memory_space<semaphore_mem>>, %arg16: memref<!tpu.dma_semaphore, #tpu.memory_space<semaphore_mem>>, %arg17: memref<!tpu.dma_semaphore, #tpu.memory_space<semaphore_mem>>, %arg18: memref<!tpu.dma_semaphore, #tpu.memory_space<semaphore_mem>>, %arg19: memref<!tpu.dma_semaphore, #tpu.memory_space<semaphore_mem>>, %arg20: memref<!tpu.dma_semaphore, #tpu.memory_space<semaphore_mem>>, %arg21: memref<!tpu.dma_semaphore, #tpu.memory_space<semaphore_mem>>, %arg22: memref<!tpu.dma_semaphore, #tpu.memory_space<semaphore_mem>>, %arg23: memref<!tpu.dma_semaphore, #tpu.memory_space<semaphore_mem>>, %arg24: memref<!tpu.dma_semaphore, #tpu.memory_space<semaphore_mem>>, %arg25: memref<!tpu.dma_semaphore, #tpu.memory_space<semaphore_mem>>, %arg26: memref<!tpu.dma_semaphore, #tpu.memory_space<semaphore_mem>>, %arg27: memref<!tpu.dma_semaphore, #tpu.memory_space<semaphore_mem>>, %arg28: memref<!tpu.dma_semaphore, #tpu.memory_space<semaphore_mem>>, %arg29: memref<!tpu.dma_semaphore, #tpu.memory_space<semaphore_mem>>) attributes {dimension_semantics = [#tpu.dimension_semantics<core_parallel>, #tpu.dimension_semantics<subcore_parallel>], iteration_bounds = array<i64: 2, 16>, scalar_prefetch = 0 : i64, scratch_operands = 25 : i64, tpu.core_type = #tpu.core_type<sc_vector_subcore>, window_params = [{transform_indices = #map}, {transform_indices = #map1}, {transform_indices = #map2}]} {
    %mul3A = arith.constant 2 : i32
    %mul3A_0 = arith.muli %arg1, %mul3A : i32
    %add3A = arith.addi %mul3A_0, %arg0 : i32
    %mul3A_1 = arith.constant 640 : i32
    %mul3A_2 = arith.muli %arg1, %mul3A_1 : i32
    %run_scoped3A = arith.constant 0 : i32
    "tpu.region"() ({
      %run_scoped3A_133 = tpu.sem_alloc : memref<!tpu.dma_semaphore, #tpu.memory_space<semaphore_mem>>
      %dma_start3A_134 = arith.constant 0 : i32
      %dma_start3A_135 = arith.constant 0 : i32
      %dma_start3A_136 = tpu.memref_slice %arg2[%run_scoped3A, %add3A, %dma_start3A_134, %dma_start3A_135] : memref<2x32x80x125xi32, #tpu.memory_space<hbm>> -> memref<1x1x80x125xi32, #tpu.memory_space<hbm>>
      %dma_start3A_137 = tpu.memref_squeeze %dma_start3A_136 : memref<1x1x80x125xi32, #tpu.memory_space<hbm>> -> memref<80x125xi32, #tpu.memory_space<hbm>>
      %dma_start3A_138 = arith.constant 0 : i32
      %dma_start3A_139 = arith.constant 0 : i32
      %dma_start3A_140 = tpu.memref_slice %arg2[%run_scoped3A, %add3A, %dma_start3A_138, %dma_start3A_139] : memref<2x32x80x125xi32, #tpu.memory_space<hbm>> -> memref<1x1x80x125xi32, #tpu.memory_space<hbm>>
      %dma_start3A_141 = tpu.memref_squeeze %dma_start3A_140 : memref<1x1x80x125xi32, #tpu.memory_space<hbm>> -> memref<80x125xi32, #tpu.memory_space<hbm>>
      tpu.enqueue_dma source(%dma_start3A_141 : memref<80x125xi32, #tpu.memory_space<hbm>>) target(%arg5 : memref<80x125xi32, #tpu.memory_space<vmem>>) target_semaphore(%run_scoped3A_133 : memref<!tpu.dma_semaphore, #tpu.memory_space<semaphore_mem>>)
      %dma_wait3A_142 = arith.constant 0 : i32
      %dma_wait3A_143 = arith.constant 0 : i32
      %dma_wait3A_144 = tpu.memref_slice %arg2[%run_scoped3A, %add3A, %dma_wait3A_142, %dma_wait3A_143] : memref<2x32x80x125xi32, #tpu.memory_space<hbm>> -> memref<1x1x80x125xi32, #tpu.memory_space<hbm>>
      %dma_wait3A_145 = tpu.memref_squeeze %dma_wait3A_144 : memref<1x1x80x125xi32, #tpu.memory_space<hbm>> -> memref<80x125xi32, #tpu.memory_space<hbm>>
      %dma_wait3A_146 = arith.constant 0 : i32
      %dma_wait3A_147 = arith.constant 0 : i32
      %dma_wait3A_148 = tpu.memref_slice %arg2[%run_scoped3A, %add3A, %dma_wait3A_146, %dma_wait3A_147] : memref<2x32x80x125xi32, #tpu.memory_space<hbm>> -> memref<1x1x80x125xi32, #tpu.memory_space<hbm>>
      %dma_wait3A_149 = tpu.memref_squeeze %dma_wait3A_148 : memref<1x1x80x125xi32, #tpu.memory_space<hbm>> -> memref<80x125xi32, #tpu.memory_space<hbm>>
      tpu.wait_dma2 semaphore(%run_scoped3A_133 : memref<!tpu.dma_semaphore, #tpu.memory_space<semaphore_mem>>) src(%dma_wait3A_149 : memref<80x125xi32, #tpu.memory_space<hbm>>) dst(%arg5 : memref<80x125xi32, #tpu.memory_space<vmem>>)
      tpu.yield
    }) : () -> ()
    %run_scoped3A_3 = arith.constant 1 : i32
    "tpu.region"() ({
      %run_scoped3A_133 = tpu.sem_alloc : memref<!tpu.dma_semaphore, #tpu.memory_space<semaphore_mem>>
      %dma_start3A_134 = arith.constant 0 : i32
      %dma_start3A_135 = arith.constant 0 : i32
      %dma_start3A_136 = tpu.memref_slice %arg2[%run_scoped3A_3, %add3A, %dma_start3A_134, %dma_start3A_135] : memref<2x32x80x125xi32, #tpu.memory_space<hbm>> -> memref<1x1x80x125xi32, #tpu.memory_space<hbm>>
      %dma_start3A_137 = tpu.memref_squeeze %dma_start3A_136 : memref<1x1x80x125xi32, #tpu.memory_space<hbm>> -> memref<80x125xi32, #tpu.memory_space<hbm>>
      %dma_start3A_138 = arith.constant 0 : i32
      %dma_start3A_139 = arith.constant 0 : i32
      %dma_start3A_140 = tpu.memref_slice %arg2[%run_scoped3A_3, %add3A, %dma_start3A_138, %dma_start3A_139] : memref<2x32x80x125xi32, #tpu.memory_space<hbm>> -> memref<1x1x80x125xi32, #tpu.memory_space<hbm>>
      %dma_start3A_141 = tpu.memref_squeeze %dma_start3A_140 : memref<1x1x80x125xi32, #tpu.memory_space<hbm>> -> memref<80x125xi32, #tpu.memory_space<hbm>>
      tpu.enqueue_dma source(%dma_start3A_141 : memref<80x125xi32, #tpu.memory_space<hbm>>) target(%arg6 : memref<80x125xi32, #tpu.memory_space<vmem>>) target_semaphore(%run_scoped3A_133 : memref<!tpu.dma_semaphore, #tpu.memory_space<semaphore_mem>>)
      %dma_wait3A_142 = arith.constant 0 : i32
      %dma_wait3A_143 = arith.constant 0 : i32
      %dma_wait3A_144 = tpu.memref_slice %arg2[%run_scoped3A_3, %add3A, %dma_wait3A_142, %dma_wait3A_143] : memref<2x32x80x125xi32, #tpu.memory_space<hbm>> -> memref<1x1x80x125xi32, #tpu.memory_space<hbm>>
      %dma_wait3A_145 = tpu.memref_squeeze %dma_wait3A_144 : memref<1x1x80x125xi32, #tpu.memory_space<hbm>> -> memref<80x125xi32, #tpu.memory_space<hbm>>
      %dma_wait3A_146 = arith.constant 0 : i32
      %dma_wait3A_147 = arith.constant 0 : i32
      %dma_wait3A_148 = tpu.memref_slice %arg2[%run_scoped3A_3, %add3A, %dma_wait3A_146, %dma_wait3A_147] : memref<2x32x80x125xi32, #tpu.memory_space<hbm>> -> memref<1x1x80x125xi32, #tpu.memory_space<hbm>>
      %dma_wait3A_149 = tpu.memref_squeeze %dma_wait3A_148 : memref<1x1x80x125xi32, #tpu.memory_space<hbm>> -> memref<80x125xi32, #tpu.memory_space<hbm>>
      tpu.wait_dma2 semaphore(%run_scoped3A_133 : memref<!tpu.dma_semaphore, #tpu.memory_space<semaphore_mem>>) src(%dma_wait3A_149 : memref<80x125xi32, #tpu.memory_space<hbm>>) dst(%arg6 : memref<80x125xi32, #tpu.memory_space<vmem>>)
      tpu.yield
    }) : () -> ()
    %eq3A = arith.constant 0 : i32
    %eq3A_4 = arith.cmpi eq, %arg0, %eq3A : i32
    %convert_element_type3A = arith.extui %eq3A_4 : i1 to i32
    %cond3A = arith.constant 0 : i32
    %cond3A_5 = arith.cmpi ne, %convert_element_type3A, %cond3A : i32
    scf.if %cond3A_5 {
      "tpu.region"() ({
        %run_scoped3A_133 = tpu.sem_alloc : memref<!tpu.dma_semaphore, #tpu.memory_space<semaphore_mem>>
        %dma_start3A_134 = arith.constant 0 : i32
        %dma_start3A_135 = tpu.memref_slice %arg9[%mul3A_2, %dma_start3A_134] : memref<10240x16xf32, #tpu.memory_space<vmem_shared>> -> memref<640x16xf32, #tpu.memory_space<vmem_shared>>
        %dma_start3A_136 = arith.constant 0 : i32
        %dma_start3A_137 = tpu.memref_slice %arg3[%mul3A_2, %dma_start3A_136] : memref<10240x16xf32, #tpu.memory_space<hbm>> -> memref<640x16xf32, #tpu.memory_space<hbm>>
        tpu.enqueue_dma source(%dma_start3A_137 : memref<640x16xf32, #tpu.memory_space<hbm>>) target(%dma_start3A_135 : memref<640x16xf32, #tpu.memory_space<vmem_shared>>) target_semaphore(%run_scoped3A_133 : memref<!tpu.dma_semaphore, #tpu.memory_space<semaphore_mem>>)
        %dma_wait3A_138 = arith.constant 0 : i32
        %dma_wait3A_139 = tpu.memref_slice %arg9[%mul3A_2, %dma_wait3A_138] : memref<10240x16xf32, #tpu.memory_space<vmem_shared>> -> memref<640x16xf32, #tpu.memory_space<vmem_shared>>
        %dma_wait3A_140 = arith.constant 0 : i32
        %dma_wait3A_141 = tpu.memref_slice %arg3[%mul3A_2, %dma_wait3A_140] : memref<10240x16xf32, #tpu.memory_space<hbm>> -> memref<640x16xf32, #tpu.memory_space<hbm>>
        tpu.wait_dma2 semaphore(%run_scoped3A_133 : memref<!tpu.dma_semaphore, #tpu.memory_space<semaphore_mem>>) src(%dma_wait3A_141 : memref<640x16xf32, #tpu.memory_space<hbm>>) dst(%dma_wait3A_139 : memref<640x16xf32, #tpu.memory_space<vmem_shared>>)
        tpu.yield
      }) : () -> ()
    } else {
    }
    %ne3A = arith.constant 0 : i32
    %ne3A_6 = arith.cmpi ne, %arg0, %ne3A : i32
    %convert_element_type3A_7 = arith.extui %ne3A_6 : i1 to i32
    %cond3A_8 = arith.constant 0 : i32
    %cond3A_9 = arith.cmpi ne, %convert_element_type3A_7, %cond3A_8 : i32
    scf.if %cond3A_9 {
      %broadcast_in_dim3A = arith.constant 0.000000e+00 : f32
      %broadcast_in_dim3A_133 = vector.broadcast %broadcast_in_dim3A : f32 to vector<16xf32>
      %scan3A_134 = arith.constant 0 : i32
      %scan3A_135 = arith.constant 64 : i32
      %scan3A_136 = arith.addi %scan3A_134, %scan3A_135 : i32
      %scan3A_137 = arith.constant 1 : i32
      scf.for %scan3A_144 = %scan3A_134 to %scan3A_136 step %scan3A_137  : i32 {
        %mul3A_145 = arith.constant 1 : i32
        %mul3A_146 = arith.muli %scan3A_144, %mul3A_145 : i32
        %add3A_147 = arith.constant 0 : i32
        %add3A_148 = arith.addi %add3A_147, %mul3A_146 : i32
        %swap3A = arith.index_cast %add3A_148 : i32 to index
        %swap3A_149 = arith.constant 0 : index
        %swap3A_150 = tpu.vector_load %arg8[%swap3A, %swap3A_149] {strides = array<i32>} : memref<64x16xf32, #tpu.memory_space<vmem>>, vector<1x16xf32>,
        %swap3A_151 = vector.shape_cast %swap3A_150 : vector<1x16xf32> to vector<16xf32>
        %swap3A_152 = vector.shape_cast %broadcast_in_dim3A_133 : vector<16xf32> to vector<1x16xf32>
        tpu.vector_store %arg8[%swap3A, %swap3A_149], %swap3A_152 {strides = array<i32>} : memref<64x16xf32, #tpu.memory_space<vmem>>, vector<1x16xf32>,
      }
      %scan3A_138 = arith.constant 64 : i32
      %scan3A_139 = arith.constant 0 : i32
      %scan3A_140 = arith.constant 10 : i32
      %scan3A_141 = arith.addi %scan3A_139, %scan3A_140 : i32
      %scan3A_142 = arith.constant 1 : i32
      scf.for %scan3A_144 = %scan3A_139 to %scan3A_141 step %scan3A_142  : i32 {
        %mul3A_145 = arith.constant 1 : i32
        %mul3A_146 = arith.muli %scan3A_144, %mul3A_145 : i32
        %add3A_147 = arith.constant 0 : i32
        %add3A_148 = arith.addi %add3A_147, %mul3A_146 : i32
        %mul3A_149 = arith.constant 64 : i32
        %mul3A_150 = arith.muli %add3A_148, %mul3A_149 : i32
        %add3A_151 = arith.addi %mul3A_2, %mul3A_150 : i32
        "tpu.region"() ({
          %run_scoped3A_152 = tpu.sem_alloc : memref<!tpu.dma_semaphore, #tpu.memory_space<semaphore_mem>>
          %dma_start3A_153 = arith.constant 0 : i32
          %dma_start3A_154 = tpu.memref_slice %arg9[%add3A_151, %dma_start3A_153] : memref<10240x16xf32, #tpu.memory_space<vmem_shared>> -> memref<64x16xf32, #tpu.memory_space<vmem_shared>>
          %dma_start3A_155 = arith.constant 0 : i32
          %dma_start3A_156 = tpu.memref_slice %arg9[%add3A_151, %dma_start3A_155] : memref<10240x16xf32, #tpu.memory_space<vmem_shared>> -> memref<64x16xf32, #tpu.memory_space<vmem_shared>>
          tpu.enqueue_dma source(%arg8 : memref<64x16xf32, #tpu.memory_space<vmem>>) target(%dma_start3A_156 : memref<64x16xf32, #tpu.memory_space<vmem_shared>>) target_semaphore(%run_scoped3A_152 : memref<!tpu.dma_semaphore, #tpu.memory_space<semaphore_mem>>)
          %dma_wait3A_157 = arith.constant 0 : i32
          %dma_wait3A_158 = tpu.memref_slice %arg9[%add3A_151, %dma_wait3A_157] : memref<10240x16xf32, #tpu.memory_space<vmem_shared>> -> memref<64x16xf32, #tpu.memory_space<vmem_shared>>
          %dma_wait3A_159 = arith.constant 0 : i32
          %dma_wait3A_160 = tpu.memref_slice %arg9[%add3A_151, %dma_wait3A_159] : memref<10240x16xf32, #tpu.memory_space<vmem_shared>> -> memref<64x16xf32, #tpu.memory_space<vmem_shared>>
          tpu.wait_dma2 semaphore(%run_scoped3A_152 : memref<!tpu.dma_semaphore, #tpu.memory_space<semaphore_mem>>) src(%arg8 : memref<64x16xf32, #tpu.memory_space<vmem>>) dst(%dma_wait3A_160 : memref<64x16xf32, #tpu.memory_space<vmem_shared>>)
          tpu.yield
        }) : () -> ()
      }
      %scan3A_143 = arith.constant 10 : i32
    } else {
    }
    %barrier3A = arith.constant 0 : index
    tpu.barrier barrier_id(%barrier3A)
    %dma_start3A = arith.constant 0 : i32
    %dma_start3A_10 = arith.constant 0 : i32
    %dma_start3A_11 = arith.constant 0 : i32
    %dma_start3A_12 = arith.constant 0 : i32
    %dma_start3A_13 = tpu.memref_slice %arg7[%dma_start3A_10, %dma_start3A_11, %dma_start3A_12] : memref<10x125x16xf32, #tpu.memory_space<vmem>> -> memref<1x125x16xf32, #tpu.memory_space<vmem>>
    %dma_start3A_14 = tpu.memref_squeeze %dma_start3A_13 : memref<1x125x16xf32, #tpu.memory_space<vmem>> -> memref<125x16xf32, #tpu.memory_space<vmem>>
    %dma_start3A_15 = arith.constant 0 : i32
    %dma_start3A_16 = tpu.memref_slice %arg5[%dma_start3A, %dma_start3A_15] : memref<80x125xi32, #tpu.memory_space<vmem>> -> memref<1x125xi32, #tpu.memory_space<vmem>>
    %dma_start3A_17 = tpu.memref_squeeze %dma_start3A_16 : memref<1x125xi32, #tpu.memory_space<vmem>> -> memref<125xi32, #tpu.memory_space<vmem>>
    %dma_start3A_18 = arith.constant 0 : i32
    %dma_start3A_19 = arith.constant 0 : i32
    %dma_start3A_20 = tpu.memref_slice %arg3[%dma_start3A_18, %dma_start3A_19] : memref<10240x16xf32, #tpu.memory_space<hbm>> -> memref<10240x16xf32, #tpu.memory_space<hbm>>
    tpu.enqueue_indirect_dma source(%dma_start3A_20 : memref<10240x16xf32, #tpu.memory_space<hbm>>) target(%dma_start3A_14 : memref<125x16xf32, #tpu.memory_space<vmem>>) offsets(%dma_start3A_17 : memref<125xi32, #tpu.memory_space<vmem>>) semaphore(%arg10 : memref<!tpu.dma_semaphore, #tpu.memory_space<semaphore_mem>>)
    %dma_start3A_21 = arith.constant 1 : i32
    %dma_start3A_22 = arith.constant 1 : i32
    %dma_start3A_23 = arith.constant 0 : i32
    %dma_start3A_24 = arith.constant 0 : i32
    %dma_start3A_25 = tpu.memref_slice %arg7[%dma_start3A_22, %dma_start3A_23, %dma_start3A_24] : memref<10x125x16xf32, #tpu.memory_space<vmem>> -> memref<1x125x16xf32, #tpu.memory_space<vmem>>
    %dma_start3A_26 = tpu.memref_squeeze %dma_start3A_25 : memref<1x125x16xf32, #tpu.memory_space<vmem>> -> memref<125x16xf32, #tpu.memory_space<vmem>>
    %dma_start3A_27 = arith.constant 0 : i32
    %dma_start3A_28 = tpu.memref_slice %arg5[%dma_start3A_21, %dma_start3A_27] : memref<80x125xi32, #tpu.memory_space<vmem>> -> memref<1x125xi32, #tpu.memory_space<vmem>>
    %dma_start3A_29 = tpu.memref_squeeze %dma_start3A_28 : memref<1x125xi32, #tpu.memory_space<vmem>> -> memref<125xi32, #tpu.memory_space<vmem>>
    %dma_start3A_30 = arith.constant 0 : i32
    %dma_start3A_31 = arith.constant 0 : i32
    %dma_start3A_32 = tpu.memref_slice %arg3[%dma_start3A_30, %dma_start3A_31] : memref<10240x16xf32, #tpu.memory_space<hbm>> -> memref<10240x16xf32, #tpu.memory_space<hbm>>
    tpu.enqueue_indirect_dma source(%dma_start3A_32 : memref<10240x16xf32, #tpu.memory_space<hbm>>) target(%dma_start3A_26 : memref<125x16xf32, #tpu.memory_space<vmem>>) offsets(%dma_start3A_29 : memref<125xi32, #tpu.memory_space<vmem>>) semaphore(%arg11 : memref<!tpu.dma_semaphore, #tpu.memory_space<semaphore_mem>>)
    %dma_start3A_33 = arith.constant 2 : i32
    %dma_start3A_34 = arith.constant 2 : i32
    %dma_start3A_35 = arith.constant 0 : i32
    %dma_start3A_36 = arith.constant 0 : i32
    %dma_start3A_37 = tpu.memref_slice %arg7[%dma_start3A_34, %dma_start3A_35, %dma_start3A_36] : memref<10x125x16xf32, #tpu.memory_space<vmem>> -> memref<1x125x16xf32, #tpu.memory_space<vmem>>
    %dma_start3A_38 = tpu.memref_squeeze %dma_start3A_37 : memref<1x125x16xf32, #tpu.memory_space<vmem>> -> memref<125x16xf32, #tpu.memory_space<vmem>>
    %dma_start3A_39 = arith.constant 0 : i32
    %dma_start3A_40 = tpu.memref_slice %arg5[%dma_start3A_33, %dma_start3A_39] : memref<80x125xi32, #tpu.memory_space<vmem>> -> memref<1x125xi32, #tpu.memory_space<vmem>>
    %dma_start3A_41 = tpu.memref_squeeze %dma_start3A_40 : memref<1x125xi32, #tpu.memory_space<vmem>> -> memref<125xi32, #tpu.memory_space<vmem>>
    %dma_start3A_42 = arith.constant 0 : i32
    %dma_start3A_43 = arith.constant 0 : i32
    %dma_start3A_44 = tpu.memref_slice %arg3[%dma_start3A_42, %dma_start3A_43] : memref<10240x16xf32, #tpu.memory_space<hbm>> -> memref<10240x16xf32, #tpu.memory_space<hbm>>
    tpu.enqueue_indirect_dma source(%dma_start3A_44 : memref<10240x16xf32, #tpu.memory_space<hbm>>) target(%dma_start3A_38 : memref<125x16xf32, #tpu.memory_space<vmem>>) offsets(%dma_start3A_41 : memref<125xi32, #tpu.memory_space<vmem>>) semaphore(%arg12 : memref<!tpu.dma_semaphore, #tpu.memory_space<semaphore_mem>>)
    %dma_start3A_45 = arith.constant 3 : i32
    %dma_start3A_46 = arith.constant 3 : i32
    %dma_start3A_47 = arith.constant 0 : i32
    %dma_start3A_48 = arith.constant 0 : i32
    %dma_start3A_49 = tpu.memref_slice %arg7[%dma_start3A_46, %dma_start3A_47, %dma_start3A_48] : memref<10x125x16xf32, #tpu.memory_space<vmem>> -> memref<1x125x16xf32, #tpu.memory_space<vmem>>
    %dma_start3A_50 = tpu.memref_squeeze %dma_start3A_49 : memref<1x125x16xf32, #tpu.memory_space<vmem>> -> memref<125x16xf32, #tpu.memory_space<vmem>>
    %dma_start3A_51 = arith.constant 0 : i32
    %dma_start3A_52 = tpu.memref_slice %arg5[%dma_start3A_45, %dma_start3A_51] : memref<80x125xi32, #tpu.memory_space<vmem>> -> memref<1x125xi32, #tpu.memory_space<vmem>>
    %dma_start3A_53 = tpu.memref_squeeze %dma_start3A_52 : memref<1x125xi32, #tpu.memory_space<vmem>> -> memref<125xi32, #tpu.memory_space<vmem>>
    %dma_start3A_54 = arith.constant 0 : i32
    %dma_start3A_55 = arith.constant 0 : i32
    %dma_start3A_56 = tpu.memref_slice %arg3[%dma_start3A_54, %dma_start3A_55] : memref<10240x16xf32, #tpu.memory_space<hbm>> -> memref<10240x16xf32, #tpu.memory_space<hbm>>
    tpu.enqueue_indirect_dma source(%dma_start3A_56 : memref<10240x16xf32, #tpu.memory_space<hbm>>) target(%dma_start3A_50 : memref<125x16xf32, #tpu.memory_space<vmem>>) offsets(%dma_start3A_53 : memref<125xi32, #tpu.memory_space<vmem>>) semaphore(%arg13 : memref<!tpu.dma_semaphore, #tpu.memory_space<semaphore_mem>>)
    %dma_start3A_57 = arith.constant 4 : i32
    %dma_start3A_58 = arith.constant 4 : i32
    %dma_start3A_59 = arith.constant 0 : i32
    %dma_start3A_60 = arith.constant 0 : i32
    %dma_start3A_61 = tpu.memref_slice %arg7[%dma_start3A_58, %dma_start3A_59, %dma_start3A_60] : memref<10x125x16xf32, #tpu.memory_space<vmem>> -> memref<1x125x16xf32, #tpu.memory_space<vmem>>
    %dma_start3A_62 = tpu.memref_squeeze %dma_start3A_61 : memref<1x125x16xf32, #tpu.memory_space<vmem>> -> memref<125x16xf32, #tpu.memory_space<vmem>>
    %dma_start3A_63 = arith.constant 0 : i32
    %dma_start3A_64 = tpu.memref_slice %arg5[%dma_start3A_57, %dma_start3A_63] : memref<80x125xi32, #tpu.memory_space<vmem>> -> memref<1x125xi32, #tpu.memory_space<vmem>>
    %dma_start3A_65 = tpu.memref_squeeze %dma_start3A_64 : memref<1x125xi32, #tpu.memory_space<vmem>> -> memref<125xi32, #tpu.memory_space<vmem>>
    %dma_start3A_66 = arith.constant 0 : i32
    %dma_start3A_67 = arith.constant 0 : i32
    %dma_start3A_68 = tpu.memref_slice %arg3[%dma_start3A_66, %dma_start3A_67] : memref<10240x16xf32, #tpu.memory_space<hbm>> -> memref<10240x16xf32, #tpu.memory_space<hbm>>
    tpu.enqueue_indirect_dma source(%dma_start3A_68 : memref<10240x16xf32, #tpu.memory_space<hbm>>) target(%dma_start3A_62 : memref<125x16xf32, #tpu.memory_space<vmem>>) offsets(%dma_start3A_65 : memref<125xi32, #tpu.memory_space<vmem>>) semaphore(%arg14 : memref<!tpu.dma_semaphore, #tpu.memory_space<semaphore_mem>>)
    %scan3A = arith.constant 0 : i32
    %scan3A_69 = arith.constant 8 : i32
    %scan3A_70 = arith.addi %scan3A, %scan3A_69 : i32
    %scan3A_71 = arith.constant 1 : i32
    scf.for %scan3A_133 = %scan3A to %scan3A_70 step %scan3A_71  : i32 {
      %mul3A_134 = arith.constant 10 : i32
      %mul3A_135 = arith.muli %scan3A_133, %mul3A_134 : i32
      %add3A_136 = arith.constant 0 : i32
      %add3A_137 = arith.addi %add3A_136, %mul3A_135 : i32
      %add3A_138 = arith.constant 0 : i32
      %add3A_139 = arith.addi %add3A_137, %add3A_138 : i32
      %dma_wait3A_140 = arith.constant 0 : i32
      %dma_wait3A_141 = arith.constant 0 : i32
      %dma_wait3A_142 = arith.constant 0 : i32
      %dma_wait3A_143 = tpu.memref_slice %arg7[%dma_wait3A_140, %dma_wait3A_141, %dma_wait3A_142] : memref<10x125x16xf32, #tpu.memory_space<vmem>> -> memref<1x125x16xf32, #tpu.memory_space<vmem>>
      %dma_wait3A_144 = tpu.memref_squeeze %dma_wait3A_143 : memref<1x125x16xf32, #tpu.memory_space<vmem>> -> memref<125x16xf32, #tpu.memory_space<vmem>>
      %dma_wait3A_145 = arith.constant 0 : i32
      %dma_wait3A_146 = tpu.memref_slice %arg5[%add3A_139, %dma_wait3A_145] : memref<80x125xi32, #tpu.memory_space<vmem>> -> memref<1x125xi32, #tpu.memory_space<vmem>>
      %dma_wait3A_147 = tpu.memref_squeeze %dma_wait3A_146 : memref<1x125xi32, #tpu.memory_space<vmem>> -> memref<125xi32, #tpu.memory_space<vmem>>
      %dma_wait3A_148 = arith.constant 0 : i32
      %dma_wait3A_149 = arith.constant 0 : i32
      %dma_wait3A_150 = tpu.memref_slice %arg3[%dma_wait3A_148, %dma_wait3A_149] : memref<10240x16xf32, #tpu.memory_space<hbm>> -> memref<10240x16xf32, #tpu.memory_space<hbm>>
      tpu.wait_indirect_dma semaphore(%arg10 : memref<!tpu.dma_semaphore, #tpu.memory_space<semaphore_mem>>) src(%dma_wait3A_150 : memref<10240x16xf32, #tpu.memory_space<hbm>>) dst(%dma_wait3A_144 : memref<125x16xf32, #tpu.memory_space<vmem>>)
      %dma_start3A_151 = arith.constant 0 : i32
      %dma_start3A_152 = arith.constant 0 : i32
      %dma_start3A_153 = arith.constant 0 : i32
      %dma_start3A_154 = tpu.memref_slice %arg7[%dma_start3A_151, %dma_start3A_152, %dma_start3A_153] : memref<10x125x16xf32, #tpu.memory_space<vmem>> -> memref<1x125x16xf32, #tpu.memory_space<vmem>>
      %dma_start3A_155 = tpu.memref_squeeze %dma_start3A_154 : memref<1x125x16xf32, #tpu.memory_space<vmem>> -> memref<125x16xf32, #tpu.memory_space<vmem>>
      %dma_start3A_156 = arith.constant 0 : i32
      %dma_start3A_157 = tpu.memref_slice %arg6[%add3A_139, %dma_start3A_156] : memref<80x125xi32, #tpu.memory_space<vmem>> -> memref<1x125xi32, #tpu.memory_space<vmem>>
      %dma_start3A_158 = tpu.memref_squeeze %dma_start3A_157 : memref<1x125xi32, #tpu.memory_space<vmem>> -> memref<125xi32, #tpu.memory_space<vmem>>
      %dma_start3A_159 = arith.constant 0 : i32
      %dma_start3A_160 = arith.constant 0 : i32
      %dma_start3A_161 = tpu.memref_slice %arg9[%dma_start3A_159, %dma_start3A_160] : memref<10240x16xf32, #tpu.memory_space<vmem_shared>> -> memref<10240x16xf32, #tpu.memory_space<vmem_shared>>
      tpu.enqueue_indirect_dma source(%dma_start3A_155 : memref<125x16xf32, #tpu.memory_space<vmem>>) target(%dma_start3A_161 : memref<10240x16xf32, #tpu.memory_space<vmem_shared>>) offsets(%dma_start3A_158 : memref<125xi32, #tpu.memory_space<vmem>>) semaphore(%arg20 : memref<!tpu.dma_semaphore, #tpu.memory_space<semaphore_mem>>) {add = true}
      %ge3A = arith.constant 5 : i32
      %ge3A_162 = arith.cmpi sge, %add3A_139, %ge3A : i32
      %convert_element_type3A_163 = arith.extui %ge3A_162 : i1 to i32
      %cond3A_164 = arith.constant 0 : i32
      %cond3A_165 = arith.cmpi ne, %convert_element_type3A_163, %cond3A_164 : i32
      scf.if %cond3A_165 {
        %sub3A = arith.constant 5 : i32
        %sub3A_496 = arith.subi %add3A_139, %sub3A : i32
        %dma_wait3A_497 = arith.constant 5 : i32
        %dma_wait3A_498 = arith.constant 0 : i32
        %dma_wait3A_499 = arith.constant 0 : i32
        %dma_wait3A_500 = tpu.memref_slice %arg7[%dma_wait3A_497, %dma_wait3A_498, %dma_wait3A_499] : memref<10x125x16xf32, #tpu.memory_space<vmem>> -> memref<1x125x16xf32, #tpu.memory_space<vmem>>
        %dma_wait3A_501 = tpu.memref_squeeze %dma_wait3A_500 : memref<1x125x16xf32, #tpu.memory_space<vmem>> -> memref<125x16xf32, #tpu.memory_space<vmem>>
        %dma_wait3A_502 = arith.constant 0 : i32
        %dma_wait3A_503 = tpu.memref_slice %arg6[%sub3A_496, %dma_wait3A_502] : memref<80x125xi32, #tpu.memory_space<vmem>> -> memref<1x125xi32, #tpu.memory_space<vmem>>
        %dma_wait3A_504 = tpu.memref_squeeze %dma_wait3A_503 : memref<1x125xi32, #tpu.memory_space<vmem>> -> memref<125xi32, #tpu.memory_space<vmem>>
        %dma_wait3A_505 = arith.constant 0 : i32
        %dma_wait3A_506 = arith.constant 0 : i32
        %dma_wait3A_507 = tpu.memref_slice %arg9[%dma_wait3A_505, %dma_wait3A_506] : memref<10240x16xf32, #tpu.memory_space<vmem_shared>> -> memref<10240x16xf32, #tpu.memory_space<vmem_shared>>
        tpu.wait_indirect_dma semaphore(%arg25 : memref<!tpu.dma_semaphore, #tpu.memory_space<semaphore_mem>>) src(%dma_wait3A_501 : memref<125x16xf32, #tpu.memory_space<vmem>>) dst(%dma_wait3A_507 : memref<10240x16xf32, #tpu.memory_space<vmem_shared>>)
      } else {
      }
      %add3A_166 = arith.constant 5 : i32
      %add3A_167 = arith.addi %add3A_139, %add3A_166 : i32
      %lt3A = arith.constant 80 : i32
      %lt3A_168 = arith.cmpi slt, %add3A_167, %lt3A : i32
      %convert_element_type3A_169 = arith.extui %lt3A_168 : i1 to i32
      %cond3A_170 = arith.constant 0 : i32
      %cond3A_171 = arith.cmpi ne, %convert_element_type3A_169, %cond3A_170 : i32
      scf.if %cond3A_171 {
        %add3A_496 = arith.constant 5 : i32
        %add3A_497 = arith.addi %add3A_139, %add3A_496 : i32
        %dma_start3A_498 = arith.constant 5 : i32
        %dma_start3A_499 = arith.constant 0 : i32
        %dma_start3A_500 = arith.constant 0 : i32
        %dma_start3A_501 = tpu.memref_slice %arg7[%dma_start3A_498, %dma_start3A_499, %dma_start3A_500] : memref<10x125x16xf32, #tpu.memory_space<vmem>> -> memref<1x125x16xf32, #tpu.memory_space<vmem>>
        %dma_start3A_502 = tpu.memref_squeeze %dma_start3A_501 : memref<1x125x16xf32, #tpu.memory_space<vmem>> -> memref<125x16xf32, #tpu.memory_space<vmem>>
        %dma_start3A_503 = arith.constant 0 : i32
        %dma_start3A_504 = tpu.memref_slice %arg5[%add3A_497, %dma_start3A_503] : memref<80x125xi32, #tpu.memory_space<vmem>> -> memref<1x125xi32, #tpu.memory_space<vmem>>
        %dma_start3A_505 = tpu.memref_squeeze %dma_start3A_504 : memref<1x125xi32, #tpu.memory_space<vmem>> -> memref<125xi32, #tpu.memory_space<vmem>>
        %dma_start3A_506 = arith.constant 0 : i32
        %dma_start3A_507 = arith.constant 0 : i32
        %dma_start3A_508 = tpu.memref_slice %arg3[%dma_start3A_506, %dma_start3A_507] : memref<10240x16xf32, #tpu.memory_space<hbm>> -> memref<10240x16xf32, #tpu.memory_space<hbm>>
        tpu.enqueue_indirect_dma source(%dma_start3A_508 : memref<10240x16xf32, #tpu.memory_space<hbm>>) target(%dma_start3A_502 : memref<125x16xf32, #tpu.memory_space<vmem>>) offsets(%dma_start3A_505 : memref<125xi32, #tpu.memory_space<vmem>>) semaphore(%arg15 : memref<!tpu.dma_semaphore, #tpu.memory_space<semaphore_mem>>)
      } else {
      }
      %add3A_172 = arith.constant 1 : i32
      %add3A_173 = arith.addi %add3A_137, %add3A_172 : i32
      %dma_wait3A_174 = arith.constant 1 : i32
      %dma_wait3A_175 = arith.constant 0 : i32
      %dma_wait3A_176 = arith.constant 0 : i32
      %dma_wait3A_177 = tpu.memref_slice %arg7[%dma_wait3A_174, %dma_wait3A_175, %dma_wait3A_176] : memref<10x125x16xf32, #tpu.memory_space<vmem>> -> memref<1x125x16xf32, #tpu.memory_space<vmem>>
      %dma_wait3A_178 = tpu.memref_squeeze %dma_wait3A_177 : memref<1x125x16xf32, #tpu.memory_space<vmem>> -> memref<125x16xf32, #tpu.memory_space<vmem>>
      %dma_wait3A_179 = arith.constant 0 : i32
      %dma_wait3A_180 = tpu.memref_slice %arg5[%add3A_173, %dma_wait3A_179] : memref<80x125xi32, #tpu.memory_space<vmem>> -> memref<1x125xi32, #tpu.memory_space<vmem>>
      %dma_wait3A_181 = tpu.memref_squeeze %dma_wait3A_180 : memref<1x125xi32, #tpu.memory_space<vmem>> -> memref<125xi32, #tpu.memory_space<vmem>>
      %dma_wait3A_182 = arith.constant 0 : i32
      %dma_wait3A_183 = arith.constant 0 : i32
      %dma_wait3A_184 = tpu.memref_slice %arg3[%dma_wait3A_182, %dma_wait3A_183] : memref<10240x16xf32, #tpu.memory_space<hbm>> -> memref<10240x16xf32, #tpu.memory_space<hbm>>
      tpu.wait_indirect_dma semaphore(%arg11 : memref<!tpu.dma_semaphore, #tpu.memory_space<semaphore_mem>>) src(%dma_wait3A_184 : memref<10240x16xf32, #tpu.memory_space<hbm>>) dst(%dma_wait3A_178 : memref<125x16xf32, #tpu.memory_space<vmem>>)
      %dma_start3A_185 = arith.constant 1 : i32
      %dma_start3A_186 = arith.constant 0 : i32
      %dma_start3A_187 = arith.constant 0 : i32
      %dma_start3A_188 = tpu.memref_slice %arg7[%dma_start3A_185, %dma_start3A_186, %dma_start3A_187] : memref<10x125x16xf32, #tpu.memory_space<vmem>> -> memref<1x125x16xf32, #tpu.memory_space<vmem>>
      %dma_start3A_189 = tpu.memref_squeeze %dma_start3A_188 : memref<1x125x16xf32, #tpu.memory_space<vmem>> -> memref<125x16xf32, #tpu.memory_space<vmem>>
      %dma_start3A_190 = arith.constant 0 : i32
      %dma_start3A_191 = tpu.memref_slice %arg6[%add3A_173, %dma_start3A_190] : memref<80x125xi32, #tpu.memory_space<vmem>> -> memref<1x125xi32, #tpu.memory_space<vmem>>
      %dma_start3A_192 = tpu.memref_squeeze %dma_start3A_191 : memref<1x125xi32, #tpu.memory_space<vmem>> -> memref<125xi32, #tpu.memory_space<vmem>>
      %dma_start3A_193 = arith.constant 0 : i32
      %dma_start3A_194 = arith.constant 0 : i32
      %dma_start3A_195 = tpu.memref_slice %arg9[%dma_start3A_193, %dma_start3A_194] : memref<10240x16xf32, #tpu.memory_space<vmem_shared>> -> memref<10240x16xf32, #tpu.memory_space<vmem_shared>>
      tpu.enqueue_indirect_dma source(%dma_start3A_189 : memref<125x16xf32, #tpu.memory_space<vmem>>) target(%dma_start3A_195 : memref<10240x16xf32, #tpu.memory_space<vmem_shared>>) offsets(%dma_start3A_192 : memref<125xi32, #tpu.memory_space<vmem>>) semaphore(%arg21 : memref<!tpu.dma_semaphore, #tpu.memory_space<semaphore_mem>>) {add = true}
      %ge3A_196 = arith.constant 5 : i32
      %ge3A_197 = arith.cmpi sge, %add3A_173, %ge3A_196 : i32
      %convert_element_type3A_198 = arith.extui %ge3A_197 : i1 to i32
      %cond3A_199 = arith.constant 0 : i32
      %cond3A_200 = arith.cmpi ne, %convert_element_type3A_198, %cond3A_199 : i32
      scf.if %cond3A_200 {
        %sub3A = arith.constant 5 : i32
        %sub3A_496 = arith.subi %add3A_173, %sub3A : i32
        %dma_wait3A_497 = arith.constant 6 : i32
        %dma_wait3A_498 = arith.constant 0 : i32
        %dma_wait3A_499 = arith.constant 0 : i32
        %dma_wait3A_500 = tpu.memref_slice %arg7[%dma_wait3A_497, %dma_wait3A_498, %dma_wait3A_499] : memref<10x125x16xf32, #tpu.memory_space<vmem>> -> memref<1x125x16xf32, #tpu.memory_space<vmem>>
        %dma_wait3A_501 = tpu.memref_squeeze %dma_wait3A_500 : memref<1x125x16xf32, #tpu.memory_space<vmem>> -> memref<125x16xf32, #tpu.memory_space<vmem>>
        %dma_wait3A_502 = arith.constant 0 : i32
        %dma_wait3A_503 = tpu.memref_slice %arg6[%sub3A_496, %dma_wait3A_502] : memref<80x125xi32, #tpu.memory_space<vmem>> -> memref<1x125xi32, #tpu.memory_space<vmem>>
        %dma_wait3A_504 = tpu.memref_squeeze %dma_wait3A_503 : memref<1x125xi32, #tpu.memory_space<vmem>> -> memref<125xi32, #tpu.memory_space<vmem>>
        %dma_wait3A_505 = arith.constant 0 : i32
        %dma_wait3A_506 = arith.constant 0 : i32
        %dma_wait3A_507 = tpu.memref_slice %arg9[%dma_wait3A_505, %dma_wait3A_506] : memref<10240x16xf32, #tpu.memory_space<vmem_shared>> -> memref<10240x16xf32, #tpu.memory_space<vmem_shared>>
        tpu.wait_indirect_dma semaphore(%arg26 : memref<!tpu.dma_semaphore, #tpu.memory_space<semaphore_mem>>) src(%dma_wait3A_501 : memref<125x16xf32, #tpu.memory_space<vmem>>) dst(%dma_wait3A_507 : memref<10240x16xf32, #tpu.memory_space<vmem_shared>>)
      } else {
      }
      %add3A_201 = arith.constant 5 : i32
      %add3A_202 = arith.addi %add3A_173, %add3A_201 : i32
      %lt3A_203 = arith.constant 80 : i32
      %lt3A_204 = arith.cmpi slt, %add3A_202, %lt3A_203 : i32
      %convert_element_type3A_205 = arith.extui %lt3A_204 : i1 to i32
      %cond3A_206 = arith.constant 0 : i32
      %cond3A_207 = arith.cmpi ne, %convert_element_type3A_205, %cond3A_206 : i32
      scf.if %cond3A_207 {
        %add3A_496 = arith.constant 5 : i32
        %add3A_497 = arith.addi %add3A_173, %add3A_496 : i32
        %dma_start3A_498 = arith.constant 6 : i32
        %dma_start3A_499 = arith.constant 0 : i32
        %dma_start3A_500 = arith.constant 0 : i32
        %dma_start3A_501 = tpu.memref_slice %arg7[%dma_start3A_498, %dma_start3A_499, %dma_start3A_500] : memref<10x125x16xf32, #tpu.memory_space<vmem>> -> memref<1x125x16xf32, #tpu.memory_space<vmem>>
        %dma_start3A_502 = tpu.memref_squeeze %dma_start3A_501 : memref<1x125x16xf32, #tpu.memory_space<vmem>> -> memref<125x16xf32, #tpu.memory_space<vmem>>
        %dma_start3A_503 = arith.constant 0 : i32
        %dma_start3A_504 = tpu.memref_slice %arg5[%add3A_497, %dma_start3A_503] : memref<80x125xi32, #tpu.memory_space<vmem>> -> memref<1x125xi32, #tpu.memory_space<vmem>>
        %dma_start3A_505 = tpu.memref_squeeze %dma_start3A_504 : memref<1x125xi32, #tpu.memory_space<vmem>> -> memref<125xi32, #tpu.memory_space<vmem>>
        %dma_start3A_506 = arith.constant 0 : i32
        %dma_start3A_507 = arith.constant 0 : i32
        %dma_start3A_508 = tpu.memref_slice %arg3[%dma_start3A_506, %dma_start3A_507] : memref<10240x16xf32, #tpu.memory_space<hbm>> -> memref<10240x16xf32, #tpu.memory_space<hbm>>
        tpu.enqueue_indirect_dma source(%dma_start3A_508 : memref<10240x16xf32, #tpu.memory_space<hbm>>) target(%dma_start3A_502 : memref<125x16xf32, #tpu.memory_space<vmem>>) offsets(%dma_start3A_505 : memref<125xi32, #tpu.memory_space<vmem>>) semaphore(%arg16 : memref<!tpu.dma_semaphore, #tpu.memory_space<semaphore_mem>>)
      } else {
      }
      %add3A_208 = arith.constant 2 : i32
      %add3A_209 = arith.addi %add3A_137, %add3A_208 : i32
      %dma_wait3A_210 = arith.constant 2 : i32
      %dma_wait3A_211 = arith.constant 0 : i32
      %dma_wait3A_212 = arith.constant 0 : i32
      %dma_wait3A_213 = tpu.memref_slice %arg7[%dma_wait3A_210, %dma_wait3A_211, %dma_wait3A_212] : memref<10x125x16xf32, #tpu.memory_space<vmem>> -> memref<1x125x16xf32, #tpu.memory_space<vmem>>
      %dma_wait3A_214 = tpu.memref_squeeze %dma_wait3A_213 : memref<1x125x16xf32, #tpu.memory_space<vmem>> -> memref<125x16xf32, #tpu.memory_space<vmem>>
      %dma_wait3A_215 = arith.constant 0 : i32
      %dma_wait3A_216 = tpu.memref_slice %arg5[%add3A_209, %dma_wait3A_215] : memref<80x125xi32, #tpu.memory_space<vmem>> -> memref<1x125xi32, #tpu.memory_space<vmem>>
      %dma_wait3A_217 = tpu.memref_squeeze %dma_wait3A_216 : memref<1x125xi32, #tpu.memory_space<vmem>> -> memref<125xi32, #tpu.memory_space<vmem>>
      %dma_wait3A_218 = arith.constant 0 : i32
      %dma_wait3A_219 = arith.constant 0 : i32
      %dma_wait3A_220 = tpu.memref_slice %arg3[%dma_wait3A_218, %dma_wait3A_219] : memref<10240x16xf32, #tpu.memory_space<hbm>> -> memref<10240x16xf32, #tpu.memory_space<hbm>>
      tpu.wait_indirect_dma semaphore(%arg12 : memref<!tpu.dma_semaphore, #tpu.memory_space<semaphore_mem>>) src(%dma_wait3A_220 : memref<10240x16xf32, #tpu.memory_space<hbm>>) dst(%dma_wait3A_214 : memref<125x16xf32, #tpu.memory_space<vmem>>)
      %dma_start3A_221 = arith.constant 2 : i32
      %dma_start3A_222 = arith.constant 0 : i32
      %dma_start3A_223 = arith.constant 0 : i32
      %dma_start3A_224 = tpu.memref_slice %arg7[%dma_start3A_221, %dma_start3A_222, %dma_start3A_223] : memref<10x125x16xf32, #tpu.memory_space<vmem>> -> memref<1x125x16xf32, #tpu.memory_space<vmem>>
      %dma_start3A_225 = tpu.memref_squeeze %dma_start3A_224 : memref<1x125x16xf32, #tpu.memory_space<vmem>> -> memref<125x16xf32, #tpu.memory_space<vmem>>
      %dma_start3A_226 = arith.constant 0 : i32
      %dma_start3A_227 = tpu.memref_slice %arg6[%add3A_209, %dma_start3A_226] : memref<80x125xi32, #tpu.memory_space<vmem>> -> memref<1x125xi32, #tpu.memory_space<vmem>>
      %dma_start3A_228 = tpu.memref_squeeze %dma_start3A_227 : memref<1x125xi32, #tpu.memory_space<vmem>> -> memref<125xi32, #tpu.memory_space<vmem>>
      %dma_start3A_229 = arith.constant 0 : i32
      %dma_start3A_230 = arith.constant 0 : i32
      %dma_start3A_231 = tpu.memref_slice %arg9[%dma_start3A_229, %dma_start3A_230] : memref<10240x16xf32, #tpu.memory_space<vmem_shared>> -> memref<10240x16xf32, #tpu.memory_space<vmem_shared>>
      tpu.enqueue_indirect_dma source(%dma_start3A_225 : memref<125x16xf32, #tpu.memory_space<vmem>>) target(%dma_start3A_231 : memref<10240x16xf32, #tpu.memory_space<vmem_shared>>) offsets(%dma_start3A_228 : memref<125xi32, #tpu.memory_space<vmem>>) semaphore(%arg22 : memref<!tpu.dma_semaphore, #tpu.memory_space<semaphore_mem>>) {add = true}
      %ge3A_232 = arith.constant 5 : i32
      %ge3A_233 = arith.cmpi sge, %add3A_209, %ge3A_232 : i32
      %convert_element_type3A_234 = arith.extui %ge3A_233 : i1 to i32
      %cond3A_235 = arith.constant 0 : i32
      %cond3A_236 = arith.cmpi ne, %convert_element_type3A_234, %cond3A_235 : i32
      scf.if %cond3A_236 {
        %sub3A = arith.constant 5 : i32
        %sub3A_496 = arith.subi %add3A_209, %sub3A : i32
        %dma_wait3A_497 = arith.constant 7 : i32
        %dma_wait3A_498 = arith.constant 0 : i32
        %dma_wait3A_499 = arith.constant 0 : i32
        %dma_wait3A_500 = tpu.memref_slice %arg7[%dma_wait3A_497, %dma_wait3A_498, %dma_wait3A_499] : memref<10x125x16xf32, #tpu.memory_space<vmem>> -> memref<1x125x16xf32, #tpu.memory_space<vmem>>
        %dma_wait3A_501 = tpu.memref_squeeze %dma_wait3A_500 : memref<1x125x16xf32, #tpu.memory_space<vmem>> -> memref<125x16xf32, #tpu.memory_space<vmem>>
        %dma_wait3A_502 = arith.constant 0 : i32
        %dma_wait3A_503 = tpu.memref_slice %arg6[%sub3A_496, %dma_wait3A_502] : memref<80x125xi32, #tpu.memory_space<vmem>> -> memref<1x125xi32, #tpu.memory_space<vmem>>
        %dma_wait3A_504 = tpu.memref_squeeze %dma_wait3A_503 : memref<1x125xi32, #tpu.memory_space<vmem>> -> memref<125xi32, #tpu.memory_space<vmem>>
        %dma_wait3A_505 = arith.constant 0 : i32
        %dma_wait3A_506 = arith.constant 0 : i32
        %dma_wait3A_507 = tpu.memref_slice %arg9[%dma_wait3A_505, %dma_wait3A_506] : memref<10240x16xf32, #tpu.memory_space<vmem_shared>> -> memref<10240x16xf32, #tpu.memory_space<vmem_shared>>
        tpu.wait_indirect_dma semaphore(%arg27 : memref<!tpu.dma_semaphore, #tpu.memory_space<semaphore_mem>>) src(%dma_wait3A_501 : memref<125x16xf32, #tpu.memory_space<vmem>>) dst(%dma_wait3A_507 : memref<10240x16xf32, #tpu.memory_space<vmem_shared>>)
      } else {
      }
      %add3A_237 = arith.constant 5 : i32
      %add3A_238 = arith.addi %add3A_209, %add3A_237 : i32
      %lt3A_239 = arith.constant 80 : i32
      %lt3A_240 = arith.cmpi slt, %add3A_238, %lt3A_239 : i32
      %convert_element_type3A_241 = arith.extui %lt3A_240 : i1 to i32
      %cond3A_242 = arith.constant 0 : i32
      %cond3A_243 = arith.cmpi ne, %convert_element_type3A_241, %cond3A_242 : i32
      scf.if %cond3A_243 {
        %add3A_496 = arith.constant 5 : i32
        %add3A_497 = arith.addi %add3A_209, %add3A_496 : i32
        %dma_start3A_498 = arith.constant 7 : i32
        %dma_start3A_499 = arith.constant 0 : i32
        %dma_start3A_500 = arith.constant 0 : i32
        %dma_start3A_501 = tpu.memref_slice %arg7[%dma_start3A_498, %dma_start3A_499, %dma_start3A_500] : memref<10x125x16xf32, #tpu.memory_space<vmem>> -> memref<1x125x16xf32, #tpu.memory_space<vmem>>
        %dma_start3A_502 = tpu.memref_squeeze %dma_start3A_501 : memref<1x125x16xf32, #tpu.memory_space<vmem>> -> memref<125x16xf32, #tpu.memory_space<vmem>>
        %dma_start3A_503 = arith.constant 0 : i32
        %dma_start3A_504 = tpu.memref_slice %arg5[%add3A_497, %dma_start3A_503] : memref<80x125xi32, #tpu.memory_space<vmem>> -> memref<1x125xi32, #tpu.memory_space<vmem>>
        %dma_start3A_505 = tpu.memref_squeeze %dma_start3A_504 : memref<1x125xi32, #tpu.memory_space<vmem>> -> memref<125xi32, #tpu.memory_space<vmem>>
        %dma_start3A_506 = arith.constant 0 : i32
        %dma_start3A_507 = arith.constant 0 : i32
        %dma_start3A_508 = tpu.memref_slice %arg3[%dma_start3A_506, %dma_start3A_507] : memref<10240x16xf32, #tpu.memory_space<hbm>> -> memref<10240x16xf32, #tpu.memory_space<hbm>>
        tpu.enqueue_indirect_dma source(%dma_start3A_508 : memref<10240x16xf32, #tpu.memory_space<hbm>>) target(%dma_start3A_502 : memref<125x16xf32, #tpu.memory_space<vmem>>) offsets(%dma_start3A_505 : memref<125xi32, #tpu.memory_space<vmem>>) semaphore(%arg17 : memref<!tpu.dma_semaphore, #tpu.memory_space<semaphore_mem>>)
      } else {
      }
      %add3A_244 = arith.constant 3 : i32
      %add3A_245 = arith.addi %add3A_137, %add3A_244 : i32
      %dma_wait3A_246 = arith.constant 3 : i32
      %dma_wait3A_247 = arith.constant 0 : i32
      %dma_wait3A_248 = arith.constant 0 : i32
      %dma_wait3A_249 = tpu.memref_slice %arg7[%dma_wait3A_246, %dma_wait3A_247, %dma_wait3A_248] : memref<10x125x16xf32, #tpu.memory_space<vmem>> -> memref<1x125x16xf32, #tpu.memory_space<vmem>>
      %dma_wait3A_250 = tpu.memref_squeeze %dma_wait3A_249 : memref<1x125x16xf32, #tpu.memory_space<vmem>> -> memref<125x16xf32, #tpu.memory_space<vmem>>
      %dma_wait3A_251 = arith.constant 0 : i32
      %dma_wait3A_252 = tpu.memref_slice %arg5[%add3A_245, %dma_wait3A_251] : memref<80x125xi32, #tpu.memory_space<vmem>> -> memref<1x125xi32, #tpu.memory_space<vmem>>
      %dma_wait3A_253 = tpu.memref_squeeze %dma_wait3A_252 : memref<1x125xi32, #tpu.memory_space<vmem>> -> memref<125xi32, #tpu.memory_space<vmem>>
      %dma_wait3A_254 = arith.constant 0 : i32
      %dma_wait3A_255 = arith.constant 0 : i32
      %dma_wait3A_256 = tpu.memref_slice %arg3[%dma_wait3A_254, %dma_wait3A_255] : memref<10240x16xf32, #tpu.memory_space<hbm>> -> memref<10240x16xf32, #tpu.memory_space<hbm>>
      tpu.wait_indirect_dma semaphore(%arg13 : memref<!tpu.dma_semaphore, #tpu.memory_space<semaphore_mem>>) src(%dma_wait3A_256 : memref<10240x16xf32, #tpu.memory_space<hbm>>) dst(%dma_wait3A_250 : memref<125x16xf32, #tpu.memory_space<vmem>>)
      %dma_start3A_257 = arith.constant 3 : i32
      %dma_start3A_258 = arith.constant 0 : i32
      %dma_start3A_259 = arith.constant 0 : i32
      %dma_start3A_260 = tpu.memref_slice %arg7[%dma_start3A_257, %dma_start3A_258, %dma_start3A_259] : memref<10x125x16xf32, #tpu.memory_space<vmem>> -> memref<1x125x16xf32, #tpu.memory_space<vmem>>
      %dma_start3A_261 = tpu.memref_squeeze %dma_start3A_260 : memref<1x125x16xf32, #tpu.memory_space<vmem>> -> memref<125x16xf32, #tpu.memory_space<vmem>>
      %dma_start3A_262 = arith.constant 0 : i32
      %dma_start3A_263 = tpu.memref_slice %arg6[%add3A_245, %dma_start3A_262] : memref<80x125xi32, #tpu.memory_space<vmem>> -> memref<1x125xi32, #tpu.memory_space<vmem>>
      %dma_start3A_264 = tpu.memref_squeeze %dma_start3A_263 : memref<1x125xi32, #tpu.memory_space<vmem>> -> memref<125xi32, #tpu.memory_space<vmem>>
      %dma_start3A_265 = arith.constant 0 : i32
      %dma_start3A_266 = arith.constant 0 : i32
      %dma_start3A_267 = tpu.memref_slice %arg9[%dma_start3A_265, %dma_start3A_266] : memref<10240x16xf32, #tpu.memory_space<vmem_shared>> -> memref<10240x16xf32, #tpu.memory_space<vmem_shared>>
      tpu.enqueue_indirect_dma source(%dma_start3A_261 : memref<125x16xf32, #tpu.memory_space<vmem>>) target(%dma_start3A_267 : memref<10240x16xf32, #tpu.memory_space<vmem_shared>>) offsets(%dma_start3A_264 : memref<125xi32, #tpu.memory_space<vmem>>) semaphore(%arg23 : memref<!tpu.dma_semaphore, #tpu.memory_space<semaphore_mem>>) {add = true}
      %ge3A_268 = arith.constant 5 : i32
      %ge3A_269 = arith.cmpi sge, %add3A_245, %ge3A_268 : i32
      %convert_element_type3A_270 = arith.extui %ge3A_269 : i1 to i32
      %cond3A_271 = arith.constant 0 : i32
      %cond3A_272 = arith.cmpi ne, %convert_element_type3A_270, %cond3A_271 : i32
      scf.if %cond3A_272 {
        %sub3A = arith.constant 5 : i32
        %sub3A_496 = arith.subi %add3A_245, %sub3A : i32
        %dma_wait3A_497 = arith.constant 8 : i32
        %dma_wait3A_498 = arith.constant 0 : i32
        %dma_wait3A_499 = arith.constant 0 : i32
        %dma_wait3A_500 = tpu.memref_slice %arg7[%dma_wait3A_497, %dma_wait3A_498, %dma_wait3A_499] : memref<10x125x16xf32, #tpu.memory_space<vmem>> -> memref<1x125x16xf32, #tpu.memory_space<vmem>>
        %dma_wait3A_501 = tpu.memref_squeeze %dma_wait3A_500 : memref<1x125x16xf32, #tpu.memory_space<vmem>> -> memref<125x16xf32, #tpu.memory_space<vmem>>
        %dma_wait3A_502 = arith.constant 0 : i32
        %dma_wait3A_503 = tpu.memref_slice %arg6[%sub3A_496, %dma_wait3A_502] : memref<80x125xi32, #tpu.memory_space<vmem>> -> memref<1x125xi32, #tpu.memory_space<vmem>>
        %dma_wait3A_504 = tpu.memref_squeeze %dma_wait3A_503 : memref<1x125xi32, #tpu.memory_space<vmem>> -> memref<125xi32, #tpu.memory_space<vmem>>
        %dma_wait3A_505 = arith.constant 0 : i32
        %dma_wait3A_506 = arith.constant 0 : i32
        %dma_wait3A_507 = tpu.memref_slice %arg9[%dma_wait3A_505, %dma_wait3A_506] : memref<10240x16xf32, #tpu.memory_space<vmem_shared>> -> memref<10240x16xf32, #tpu.memory_space<vmem_shared>>
        tpu.wait_indirect_dma semaphore(%arg28 : memref<!tpu.dma_semaphore, #tpu.memory_space<semaphore_mem>>) src(%dma_wait3A_501 : memref<125x16xf32, #tpu.memory_space<vmem>>) dst(%dma_wait3A_507 : memref<10240x16xf32, #tpu.memory_space<vmem_shared>>)
      } else {
      }
      %add3A_273 = arith.constant 5 : i32
      %add3A_274 = arith.addi %add3A_245, %add3A_273 : i32
      %lt3A_275 = arith.constant 80 : i32
      %lt3A_276 = arith.cmpi slt, %add3A_274, %lt3A_275 : i32
      %convert_element_type3A_277 = arith.extui %lt3A_276 : i1 to i32
      %cond3A_278 = arith.constant 0 : i32
      %cond3A_279 = arith.cmpi ne, %convert_element_type3A_277, %cond3A_278 : i32
      scf.if %cond3A_279 {
        %add3A_496 = arith.constant 5 : i32
        %add3A_497 = arith.addi %add3A_245, %add3A_496 : i32
        %dma_start3A_498 = arith.constant 8 : i32
        %dma_start3A_499 = arith.constant 0 : i32
        %dma_start3A_500 = arith.constant 0 : i32
        %dma_start3A_501 = tpu.memref_slice %arg7[%dma_start3A_498, %dma_start3A_499, %dma_start3A_500] : memref<10x125x16xf32, #tpu.memory_space<vmem>> -> memref<1x125x16xf32, #tpu.memory_space<vmem>>
        %dma_start3A_502 = tpu.memref_squeeze %dma_start3A_501 : memref<1x125x16xf32, #tpu.memory_space<vmem>> -> memref<125x16xf32, #tpu.memory_space<vmem>>
        %dma_start3A_503 = arith.constant 0 : i32
        %dma_start3A_504 = tpu.memref_slice %arg5[%add3A_497, %dma_start3A_503] : memref<80x125xi32, #tpu.memory_space<vmem>> -> memref<1x125xi32, #tpu.memory_space<vmem>>
        %dma_start3A_505 = tpu.memref_squeeze %dma_start3A_504 : memref<1x125xi32, #tpu.memory_space<vmem>> -> memref<125xi32, #tpu.memory_space<vmem>>
        %dma_start3A_506 = arith.constant 0 : i32
        %dma_start3A_507 = arith.constant 0 : i32
        %dma_start3A_508 = tpu.memref_slice %arg3[%dma_start3A_506, %dma_start3A_507] : memref<10240x16xf32, #tpu.memory_space<hbm>> -> memref<10240x16xf32, #tpu.memory_space<hbm>>
        tpu.enqueue_indirect_dma source(%dma_start3A_508 : memref<10240x16xf32, #tpu.memory_space<hbm>>) target(%dma_start3A_502 : memref<125x16xf32, #tpu.memory_space<vmem>>) offsets(%dma_start3A_505 : memref<125xi32, #tpu.memory_space<vmem>>) semaphore(%arg18 : memref<!tpu.dma_semaphore, #tpu.memory_space<semaphore_mem>>)
      } else {
      }
      %add3A_280 = arith.constant 4 : i32
      %add3A_281 = arith.addi %add3A_137, %add3A_280 : i32
      %dma_wait3A_282 = arith.constant 4 : i32
      %dma_wait3A_283 = arith.constant 0 : i32
      %dma_wait3A_284 = arith.constant 0 : i32
      %dma_wait3A_285 = tpu.memref_slice %arg7[%dma_wait3A_282, %dma_wait3A_283, %dma_wait3A_284] : memref<10x125x16xf32, #tpu.memory_space<vmem>> -> memref<1x125x16xf32, #tpu.memory_space<vmem>>
      %dma_wait3A_286 = tpu.memref_squeeze %dma_wait3A_285 : memref<1x125x16xf32, #tpu.memory_space<vmem>> -> memref<125x16xf32, #tpu.memory_space<vmem>>
      %dma_wait3A_287 = arith.constant 0 : i32
      %dma_wait3A_288 = tpu.memref_slice %arg5[%add3A_281, %dma_wait3A_287] : memref<80x125xi32, #tpu.memory_space<vmem>> -> memref<1x125xi32, #tpu.memory_space<vmem>>
      %dma_wait3A_289 = tpu.memref_squeeze %dma_wait3A_288 : memref<1x125xi32, #tpu.memory_space<vmem>> -> memref<125xi32, #tpu.memory_space<vmem>>
      %dma_wait3A_290 = arith.constant 0 : i32
      %dma_wait3A_291 = arith.constant 0 : i32
      %dma_wait3A_292 = tpu.memref_slice %arg3[%dma_wait3A_290, %dma_wait3A_291] : memref<10240x16xf32, #tpu.memory_space<hbm>> -> memref<10240x16xf32, #tpu.memory_space<hbm>>
      tpu.wait_indirect_dma semaphore(%arg14 : memref<!tpu.dma_semaphore, #tpu.memory_space<semaphore_mem>>) src(%dma_wait3A_292 : memref<10240x16xf32, #tpu.memory_space<hbm>>) dst(%dma_wait3A_286 : memref<125x16xf32, #tpu.memory_space<vmem>>)
      %dma_start3A_293 = arith.constant 4 : i32
      %dma_start3A_294 = arith.constant 0 : i32
      %dma_start3A_295 = arith.constant 0 : i32
      %dma_start3A_296 = tpu.memref_slice %arg7[%dma_start3A_293, %dma_start3A_294, %dma_start3A_295] : memref<10x125x16xf32, #tpu.memory_space<vmem>> -> memref<1x125x16xf32, #tpu.memory_space<vmem>>
      %dma_start3A_297 = tpu.memref_squeeze %dma_start3A_296 : memref<1x125x16xf32, #tpu.memory_space<vmem>> -> memref<125x16xf32, #tpu.memory_space<vmem>>
      %dma_start3A_298 = arith.constant 0 : i32
      %dma_start3A_299 = tpu.memref_slice %arg6[%add3A_281, %dma_start3A_298] : memref<80x125xi32, #tpu.memory_space<vmem>> -> memref<1x125xi32, #tpu.memory_space<vmem>>
      %dma_start3A_300 = tpu.memref_squeeze %dma_start3A_299 : memref<1x125xi32, #tpu.memory_space<vmem>> -> memref<125xi32, #tpu.memory_space<vmem>>
      %dma_start3A_301 = arith.constant 0 : i32
      %dma_start3A_302 = arith.constant 0 : i32
      %dma_start3A_303 = tpu.memref_slice %arg9[%dma_start3A_301, %dma_start3A_302] : memref<10240x16xf32, #tpu.memory_space<vmem_shared>> -> memref<10240x16xf32, #tpu.memory_space<vmem_shared>>
      tpu.enqueue_indirect_dma source(%dma_start3A_297 : memref<125x16xf32, #tpu.memory_space<vmem>>) target(%dma_start3A_303 : memref<10240x16xf32, #tpu.memory_space<vmem_shared>>) offsets(%dma_start3A_300 : memref<125xi32, #tpu.memory_space<vmem>>) semaphore(%arg24 : memref<!tpu.dma_semaphore, #tpu.memory_space<semaphore_mem>>) {add = true}
      %ge3A_304 = arith.constant 5 : i32
      %ge3A_305 = arith.cmpi sge, %add3A_281, %ge3A_304 : i32
      %convert_element_type3A_306 = arith.extui %ge3A_305 : i1 to i32
      %cond3A_307 = arith.constant 0 : i32
      %cond3A_308 = arith.cmpi ne, %convert_element_type3A_306, %cond3A_307 : i32
      scf.if %cond3A_308 {
        %sub3A = arith.constant 5 : i32
        %sub3A_496 = arith.subi %add3A_281, %sub3A : i32
        %dma_wait3A_497 = arith.constant 9 : i32
        %dma_wait3A_498 = arith.constant 0 : i32
        %dma_wait3A_499 = arith.constant 0 : i32
        %dma_wait3A_500 = tpu.memref_slice %arg7[%dma_wait3A_497, %dma_wait3A_498, %dma_wait3A_499] : memref<10x125x16xf32, #tpu.memory_space<vmem>> -> memref<1x125x16xf32, #tpu.memory_space<vmem>>
        %dma_wait3A_501 = tpu.memref_squeeze %dma_wait3A_500 : memref<1x125x16xf32, #tpu.memory_space<vmem>> -> memref<125x16xf32, #tpu.memory_space<vmem>>
        %dma_wait3A_502 = arith.constant 0 : i32
        %dma_wait3A_503 = tpu.memref_slice %arg6[%sub3A_496, %dma_wait3A_502] : memref<80x125xi32, #tpu.memory_space<vmem>> -> memref<1x125xi32, #tpu.memory_space<vmem>>
        %dma_wait3A_504 = tpu.memref_squeeze %dma_wait3A_503 : memref<1x125xi32, #tpu.memory_space<vmem>> -> memref<125xi32, #tpu.memory_space<vmem>>
        %dma_wait3A_505 = arith.constant 0 : i32
        %dma_wait3A_506 = arith.constant 0 : i32
        %dma_wait3A_507 = tpu.memref_slice %arg9[%dma_wait3A_505, %dma_wait3A_506] : memref<10240x16xf32, #tpu.memory_space<vmem_shared>> -> memref<10240x16xf32, #tpu.memory_space<vmem_shared>>
        tpu.wait_indirect_dma semaphore(%arg29 : memref<!tpu.dma_semaphore, #tpu.memory_space<semaphore_mem>>) src(%dma_wait3A_501 : memref<125x16xf32, #tpu.memory_space<vmem>>) dst(%dma_wait3A_507 : memref<10240x16xf32, #tpu.memory_space<vmem_shared>>)
      } else {
      }
      %add3A_309 = arith.constant 5 : i32
      %add3A_310 = arith.addi %add3A_281, %add3A_309 : i32
      %lt3A_311 = arith.constant 80 : i32
      %lt3A_312 = arith.cmpi slt, %add3A_310, %lt3A_311 : i32
      %convert_element_type3A_313 = arith.extui %lt3A_312 : i1 to i32
      %cond3A_314 = arith.constant 0 : i32
      %cond3A_315 = arith.cmpi ne, %convert_element_type3A_313, %cond3A_314 : i32
      scf.if %cond3A_315 {
        %add3A_496 = arith.constant 5 : i32
        %add3A_497 = arith.addi %add3A_281, %add3A_496 : i32
        %dma_start3A_498 = arith.constant 9 : i32
        %dma_start3A_499 = arith.constant 0 : i32
        %dma_start3A_500 = arith.constant 0 : i32
        %dma_start3A_501 = tpu.memref_slice %arg7[%dma_start3A_498, %dma_start3A_499, %dma_start3A_500] : memref<10x125x16xf32, #tpu.memory_space<vmem>> -> memref<1x125x16xf32, #tpu.memory_space<vmem>>
        %dma_start3A_502 = tpu.memref_squeeze %dma_start3A_501 : memref<1x125x16xf32, #tpu.memory_space<vmem>> -> memref<125x16xf32, #tpu.memory_space<vmem>>
        %dma_start3A_503 = arith.constant 0 : i32
        %dma_start3A_504 = tpu.memref_slice %arg5[%add3A_497, %dma_start3A_503] : memref<80x125xi32, #tpu.memory_space<vmem>> -> memref<1x125xi32, #tpu.memory_space<vmem>>
        %dma_start3A_505 = tpu.memref_squeeze %dma_start3A_504 : memref<1x125xi32, #tpu.memory_space<vmem>> -> memref<125xi32, #tpu.memory_space<vmem>>
        %dma_start3A_506 = arith.constant 0 : i32
        %dma_start3A_507 = arith.constant 0 : i32
        %dma_start3A_508 = tpu.memref_slice %arg3[%dma_start3A_506, %dma_start3A_507] : memref<10240x16xf32, #tpu.memory_space<hbm>> -> memref<10240x16xf32, #tpu.memory_space<hbm>>
        tpu.enqueue_indirect_dma source(%dma_start3A_508 : memref<10240x16xf32, #tpu.memory_space<hbm>>) target(%dma_start3A_502 : memref<125x16xf32, #tpu.memory_space<vmem>>) offsets(%dma_start3A_505 : memref<125xi32, #tpu.memory_space<vmem>>) semaphore(%arg19 : memref<!tpu.dma_semaphore, #tpu.memory_space<semaphore_mem>>)
      } else {
      }
      %add3A_316 = arith.constant 5 : i32
      %add3A_317 = arith.addi %add3A_137, %add3A_316 : i32
      %dma_wait3A_318 = arith.constant 5 : i32
      %dma_wait3A_319 = arith.constant 0 : i32
      %dma_wait3A_320 = arith.constant 0 : i32
      %dma_wait3A_321 = tpu.memref_slice %arg7[%dma_wait3A_318, %dma_wait3A_319, %dma_wait3A_320] : memref<10x125x16xf32, #tpu.memory_space<vmem>> -> memref<1x125x16xf32, #tpu.memory_space<vmem>>
      %dma_wait3A_322 = tpu.memref_squeeze %dma_wait3A_321 : memref<1x125x16xf32, #tpu.memory_space<vmem>> -> memref<125x16xf32, #tpu.memory_space<vmem>>
      %dma_wait3A_323 = arith.constant 0 : i32
      %dma_wait3A_324 = tpu.memref_slice %arg5[%add3A_317, %dma_wait3A_323] : memref<80x125xi32, #tpu.memory_space<vmem>> -> memref<1x125xi32, #tpu.memory_space<vmem>>
      %dma_wait3A_325 = tpu.memref_squeeze %dma_wait3A_324 : memref<1x125xi32, #tpu.memory_space<vmem>> -> memref<125xi32, #tpu.memory_space<vmem>>
      %dma_wait3A_326 = arith.constant 0 : i32
      %dma_wait3A_327 = arith.constant 0 : i32
      %dma_wait3A_328 = tpu.memref_slice %arg3[%dma_wait3A_326, %dma_wait3A_327] : memref<10240x16xf32, #tpu.memory_space<hbm>> -> memref<10240x16xf32, #tpu.memory_space<hbm>>
      tpu.wait_indirect_dma semaphore(%arg15 : memref<!tpu.dma_semaphore, #tpu.memory_space<semaphore_mem>>) src(%dma_wait3A_328 : memref<10240x16xf32, #tpu.memory_space<hbm>>) dst(%dma_wait3A_322 : memref<125x16xf32, #tpu.memory_space<vmem>>)
      %dma_start3A_329 = arith.constant 5 : i32
      %dma_start3A_330 = arith.constant 0 : i32
      %dma_start3A_331 = arith.constant 0 : i32
      %dma_start3A_332 = tpu.memref_slice %arg7[%dma_start3A_329, %dma_start3A_330, %dma_start3A_331] : memref<10x125x16xf32, #tpu.memory_space<vmem>> -> memref<1x125x16xf32, #tpu.memory_space<vmem>>
      %dma_start3A_333 = tpu.memref_squeeze %dma_start3A_332 : memref<1x125x16xf32, #tpu.memory_space<vmem>> -> memref<125x16xf32, #tpu.memory_space<vmem>>
      %dma_start3A_334 = arith.constant 0 : i32
      %dma_start3A_335 = tpu.memref_slice %arg6[%add3A_317, %dma_start3A_334] : memref<80x125xi32, #tpu.memory_space<vmem>> -> memref<1x125xi32, #tpu.memory_space<vmem>>
      %dma_start3A_336 = tpu.memref_squeeze %dma_start3A_335 : memref<1x125xi32, #tpu.memory_space<vmem>> -> memref<125xi32, #tpu.memory_space<vmem>>
      %dma_start3A_337 = arith.constant 0 : i32
      %dma_start3A_338 = arith.constant 0 : i32
      %dma_start3A_339 = tpu.memref_slice %arg9[%dma_start3A_337, %dma_start3A_338] : memref<10240x16xf32, #tpu.memory_space<vmem_shared>> -> memref<10240x16xf32, #tpu.memory_space<vmem_shared>>
      tpu.enqueue_indirect_dma source(%dma_start3A_333 : memref<125x16xf32, #tpu.memory_space<vmem>>) target(%dma_start3A_339 : memref<10240x16xf32, #tpu.memory_space<vmem_shared>>) offsets(%dma_start3A_336 : memref<125xi32, #tpu.memory_space<vmem>>) semaphore(%arg25 : memref<!tpu.dma_semaphore, #tpu.memory_space<semaphore_mem>>) {add = true}
      %ge3A_340 = arith.constant 5 : i32
      %ge3A_341 = arith.cmpi sge, %add3A_317, %ge3A_340 : i32
      %convert_element_type3A_342 = arith.extui %ge3A_341 : i1 to i32
      %cond3A_343 = arith.constant 0 : i32
      %cond3A_344 = arith.cmpi ne, %convert_element_type3A_342, %cond3A_343 : i32
      scf.if %cond3A_344 {
        %sub3A = arith.constant 5 : i32
        %sub3A_496 = arith.subi %add3A_317, %sub3A : i32
        %dma_wait3A_497 = arith.constant 0 : i32
        %dma_wait3A_498 = arith.constant 0 : i32
        %dma_wait3A_499 = arith.constant 0 : i32
        %dma_wait3A_500 = tpu.memref_slice %arg7[%dma_wait3A_497, %dma_wait3A_498, %dma_wait3A_499] : memref<10x125x16xf32, #tpu.memory_space<vmem>> -> memref<1x125x16xf32, #tpu.memory_space<vmem>>
        %dma_wait3A_501 = tpu.memref_squeeze %dma_wait3A_500 : memref<1x125x16xf32, #tpu.memory_space<vmem>> -> memref<125x16xf32, #tpu.memory_space<vmem>>
        %dma_wait3A_502 = arith.constant 0 : i32
        %dma_wait3A_503 = tpu.memref_slice %arg6[%sub3A_496, %dma_wait3A_502] : memref<80x125xi32, #tpu.memory_space<vmem>> -> memref<1x125xi32, #tpu.memory_space<vmem>>
        %dma_wait3A_504 = tpu.memref_squeeze %dma_wait3A_503 : memref<1x125xi32, #tpu.memory_space<vmem>> -> memref<125xi32, #tpu.memory_space<vmem>>
        %dma_wait3A_505 = arith.constant 0 : i32
        %dma_wait3A_506 = arith.constant 0 : i32
        %dma_wait3A_507 = tpu.memref_slice %arg9[%dma_wait3A_505, %dma_wait3A_506] : memref<10240x16xf32, #tpu.memory_space<vmem_shared>> -> memref<10240x16xf32, #tpu.memory_space<vmem_shared>>
        tpu.wait_indirect_dma semaphore(%arg20 : memref<!tpu.dma_semaphore, #tpu.memory_space<semaphore_mem>>) src(%dma_wait3A_501 : memref<125x16xf32, #tpu.memory_space<vmem>>) dst(%dma_wait3A_507 : memref<10240x16xf32, #tpu.memory_space<vmem_shared>>)
      } else {
      }
      %add3A_345 = arith.constant 5 : i32
      %add3A_346 = arith.addi %add3A_317, %add3A_345 : i32
      %lt3A_347 = arith.constant 80 : i32
      %lt3A_348 = arith.cmpi slt, %add3A_346, %lt3A_347 : i32
      %convert_element_type3A_349 = arith.extui %lt3A_348 : i1 to i32
      %cond3A_350 = arith.constant 0 : i32
      %cond3A_351 = arith.cmpi ne, %convert_element_type3A_349, %cond3A_350 : i32
      scf.if %cond3A_351 {
        %add3A_496 = arith.constant 5 : i32
        %add3A_497 = arith.addi %add3A_317, %add3A_496 : i32
        %dma_start3A_498 = arith.constant 0 : i32
        %dma_start3A_499 = arith.constant 0 : i32
        %dma_start3A_500 = arith.constant 0 : i32
        %dma_start3A_501 = tpu.memref_slice %arg7[%dma_start3A_498, %dma_start3A_499, %dma_start3A_500] : memref<10x125x16xf32, #tpu.memory_space<vmem>> -> memref<1x125x16xf32, #tpu.memory_space<vmem>>
        %dma_start3A_502 = tpu.memref_squeeze %dma_start3A_501 : memref<1x125x16xf32, #tpu.memory_space<vmem>> -> memref<125x16xf32, #tpu.memory_space<vmem>>
        %dma_start3A_503 = arith.constant 0 : i32
        %dma_start3A_504 = tpu.memref_slice %arg5[%add3A_497, %dma_start3A_503] : memref<80x125xi32, #tpu.memory_space<vmem>> -> memref<1x125xi32, #tpu.memory_space<vmem>>
        %dma_start3A_505 = tpu.memref_squeeze %dma_start3A_504 : memref<1x125xi32, #tpu.memory_space<vmem>> -> memref<125xi32, #tpu.memory_space<vmem>>
        %dma_start3A_506 = arith.constant 0 : i32
        %dma_start3A_507 = arith.constant 0 : i32
        %dma_start3A_508 = tpu.memref_slice %arg3[%dma_start3A_506, %dma_start3A_507] : memref<10240x16xf32, #tpu.memory_space<hbm>> -> memref<10240x16xf32, #tpu.memory_space<hbm>>
        tpu.enqueue_indirect_dma source(%dma_start3A_508 : memref<10240x16xf32, #tpu.memory_space<hbm>>) target(%dma_start3A_502 : memref<125x16xf32, #tpu.memory_space<vmem>>) offsets(%dma_start3A_505 : memref<125xi32, #tpu.memory_space<vmem>>) semaphore(%arg10 : memref<!tpu.dma_semaphore, #tpu.memory_space<semaphore_mem>>)
      } else {
      }
      %add3A_352 = arith.constant 6 : i32
      %add3A_353 = arith.addi %add3A_137, %add3A_352 : i32
      %dma_wait3A_354 = arith.constant 6 : i32
      %dma_wait3A_355 = arith.constant 0 : i32
      %dma_wait3A_356 = arith.constant 0 : i32
      %dma_wait3A_357 = tpu.memref_slice %arg7[%dma_wait3A_354, %dma_wait3A_355, %dma_wait3A_356] : memref<10x125x16xf32, #tpu.memory_space<vmem>> -> memref<1x125x16xf32, #tpu.memory_space<vmem>>
      %dma_wait3A_358 = tpu.memref_squeeze %dma_wait3A_357 : memref<1x125x16xf32, #tpu.memory_space<vmem>> -> memref<125x16xf32, #tpu.memory_space<vmem>>
      %dma_wait3A_359 = arith.constant 0 : i32
      %dma_wait3A_360 = tpu.memref_slice %arg5[%add3A_353, %dma_wait3A_359] : memref<80x125xi32, #tpu.memory_space<vmem>> -> memref<1x125xi32, #tpu.memory_space<vmem>>
      %dma_wait3A_361 = tpu.memref_squeeze %dma_wait3A_360 : memref<1x125xi32, #tpu.memory_space<vmem>> -> memref<125xi32, #tpu.memory_space<vmem>>
      %dma_wait3A_362 = arith.constant 0 : i32
      %dma_wait3A_363 = arith.constant 0 : i32
      %dma_wait3A_364 = tpu.memref_slice %arg3[%dma_wait3A_362, %dma_wait3A_363] : memref<10240x16xf32, #tpu.memory_space<hbm>> -> memref<10240x16xf32, #tpu.memory_space<hbm>>
      tpu.wait_indirect_dma semaphore(%arg16 : memref<!tpu.dma_semaphore, #tpu.memory_space<semaphore_mem>>) src(%dma_wait3A_364 : memref<10240x16xf32, #tpu.memory_space<hbm>>) dst(%dma_wait3A_358 : memref<125x16xf32, #tpu.memory_space<vmem>>)
      %dma_start3A_365 = arith.constant 6 : i32
      %dma_start3A_366 = arith.constant 0 : i32
      %dma_start3A_367 = arith.constant 0 : i32
      %dma_start3A_368 = tpu.memref_slice %arg7[%dma_start3A_365, %dma_start3A_366, %dma_start3A_367] : memref<10x125x16xf32, #tpu.memory_space<vmem>> -> memref<1x125x16xf32, #tpu.memory_space<vmem>>
      %dma_start3A_369 = tpu.memref_squeeze %dma_start3A_368 : memref<1x125x16xf32, #tpu.memory_space<vmem>> -> memref<125x16xf32, #tpu.memory_space<vmem>>
      %dma_start3A_370 = arith.constant 0 : i32
      %dma_start3A_371 = tpu.memref_slice %arg6[%add3A_353, %dma_start3A_370] : memref<80x125xi32, #tpu.memory_space<vmem>> -> memref<1x125xi32, #tpu.memory_space<vmem>>
      %dma_start3A_372 = tpu.memref_squeeze %dma_start3A_371 : memref<1x125xi32, #tpu.memory_space<vmem>> -> memref<125xi32, #tpu.memory_space<vmem>>
      %dma_start3A_373 = arith.constant 0 : i32
      %dma_start3A_374 = arith.constant 0 : i32
      %dma_start3A_375 = tpu.memref_slice %arg9[%dma_start3A_373, %dma_start3A_374] : memref<10240x16xf32, #tpu.memory_space<vmem_shared>> -> memref<10240x16xf32, #tpu.memory_space<vmem_shared>>
      tpu.enqueue_indirect_dma source(%dma_start3A_369 : memref<125x16xf32, #tpu.memory_space<vmem>>) target(%dma_start3A_375 : memref<10240x16xf32, #tpu.memory_space<vmem_shared>>) offsets(%dma_start3A_372 : memref<125xi32, #tpu.memory_space<vmem>>) semaphore(%arg26 : memref<!tpu.dma_semaphore, #tpu.memory_space<semaphore_mem>>) {add = true}
      %ge3A_376 = arith.constant 5 : i32
      %ge3A_377 = arith.cmpi sge, %add3A_353, %ge3A_376 : i32
      %convert_element_type3A_378 = arith.extui %ge3A_377 : i1 to i32
      %cond3A_379 = arith.constant 0 : i32
      %cond3A_380 = arith.cmpi ne, %convert_element_type3A_378, %cond3A_379 : i32
      scf.if %cond3A_380 {
        %sub3A = arith.constant 5 : i32
        %sub3A_496 = arith.subi %add3A_353, %sub3A : i32
        %dma_wait3A_497 = arith.constant 1 : i32
        %dma_wait3A_498 = arith.constant 0 : i32
        %dma_wait3A_499 = arith.constant 0 : i32
        %dma_wait3A_500 = tpu.memref_slice %arg7[%dma_wait3A_497, %dma_wait3A_498, %dma_wait3A_499] : memref<10x125x16xf32, #tpu.memory_space<vmem>> -> memref<1x125x16xf32, #tpu.memory_space<vmem>>
        %dma_wait3A_501 = tpu.memref_squeeze %dma_wait3A_500 : memref<1x125x16xf32, #tpu.memory_space<vmem>> -> memref<125x16xf32, #tpu.memory_space<vmem>>
        %dma_wait3A_502 = arith.constant 0 : i32
        %dma_wait3A_503 = tpu.memref_slice %arg6[%sub3A_496, %dma_wait3A_502] : memref<80x125xi32, #tpu.memory_space<vmem>> -> memref<1x125xi32, #tpu.memory_space<vmem>>
        %dma_wait3A_504 = tpu.memref_squeeze %dma_wait3A_503 : memref<1x125xi32, #tpu.memory_space<vmem>> -> memref<125xi32, #tpu.memory_space<vmem>>
        %dma_wait3A_505 = arith.constant 0 : i32
        %dma_wait3A_506 = arith.constant 0 : i32
        %dma_wait3A_507 = tpu.memref_slice %arg9[%dma_wait3A_505, %dma_wait3A_506] : memref<10240x16xf32, #tpu.memory_space<vmem_shared>> -> memref<10240x16xf32, #tpu.memory_space<vmem_shared>>
        tpu.wait_indirect_dma semaphore(%arg21 : memref<!tpu.dma_semaphore, #tpu.memory_space<semaphore_mem>>) src(%dma_wait3A_501 : memref<125x16xf32, #tpu.memory_space<vmem>>) dst(%dma_wait3A_507 : memref<10240x16xf32, #tpu.memory_space<vmem_shared>>)
      } else {
      }
      %add3A_381 = arith.constant 5 : i32
      %add3A_382 = arith.addi %add3A_353, %add3A_381 : i32
      %lt3A_383 = arith.constant 80 : i32
      %lt3A_384 = arith.cmpi slt, %add3A_382, %lt3A_383 : i32
      %convert_element_type3A_385 = arith.extui %lt3A_384 : i1 to i32
      %cond3A_386 = arith.constant 0 : i32
      %cond3A_387 = arith.cmpi ne, %convert_element_type3A_385, %cond3A_386 : i32
      scf.if %cond3A_387 {
        %add3A_496 = arith.constant 5 : i32
        %add3A_497 = arith.addi %add3A_353, %add3A_496 : i32
        %dma_start3A_498 = arith.constant 1 : i32
        %dma_start3A_499 = arith.constant 0 : i32
        %dma_start3A_500 = arith.constant 0 : i32
        %dma_start3A_501 = tpu.memref_slice %arg7[%dma_start3A_498, %dma_start3A_499, %dma_start3A_500] : memref<10x125x16xf32, #tpu.memory_space<vmem>> -> memref<1x125x16xf32, #tpu.memory_space<vmem>>
        %dma_start3A_502 = tpu.memref_squeeze %dma_start3A_501 : memref<1x125x16xf32, #tpu.memory_space<vmem>> -> memref<125x16xf32, #tpu.memory_space<vmem>>
        %dma_start3A_503 = arith.constant 0 : i32
        %dma_start3A_504 = tpu.memref_slice %arg5[%add3A_497, %dma_start3A_503] : memref<80x125xi32, #tpu.memory_space<vmem>> -> memref<1x125xi32, #tpu.memory_space<vmem>>
        %dma_start3A_505 = tpu.memref_squeeze %dma_start3A_504 : memref<1x125xi32, #tpu.memory_space<vmem>> -> memref<125xi32, #tpu.memory_space<vmem>>
        %dma_start3A_506 = arith.constant 0 : i32
        %dma_start3A_507 = arith.constant 0 : i32
        %dma_start3A_508 = tpu.memref_slice %arg3[%dma_start3A_506, %dma_start3A_507] : memref<10240x16xf32, #tpu.memory_space<hbm>> -> memref<10240x16xf32, #tpu.memory_space<hbm>>
        tpu.enqueue_indirect_dma source(%dma_start3A_508 : memref<10240x16xf32, #tpu.memory_space<hbm>>) target(%dma_start3A_502 : memref<125x16xf32, #tpu.memory_space<vmem>>) offsets(%dma_start3A_505 : memref<125xi32, #tpu.memory_space<vmem>>) semaphore(%arg11 : memref<!tpu.dma_semaphore, #tpu.memory_space<semaphore_mem>>)
      } else {
      }
      %add3A_388 = arith.constant 7 : i32
      %add3A_389 = arith.addi %add3A_137, %add3A_388 : i32
      %dma_wait3A_390 = arith.constant 7 : i32
      %dma_wait3A_391 = arith.constant 0 : i32
      %dma_wait3A_392 = arith.constant 0 : i32
      %dma_wait3A_393 = tpu.memref_slice %arg7[%dma_wait3A_390, %dma_wait3A_391, %dma_wait3A_392] : memref<10x125x16xf32, #tpu.memory_space<vmem>> -> memref<1x125x16xf32, #tpu.memory_space<vmem>>
      %dma_wait3A_394 = tpu.memref_squeeze %dma_wait3A_393 : memref<1x125x16xf32, #tpu.memory_space<vmem>> -> memref<125x16xf32, #tpu.memory_space<vmem>>
      %dma_wait3A_395 = arith.constant 0 : i32
      %dma_wait3A_396 = tpu.memref_slice %arg5[%add3A_389, %dma_wait3A_395] : memref<80x125xi32, #tpu.memory_space<vmem>> -> memref<1x125xi32, #tpu.memory_space<vmem>>
      %dma_wait3A_397 = tpu.memref_squeeze %dma_wait3A_396 : memref<1x125xi32, #tpu.memory_space<vmem>> -> memref<125xi32, #tpu.memory_space<vmem>>
      %dma_wait3A_398 = arith.constant 0 : i32
      %dma_wait3A_399 = arith.constant 0 : i32
      %dma_wait3A_400 = tpu.memref_slice %arg3[%dma_wait3A_398, %dma_wait3A_399] : memref<10240x16xf32, #tpu.memory_space<hbm>> -> memref<10240x16xf32, #tpu.memory_space<hbm>>
      tpu.wait_indirect_dma semaphore(%arg17 : memref<!tpu.dma_semaphore, #tpu.memory_space<semaphore_mem>>) src(%dma_wait3A_400 : memref<10240x16xf32, #tpu.memory_space<hbm>>) dst(%dma_wait3A_394 : memref<125x16xf32, #tpu.memory_space<vmem>>)
      %dma_start3A_401 = arith.constant 7 : i32
      %dma_start3A_402 = arith.constant 0 : i32
      %dma_start3A_403 = arith.constant 0 : i32
      %dma_start3A_404 = tpu.memref_slice %arg7[%dma_start3A_401, %dma_start3A_402, %dma_start3A_403] : memref<10x125x16xf32, #tpu.memory_space<vmem>> -> memref<1x125x16xf32, #tpu.memory_space<vmem>>
      %dma_start3A_405 = tpu.memref_squeeze %dma_start3A_404 : memref<1x125x16xf32, #tpu.memory_space<vmem>> -> memref<125x16xf32, #tpu.memory_space<vmem>>
      %dma_start3A_406 = arith.constant 0 : i32
      %dma_start3A_407 = tpu.memref_slice %arg6[%add3A_389, %dma_start3A_406] : memref<80x125xi32, #tpu.memory_space<vmem>> -> memref<1x125xi32, #tpu.memory_space<vmem>>
      %dma_start3A_408 = tpu.memref_squeeze %dma_start3A_407 : memref<1x125xi32, #tpu.memory_space<vmem>> -> memref<125xi32, #tpu.memory_space<vmem>>
      %dma_start3A_409 = arith.constant 0 : i32
      %dma_start3A_410 = arith.constant 0 : i32
      %dma_start3A_411 = tpu.memref_slice %arg9[%dma_start3A_409, %dma_start3A_410] : memref<10240x16xf32, #tpu.memory_space<vmem_shared>> -> memref<10240x16xf32, #tpu.memory_space<vmem_shared>>
      tpu.enqueue_indirect_dma source(%dma_start3A_405 : memref<125x16xf32, #tpu.memory_space<vmem>>) target(%dma_start3A_411 : memref<10240x16xf32, #tpu.memory_space<vmem_shared>>) offsets(%dma_start3A_408 : memref<125xi32, #tpu.memory_space<vmem>>) semaphore(%arg27 : memref<!tpu.dma_semaphore, #tpu.memory_space<semaphore_mem>>) {add = true}
      %ge3A_412 = arith.constant 5 : i32
      %ge3A_413 = arith.cmpi sge, %add3A_389, %ge3A_412 : i32
      %convert_element_type3A_414 = arith.extui %ge3A_413 : i1 to i32
      %cond3A_415 = arith.constant 0 : i32
      %cond3A_416 = arith.cmpi ne, %convert_element_type3A_414, %cond3A_415 : i32
      scf.if %cond3A_416 {
        %sub3A = arith.constant 5 : i32
        %sub3A_496 = arith.subi %add3A_389, %sub3A : i32
        %dma_wait3A_497 = arith.constant 2 : i32
        %dma_wait3A_498 = arith.constant 0 : i32
        %dma_wait3A_499 = arith.constant 0 : i32
        %dma_wait3A_500 = tpu.memref_slice %arg7[%dma_wait3A_497, %dma_wait3A_498, %dma_wait3A_499] : memref<10x125x16xf32, #tpu.memory_space<vmem>> -> memref<1x125x16xf32, #tpu.memory_space<vmem>>
        %dma_wait3A_501 = tpu.memref_squeeze %dma_wait3A_500 : memref<1x125x16xf32, #tpu.memory_space<vmem>> -> memref<125x16xf32, #tpu.memory_space<vmem>>
        %dma_wait3A_502 = arith.constant 0 : i32
        %dma_wait3A_503 = tpu.memref_slice %arg6[%sub3A_496, %dma_wait3A_502] : memref<80x125xi32, #tpu.memory_space<vmem>> -> memref<1x125xi32, #tpu.memory_space<vmem>>
        %dma_wait3A_504 = tpu.memref_squeeze %dma_wait3A_503 : memref<1x125xi32, #tpu.memory_space<vmem>> -> memref<125xi32, #tpu.memory_space<vmem>>
        %dma_wait3A_505 = arith.constant 0 : i32
        %dma_wait3A_506 = arith.constant 0 : i32
        %dma_wait3A_507 = tpu.memref_slice %arg9[%dma_wait3A_505, %dma_wait3A_506] : memref<10240x16xf32, #tpu.memory_space<vmem_shared>> -> memref<10240x16xf32, #tpu.memory_space<vmem_shared>>
        tpu.wait_indirect_dma semaphore(%arg22 : memref<!tpu.dma_semaphore, #tpu.memory_space<semaphore_mem>>) src(%dma_wait3A_501 : memref<125x16xf32, #tpu.memory_space<vmem>>) dst(%dma_wait3A_507 : memref<10240x16xf32, #tpu.memory_space<vmem_shared>>)
      } else {
      }
      %add3A_417 = arith.constant 5 : i32
      %add3A_418 = arith.addi %add3A_389, %add3A_417 : i32
      %lt3A_419 = arith.constant 80 : i32
      %lt3A_420 = arith.cmpi slt, %add3A_418, %lt3A_419 : i32
      %convert_element_type3A_421 = arith.extui %lt3A_420 : i1 to i32
      %cond3A_422 = arith.constant 0 : i32
      %cond3A_423 = arith.cmpi ne, %convert_element_type3A_421, %cond3A_422 : i32
      scf.if %cond3A_423 {
        %add3A_496 = arith.constant 5 : i32
        %add3A_497 = arith.addi %add3A_389, %add3A_496 : i32
        %dma_start3A_498 = arith.constant 2 : i32
        %dma_start3A_499 = arith.constant 0 : i32
        %dma_start3A_500 = arith.constant 0 : i32
        %dma_start3A_501 = tpu.memref_slice %arg7[%dma_start3A_498, %dma_start3A_499, %dma_start3A_500] : memref<10x125x16xf32, #tpu.memory_space<vmem>> -> memref<1x125x16xf32, #tpu.memory_space<vmem>>
        %dma_start3A_502 = tpu.memref_squeeze %dma_start3A_501 : memref<1x125x16xf32, #tpu.memory_space<vmem>> -> memref<125x16xf32, #tpu.memory_space<vmem>>
        %dma_start3A_503 = arith.constant 0 : i32
        %dma_start3A_504 = tpu.memref_slice %arg5[%add3A_497, %dma_start3A_503] : memref<80x125xi32, #tpu.memory_space<vmem>> -> memref<1x125xi32, #tpu.memory_space<vmem>>
        %dma_start3A_505 = tpu.memref_squeeze %dma_start3A_504 : memref<1x125xi32, #tpu.memory_space<vmem>> -> memref<125xi32, #tpu.memory_space<vmem>>
        %dma_start3A_506 = arith.constant 0 : i32
        %dma_start3A_507 = arith.constant 0 : i32
        %dma_start3A_508 = tpu.memref_slice %arg3[%dma_start3A_506, %dma_start3A_507] : memref<10240x16xf32, #tpu.memory_space<hbm>> -> memref<10240x16xf32, #tpu.memory_space<hbm>>
        tpu.enqueue_indirect_dma source(%dma_start3A_508 : memref<10240x16xf32, #tpu.memory_space<hbm>>) target(%dma_start3A_502 : memref<125x16xf32, #tpu.memory_space<vmem>>) offsets(%dma_start3A_505 : memref<125xi32, #tpu.memory_space<vmem>>) semaphore(%arg12 : memref<!tpu.dma_semaphore, #tpu.memory_space<semaphore_mem>>)
      } else {
      }
      %add3A_424 = arith.constant 8 : i32
      %add3A_425 = arith.addi %add3A_137, %add3A_424 : i32
      %dma_wait3A_426 = arith.constant 8 : i32
      %dma_wait3A_427 = arith.constant 0 : i32
      %dma_wait3A_428 = arith.constant 0 : i32
      %dma_wait3A_429 = tpu.memref_slice %arg7[%dma_wait3A_426, %dma_wait3A_427, %dma_wait3A_428] : memref<10x125x16xf32, #tpu.memory_space<vmem>> -> memref<1x125x16xf32, #tpu.memory_space<vmem>>
      %dma_wait3A_430 = tpu.memref_squeeze %dma_wait3A_429 : memref<1x125x16xf32, #tpu.memory_space<vmem>> -> memref<125x16xf32, #tpu.memory_space<vmem>>
      %dma_wait3A_431 = arith.constant 0 : i32
      %dma_wait3A_432 = tpu.memref_slice %arg5[%add3A_425, %dma_wait3A_431] : memref<80x125xi32, #tpu.memory_space<vmem>> -> memref<1x125xi32, #tpu.memory_space<vmem>>
      %dma_wait3A_433 = tpu.memref_squeeze %dma_wait3A_432 : memref<1x125xi32, #tpu.memory_space<vmem>> -> memref<125xi32, #tpu.memory_space<vmem>>
      %dma_wait3A_434 = arith.constant 0 : i32
      %dma_wait3A_435 = arith.constant 0 : i32
      %dma_wait3A_436 = tpu.memref_slice %arg3[%dma_wait3A_434, %dma_wait3A_435] : memref<10240x16xf32, #tpu.memory_space<hbm>> -> memref<10240x16xf32, #tpu.memory_space<hbm>>
      tpu.wait_indirect_dma semaphore(%arg18 : memref<!tpu.dma_semaphore, #tpu.memory_space<semaphore_mem>>) src(%dma_wait3A_436 : memref<10240x16xf32, #tpu.memory_space<hbm>>) dst(%dma_wait3A_430 : memref<125x16xf32, #tpu.memory_space<vmem>>)
      %dma_start3A_437 = arith.constant 8 : i32
      %dma_start3A_438 = arith.constant 0 : i32
      %dma_start3A_439 = arith.constant 0 : i32
      %dma_start3A_440 = tpu.memref_slice %arg7[%dma_start3A_437, %dma_start3A_438, %dma_start3A_439] : memref<10x125x16xf32, #tpu.memory_space<vmem>> -> memref<1x125x16xf32, #tpu.memory_space<vmem>>
      %dma_start3A_441 = tpu.memref_squeeze %dma_start3A_440 : memref<1x125x16xf32, #tpu.memory_space<vmem>> -> memref<125x16xf32, #tpu.memory_space<vmem>>
      %dma_start3A_442 = arith.constant 0 : i32
      %dma_start3A_443 = tpu.memref_slice %arg6[%add3A_425, %dma_start3A_442] : memref<80x125xi32, #tpu.memory_space<vmem>> -> memref<1x125xi32, #tpu.memory_space<vmem>>
      %dma_start3A_444 = tpu.memref_squeeze %dma_start3A_443 : memref<1x125xi32, #tpu.memory_space<vmem>> -> memref<125xi32, #tpu.memory_space<vmem>>
      %dma_start3A_445 = arith.constant 0 : i32
      %dma_start3A_446 = arith.constant 0 : i32
      %dma_start3A_447 = tpu.memref_slice %arg9[%dma_start3A_445, %dma_start3A_446] : memref<10240x16xf32, #tpu.memory_space<vmem_shared>> -> memref<10240x16xf32, #tpu.memory_space<vmem_shared>>
      tpu.enqueue_indirect_dma source(%dma_start3A_441 : memref<125x16xf32, #tpu.memory_space<vmem>>) target(%dma_start3A_447 : memref<10240x16xf32, #tpu.memory_space<vmem_shared>>) offsets(%dma_start3A_444 : memref<125xi32, #tpu.memory_space<vmem>>) semaphore(%arg28 : memref<!tpu.dma_semaphore, #tpu.memory_space<semaphore_mem>>) {add = true}
      %ge3A_448 = arith.constant 5 : i32
      %ge3A_449 = arith.cmpi sge, %add3A_425, %ge3A_448 : i32
      %convert_element_type3A_450 = arith.extui %ge3A_449 : i1 to i32
      %cond3A_451 = arith.constant 0 : i32
      %cond3A_452 = arith.cmpi ne, %convert_element_type3A_450, %cond3A_451 : i32
      scf.if %cond3A_452 {
        %sub3A = arith.constant 5 : i32
        %sub3A_496 = arith.subi %add3A_425, %sub3A : i32
        %dma_wait3A_497 = arith.constant 3 : i32
        %dma_wait3A_498 = arith.constant 0 : i32
        %dma_wait3A_499 = arith.constant 0 : i32
        %dma_wait3A_500 = tpu.memref_slice %arg7[%dma_wait3A_497, %dma_wait3A_498, %dma_wait3A_499] : memref<10x125x16xf32, #tpu.memory_space<vmem>> -> memref<1x125x16xf32, #tpu.memory_space<vmem>>
        %dma_wait3A_501 = tpu.memref_squeeze %dma_wait3A_500 : memref<1x125x16xf32, #tpu.memory_space<vmem>> -> memref<125x16xf32, #tpu.memory_space<vmem>>
        %dma_wait3A_502 = arith.constant 0 : i32
        %dma_wait3A_503 = tpu.memref_slice %arg6[%sub3A_496, %dma_wait3A_502] : memref<80x125xi32, #tpu.memory_space<vmem>> -> memref<1x125xi32, #tpu.memory_space<vmem>>
        %dma_wait3A_504 = tpu.memref_squeeze %dma_wait3A_503 : memref<1x125xi32, #tpu.memory_space<vmem>> -> memref<125xi32, #tpu.memory_space<vmem>>
        %dma_wait3A_505 = arith.constant 0 : i32
        %dma_wait3A_506 = arith.constant 0 : i32
        %dma_wait3A_507 = tpu.memref_slice %arg9[%dma_wait3A_505, %dma_wait3A_506] : memref<10240x16xf32, #tpu.memory_space<vmem_shared>> -> memref<10240x16xf32, #tpu.memory_space<vmem_shared>>
        tpu.wait_indirect_dma semaphore(%arg23 : memref<!tpu.dma_semaphore, #tpu.memory_space<semaphore_mem>>) src(%dma_wait3A_501 : memref<125x16xf32, #tpu.memory_space<vmem>>) dst(%dma_wait3A_507 : memref<10240x16xf32, #tpu.memory_space<vmem_shared>>)
      } else {
      }
      %add3A_453 = arith.constant 5 : i32
      %add3A_454 = arith.addi %add3A_425, %add3A_453 : i32
      %lt3A_455 = arith.constant 80 : i32
      %lt3A_456 = arith.cmpi slt, %add3A_454, %lt3A_455 : i32
      %convert_element_type3A_457 = arith.extui %lt3A_456 : i1 to i32
      %cond3A_458 = arith.constant 0 : i32
      %cond3A_459 = arith.cmpi ne, %convert_element_type3A_457, %cond3A_458 : i32
      scf.if %cond3A_459 {
        %add3A_496 = arith.constant 5 : i32
        %add3A_497 = arith.addi %add3A_425, %add3A_496 : i32
        %dma_start3A_498 = arith.constant 3 : i32
        %dma_start3A_499 = arith.constant 0 : i32
        %dma_start3A_500 = arith.constant 0 : i32
        %dma_start3A_501 = tpu.memref_slice %arg7[%dma_start3A_498, %dma_start3A_499, %dma_start3A_500] : memref<10x125x16xf32, #tpu.memory_space<vmem>> -> memref<1x125x16xf32, #tpu.memory_space<vmem>>
        %dma_start3A_502 = tpu.memref_squeeze %dma_start3A_501 : memref<1x125x16xf32, #tpu.memory_space<vmem>> -> memref<125x16xf32, #tpu.memory_space<vmem>>
        %dma_start3A_503 = arith.constant 0 : i32
        %dma_start3A_504 = tpu.memref_slice %arg5[%add3A_497, %dma_start3A_503] : memref<80x125xi32, #tpu.memory_space<vmem>> -> memref<1x125xi32, #tpu.memory_space<vmem>>
        %dma_start3A_505 = tpu.memref_squeeze %dma_start3A_504 : memref<1x125xi32, #tpu.memory_space<vmem>> -> memref<125xi32, #tpu.memory_space<vmem>>
        %dma_start3A_506 = arith.constant 0 : i32
        %dma_start3A_507 = arith.constant 0 : i32
        %dma_start3A_508 = tpu.memref_slice %arg3[%dma_start3A_506, %dma_start3A_507] : memref<10240x16xf32, #tpu.memory_space<hbm>> -> memref<10240x16xf32, #tpu.memory_space<hbm>>
        tpu.enqueue_indirect_dma source(%dma_start3A_508 : memref<10240x16xf32, #tpu.memory_space<hbm>>) target(%dma_start3A_502 : memref<125x16xf32, #tpu.memory_space<vmem>>) offsets(%dma_start3A_505 : memref<125xi32, #tpu.memory_space<vmem>>) semaphore(%arg13 : memref<!tpu.dma_semaphore, #tpu.memory_space<semaphore_mem>>)
      } else {
      }
      %add3A_460 = arith.constant 9 : i32
      %add3A_461 = arith.addi %add3A_137, %add3A_460 : i32
      %dma_wait3A_462 = arith.constant 9 : i32
      %dma_wait3A_463 = arith.constant 0 : i32
      %dma_wait3A_464 = arith.constant 0 : i32
      %dma_wait3A_465 = tpu.memref_slice %arg7[%dma_wait3A_462, %dma_wait3A_463, %dma_wait3A_464] : memref<10x125x16xf32, #tpu.memory_space<vmem>> -> memref<1x125x16xf32, #tpu.memory_space<vmem>>
      %dma_wait3A_466 = tpu.memref_squeeze %dma_wait3A_465 : memref<1x125x16xf32, #tpu.memory_space<vmem>> -> memref<125x16xf32, #tpu.memory_space<vmem>>
      %dma_wait3A_467 = arith.constant 0 : i32
      %dma_wait3A_468 = tpu.memref_slice %arg5[%add3A_461, %dma_wait3A_467] : memref<80x125xi32, #tpu.memory_space<vmem>> -> memref<1x125xi32, #tpu.memory_space<vmem>>
      %dma_wait3A_469 = tpu.memref_squeeze %dma_wait3A_468 : memref<1x125xi32, #tpu.memory_space<vmem>> -> memref<125xi32, #tpu.memory_space<vmem>>
      %dma_wait3A_470 = arith.constant 0 : i32
      %dma_wait3A_471 = arith.constant 0 : i32
      %dma_wait3A_472 = tpu.memref_slice %arg3[%dma_wait3A_470, %dma_wait3A_471] : memref<10240x16xf32, #tpu.memory_space<hbm>> -> memref<10240x16xf32, #tpu.memory_space<hbm>>
      tpu.wait_indirect_dma semaphore(%arg19 : memref<!tpu.dma_semaphore, #tpu.memory_space<semaphore_mem>>) src(%dma_wait3A_472 : memref<10240x16xf32, #tpu.memory_space<hbm>>) dst(%dma_wait3A_466 : memref<125x16xf32, #tpu.memory_space<vmem>>)
      %dma_start3A_473 = arith.constant 9 : i32
      %dma_start3A_474 = arith.constant 0 : i32
      %dma_start3A_475 = arith.constant 0 : i32
      %dma_start3A_476 = tpu.memref_slice %arg7[%dma_start3A_473, %dma_start3A_474, %dma_start3A_475] : memref<10x125x16xf32, #tpu.memory_space<vmem>> -> memref<1x125x16xf32, #tpu.memory_space<vmem>>
      %dma_start3A_477 = tpu.memref_squeeze %dma_start3A_476 : memref<1x125x16xf32, #tpu.memory_space<vmem>> -> memref<125x16xf32, #tpu.memory_space<vmem>>
      %dma_start3A_478 = arith.constant 0 : i32
      %dma_start3A_479 = tpu.memref_slice %arg6[%add3A_461, %dma_start3A_478] : memref<80x125xi32, #tpu.memory_space<vmem>> -> memref<1x125xi32, #tpu.memory_space<vmem>>
      %dma_start3A_480 = tpu.memref_squeeze %dma_start3A_479 : memref<1x125xi32, #tpu.memory_space<vmem>> -> memref<125xi32, #tpu.memory_space<vmem>>
      %dma_start3A_481 = arith.constant 0 : i32
      %dma_start3A_482 = arith.constant 0 : i32
      %dma_start3A_483 = tpu.memref_slice %arg9[%dma_start3A_481, %dma_start3A_482] : memref<10240x16xf32, #tpu.memory_space<vmem_shared>> -> memref<10240x16xf32, #tpu.memory_space<vmem_shared>>
      tpu.enqueue_indirect_dma source(%dma_start3A_477 : memref<125x16xf32, #tpu.memory_space<vmem>>) target(%dma_start3A_483 : memref<10240x16xf32, #tpu.memory_space<vmem_shared>>) offsets(%dma_start3A_480 : memref<125xi32, #tpu.memory_space<vmem>>) semaphore(%arg29 : memref<!tpu.dma_semaphore, #tpu.memory_space<semaphore_mem>>) {add = true}
      %ge3A_484 = arith.constant 5 : i32
      %ge3A_485 = arith.cmpi sge, %add3A_461, %ge3A_484 : i32
      %convert_element_type3A_486 = arith.extui %ge3A_485 : i1 to i32
      %cond3A_487 = arith.constant 0 : i32
      %cond3A_488 = arith.cmpi ne, %convert_element_type3A_486, %cond3A_487 : i32
      scf.if %cond3A_488 {
        %sub3A = arith.constant 5 : i32
        %sub3A_496 = arith.subi %add3A_461, %sub3A : i32
        %dma_wait3A_497 = arith.constant 4 : i32
        %dma_wait3A_498 = arith.constant 0 : i32
        %dma_wait3A_499 = arith.constant 0 : i32
        %dma_wait3A_500 = tpu.memref_slice %arg7[%dma_wait3A_497, %dma_wait3A_498, %dma_wait3A_499] : memref<10x125x16xf32, #tpu.memory_space<vmem>> -> memref<1x125x16xf32, #tpu.memory_space<vmem>>
        %dma_wait3A_501 = tpu.memref_squeeze %dma_wait3A_500 : memref<1x125x16xf32, #tpu.memory_space<vmem>> -> memref<125x16xf32, #tpu.memory_space<vmem>>
        %dma_wait3A_502 = arith.constant 0 : i32
        %dma_wait3A_503 = tpu.memref_slice %arg6[%sub3A_496, %dma_wait3A_502] : memref<80x125xi32, #tpu.memory_space<vmem>> -> memref<1x125xi32, #tpu.memory_space<vmem>>
        %dma_wait3A_504 = tpu.memref_squeeze %dma_wait3A_503 : memref<1x125xi32, #tpu.memory_space<vmem>> -> memref<125xi32, #tpu.memory_space<vmem>>
        %dma_wait3A_505 = arith.constant 0 : i32
        %dma_wait3A_506 = arith.constant 0 : i32
        %dma_wait3A_507 = tpu.memref_slice %arg9[%dma_wait3A_505, %dma_wait3A_506] : memref<10240x16xf32, #tpu.memory_space<vmem_shared>> -> memref<10240x16xf32, #tpu.memory_space<vmem_shared>>
        tpu.wait_indirect_dma semaphore(%arg24 : memref<!tpu.dma_semaphore, #tpu.memory_space<semaphore_mem>>) src(%dma_wait3A_501 : memref<125x16xf32, #tpu.memory_space<vmem>>) dst(%dma_wait3A_507 : memref<10240x16xf32, #tpu.memory_space<vmem_shared>>)
      } else {
      }
      %add3A_489 = arith.constant 5 : i32
      %add3A_490 = arith.addi %add3A_461, %add3A_489 : i32
      %lt3A_491 = arith.constant 80 : i32
      %lt3A_492 = arith.cmpi slt, %add3A_490, %lt3A_491 : i32
      %convert_element_type3A_493 = arith.extui %lt3A_492 : i1 to i32
      %cond3A_494 = arith.constant 0 : i32
      %cond3A_495 = arith.cmpi ne, %convert_element_type3A_493, %cond3A_494 : i32
      scf.if %cond3A_495 {
        %add3A_496 = arith.constant 5 : i32
        %add3A_497 = arith.addi %add3A_461, %add3A_496 : i32
        %dma_start3A_498 = arith.constant 4 : i32
        %dma_start3A_499 = arith.constant 0 : i32
        %dma_start3A_500 = arith.constant 0 : i32
        %dma_start3A_501 = tpu.memref_slice %arg7[%dma_start3A_498, %dma_start3A_499, %dma_start3A_500] : memref<10x125x16xf32, #tpu.memory_space<vmem>> -> memref<1x125x16xf32, #tpu.memory_space<vmem>>
        %dma_start3A_502 = tpu.memref_squeeze %dma_start3A_501 : memref<1x125x16xf32, #tpu.memory_space<vmem>> -> memref<125x16xf32, #tpu.memory_space<vmem>>
        %dma_start3A_503 = arith.constant 0 : i32
        %dma_start3A_504 = tpu.memref_slice %arg5[%add3A_497, %dma_start3A_503] : memref<80x125xi32, #tpu.memory_space<vmem>> -> memref<1x125xi32, #tpu.memory_space<vmem>>
        %dma_start3A_505 = tpu.memref_squeeze %dma_start3A_504 : memref<1x125xi32, #tpu.memory_space<vmem>> -> memref<125xi32, #tpu.memory_space<vmem>>
        %dma_start3A_506 = arith.constant 0 : i32
        %dma_start3A_507 = arith.constant 0 : i32
        %dma_start3A_508 = tpu.memref_slice %arg3[%dma_start3A_506, %dma_start3A_507] : memref<10240x16xf32, #tpu.memory_space<hbm>> -> memref<10240x16xf32, #tpu.memory_space<hbm>>
        tpu.enqueue_indirect_dma source(%dma_start3A_508 : memref<10240x16xf32, #tpu.memory_space<hbm>>) target(%dma_start3A_502 : memref<125x16xf32, #tpu.memory_space<vmem>>) offsets(%dma_start3A_505 : memref<125xi32, #tpu.memory_space<vmem>>) semaphore(%arg14 : memref<!tpu.dma_semaphore, #tpu.memory_space<semaphore_mem>>)
      } else {
      }
    }
    %scan3A_72 = arith.constant 8 : i32
    %dma_wait3A = arith.constant 5 : i32
    %dma_wait3A_73 = arith.constant 75 : i32
    %dma_wait3A_74 = arith.constant 0 : i32
    %dma_wait3A_75 = arith.constant 0 : i32
    %dma_wait3A_76 = tpu.memref_slice %arg7[%dma_wait3A, %dma_wait3A_74, %dma_wait3A_75] : memref<10x125x16xf32, #tpu.memory_space<vmem>> -> memref<1x125x16xf32, #tpu.memory_space<vmem>>
    %dma_wait3A_77 = tpu.memref_squeeze %dma_wait3A_76 : memref<1x125x16xf32, #tpu.memory_space<vmem>> -> memref<125x16xf32, #tpu.memory_space<vmem>>
    %dma_wait3A_78 = arith.constant 0 : i32
    %dma_wait3A_79 = tpu.memref_slice %arg6[%dma_wait3A_73, %dma_wait3A_78] : memref<80x125xi32, #tpu.memory_space<vmem>> -> memref<1x125xi32, #tpu.memory_space<vmem>>
    %dma_wait3A_80 = tpu.memref_squeeze %dma_wait3A_79 : memref<1x125xi32, #tpu.memory_space<vmem>> -> memref<125xi32, #tpu.memory_space<vmem>>
    %dma_wait3A_81 = arith.constant 0 : i32
    %dma_wait3A_82 = arith.constant 0 : i32
    %dma_wait3A_83 = tpu.memref_slice %arg9[%dma_wait3A_81, %dma_wait3A_82] : memref<10240x16xf32, #tpu.memory_space<vmem_shared>> -> memref<10240x16xf32, #tpu.memory_space<vmem_shared>>
    tpu.wait_indirect_dma semaphore(%arg25 : memref<!tpu.dma_semaphore, #tpu.memory_space<semaphore_mem>>) src(%dma_wait3A_77 : memref<125x16xf32, #tpu.memory_space<vmem>>) dst(%dma_wait3A_83 : memref<10240x16xf32, #tpu.memory_space<vmem_shared>>)
    %dma_wait3A_84 = arith.constant 6 : i32
    %dma_wait3A_85 = arith.constant 76 : i32
    %dma_wait3A_86 = arith.constant 0 : i32
    %dma_wait3A_87 = arith.constant 0 : i32
    %dma_wait3A_88 = tpu.memref_slice %arg7[%dma_wait3A_84, %dma_wait3A_86, %dma_wait3A_87] : memref<10x125x16xf32, #tpu.memory_space<vmem>> -> memref<1x125x16xf32, #tpu.memory_space<vmem>>
    %dma_wait3A_89 = tpu.memref_squeeze %dma_wait3A_88 : memref<1x125x16xf32, #tpu.memory_space<vmem>> -> memref<125x16xf32, #tpu.memory_space<vmem>>
    %dma_wait3A_90 = arith.constant 0 : i32
    %dma_wait3A_91 = tpu.memref_slice %arg6[%dma_wait3A_85, %dma_wait3A_90] : memref<80x125xi32, #tpu.memory_space<vmem>> -> memref<1x125xi32, #tpu.memory_space<vmem>>
    %dma_wait3A_92 = tpu.memref_squeeze %dma_wait3A_91 : memref<1x125xi32, #tpu.memory_space<vmem>> -> memref<125xi32, #tpu.memory_space<vmem>>
    %dma_wait3A_93 = arith.constant 0 : i32
    %dma_wait3A_94 = arith.constant 0 : i32
    %dma_wait3A_95 = tpu.memref_slice %arg9[%dma_wait3A_93, %dma_wait3A_94] : memref<10240x16xf32, #tpu.memory_space<vmem_shared>> -> memref<10240x16xf32, #tpu.memory_space<vmem_shared>>
    tpu.wait_indirect_dma semaphore(%arg26 : memref<!tpu.dma_semaphore, #tpu.memory_space<semaphore_mem>>) src(%dma_wait3A_89 : memref<125x16xf32, #tpu.memory_space<vmem>>) dst(%dma_wait3A_95 : memref<10240x16xf32, #tpu.memory_space<vmem_shared>>)
    %dma_wait3A_96 = arith.constant 7 : i32
    %dma_wait3A_97 = arith.constant 77 : i32
    %dma_wait3A_98 = arith.constant 0 : i32
    %dma_wait3A_99 = arith.constant 0 : i32
    %dma_wait3A_100 = tpu.memref_slice %arg7[%dma_wait3A_96, %dma_wait3A_98, %dma_wait3A_99] : memref<10x125x16xf32, #tpu.memory_space<vmem>> -> memref<1x125x16xf32, #tpu.memory_space<vmem>>
    %dma_wait3A_101 = tpu.memref_squeeze %dma_wait3A_100 : memref<1x125x16xf32, #tpu.memory_space<vmem>> -> memref<125x16xf32, #tpu.memory_space<vmem>>
    %dma_wait3A_102 = arith.constant 0 : i32
    %dma_wait3A_103 = tpu.memref_slice %arg6[%dma_wait3A_97, %dma_wait3A_102] : memref<80x125xi32, #tpu.memory_space<vmem>> -> memref<1x125xi32, #tpu.memory_space<vmem>>
    %dma_wait3A_104 = tpu.memref_squeeze %dma_wait3A_103 : memref<1x125xi32, #tpu.memory_space<vmem>> -> memref<125xi32, #tpu.memory_space<vmem>>
    %dma_wait3A_105 = arith.constant 0 : i32
    %dma_wait3A_106 = arith.constant 0 : i32
    %dma_wait3A_107 = tpu.memref_slice %arg9[%dma_wait3A_105, %dma_wait3A_106] : memref<10240x16xf32, #tpu.memory_space<vmem_shared>> -> memref<10240x16xf32, #tpu.memory_space<vmem_shared>>
    tpu.wait_indirect_dma semaphore(%arg27 : memref<!tpu.dma_semaphore, #tpu.memory_space<semaphore_mem>>) src(%dma_wait3A_101 : memref<125x16xf32, #tpu.memory_space<vmem>>) dst(%dma_wait3A_107 : memref<10240x16xf32, #tpu.memory_space<vmem_shared>>)
    %dma_wait3A_108 = arith.constant 8 : i32
    %dma_wait3A_109 = arith.constant 78 : i32
    %dma_wait3A_110 = arith.constant 0 : i32
    %dma_wait3A_111 = arith.constant 0 : i32
    %dma_wait3A_112 = tpu.memref_slice %arg7[%dma_wait3A_108, %dma_wait3A_110, %dma_wait3A_111] : memref<10x125x16xf32, #tpu.memory_space<vmem>> -> memref<1x125x16xf32, #tpu.memory_space<vmem>>
    %dma_wait3A_113 = tpu.memref_squeeze %dma_wait3A_112 : memref<1x125x16xf32, #tpu.memory_space<vmem>> -> memref<125x16xf32, #tpu.memory_space<vmem>>
    %dma_wait3A_114 = arith.constant 0 : i32
    %dma_wait3A_115 = tpu.memref_slice %arg6[%dma_wait3A_109, %dma_wait3A_114] : memref<80x125xi32, #tpu.memory_space<vmem>> -> memref<1x125xi32, #tpu.memory_space<vmem>>
    %dma_wait3A_116 = tpu.memref_squeeze %dma_wait3A_115 : memref<1x125xi32, #tpu.memory_space<vmem>> -> memref<125xi32, #tpu.memory_space<vmem>>
    %dma_wait3A_117 = arith.constant 0 : i32
    %dma_wait3A_118 = arith.constant 0 : i32
    %dma_wait3A_119 = tpu.memref_slice %arg9[%dma_wait3A_117, %dma_wait3A_118] : memref<10240x16xf32, #tpu.memory_space<vmem_shared>> -> memref<10240x16xf32, #tpu.memory_space<vmem_shared>>
    tpu.wait_indirect_dma semaphore(%arg28 : memref<!tpu.dma_semaphore, #tpu.memory_space<semaphore_mem>>) src(%dma_wait3A_113 : memref<125x16xf32, #tpu.memory_space<vmem>>) dst(%dma_wait3A_119 : memref<10240x16xf32, #tpu.memory_space<vmem_shared>>)
    %dma_wait3A_120 = arith.constant 9 : i32
    %dma_wait3A_121 = arith.constant 79 : i32
    %dma_wait3A_122 = arith.constant 0 : i32
    %dma_wait3A_123 = arith.constant 0 : i32
    %dma_wait3A_124 = tpu.memref_slice %arg7[%dma_wait3A_120, %dma_wait3A_122, %dma_wait3A_123] : memref<10x125x16xf32, #tpu.memory_space<vmem>> -> memref<1x125x16xf32, #tpu.memory_space<vmem>>
    %dma_wait3A_125 = tpu.memref_squeeze %dma_wait3A_124 : memref<1x125x16xf32, #tpu.memory_space<vmem>> -> memref<125x16xf32, #tpu.memory_space<vmem>>
    %dma_wait3A_126 = arith.constant 0 : i32
    %dma_wait3A_127 = tpu.memref_slice %arg6[%dma_wait3A_121, %dma_wait3A_126] : memref<80x125xi32, #tpu.memory_space<vmem>> -> memref<1x125xi32, #tpu.memory_space<vmem>>
    %dma_wait3A_128 = tpu.memref_squeeze %dma_wait3A_127 : memref<1x125xi32, #tpu.memory_space<vmem>> -> memref<125xi32, #tpu.memory_space<vmem>>
    %dma_wait3A_129 = arith.constant 0 : i32
    %dma_wait3A_130 = arith.constant 0 : i32
    %dma_wait3A_131 = tpu.memref_slice %arg9[%dma_wait3A_129, %dma_wait3A_130] : memref<10240x16xf32, #tpu.memory_space<vmem_shared>> -> memref<10240x16xf32, #tpu.memory_space<vmem_shared>>
    tpu.wait_indirect_dma semaphore(%arg29 : memref<!tpu.dma_semaphore, #tpu.memory_space<semaphore_mem>>) src(%dma_wait3A_125 : memref<125x16xf32, #tpu.memory_space<vmem>>) dst(%dma_wait3A_131 : memref<10240x16xf32, #tpu.memory_space<vmem_shared>>)
    %barrier3A_132 = arith.constant 0 : index
    tpu.barrier barrier_id(%barrier3A_132)
    "tpu.region"() ({
      %run_scoped3A_133 = tpu.sem_alloc : memref<!tpu.dma_semaphore, #tpu.memory_space<semaphore_mem>>
      %dma_start3A_134 = arith.constant 0 : i32
      %dma_start3A_135 = tpu.memref_slice %arg4[%arg0, %mul3A_2, %dma_start3A_134] : memref<2x10240x16xf32, #tpu.memory_space<hbm>> -> memref<1x640x16xf32, #tpu.memory_space<hbm>>
      %dma_start3A_136 = tpu.memref_squeeze %dma_start3A_135 : memref<1x640x16xf32, #tpu.memory_space<hbm>> -> memref<640x16xf32, #tpu.memory_space<hbm>>
      %dma_start3A_137 = arith.constant 0 : i32
      %dma_start3A_138 = tpu.memref_slice %arg9[%mul3A_2, %dma_start3A_137] : memref<10240x16xf32, #tpu.memory_space<vmem_shared>> -> memref<640x16xf32, #tpu.memory_space<vmem_shared>>
      tpu.enqueue_dma source(%dma_start3A_138 : memref<640x16xf32, #tpu.memory_space<vmem_shared>>) target(%dma_start3A_136 : memref<640x16xf32, #tpu.memory_space<hbm>>) target_semaphore(%run_scoped3A_133 : memref<!tpu.dma_semaphore, #tpu.memory_space<semaphore_mem>>)
      %dma_wait3A_139 = arith.constant 0 : i32
      %dma_wait3A_140 = tpu.memref_slice %arg4[%arg0, %mul3A_2, %dma_wait3A_139] : memref<2x10240x16xf32, #tpu.memory_space<hbm>> -> memref<1x640x16xf32, #tpu.memory_space<hbm>>
      %dma_wait3A_141 = tpu.memref_squeeze %dma_wait3A_140 : memref<1x640x16xf32, #tpu.memory_space<hbm>> -> memref<640x16xf32, #tpu.memory_space<hbm>>
      %dma_wait3A_142 = arith.constant 0 : i32
      %dma_wait3A_143 = tpu.memref_slice %arg9[%mul3A_2, %dma_wait3A_142] : memref<10240x16xf32, #tpu.memory_space<vmem_shared>> -> memref<640x16xf32, #tpu.memory_space<vmem_shared>>
      tpu.wait_dma2 semaphore(%run_scoped3A_133 : memref<!tpu.dma_semaphore, #tpu.memory_space<semaphore_mem>>) src(%dma_wait3A_143 : memref<640x16xf32, #tpu.memory_space<vmem_shared>>) dst(%dma_wait3A_141 : memref<640x16xf32, #tpu.memory_space<hbm>>)
      tpu.yield
    }) : () -> ()
    return
  }
}

module attributes {stable_mosaic.version = 14 : i64} {
  func.func @body(%arg0: memref<10000x128xf32, #tpu.memory_space<vmem>>, %arg1: memref<128x16xf32, #tpu.memory_space<vmem>>, %arg2: memref<2x10240xf32, #tpu.memory_space<vmem>>, %arg3: memref<10240x16xf32, #tpu.memory_space<vmem>>) attributes {dimension_semantics = [], scalar_prefetch = 0 : i64, scratch_operands = 0 : i64, tpu.core_type = #tpu.core_type<tc>} {
    %get3A = arith.constant 0 : index
    %get3A_0 = arith.constant 0 : index
    %get3A_1 = vector.load %arg0[%get3A, %get3A_0] : memref<10000x128xf32, #tpu.memory_space<vmem>>, vector<10000x128xf32>
    %get3A_2 = arith.constant 0 : index
    %get3A_3 = arith.constant 0 : index
    %get3A_4 = vector.load %arg1[%get3A_2, %get3A_3] : memref<128x16xf32, #tpu.memory_space<vmem>>, vector<128x16xf32>
    %dot_general3A = arith.constant dense<0.000000e+00> : vector<10000x16xf32>
    %dot_general3A_5 = tpu.matmul %get3A_1, %get3A_4, %dot_general3A {dimension_numbers = #tpu.dot_dimension_numbers<[1], [0], [0], [1], [0, 0, 1, 1], [], []>, transpose_lhs_hint = false} : vector<10000x128xf32>, vector<128x16xf32>, vector<10000x16xf32> -> vector<10000x16xf32>
    %get3A_6 = arith.constant 0 : index
    %get3A_7 = arith.constant 0 : index
    %get3A_8 = vector.load %arg2[%get3A_6, %get3A_7] : memref<2x10240xf32, #tpu.memory_space<vmem>>, vector<1x10000xf32>
    %get3A_9 = vector.shape_cast %get3A_8 : vector<1x10000xf32> to vector<10000xf32>
    %get3A_10 = arith.constant 1 : index
    %get3A_11 = arith.constant 0 : index
    %get3A_12 = vector.load %arg2[%get3A_10, %get3A_11] : memref<2x10240xf32, #tpu.memory_space<vmem>>, vector<1x10000xf32>
    %get3A_13 = vector.shape_cast %get3A_12 : vector<1x10000xf32> to vector<10000xf32>
    %add3A = arith.addf %get3A_9, %get3A_13 : vector<10000xf32>
    %add3A_14 = arith.constant 1.000000e+00 : f32
    %add3A_15 = vector.broadcast %add3A_14 : f32 to vector<10000xf32>
    %add3A_16 = arith.addf %add3A, %add3A_15 : vector<10000xf32>
    %max3A = arith.constant 1.000000e+00 : f32
    %max3A_17 = vector.broadcast %max3A : f32 to vector<10000xf32>
    %max3A_18 = arith.maximumf %add3A_16, %max3A_17 : vector<10000xf32>
    %rsqrt3A = math.rsqrt %max3A_18 : vector<10000xf32>
    %broadcast_in_dim3A = vector.shape_cast %rsqrt3A : vector<10000xf32> to vector<10000x1xf32>
    %mul3A = vector.broadcast %broadcast_in_dim3A : vector<10000x1xf32> to vector<10000x16xf32>
    %mul3A_19 = arith.mulf %mul3A, %dot_general3A_5 : vector<10000x16xf32>
    %swap3A = arith.constant 0 : index
    %swap3A_20 = arith.constant 0 : index
    %swap3A_21 = vector.load %arg3[%swap3A, %swap3A_20] : memref<10240x16xf32, #tpu.memory_space<vmem>>, vector<10000x16xf32>
    tpu.vector_store %arg3[%swap3A, %swap3A_20], %mul3A_19 {strides = array<i32>} : memref<10240x16xf32, #tpu.memory_space<vmem>>, vector<10000x16xf32>,
    %broadcast_in_dim3A_22 = arith.constant 0.000000e+00 : f32
    %broadcast_in_dim3A_23 = vector.broadcast %broadcast_in_dim3A_22 : f32 to vector<240x16xf32>
    %swap3A_24 = arith.constant 10000 : index
    %swap3A_25 = arith.constant 0 : index
    %swap3A_26 = vector.load %arg3[%swap3A_24, %swap3A_25] : memref<10240x16xf32, #tpu.memory_space<vmem>>, vector<240x16xf32>
    tpu.vector_store %arg3[%swap3A_24, %swap3A_25], %broadcast_in_dim3A_23 {strides = array<i32>} : memref<10240x16xf32, #tpu.memory_space<vmem>>, vector<240x16xf32>,
    return
  }
}

module attributes {stable_mosaic.version = 14 : i64} {
  func.func @body(%arg0: memref<2x1280x128xf32, #tpu.memory_space<vmem>>, %arg1: memref<2x1280x128xf32, #tpu.memory_space<vmem>>, %arg2: memref<1x128xf32, #tpu.memory_space<vmem>>, %arg3: memref<128x128xf32, #tpu.memory_space<vmem>>, %arg4: memref<1280x128xf32, #tpu.memory_space<vmem>>) attributes {dimension_semantics = [], scalar_prefetch = 0 : i64, scratch_operands = 0 : i64, tpu.core_type = #tpu.core_type<tc>} {
    %get3A = arith.constant 0 : index
    %get3A_0 = arith.constant 0 : index
    %get3A_1 = arith.constant 0 : index
    %get3A_2 = vector.load %arg1[%get3A, %get3A_0, %get3A_1] : memref<2x1280x128xf32, #tpu.memory_space<vmem>>, vector<1x1280x128xf32>
    %get3A_3 = vector.shape_cast %get3A_2 : vector<1x1280x128xf32> to vector<1280x128xf32>
    %get3A_4 = arith.constant 1 : index
    %get3A_5 = arith.constant 0 : index
    %get3A_6 = arith.constant 0 : index
    %get3A_7 = vector.load %arg1[%get3A_4, %get3A_5, %get3A_6] : memref<2x1280x128xf32, #tpu.memory_space<vmem>>, vector<1x1280x128xf32>
    %get3A_8 = vector.shape_cast %get3A_7 : vector<1x1280x128xf32> to vector<1280x128xf32>
    %add3A = arith.addf %get3A_3, %get3A_8 : vector<1280x128xf32>
    %add3A_9 = arith.constant 1.000000e+00 : f32
    %add3A_10 = vector.broadcast %add3A_9 : f32 to vector<1280x128xf32>
    %add3A_11 = arith.addf %add3A, %add3A_10 : vector<1280x128xf32>
    %max3A = arith.constant 1.000000e+00 : f32
    %max3A_12 = vector.broadcast %max3A : f32 to vector<1280x128xf32>
    %max3A_13 = arith.maximumf %add3A_11, %max3A_12 : vector<1280x128xf32>
    %rsqrt3A = math.rsqrt %max3A_13 : vector<1280x128xf32>
    %get3A_14 = arith.constant 0 : index
    %get3A_15 = arith.constant 0 : index
    %get3A_16 = arith.constant 0 : index
    %get3A_17 = vector.load %arg0[%get3A_14, %get3A_15, %get3A_16] : memref<2x1280x128xf32, #tpu.memory_space<vmem>>, vector<1x1280x128xf32>
    %get3A_18 = vector.shape_cast %get3A_17 : vector<1x1280x128xf32> to vector<1280x128xf32>
    %get3A_19 = arith.constant 1 : index
    %get3A_20 = arith.constant 0 : index
    %get3A_21 = arith.constant 0 : index
    %get3A_22 = vector.load %arg0[%get3A_19, %get3A_20, %get3A_21] : memref<2x1280x128xf32, #tpu.memory_space<vmem>>, vector<1x1280x128xf32>
    %get3A_23 = vector.shape_cast %get3A_22 : vector<1x1280x128xf32> to vector<1280x128xf32>
    %add3A_24 = arith.addf %get3A_18, %get3A_23 : vector<1280x128xf32>
    %mul3A = arith.mulf %rsqrt3A, %add3A_24 : vector<1280x128xf32>
    %get3A_25 = arith.constant 0 : index
    %get3A_26 = arith.constant 0 : index
    %get3A_27 = vector.load %arg2[%get3A_25, %get3A_26] : memref<1x128xf32, #tpu.memory_space<vmem>>, vector<1x128xf32>
    %add3A_28 = vector.broadcast %get3A_27 : vector<1x128xf32> to vector<1280x128xf32>
    %add3A_29 = arith.addf %mul3A, %add3A_28 : vector<1280x128xf32>
    %max3A_30 = arith.constant 0.000000e+00 : f32
    %max3A_31 = vector.broadcast %max3A_30 : f32 to vector<1280x128xf32>
    %max3A_32 = arith.maximumf %add3A_29, %max3A_31 : vector<1280x128xf32>
    %get3A_33 = arith.constant 0 : index
    %get3A_34 = arith.constant 0 : index
    %get3A_35 = vector.load %arg3[%get3A_33, %get3A_34] : memref<128x128xf32, #tpu.memory_space<vmem>>, vector<128x128xf32>
    %dot_general3A = arith.constant dense<0.000000e+00> : vector<1280x128xf32>
    %dot_general3A_36 = tpu.matmul %max3A_32, %get3A_35, %dot_general3A {dimension_numbers = #tpu.dot_dimension_numbers<[1], [0], [0], [1], [0, 0, 1, 1], [], []>, transpose_lhs_hint = false} : vector<1280x128xf32>, vector<128x128xf32>, vector<1280x128xf32> -> vector<1280x128xf32>
    %mul3A_37 = arith.mulf %rsqrt3A, %dot_general3A_36 : vector<1280x128xf32>
    %swap3A = arith.constant 0 : index
    %swap3A_38 = arith.constant 0 : index
    %swap3A_39 = vector.load %arg4[%swap3A, %swap3A_38] : memref<1280x128xf32, #tpu.memory_space<vmem>>, vector<1280x128xf32>
    tpu.vector_store %arg4[%swap3A, %swap3A_38], %mul3A_37 {strides = array<i32>} : memref<1280x128xf32, #tpu.memory_space<vmem>>, vector<1280x128xf32>,
    return
  }
}

module attributes {stable_mosaic.version = 14 : i64} {
  func.func @body(%arg0: memref<2x1280x128xf32, #tpu.memory_space<vmem>>, %arg1: memref<2x1280x128xf32, #tpu.memory_space<vmem>>, %arg2: memref<1x128xf32, #tpu.memory_space<vmem>>, %arg3: memref<128x128xf32, #tpu.memory_space<vmem>>, %arg4: memref<1280x128xf32, #tpu.memory_space<vmem>>) attributes {dimension_semantics = [], scalar_prefetch = 0 : i64, scratch_operands = 0 : i64, tpu.core_type = #tpu.core_type<tc>} {
    %get3A = arith.constant 0 : index
    %get3A_0 = arith.constant 0 : index
    %get3A_1 = arith.constant 0 : index
    %get3A_2 = vector.load %arg1[%get3A, %get3A_0, %get3A_1] : memref<2x1280x128xf32, #tpu.memory_space<vmem>>, vector<1x1280x128xf32>
    %get3A_3 = vector.shape_cast %get3A_2 : vector<1x1280x128xf32> to vector<1280x128xf32>
    %get3A_4 = arith.constant 1 : index
    %get3A_5 = arith.constant 0 : index
    %get3A_6 = arith.constant 0 : index
    %get3A_7 = vector.load %arg1[%get3A_4, %get3A_5, %get3A_6] : memref<2x1280x128xf32, #tpu.memory_space<vmem>>, vector<1x1280x128xf32>
    %get3A_8 = vector.shape_cast %get3A_7 : vector<1x1280x128xf32> to vector<1280x128xf32>
    %add3A = arith.addf %get3A_3, %get3A_8 : vector<1280x128xf32>
    %add3A_9 = arith.constant 1.000000e+00 : f32
    %add3A_10 = vector.broadcast %add3A_9 : f32 to vector<1280x128xf32>
    %add3A_11 = arith.addf %add3A, %add3A_10 : vector<1280x128xf32>
    %max3A = arith.constant 1.000000e+00 : f32
    %max3A_12 = vector.broadcast %max3A : f32 to vector<1280x128xf32>
    %max3A_13 = arith.maximumf %add3A_11, %max3A_12 : vector<1280x128xf32>
    %rsqrt3A = math.rsqrt %max3A_13 : vector<1280x128xf32>
    %get3A_14 = arith.constant 0 : index
    %get3A_15 = arith.constant 0 : index
    %get3A_16 = arith.constant 0 : index
    %get3A_17 = vector.load %arg0[%get3A_14, %get3A_15, %get3A_16] : memref<2x1280x128xf32, #tpu.memory_space<vmem>>, vector<1x1280x128xf32>
    %get3A_18 = vector.shape_cast %get3A_17 : vector<1x1280x128xf32> to vector<1280x128xf32>
    %get3A_19 = arith.constant 1 : index
    %get3A_20 = arith.constant 0 : index
    %get3A_21 = arith.constant 0 : index
    %get3A_22 = vector.load %arg0[%get3A_19, %get3A_20, %get3A_21] : memref<2x1280x128xf32, #tpu.memory_space<vmem>>, vector<1x1280x128xf32>
    %get3A_23 = vector.shape_cast %get3A_22 : vector<1x1280x128xf32> to vector<1280x128xf32>
    %add3A_24 = arith.addf %get3A_18, %get3A_23 : vector<1280x128xf32>
    %mul3A = arith.mulf %rsqrt3A, %add3A_24 : vector<1280x128xf32>
    %get3A_25 = arith.constant 0 : index
    %get3A_26 = arith.constant 0 : index
    %get3A_27 = vector.load %arg2[%get3A_25, %get3A_26] : memref<1x128xf32, #tpu.memory_space<vmem>>, vector<1x128xf32>
    %add3A_28 = vector.broadcast %get3A_27 : vector<1x128xf32> to vector<1280x128xf32>
    %add3A_29 = arith.addf %mul3A, %add3A_28 : vector<1280x128xf32>
    %reduce_max3A = vector.shape_cast %add3A_29 : vector<1280x128xf32> to vector<1x1280x128xf32>
    %reduce_max3A_30 = arith.constant dense<0xFF800000> : vector<1xf32>
    %reduce_max3A_31 = vector.multi_reduction <maximumf>, %reduce_max3A, %reduce_max3A_30 [1, 2] : vector<1x1280x128xf32> to vector<1xf32>
    %reduce_max3A_32 = vector.shape_cast %reduce_max3A_31 : vector<1xf32> to vector<1x1x1xf32>
    %reduce_max3A_33 = vector.extract %reduce_max3A_32[0, 0, 0] : f32 from vector<1x1x1xf32>
    %sub3A = vector.broadcast %reduce_max3A_33 : f32 to vector<1280x128xf32>
    %sub3A_34 = arith.subf %add3A_29, %sub3A : vector<1280x128xf32>
    %exp3A = math.exp %sub3A_34 : vector<1280x128xf32>
    %get3A_35 = arith.constant 0 : index
    %get3A_36 = arith.constant 0 : index
    %get3A_37 = vector.load %arg3[%get3A_35, %get3A_36] : memref<128x128xf32, #tpu.memory_space<vmem>>, vector<128x128xf32>
    %dot_general3A = arith.constant dense<0.000000e+00> : vector<1280x128xf32>
    %dot_general3A_38 = tpu.matmul %exp3A, %get3A_37, %dot_general3A {dimension_numbers = #tpu.dot_dimension_numbers<[1], [0], [0], [1], [0, 0, 1, 1], [], []>, transpose_lhs_hint = false} : vector<1280x128xf32>, vector<128x128xf32>, vector<1280x128xf32> -> vector<1280x128xf32>
    %reduce_max3A_39 = vector.shape_cast %add3A_29 : vector<1280x128xf32> to vector<1x1280x128xf32>
    %reduce_max3A_40 = arith.constant dense<0xFF800000> : vector<1xf32>
    %reduce_max3A_41 = vector.multi_reduction <maximumf>, %reduce_max3A_39, %reduce_max3A_40 [1, 2] : vector<1x1280x128xf32> to vector<1xf32>
    %reduce_max3A_42 = vector.shape_cast %reduce_max3A_41 : vector<1xf32> to vector<1x1x1xf32>
    %reduce_max3A_43 = vector.extract %reduce_max3A_42[0, 0, 0] : f32 from vector<1x1x1xf32>
    %sub3A_44 = vector.broadcast %reduce_max3A_43 : f32 to vector<1280x128xf32>
    %sub3A_45 = arith.subf %add3A_29, %sub3A_44 : vector<1280x128xf32>
    %log3A = math.log %dot_general3A_38 : vector<1280x128xf32>
    %sub3A_46 = arith.subf %sub3A_45, %log3A : vector<1280x128xf32>
    %swap3A = arith.constant 0 : index
    %swap3A_47 = arith.constant 0 : index
    %swap3A_48 = vector.load %arg4[%swap3A, %swap3A_47] : memref<1280x128xf32, #tpu.memory_space<vmem>>, vector<1280x128xf32>
    tpu.vector_store %arg4[%swap3A, %swap3A_47], %sub3A_46 {strides = array<i32>} : memref<1280x128xf32, #tpu.memory_space<vmem>>, vector<1280x128xf32>,
    return
  }
}

</mosaic_0001>

<sc_bundles>
// kernel: kernel.11.cloned.1.call-start
scs
__scs_entry_jumppad:
0x0: {  	(pc) =	sbr.rel $0x88, $3  }
0x1: {  	(tag) =	ssettag $0x0;
	lr =	simm.s32 $0x1  }
0x2: {  	[smem:$0x3F9B] =	sst lr;
	_ =	strace $0xD0000000  }
0x3: {  	_ = 	snop  }
0x4: {  	_ = 	snop  }
0x5: {  	_ = 	snop  }
0x6: {  	_ = 	snop  }
0x7: {  	_ = 	snop  }
__scs_overlays_trampoline_lowered:
0x8: {  	[smem:$0x3FAA] =	sst s0  }
0x9: {  	[smem:$0x3FAB] =	sst s1  }
0xa: {  	[smem:$0x3FAC] =	sst s2  }
0xb: {  	[smem:$0x3FAD] =	sst s3  }
0xc: {  	[smem:$0x3FAE] =	sst s4  }
0xd: {  	[smem:$0x3FAF] =	sst s5  }
0xe: {  	[smem:$0x3FB0] =	sst s6  }
0xf: {  	[smem:$0x3FB1] =	sst s7  }
0x10: {  	[smem:$0x3FB2] =	sst s8  }
0x11: {  	[smem:$0x3FB3] =	sst s9;
	s0 =	simm.s32 @!p0 $0x0  }
0x12: {  	s1 =	sld [smem:$0x3F99];
	s0 =	simm.s32 @p0 $0x1  }
0x13: {  	[smem:$0x3FB4] =	sst s0;
	s0 =	simm.s32 @!p1 $0x0  }
0x14: {  	s2 =	sld [smem:$0x3F98];
	s0 =	simm.s32 @p1 $0x1  }
0x15: {  	[smem:$0x3FB5] =	sst s0;
	s0 =	simm.s32 @!p2 $0x0  }
0x16: {  	s3 =	sld [smem:$0x3FDB];
	s0 =	simm.s32 @p2 $0x1  }
0x17: {  	s4 =	simm.s32 $0x1BF5;
	[smem:$0x3FB7] =	sst s0  }
0x18: {  	s0 =	sld [smem:$0x3F9A];
	_ =	swait.ge [sflag:s4], $0x0  }
0x19: {  	s7 =	sld [smem:$0x3F9B]  }
0x1a: {  	s8 =	sadd.s32 $0xFFFFE003, lr  }
0x1b: {  	s9 =	sadd.s32 $0xFFFFFEF7, lr;
	s5 =	simm.s32 $0xFFFFFFFF;
	p2 =	slt.u32 s8, $0xFFFFF086  }
0x1c: {  	p1 =	slt.u32 s9, $0xF7A;
	s5 =	simm.s32 @!p2 $0x0  }
0x1d: {  	s5 =	simm.s32 @p1 $0x1;
	p0 =	seq.s32 s7, s2  }
0x1e: {  	s7 =	smul.u32 @!p0 $0xF7A, s2;
	p2 =	seq.s32 @!p0 s5, $0x0  }
0x1f: {  	s9 =	smul.u32 $0xF7A, s1;
	s8 =	simm.s32 @!p0 $0x1BF5;
	p2 =	por !p2, p0  }
0x20: {  	[sflag:s8] =	ssyncset.s32 @!p0 $0xFFFFF086;
	s6 =	sadd.s32 @!p0 s3, s7;
	s7 =	simm.s32 @!p0 $0x108  }
0x21: {  	s3 =	sadd.s32 s3, s9;
	s6 =	sadd.s32 @!p0 $0x88, s6;
	s7 =	simm.s32 @p2 $0x1082  }
0x22: {  	[simem:s7], [sflag:s8] =	dma.local @!p0 [hbm:s6], $0xF7A  }
0x23: {  	s9 =	sor.u32 $0xD0000000, s2;
	s6 =	simm.s32 $0x108;
	_ =	swait.ge @!p0 [sflag:s8], $0x0  }
0x24: {  	s3 =	sadd.s32 $0x88, s3;
	s6 =	simm.s32 @!p1 $0x1082;
	[sflag:s4] =	ssyncset.s32 $0xFFFFF086  }
0x25: {  	[simem:s6], [sflag:s4] =	dma.local [hbm:s3], $0xF7A  }
0x26: {  	[smem:$0x3F9B] =	sst s1;
	(tag) =	ssettag s2;
	_ =	strace s9  }
0x27: {  	s1 =	sld [smem:$0x3FAB]  }
0x28: {  	s2 =	sld [smem:$0x3FAC]  }
0x29: {  	s4 =	sld [smem:$0x3FAE]  }
0x2a: {  	p0 =	seq.s32 s5, $0x0;
	s5 =	sld [smem:$0x3FAF]  }
0x2b: {  	s6 =	sld [smem:$0x3FB0]  }
0x2c: {  	s7 =	sld [smem:$0x3FB1]  }
0x2d: {  	s3 =	simm.s32 $0x108;
	s8 =	sld [smem:$0x3FB2]  }
0x2e: {  	s3 =	simm.s32 @!p0 $0x1082;
	s9 =	sld [smem:$0x3FB3]  }
0x2f: {  	lr =	sadd.s32 s0, s3;
	s0 =	sld [smem:$0x3FAA]  }
0x30: {  	s3 =	sld [smem:$0x3FAD]  }
0x31: {  	[smem:$0x3FB6] =	sst s10  }
0x32: {  	s10 =	sld [smem:$0x3FB4];
	_ =	sdelay $0x3  }
0x33: {  	p0 =	seq.s32 s10, $0x1;
	s10 =	sld [smem:$0x3FB6];
	_ =	sdelay $0x3  }
0x34: {  	[smem:$0x3FB6] =	sst s10  }
0x35: {  	s10 =	sld [smem:$0x3FB5];
	_ =	sdelay $0x3  }
0x36: {  	p1 =	seq.s32 s10, $0x1;
	s10 =	sld [smem:$0x3FB6];
	_ =	sdelay $0x3  }
0x37: {  	[smem:$0x3FB6] =	sst s10  }
0x38: {  	s10 =	sld [smem:$0x3FB7]  }
0x39: {  	_ = 	snop;
	(pc) =	sbr.ind lr, $3  }
0x3a: {  	_ = 	snop  }
0x3b: {  	_ = 	snop  }
0x3c: {  	p2 =	seq.s32 s10, $0x1;
	s10 =	sld [smem:$0x3FB6]  }
0x3d: {  	_ =	shalt  }
0x3e: {  	_ =	shalt  }
0x3f: {  	_ =	shalt  }
0x40: {  	_ =	shalt  }
0x41: {  	_ =	shalt  }
0x42: {  	_ =	shalt  }
0x43: {  	_ =	shalt  }
0x44: {  	_ =	shalt  }
0x45: {  	_ =	shalt  }
0x46: {  	_ =	shalt  }
0x47: {  	_ =	shalt  }
0x48: {  	_ =	shalt  }
0x49: {  	_ =	shalt  }
0x4a: {  	_ =	shalt  }
0x4b: {  	_ =	shalt  }
0x4c: {  	_ =	shalt  }
0x4d: {  	_ =	shalt  }
0x4e: {  	_ =	shalt  }
0x4f: {  	_ =	shalt  }
0x50: {  	_ =	shalt  }
0x51: {  	_ =	shalt  }
0x52: {  	_ =	shalt  }
0x53: {  	_ =	shalt  }
0x54: {  	_ =	shalt  }
0x55: {  	_ =	shalt  }
0x56: {  	_ =	shalt  }
0x57: {  	_ =	shalt  }
0x58: {  	_ =	shalt  }
0x59: {  	_ =	shalt  }
0x5a: {  	_ =	shalt  }
0x5b: {  	_ =	shalt  }
0x5c: {  	_ =	shalt  }
0x5d: {  	_ =	shalt  }
0x5e: {  	_ =	shalt  }
0x5f: {  	_ =	shalt  }
0x60: {  	_ =	shalt  }
0x61: {  	_ =	shalt  }
0x62: {  	_ =	shalt  }
0x63: {  	_ =	shalt  }
0x64: {  	_ =	shalt  }
0x65: {  	_ =	shalt  }
0x66: {  	_ =	shalt  }
0x67: {  	_ =	shalt  }
0x68: {  	_ =	shalt  }
0x69: {  	_ =	shalt  }
0x6a: {  	_ =	shalt  }
0x6b: {  	_ =	shalt  }
0x6c: {  	_ =	shalt  }
0x6d: {  	_ =	shalt  }
0x6e: {  	_ =	shalt  }
0x6f: {  	_ =	shalt  }
0x70: {  	_ =	shalt  }
0x71: {  	_ =	shalt  }
0x72: {  	_ =	shalt  }
0x73: {  	_ =	shalt  }
0x74: {  	_ =	shalt  }
0x75: {  	_ =	shalt  }
0x76: {  	_ =	shalt  }
0x77: {  	_ =	shalt  }
0x78: {  	_ =	shalt  }
0x79: {  	_ =	shalt  }
0x7a: {  	_ =	shalt  }
0x7b: {  	_ =	shalt  }
0x7c: {  	_ =	shalt  }
0x7d: {  	_ =	shalt  }
0x7e: {  	_ =	shalt  }
0x7f: {  	_ =	shalt  }
0x80: {  	_ =	shalt  }
0x81: {  	_ =	shalt  }
0x82: {  	_ =	shalt  }
0x83: {  	_ =	shalt  }
0x84: {  	_ =	shalt  }
0x85: {  	_ =	shalt  }
0x86: {  	_ =	shalt  }
0x87: {  	_ =	shalt  }
.Lfunc_end0:
.L_simem_size_0:
called_computation.1_lowered:
.L_overlay_start_0:
0x88: {  	s2 =	sld [smem:$0x3FD9]  }
0x89: {  	s3 =	sld [smem:$0x3FFE];
	_ =	sdelay $0x1  }
0x8a: {  	s1 =	srdreg.scid  }
0x8b: {  	s0 =	sand.u32 $0x1, s1  }
0x8c: {  	s16 =	sshll.u32 s0, $0xA;
	s2 =	sadd.s32 s3, s2  }
0x8d: {  	s2 =	sadd.s32 s2, s16  }
0x8e: {  	[smem:$0x3FC2] =	sst s2  }
0x8f: {  	_ = 	snop  }
0x90: {  	(tm) =	ssettm $0x1  }
0x91: {  	s17 =	sld [smem:$0x3FFB];
	_ =	sdelay $0x3  }
0x92: {  	_ =	strace s17  }
0x93: {  	s2 =	sld [smem:$0x3FFC];
	_ =	sdelay $0x3  }
0x94: {  	_ =	strace s2  }
0x95: {  	s2 =	sld [smem:$0x3FFD];
	_ =	sdelay $0x3  }
0x96: {  	_ =	strace s2  }
0x97: {  	_ =	strace $0x8FFFFFFF  }
0x98: {  	s18 =	sld [smem:$0x3FDB];
	_ =	sdelay $0x1  }
0x99: {  	s19 =	simm.s32 $_scs_section_size  }
0x9a: {  	s4 =	simm.s32 $_size__tile_overlayer_lowered;
	s5 =	simm.s32 $_tile_overlayer_lowered  }
0x9b: {  	s22 =	simm.s32 $0x1BFF;
	s21 =	sshll.u32 s5, $0x1;
	s2 =	sadd.s32 s19, s18  }
0x9c: {  	s6 =	simm.s32 $0x0;
	s20 =	sshll.u32 s4, $0x1;
	s4 =	sadd.s32 s21, s2  }
0x9d: {  	[timem:s6], [sflag:s22] =	dma.local [hbm:s4], s20  }
0x9e: {  	_ =	swait.ge [sflag:s22], s20  }
0x9f: {  	s3 =	ssub.s32 $0x0, s20;
	[sflag:s22] =	ssyncset.done $0x0  }
0xa0: {  	[sflag:s22] =	ssyncadd.s32 s3;
	_ =	sdelay $0x1  }
0xa1: {  	s23 =	simm.s32 $0x1B8B  }
0xa2: {  	_ =	swait.ge [sflag:s23], $0x1  }
0xa3: {  	[sflag:s23] =	ssyncset.done $0x0  }
0xa4: {  	s25 =	simm.s32 $0x1B8E;
	s24 =	sld [smem:$0x3FFE];
	[sflag:s23] =	ssyncadd.s32 $0xFFFFFFFF  }
0xa5: {  	s26 =	simm.s32 $execute0_lowered;
	[smem:$0x3FD2] =	sst s25  }
0xa6: {  	s4 =	sshll.u32 s26, $0x1;
	_ =	strace $0x80000049;
	[dreg:$0x1] =	wrdreg $0xFFFFFFFF  }
0xa7: {  	s28 =	simm.s32 $_size_execute0_lowered;
	s2 =	sadd.s32 s2, s4;
	[dreg:$0x0] =	wrdreg $0x0  }
0xa8: {  	s4 =	sshll.u32 s28, $0x1;
	[dreg:$0x2] =	wrdreg s2  }
0xa9: {  	[dreg:$0x3] =	wrdreg s4  }
0xaa: {  	[dreg:$0x4] =	wrdreg $0xC0  }
0xab: {  	_ =	task [dreg:s6], $0x5FFFF  }
0xac: {  	[dreg:$0x1] =	wrdreg $0xFFFFFFFF  }
0xad: {  	[dreg:$0x0] =	wrdreg $0x60  }
0xae: {  	[dreg:$0x2] =	wrdreg s24  }
0xaf: {  	[dreg:$0x3] =	wrdreg $0xA2200  }
0xb0: {  	[dreg:$0x4] =	wrdreg $0x9  }
0xb1: {  	_ =	task.clear_ibuf [dreg:s6], $0x5FFFF;
	_ =	strace $0x90000049  }
0xb2: {  	s29 =	simm.s32 $0x9;
	_ =	strace $0x8000004B  }
0xb3: {  	_ =	swait.ge [sflag:s29], $0x1  }
0xb4: {  	[sflag:s29] =	ssyncadd.s32 $0xFFFFFFFF  }
0xb5: {  	_ =	strace $0x9000004B  }
0xb6: {  	_ =	sfence  }
0xb7: {  	s30 =	sld [smem:$0x0];
	_ =	sdelay $0x2  }
0xb8: {  	s31 =	sshll.u32 s1, $0xD;
	s1 =	sshrl.u32 s1, $0x2  }
0xb9: {  	s3 =	sand.u32 $0x4000, s31;
	s1 =	sadd.s32 s1, s30  }
0xba: {  	s0 =	sor.u32 s3, s0;
	s1 =	sshll.u32 s1, $0x11  }
0xbb: {  	s0 =	sor.u32 s1, s0  }
0xbc: {  	s0 =	sadd.s32 $0x8F2B, s0  }
0xbd: {  	[sflag:s0] =	ssyncadd.remote.s32 $0x1  }
0xbe: {  	_ =	sfence.sel $0xFFFF  }
0xbf: {  	[dreg:$0x0] =	wrdreg $0xFFFFFFFF;
	(pc) =	sbr.abs _section_cstart, $3  }
0xc0: {  	[dreg:$0x1] =	wrdreg $0xFFFFFFFF  }
0xc1: {  	_ =	task.clear_ibuf [dreg:s6], $0x2FFFF;
	_ =	strace $0x9FFFFFFF  }
0xc2: {  	(tm) =	ssettm $0x7FFFFFFF  }
0xc3: {  	_ =	shalt  }
tec
execute0_lowered:
.L_overlay_start_1:
0x0: {  	(tag) =	ssettag $0x1  }
0x1: {  	s0 =	srdreg.scid;
	s3 =	rddreg [dreg:$0x0]  }
0x2: {  	s10 =	stileid.u32;
	s2 =	rddreg [dreg:$0x1];
	s4 =	simm.s32 $0x0  }
0x3: {  	s28 =	simm.s32 $0x57D0;
	s30 =	simm.s32 $0x5FA0;
	s29 =	simm.s32 $0xB  }
0x4: {  	s31 =	simm.s32 $0x8;
	s0 =	sand.u32 $0x1, s0;
	s1 =	sshll.u32 s10, $0x1  }
0x5: {  	s5 =	smul.u32 $0x2800, s10;
	[smem:$0x7FF] =	sst s4;
	s25 =	sshll.u32 s10, $0x6  }
0x6: {  	s1 =	sor.u32 s0, s1;
	s9 =	smul.u32 $0x28000, s0;
	_ =	strace $0x8000004A  }
0x7: {  	s6 =	ssub.s32 $0x2, s0;
	p0 =	sne.s32 s0, $0x0;
	s0 =	sor.u32 $0x1C15, s25  }
0x8: {  	s1 =	smul.u32 $0x2800, s1;
	s8 =	sshrl.u32 s6, $0x1;
	s14 =	sadd.s32 s5, s2  }
0x9: {  	[dreg:$0x12] =	wrdreg s0;
	s0 =	simm.s32 $0xD;
	s4 =	sadd.s32 s5, s9  }
0xa: {  	s9 =	smul.u32 $0xA000, s10;
	s6 =	ssub.s32 s6, s8;
	s5 =	sshrl.u32 s5, $0x3  }
0xb: {  	s26 =	sshrl.u32 s14, $0x3;
	s1 =	sshrl.u32 s1, $0x3;
	s7 =	sshrl.u32 s4, $0x3  }
0xc: {  	s4 =	sadd.s32 $0x20800, s3;
	s15 =	smax.u32 s6, $0x1;
	[dreg:$0x13] =	wrdreg s26  }
0xd: {  	s1 =	sadd.s32 s1, s3;
	s5 =	sadd.s32 s4, s5;
	[dreg:$0x8] =	wrdreg s15  }
0xe: {  	s8 =	simm.s32 $0x6F40;
	s11 =	sadd.s32 $0x2800, s1;
	[dreg:$0x6] =	wrdreg s5  }
0xf: {  	s3 =	sadd.s32 s7, s3;
	s1 =	sadd.s32 $0xC800, s1;
	[dreg:$0x3] =	wrdreg s11  }
0x10: {  	s12 =	sshrl.u32 s9, $0x2;
	s3 =	sadd.s32 $0x25800, s3;
	[dreg:$0x4] =	wrdreg s1  }
0x11: {  	s14 =	simm.s32 $0x3;
	s13 =	sadd.s32 s12, s2;
	[dreg:$0x7] =	wrdreg s3  }
0x12: {  	s26 =	simm.s32 $0x9650;
	s16 =	sadd.s32 $0x400, s13;
	[dreg:$0x5] =	wrdreg s13  }
0x13: {  	s6 =	simm.s32 $0x0;
	s17 =	sadd.s32 $0x800, s13;
	[dreg:$0x9] =	wrdreg s16  }
0x14: {  	s15 =	simm.s32 $0x86B0;
	s18 =	sadd.s32 $0xC00, s13;
	[dreg:$0xa] =	wrdreg s17  }
0x15: {  	s7 =	simm.s32 $0xA;
	s19 =	sadd.s32 $0x1000, s13;
	[dreg:$0xb] =	wrdreg s18  }
0x16: {  	s12 =	simm.s32 $0x7710;
	s20 =	sadd.s32 $0x1400, s13;
	[dreg:$0xc] =	wrdreg s19  }
0x17: {  	s21 =	sadd.s32 $0x1800, s13;
	s22 =	sadd.s32 $0x1C00, s13;
	[dreg:$0xd] =	wrdreg s20  }
0x18: {  	s23 =	sadd.s32 $0x2000, s13;
	s24 =	sadd.s32 $0x2400, s13;
	[dreg:$0xe] =	wrdreg s21  }
.Ltmp0:
0x19: {  	s1 =	simm.s32 $0x6770;
	[dreg:$0xf] =	wrdreg s22;
	(pc) =	sbr.rel .LBB2_1-.Ltmp0, $4  }
0x1a: {  	s11 =	simm.s32 $0x1;
	s13 =	simm.s32 $0x2;
	[dreg:$0x10] =	wrdreg s23  }
0x1b: {  	s3 =	simm.s32 $0xF;
	[dreg:$0x11] =	wrdreg s24;
	s20 =	simm.s32 $0x15  }
0x1c: {  	s24 =	simm.s32 $0x7D;
	s21 =	simm.s32 $0x7EE0;
	s16 =	simm.s32 $0x4  }
0x1d: {  	v0 =	vimm.f32 $0.0e+00;
	s17 =	simm.s32 $0x8E80;
	s18 =	simm.s32 $0x5;
	s19 =	simm.s32 $0x6  }
.LBB2_9:
0x1e: {  	s5 =	simm.s32 $0x10  }
0x1f: {  	_ =	swait.ge [sflag:s5], $0x7D0  }
0x20: {  	[sflag:s5] =	ssyncset.done $0x0  }
0x21: {  	s6 =	simm.s32 $0x11;
	[sflag:s5] =	ssyncadd.s32 $0xFFFFF830  }
0x22: {  	_ =	swait.ge [sflag:s6], $0x7D0  }
0x23: {  	[sflag:s6] =	ssyncset.done $0x0  }
0x24: {  	s9 =	simm.s32 $0x12;
	[sflag:s6] =	ssyncadd.s32 $0xFFFFF830  }
0x25: {  	_ =	swait.ge [sflag:s9], $0x7D0  }
0x26: {  	[sflag:s9] =	ssyncset.done $0x0  }
0x27: {  	s10 =	simm.s32 $0x13;
	[sflag:s9] =	ssyncadd.s32 $0xFFFFF830  }
0x28: {  	_ =	swait.ge [sflag:s10], $0x7D0  }
0x29: {  	[sflag:s10] =	ssyncset.done $0x0  }
0x2a: {  	s20 =	simm.s32 $0x14;
	[sflag:s10] =	ssyncadd.s32 $0xFFFFF830  }
0x2b: {  	_ =	swait.ge [sflag:s20], $0x7D0  }
0x2c: {  	[sflag:s20] =	ssyncset.done $0x0  }
0x2d: {  	[sflag:s20] =	ssyncadd.s32 $0xFFFFF830  }
0x2e: {  	[bflag:$0x0] =	sbarrier.arrive $0xFFFF  }
0x2f: {  	s22 =	rddreg [dreg:$0x7]  }
0x30: {  	s6 =	rddreg [dreg:$0x12]  }
0x31: {  	s20 =	simm.s32 $0x15;
	s9 =	rddreg [dreg:$0x13]  }
0x32: {  	[hbm:s22], [sflag:s6] =	dma.local [spmem:s9], $0x500  }
0x33: {  	_ =	swait.ge [sflag:s20], $0x500  }
0x34: {  	s23 =	rddreg [dreg:$0x14]  }
0x35: {  	s25 =	rddreg [dreg:$0x8];
	s6 =	sadd.s32 $0x1, s23  }
0x36: {  	p1 =	sne.s32 s6, s25  }
.Ltmp1:
0x37: {  	_ = 	snop;
	(pc) =	sbr.rel @!p1 .LBB2_10-.Ltmp1, $3  }
0x38: {  	_ =	sdelay $0x1  }
0x39: {  	[sflag:s20] =	ssyncset.done $0x0  }
0x3a: {  	[sflag:s20] =	ssyncadd.s32 $0xFFFFFB00  }
.LBB2_1:
0x3b: {  	[dreg:$0x14] =	wrdreg s6  }
0x3c: {  	s5 =	simm.s32 $0x0;
	s23 =	rddreg [dreg:$0x3]  }
0x3d: {  	[tilespmem:s5], [sflag:$0x15] =	stream.linear.gather [hbm4b:s23+s5], $0x2800, $0x38;
	[tilespmem:$0xCA20] =	vst v63  }
0x3e: {  	_ =	swait.ge [sflag:s20], $0x2800  }
0x3f: {  	s9 =	simm.s32 $0x2800;
	[sflag:s20] =	ssyncset.done $0x0  }
.Ltmp2:
0x40: {  	s25 =	rddreg [dreg:$0x4];
	[sflag:s20] =	ssyncadd.s32 $0xFFFFD800;
	(pc) =	sbr.rel @p0 .LBB2_3-.Ltmp2, $4  }
0x41: {  	[tilespmem:s9], [sflag:$0x15] =	stream.linear.gather [hbm4b:s25+s5], $0x2800, $0x38;
	[tilespmem:$0xCA20] =	vst v63  }
0x42: {  	_ =	swait.ge [sflag:s20], $0x2800  }
0x43: {  	[sflag:s20] =	ssyncset.done $0x0  }
0x44: {  	[sflag:s20] =	ssyncadd.s32 $0xFFFFD800  }
0x45: {  	s5 =	rddreg [dreg:$0x6]  }
0x46: {  	s6 =	rddreg [dreg:$0x12]  }
.Ltmp3:
0x47: {  	s9 =	rddreg [dreg:$0x13];
	(pc) =	sbr.rel .LBB2_6-.Ltmp3, $4  }
0x48: {  	[spmem:s9], [sflag:s6] =	dma.local [hbm:s5], $0x500  }
0x49: {  	_ =	swait.ge [sflag:s20], $0x500  }
0x4a: {  	[sflag:s20] =	ssyncset.done $0x0  }
0x4b: {  	[sflag:s20] =	ssyncadd.s32 $0xFFFFFB00  }
.LBB2_3:
0x4c: {  	s6 =	simm.s32 $0x40;
	s9 =	simm.s32 $0x0  }
.LBB2_4:
0x4d: {  	p1 =	sne.s32 s6, $0xFC0;
	[tilespmem:s9+$0x9E20] =	vst v0;
	s9 =	smov.u32 s6;
	s6 =	sadd.s32 $0x40, s6  }
.Ltmp4:
0x4e: {  	(pc) =	sbr.rel @p1 .LBB2_4-.Ltmp4, $2  }
0x4f: {  	_ =	sdelay $0x2  }
0x50: {  	s9 =	sshra.s32 s9, $0x2  }
0x51: {  	[tilespmem:s9+$0x9E20] =	vst v0;
	s5 =	rddreg [dreg:$0x5];
	s6 =	simm.s32 $0x9E20  }
0x52: {  	[spmem:s5] =	stream.linear.scatter [tilespmem:s6], [sflag:$0x15], $0x400, $0x38;
	[tilespmem:$0xCA20] =	vst v63  }
0x53: {  	_ =	swait.ge [sflag:s20], $0x400  }
0x54: {  	[sflag:s20] =	ssyncset.done $0x0  }
0x55: {  	s10 =	rddreg [dreg:$0x9];
	[sflag:s20] =	ssyncadd.s32 $0xFFFFFC00  }
0x56: {  	[spmem:s10] =	stream.linear.scatter [tilespmem:s6], [sflag:$0x15], $0x400, $0x38;
	[tilespmem:$0xCA20] =	vst v63  }
0x57: {  	_ =	swait.ge [sflag:s20], $0x400  }
0x58: {  	[sflag:s20] =	ssyncset.done $0x0  }
0x59: {  	s22 =	rddreg [dreg:$0xa];
	[sflag:s20] =	ssyncadd.s32 $0xFFFFFC00  }
0x5a: {  	[spmem:s22] =	stream.linear.scatter [tilespmem:s6], [sflag:$0x15], $0x400, $0x38;
	[tilespmem:$0xCA20] =	vst v63  }
0x5b: {  	_ =	swait.ge [sflag:s20], $0x400  }
0x5c: {  	[sflag:s20] =	ssyncset.done $0x0  }
0x5d: {  	s23 =	rddreg [dreg:$0xb];
	[sflag:s20] =	ssyncadd.s32 $0xFFFFFC00  }
0x5e: {  	[spmem:s23] =	stream.linear.scatter [tilespmem:s6], [sflag:$0x15], $0x400, $0x38;
	[tilespmem:$0xCA20] =	vst v63  }
0x5f: {  	_ =	swait.ge [sflag:s20], $0x400  }
0x60: {  	[sflag:s20] =	ssyncset.done $0x0  }
0x61: {  	s25 =	rddreg [dreg:$0xc];
	[sflag:s20] =	ssyncadd.s32 $0xFFFFFC00  }
0x62: {  	[spmem:s25] =	stream.linear.scatter [tilespmem:s6], [sflag:$0x15], $0x400, $0x38;
	[tilespmem:$0xCA20] =	vst v63  }
0x63: {  	_ =	swait.ge [sflag:s20], $0x400  }
0x64: {  	[sflag:s20] =	ssyncset.done $0x0  }
0x65: {  	s9 =	rddreg [dreg:$0xd];
	[sflag:s20] =	ssyncadd.s32 $0xFFFFFC00  }
0x66: {  	[spmem:s9] =	stream.linear.scatter [tilespmem:s6], [sflag:$0x15], $0x400, $0x38;
	[tilespmem:$0xCA20] =	vst v63  }
0x67: {  	_ =	swait.ge [sflag:s20], $0x400  }
0x68: {  	[sflag:s20] =	ssyncset.done $0x0  }
0x69: {  	s10 =	rddreg [dreg:$0xe];
	[sflag:s20] =	ssyncadd.s32 $0xFFFFFC00  }
0x6a: {  	[spmem:s10] =	stream.linear.scatter [tilespmem:s6], [sflag:$0x15], $0x400, $0x38;
	[tilespmem:$0xCA20] =	vst v63  }
0x6b: {  	_ =	swait.ge [sflag:s20], $0x400  }
0x6c: {  	[sflag:s20] =	ssyncset.done $0x0  }
0x6d: {  	s22 =	rddreg [dreg:$0xf];
	[sflag:s20] =	ssyncadd.s32 $0xFFFFFC00  }
0x6e: {  	[spmem:s22] =	stream.linear.scatter [tilespmem:s6], [sflag:$0x15], $0x400, $0x38;
	[tilespmem:$0xCA20] =	vst v63  }
0x6f: {  	_ =	swait.ge [sflag:s20], $0x400  }
0x70: {  	[sflag:s20] =	ssyncset.done $0x0  }
0x71: {  	s23 =	rddreg [dreg:$0x10];
	[sflag:s20] =	ssyncadd.s32 $0xFFFFFC00  }
0x72: {  	[spmem:s23] =	stream.linear.scatter [tilespmem:s6], [sflag:$0x15], $0x400, $0x38;
	[tilespmem:$0xCA20] =	vst v63  }
0x73: {  	_ =	swait.ge [sflag:s20], $0x400  }
0x74: {  	[sflag:s20] =	ssyncset.done $0x0  }
0x75: {  	s25 =	rddreg [dreg:$0x11];
	[sflag:s20] =	ssyncadd.s32 $0xFFFFFC00  }
0x76: {  	[spmem:s25] =	stream.linear.scatter [tilespmem:s6], [sflag:$0x15], $0x400, $0x38;
	[tilespmem:$0xCA20] =	vst v63  }
0x77: {  	_ =	swait.ge [sflag:s20], $0x400  }
0x78: {  	[sflag:s20] =	ssyncset.done $0x0  }
0x79: {  	[sflag:s20] =	ssyncadd.s32 $0xFFFFFC00  }
.LBB2_6:
0x7a: {  	[bflag:$0x0] =	sbarrier.arrive $0xFFFF;
	s6 =	simm.s32 $0x0;
	s5 =	simm.s32 $0x5000  }
0x7b: {  	[tilespmem:s5], [sflag:$0x1] =	stream.indirect.gather [hbm4b:s4+s24], $0x10, s6, s24, $0xb8;
	[tilespmem:$0xCA20] =	vst v63  }
0x7c: {  	s20 =	simm.s32 $0x80  }
0x7d: {  	[tilespmem:s28], [sflag:$0x2] =	stream.indirect.gather [hbm4b:s4+s24], $0x10, s20, s24, $0xb8;
	[tilespmem:$0xCA20] =	vst v63  }
0x7e: {  	s22 =	simm.s32 $0x100  }
0x7f: {  	[tilespmem:s30], [sflag:$0x3] =	stream.indirect.gather [hbm4b:s4+s24], $0x10, s22, s24, $0xb8;
	[tilespmem:$0xCA20] =	vst v63  }
0x80: {  	s23 =	simm.s32 $0x180  }
0x81: {  	[tilespmem:s1], [sflag:$0x4] =	stream.indirect.gather [hbm4b:s4+s24], $0x10, s23, s24, $0xb8;
	[tilespmem:$0xCA20] =	vst v63  }
0x82: {  	s25 =	simm.s32 $0x200  }
0x83: {  	[tilespmem:s8], [sflag:$0x5] =	stream.indirect.gather [hbm4b:s4+s24], $0x10, s25, s24, $0xb8;
	[tilespmem:$0xCA20] =	vst v63  }
.LBB2_7:
0x84: {  	_ =	swait.ge [sflag:s11], $0x7D0  }
0x85: {  	s9 =	sshra.s32 s6, $0x2;
	s5 =	simm.s32 $0x5000;
	[sflag:s11] =	ssyncset.done $0x0  }
0x86: {  	p1 =	seq.s32 s6, $0x0;
	s10 =	sadd.s32 $0x2800, s9;
	[sflag:s11] =	ssyncadd.s32 $0xFFFFF830  }
0x87: {  	[spmem:s2] =	stream.indirect.scatter.add.f32 [tilespmem:s5], [sflag:$0xB], $0x10, s10, s24, $0xb8;
	[tilespmem:$0xCA20] =	vst v63  }
0x88: {  	s10 =	simm.s32 @!p1 $0x10  }
0x89: {  	_ =	swait.ge @!p1 [sflag:s10], $0x7D0  }
0x8a: {  	[sflag:s10] =	ssyncset.done @!p1 $0x0  }
0x8b: {  	s25 =	sadd.s32 $0x280, s9;
	[sflag:s10] =	ssyncadd.s32 @!p1 $0xFFFFF830  }
0x8c: {  	[tilespmem:s12], [sflag:$0x6] =	stream.indirect.gather [hbm4b:s4+s24], $0x10, s25, s24, $0xb8;
	[tilespmem:$0xCA20] =	vst v63  }
0x8d: {  	_ =	swait.ge [sflag:s13], $0x7D0  }
0x8e: {  	[sflag:s13] =	ssyncset.done $0x0  }
0x8f: {  	s5 =	sadd.s32 $0x2880, s9;
	s10 =	simm.s32 @!p1 $0x11;
	[sflag:s13] =	ssyncadd.s32 $0xFFFFF830  }
0x90: {  	[spmem:s2] =	stream.indirect.scatter.add.f32 [tilespmem:s28], [sflag:$0xC], $0x10, s5, s24, $0xb8;
	[tilespmem:$0xCA20] =	vst v63  }
0x91: {  	_ =	swait.ge @!p1 [sflag:s10], $0x7D0  }
0x92: {  	[sflag:s10] =	ssyncset.done @!p1 $0x0  }
0x93: {  	s20 =	sadd.s32 $0x300, s9;
	[sflag:s10] =	ssyncadd.s32 @!p1 $0xFFFFF830  }
0x94: {  	[tilespmem:s21], [sflag:$0x7] =	stream.indirect.gather [hbm4b:s4+s24], $0x10, s20, s24, $0xb8;
	[tilespmem:$0xCA20] =	vst v63  }
0x95: {  	_ =	swait.ge [sflag:s14], $0x7D0  }
0x96: {  	[sflag:s14] =	ssyncset.done $0x0  }
0x97: {  	s22 =	sadd.s32 $0x2900, s9;
	s10 =	simm.s32 @!p1 $0x12;
	[sflag:s14] =	ssyncadd.s32 $0xFFFFF830  }
0x98: {  	[spmem:s2] =	stream.indirect.scatter.add.f32 [tilespmem:s30], [sflag:$0xD], $0x10, s22, s24, $0xb8;
	[tilespmem:$0xCA20] =	vst v63  }
0x99: {  	_ =	swait.ge @!p1 [sflag:s10], $0x7D0  }
0x9a: {  	[sflag:s10] =	ssyncset.done @!p1 $0x0  }
0x9b: {  	s23 =	sadd.s32 $0x380, s9;
	[sflag:s10] =	ssyncadd.s32 @!p1 $0xFFFFF830  }
0x9c: {  	[tilespmem:s15], [sflag:$0x8] =	stream.indirect.gather [hbm4b:s4+s24], $0x10, s23, s24, $0xb8;
	[tilespmem:$0xCA20] =	vst v63  }
0x9d: {  	_ =	swait.ge [sflag:s16], $0x7D0  }
0x9e: {  	[sflag:s16] =	ssyncset.done $0x0  }
0x9f: {  	s25 =	sadd.s32 $0x2980, s9;
	s10 =	simm.s32 @!p1 $0x13;
	[sflag:s16] =	ssyncadd.s32 $0xFFFFF830  }
0xa0: {  	[spmem:s2] =	stream.indirect.scatter.add.f32 [tilespmem:s1], [sflag:$0xE], $0x10, s25, s24, $0xb8;
	[tilespmem:$0xCA20] =	vst v63  }
0xa1: {  	_ =	swait.ge @!p1 [sflag:s10], $0x7D0  }
0xa2: {  	[sflag:s10] =	ssyncset.done @!p1 $0x0  }
0xa3: {  	s5 =	sadd.s32 $0x400, s9;
	[sflag:s10] =	ssyncadd.s32 @!p1 $0xFFFFF830  }
0xa4: {  	[tilespmem:s17], [sflag:$0x9] =	stream.indirect.gather [hbm4b:s4+s24], $0x10, s5, s24, $0xb8;
	[tilespmem:$0xCA20] =	vst v63  }
0xa5: {  	_ =	swait.ge [sflag:s18], $0x7D0  }
0xa6: {  	[sflag:s18] =	ssyncset.done $0x0  }
0xa7: {  	s20 =	sadd.s32 $0x2A00, s9;
	s10 =	simm.s32 @!p1 $0x14;
	[sflag:s18] =	ssyncadd.s32 $0xFFFFF830  }
0xa8: {  	[spmem:s2] =	stream.indirect.scatter.add.f32 [tilespmem:s8], [sflag:$0xF], $0x10, s20, s24, $0xb8;
	[tilespmem:$0xCA20] =	vst v63  }
0xa9: {  	_ =	swait.ge @!p1 [sflag:s10], $0x7D0  }
0xaa: {  	[sflag:s10] =	ssyncset.done @!p1 $0x0  }
0xab: {  	s22 =	sadd.s32 $0x480, s9;
	[sflag:s10] =	ssyncadd.s32 @!p1 $0xFFFFF830  }
0xac: {  	[tilespmem:s26], [sflag:$0xA] =	stream.indirect.gather [hbm4b:s4+s24], $0x10, s22, s24, $0xb8;
	[tilespmem:$0xCA20] =	vst v63  }
0xad: {  	_ =	swait.ge [sflag:s19], $0x7D0  }
0xae: {  	[sflag:s19] =	ssyncset.done $0x0  }
0xaf: {  	s23 =	sadd.s32 $0x2A80, s9;
	[sflag:s19] =	ssyncadd.s32 $0xFFFFF830  }
0xb0: {  	[spmem:s2] =	stream.indirect.scatter.add.f32 [tilespmem:s12], [sflag:$0x10], $0x10, s23, s24, $0xb8;
	[tilespmem:$0xCA20] =	vst v63  }
0xb1: {  	_ =	swait.ge [sflag:s29], $0x7D0  }
0xb2: {  	p1 =	seq.s32 s6, $0x8C00;
	[sflag:s29] =	ssyncset.done $0x0  }
0xb3: {  	s10 =	simm.s32 @p1 $0x7;
	[sflag:s29] =	ssyncadd.s32 $0xFFFFF830  }
0xb4: {  	_ =	swait.ge @p1 [sflag:s10], $0x7D0  }
0xb5: {  	[sflag:s10] =	ssyncset.done @p1 $0x0  }
0xb6: {  	[sflag:s10] =	ssyncadd.s32 @p1 $0xFFFFF830;
	s10 =	sshra.s32 @p1 s6, $0x2  }
0xb7: {  	s5 =	simm.s32 @p1 $0x7EE0;
	s23 =	simm.s32 @p1 $0x7D;
	s22 =	sadd.s32 @p1 $0x2B00, s10  }
0xb8: {  	[spmem:s2] =	stream.indirect.scatter.add.f32 @p1 [tilespmem:s5], [sflag:$0x11], $0x10, s22, s23, $0xb8;
	[tilespmem:$0xCA20] =	vst v63  }
0xb9: {  	s5 =	simm.s32 @p1 $0xC  }
0xba: {  	_ =	swait.ge @p1 [sflag:s5], $0x7D0  }
0xbb: {  	[sflag:s5] =	ssyncset.done @p1 $0x0  }
0xbc: {  	[sflag:s5] =	ssyncadd.s32 @p1 $0xFFFFF830;
	s5 =	sshra.s32 @!p1 s6, $0x2  }
0xbd: {  	s20 =	simm.s32 @!p1 $0x7D;
	s25 =	simm.s32 @!p1 $0x5000;
	s22 =	sadd.s32 @!p1 $0x500, s5  }
0xbe: {  	[tilespmem:s25], [sflag:$0x1] =	stream.indirect.gather @!p1 [hbm4b:s4+s20], $0x10, s22, s20, $0xb8;
	[tilespmem:$0xCA20] =	vst v63  }
0xbf: {  	s22 =	simm.s32 @!p1 $0x7  }
0xc0: {  	_ =	swait.ge @!p1 [sflag:s22], $0x7D0  }
0xc1: {  	[sflag:s22] =	ssyncset.done @!p1 $0x0  }
0xc2: {  	s25 =	simm.s32 @!p1 $0x7EE0;
	[sflag:s22] =	ssyncadd.s32 @!p1 $0xFFFFF830;
	s22 =	sadd.s32 @!p1 $0x2B00, s5  }
0xc3: {  	[spmem:s2] =	stream.indirect.scatter.add.f32 @!p1 [tilespmem:s25], [sflag:$0x11], $0x10, s22, s20, $0xb8;
	[tilespmem:$0xCA20] =	vst v63  }
0xc4: {  	s22 =	simm.s32 @!p1 $0xC  }
0xc5: {  	_ =	swait.ge @!p1 [sflag:s22], $0x7D0  }
0xc6: {  	[sflag:s22] =	ssyncset.done @!p1 $0x0  }
0xc7: {  	s25 =	simm.s32 @!p1 $0x57D0;
	[sflag:s22] =	ssyncadd.s32 @!p1 $0xFFFFF830;
	s22 =	sadd.s32 @!p1 $0x580, s5  }
0xc8: {  	[tilespmem:s25], [sflag:$0x2] =	stream.indirect.gather @!p1 [hbm4b:s4+s20], $0x10, s22, s20, $0xb8;
	[tilespmem:$0xCA20] =	vst v63  }
0xc9: {  	_ =	swait.ge [sflag:s31], $0x7D0  }
0xca: {  	[sflag:s31] =	ssyncset.done $0x0  }
0xcb: {  	s25 =	sadd.s32 $0x2B80, s9;
	[sflag:s31] =	ssyncadd.s32 $0xFFFFF830  }
0xcc: {  	[spmem:s2] =	stream.indirect.scatter.add.f32 [tilespmem:s15], [sflag:$0x12], $0x10, s25, s24, $0xb8;
	[tilespmem:$0xCA20] =	vst v63  }
0xcd: {  	_ =	swait.ge [sflag:s0], $0x7D0  }
0xce: {  	[sflag:s0] =	ssyncset.done $0x0  }
0xcf: {  	s22 =	simm.s32 @p1 $0x9;
	[sflag:s0] =	ssyncadd.s32 $0xFFFFF830  }
0xd0: {  	_ =	swait.ge @p1 [sflag:s22], $0x7D0  }
0xd1: {  	[sflag:s22] =	ssyncset.done @p1 $0x0  }
0xd2: {  	s10 =	sadd.s32 @p1 $0x2C00, s10;
	[sflag:s22] =	ssyncadd.s32 @p1 $0xFFFFF830;
	s22 =	simm.s32 @p1 $0x8E80  }
0xd3: {  	[spmem:s2] =	stream.indirect.scatter.add.f32 @p1 [tilespmem:s22], [sflag:$0x13], $0x10, s10, s23, $0xb8;
	[tilespmem:$0xCA20] =	vst v63  }
0xd4: {  	s10 =	simm.s32 @p1 $0xE  }
0xd5: {  	_ =	swait.ge @p1 [sflag:s10], $0x7D0  }
0xd6: {  	[sflag:s10] =	ssyncset.done @p1 $0x0  }
0xd7: {  	s22 =	simm.s32 @!p1 $0x5FA0;
	[sflag:s10] =	ssyncadd.s32 @p1 $0xFFFFF830;
	s10 =	sadd.s32 @!p1 $0x600, s5  }
0xd8: {  	[tilespmem:s22], [sflag:$0x3] =	stream.indirect.gather @!p1 [hbm4b:s4+s20], $0x10, s10, s20, $0xb8;
	[tilespmem:$0xCA20] =	vst v63  }
0xd9: {  	s10 =	simm.s32 @!p1 $0x9  }
0xda: {  	_ =	swait.ge @!p1 [sflag:s10], $0x7D0  }
0xdb: {  	[sflag:s10] =	ssyncset.done @!p1 $0x0  }
0xdc: {  	s22 =	simm.s32 @!p1 $0x8E80;
	[sflag:s10] =	ssyncadd.s32 @!p1 $0xFFFFF830;
	s10 =	sadd.s32 @!p1 $0x2C00, s5  }
0xdd: {  	[spmem:s2] =	stream.indirect.scatter.add.f32 @!p1 [tilespmem:s22], [sflag:$0x13], $0x10, s10, s20, $0xb8;
	[tilespmem:$0xCA20] =	vst v63  }
0xde: {  	s10 =	simm.s32 @!p1 $0xE  }
0xdf: {  	_ =	swait.ge @!p1 [sflag:s10], $0x7D0  }
0xe0: {  	[sflag:s10] =	ssyncset.done @!p1 $0x0  }
0xe1: {  	s5 =	sadd.s32 @!p1 $0x680, s5;
	[sflag:s10] =	ssyncadd.s32 @!p1 $0xFFFFF830;
	s10 =	simm.s32 @!p1 $0x6770  }
0xe2: {  	[tilespmem:s10], [sflag:$0x4] =	stream.indirect.gather @!p1 [hbm4b:s4+s20], $0x10, s5, s20, $0xb8;
	[tilespmem:$0xCA20] =	vst v63  }
0xe3: {  	_ =	swait.ge [sflag:s7], $0x7D0  }
0xe4: {  	[sflag:s7] =	ssyncset.done $0x0  }
.Ltmp5:
0xe5: {  	s25 =	sadd.s32 $0x2C80, s9;
	[sflag:s7] =	ssyncadd.s32 $0xFFFFF830;
	(pc) =	sbr.rel @p1 .LBB2_9-.Ltmp5, $4  }
0xe6: {  	[spmem:s2] =	stream.indirect.scatter.add.f32 [tilespmem:s26], [sflag:$0x14], $0x10, s25, s24, $0xb8;
	[tilespmem:$0xCA20] =	vst v63  }
0xe7: {  	_ =	swait.ge [sflag:s3], $0x7D0  }
0xe8: {  	[sflag:s3] =	ssyncset.done $0x0  }
0xe9: {  	[sflag:s3] =	ssyncadd.s32 $0xFFFFF830  }
.Ltmp6:
0xea: {  	(pc) =	sbr.rel .LBB2_7-.Ltmp6, $3  }
0xeb: {  	_ =	sdelay $0x1  }
0xec: {  	s5 =	sadd.s32 $0x700, s9;
	s6 =	sadd.s32 $0x1400, s6  }
0xed: {  	[tilespmem:s8], [sflag:$0x5] =	stream.indirect.gather [hbm4b:s4+s24], $0x10, s5, s24, $0xb8;
	[tilespmem:$0xCA20] =	vst v63  }
.LBB2_10:
0xee: {  	_ =	sfence.sel $0x180000  }
0xef: {  	[bflag:$0x0] =	sbarrier.arrive $0xFFFF  }
0xf0: {  	_ =	strace $0x9000004A  }
0xf1: {  	s0 =	stileid.u32;
	[bflag:$0x2] =	sbarrier.arrive $0xFFFF  }
0xf2: {  	p0 =	sne.s32 s0, $0x0;
	s0 =	rddreg [dreg:$0x2]  }
0xf3: {  	s0 =	sadd.s32 @!p0 $0x100000, s0  }
0xf4: {  	[sflag:s0] =	ssyncadd.tile.s32 @!p0 $0x1;
	_ =	shalt  }
.Lfunc_end2:
_tile_overlayer_lowered:
.L_overlay_start_2:
0xf5: {  	(tag) =	ssettag $0x2  }
0xf6: {  	s0 =	rddreg [dreg:$0x0];
	s2 =	stileid.u32  }
0xf7: {  	s1 =	rddreg [dreg:$0x1];
	p0 =	sne.s32 s2, $0x0  }
0xf8: {  	s3 =	rddreg [dreg:$0x2];
	[bflag:$0x3] =	sbarrier.arrive $0xFFFF;
	s2 =	simm.s32 @!p0 $0x1C15  }
0xf9: {  	[timem:s3], [sflag:s2] =	dma.local @!p0 [hbm:s0], s1  }
0xfa: {  	s0 =	simm.s32 @!p0 $0x15  }
0xfb: {  	_ =	swait.ge @!p0 [sflag:s0], s1  }
0xfc: {  	s1 =	ssub.s32 @!p0 $0x0, s1;
	[sflag:s0] =	ssyncset.done @!p0 $0x0  }
0xfd: {  	[sflag:s0] =	ssyncadd.s32 @!p0 s1  }
0xfe: {  	[bflag:$0x3] =	sbarrier.arrive $0xFFFF  }
0xff: {  	_ =	shalt  }

// kernel: kernel.14.cloned.1.call-start
scs
__scs_entry_jumppad:
0x0: {  	(pc) =	sbr.rel $0x88, $3  }
0x1: {  	(tag) =	ssettag $0x0;
	lr =	simm.s32 $0x1  }
0x2: {  	[smem:$0x3F9B] =	sst lr;
	_ =	strace $0xD0000000  }
0x3: {  	_ = 	snop  }
0x4: {  	_ = 	snop  }
0x5: {  	_ = 	snop  }
0x6: {  	_ = 	snop  }
0x7: {  	_ = 	snop  }
__scs_overlays_trampoline_lowered:
0x8: {  	[smem:$0x3FAA] =	sst s0  }
0x9: {  	[smem:$0x3FAB] =	sst s1  }
0xa: {  	[smem:$0x3FAC] =	sst s2  }
0xb: {  	[smem:$0x3FAD] =	sst s3  }
0xc: {  	[smem:$0x3FAE] =	sst s4  }
0xd: {  	[smem:$0x3FAF] =	sst s5  }
0xe: {  	[smem:$0x3FB0] =	sst s6  }
0xf: {  	[smem:$0x3FB1] =	sst s7  }
0x10: {  	[smem:$0x3FB2] =	sst s8  }
0x11: {  	[smem:$0x3FB3] =	sst s9;
	s0 =	simm.s32 @!p0 $0x0  }
0x12: {  	s1 =	sld [smem:$0x3F99];
	s0 =	simm.s32 @p0 $0x1  }
0x13: {  	[smem:$0x3FB4] =	sst s0;
	s0 =	simm.s32 @!p1 $0x0  }
0x14: {  	s2 =	sld [smem:$0x3F98];
	s0 =	simm.s32 @p1 $0x1  }
0x15: {  	[smem:$0x3FB5] =	sst s0;
	s0 =	simm.s32 @!p2 $0x0  }
0x16: {  	s3 =	sld [smem:$0x3FDB];
	s0 =	simm.s32 @p2 $0x1  }
0x17: {  	s4 =	simm.s32 $0x1BF5;
	[smem:$0x3FB7] =	sst s0  }
0x18: {  	s0 =	sld [smem:$0x3F9A];
	_ =	swait.ge [sflag:s4], $0x0  }
0x19: {  	s7 =	sld [smem:$0x3F9B]  }
0x1a: {  	s8 =	sadd.s32 $0xFFFFE003, lr  }
0x1b: {  	s9 =	sadd.s32 $0xFFFFFEF7, lr;
	s5 =	simm.s32 $0xFFFFFFFF;
	p2 =	slt.u32 s8, $0xFFFFF086  }
0x1c: {  	p1 =	slt.u32 s9, $0xF7A;
	s5 =	simm.s32 @!p2 $0x0  }
0x1d: {  	s5 =	simm.s32 @p1 $0x1;
	p0 =	seq.s32 s7, s2  }
0x1e: {  	s7 =	smul.u32 @!p0 $0xF7A, s2;
	p2 =	seq.s32 @!p0 s5, $0x0  }
0x1f: {  	s9 =	smul.u32 $0xF7A, s1;
	s8 =	simm.s32 @!p0 $0x1BF5;
	p2 =	por !p2, p0  }
0x20: {  	[sflag:s8] =	ssyncset.s32 @!p0 $0xFFFFF086;
	s6 =	sadd.s32 @!p0 s3, s7;
	s7 =	simm.s32 @!p0 $0x108  }
0x21: {  	s3 =	sadd.s32 s3, s9;
	s6 =	sadd.s32 @!p0 $0x88, s6;
	s7 =	simm.s32 @p2 $0x1082  }
0x22: {  	[simem:s7], [sflag:s8] =	dma.local @!p0 [hbm:s6], $0xF7A  }
0x23: {  	s9 =	sor.u32 $0xD0000000, s2;
	s6 =	simm.s32 $0x108;
	_ =	swait.ge @!p0 [sflag:s8], $0x0  }
0x24: {  	s3 =	sadd.s32 $0x88, s3;
	s6 =	simm.s32 @!p1 $0x1082;
	[sflag:s4] =	ssyncset.s32 $0xFFFFF086  }
0x25: {  	[simem:s6], [sflag:s4] =	dma.local [hbm:s3], $0xF7A  }
0x26: {  	[smem:$0x3F9B] =	sst s1;
	(tag) =	ssettag s2;
	_ =	strace s9  }
0x27: {  	s1 =	sld [smem:$0x3FAB]  }
0x28: {  	s2 =	sld [smem:$0x3FAC]  }
0x29: {  	s4 =	sld [smem:$0x3FAE]  }
0x2a: {  	p0 =	seq.s32 s5, $0x0;
	s5 =	sld [smem:$0x3FAF]  }
0x2b: {  	s6 =	sld [smem:$0x3FB0]  }
0x2c: {  	s7 =	sld [smem:$0x3FB1]  }
0x2d: {  	s3 =	simm.s32 $0x108;
	s8 =	sld [smem:$0x3FB2]  }
0x2e: {  	s3 =	simm.s32 @!p0 $0x1082;
	s9 =	sld [smem:$0x3FB3]  }
0x2f: {  	lr =	sadd.s32 s0, s3;
	s0 =	sld [smem:$0x3FAA]  }
0x30: {  	s3 =	sld [smem:$0x3FAD]  }
0x31: {  	[smem:$0x3FB6] =	sst s10  }
0x32: {  	s10 =	sld [smem:$0x3FB4];
	_ =	sdelay $0x3  }
0x33: {  	p0 =	seq.s32 s10, $0x1;
	s10 =	sld [smem:$0x3FB6];
	_ =	sdelay $0x3  }
0x34: {  	[smem:$0x3FB6] =	sst s10  }
0x35: {  	s10 =	sld [smem:$0x3FB5];
	_ =	sdelay $0x3  }
0x36: {  	p1 =	seq.s32 s10, $0x1;
	s10 =	sld [smem:$0x3FB6];
	_ =	sdelay $0x3  }
0x37: {  	[smem:$0x3FB6] =	sst s10  }
0x38: {  	s10 =	sld [smem:$0x3FB7]  }
0x39: {  	_ = 	snop;
	(pc) =	sbr.ind lr, $3  }
0x3a: {  	_ = 	snop  }
0x3b: {  	_ = 	snop  }
0x3c: {  	p2 =	seq.s32 s10, $0x1;
	s10 =	sld [smem:$0x3FB6]  }
0x3d: {  	_ =	shalt  }
0x3e: {  	_ =	shalt  }
0x3f: {  	_ =	shalt  }
0x40: {  	_ =	shalt  }
0x41: {  	_ =	shalt  }
0x42: {  	_ =	shalt  }
0x43: {  	_ =	shalt  }
0x44: {  	_ =	shalt  }
0x45: {  	_ =	shalt  }
0x46: {  	_ =	shalt  }
0x47: {  	_ =	shalt  }
0x48: {  	_ =	shalt  }
0x49: {  	_ =	shalt  }
0x4a: {  	_ =	shalt  }
0x4b: {  	_ =	shalt  }
0x4c: {  	_ =	shalt  }
0x4d: {  	_ =	shalt  }
0x4e: {  	_ =	shalt  }
0x4f: {  	_ =	shalt  }
0x50: {  	_ =	shalt  }
0x51: {  	_ =	shalt  }
0x52: {  	_ =	shalt  }
0x53: {  	_ =	shalt  }
0x54: {  	_ =	shalt  }
0x55: {  	_ =	shalt  }
0x56: {  	_ =	shalt  }
0x57: {  	_ =	shalt  }
0x58: {  	_ =	shalt  }
0x59: {  	_ =	shalt  }
0x5a: {  	_ =	shalt  }
0x5b: {  	_ =	shalt  }
0x5c: {  	_ =	shalt  }
0x5d: {  	_ =	shalt  }
0x5e: {  	_ =	shalt  }
0x5f: {  	_ =	shalt  }
0x60: {  	_ =	shalt  }
0x61: {  	_ =	shalt  }
0x62: {  	_ =	shalt  }
0x63: {  	_ =	shalt  }
0x64: {  	_ =	shalt  }
0x65: {  	_ =	shalt  }
0x66: {  	_ =	shalt  }
0x67: {  	_ =	shalt  }
0x68: {  	_ =	shalt  }
0x69: {  	_ =	shalt  }
0x6a: {  	_ =	shalt  }
0x6b: {  	_ =	shalt  }
0x6c: {  	_ =	shalt  }
0x6d: {  	_ =	shalt  }
0x6e: {  	_ =	shalt  }
0x6f: {  	_ =	shalt  }
0x70: {  	_ =	shalt  }
0x71: {  	_ =	shalt  }
0x72: {  	_ =	shalt  }
0x73: {  	_ =	shalt  }
0x74: {  	_ =	shalt  }
0x75: {  	_ =	shalt  }
0x76: {  	_ =	shalt  }
0x77: {  	_ =	shalt  }
0x78: {  	_ =	shalt  }
0x79: {  	_ =	shalt  }
0x7a: {  	_ =	shalt  }
0x7b: {  	_ =	shalt  }
0x7c: {  	_ =	shalt  }
0x7d: {  	_ =	shalt  }
0x7e: {  	_ =	shalt  }
0x7f: {  	_ =	shalt  }
0x80: {  	_ =	shalt  }
0x81: {  	_ =	shalt  }
0x82: {  	_ =	shalt  }
0x83: {  	_ =	shalt  }
0x84: {  	_ =	shalt  }
0x85: {  	_ =	shalt  }
0x86: {  	_ =	shalt  }
0x87: {  	_ =	shalt  }
.Lfunc_end0:
.L_simem_size_0:
called_computation.2_lowered:
.L_overlay_start_0:
0x88: {  	s2 =	sld [smem:$0x3FD9]  }
0x89: {  	s3 =	sld [smem:$0x3FFE];
	_ =	sdelay $0x1  }
0x8a: {  	s1 =	srdreg.scid  }
0x8b: {  	s0 =	sand.u32 $0x1, s1  }
0x8c: {  	s16 =	sshll.u32 s0, $0xA;
	s2 =	sadd.s32 s3, s2  }
0x8d: {  	s2 =	sadd.s32 s2, s16  }
0x8e: {  	[smem:$0x3FC2] =	sst s2  }
0x8f: {  	_ = 	snop  }
0x90: {  	(tm) =	ssettm $0x1  }
0x91: {  	s17 =	sld [smem:$0x3FFB];
	_ =	sdelay $0x3  }
0x92: {  	_ =	strace s17  }
0x93: {  	s2 =	sld [smem:$0x3FFC];
	_ =	sdelay $0x3  }
0x94: {  	_ =	strace s2  }
0x95: {  	s2 =	sld [smem:$0x3FFD];
	_ =	sdelay $0x3  }
0x96: {  	_ =	strace s2  }
0x97: {  	_ =	strace $0x8FFFFFFF  }
0x98: {  	s18 =	sld [smem:$0x3FDB];
	_ =	sdelay $0x1  }
0x99: {  	s19 =	simm.s32 $_scs_section_size  }
0x9a: {  	s4 =	simm.s32 $_size__tile_overlayer_lowered;
	s5 =	simm.s32 $_tile_overlayer_lowered  }
0x9b: {  	s22 =	simm.s32 $0x1BFF;
	s21 =	sshll.u32 s5, $0x1;
	s2 =	sadd.s32 s19, s18  }
0x9c: {  	s6 =	simm.s32 $0x0;
	s20 =	sshll.u32 s4, $0x1;
	s4 =	sadd.s32 s21, s2  }
0x9d: {  	[timem:s6], [sflag:s22] =	dma.local [hbm:s4], s20  }
0x9e: {  	_ =	swait.ge [sflag:s22], s20  }
0x9f: {  	s3 =	ssub.s32 $0x0, s20;
	[sflag:s22] =	ssyncset.done $0x0  }
0xa0: {  	[sflag:s22] =	ssyncadd.s32 s3;
	_ =	sdelay $0x1  }
0xa1: {  	s23 =	simm.s32 $0x1B8B  }
0xa2: {  	_ =	swait.ge [sflag:s23], $0x1  }
0xa3: {  	[sflag:s23] =	ssyncset.done $0x0  }
0xa4: {  	s25 =	simm.s32 $0x1B8E;
	s24 =	sld [smem:$0x3FFE];
	[sflag:s23] =	ssyncadd.s32 $0xFFFFFFFF  }
0xa5: {  	s26 =	simm.s32 $execute0_lowered;
	[smem:$0x3FD2] =	sst s25  }
0xa6: {  	s4 =	sshll.u32 s26, $0x1;
	_ =	strace $0x8000004C;
	[dreg:$0x1] =	wrdreg $0xFFFFFFFF  }
0xa7: {  	s28 =	simm.s32 $_size_execute0_lowered;
	s2 =	sadd.s32 s2, s4;
	[dreg:$0x0] =	wrdreg $0x0  }
0xa8: {  	s4 =	sshll.u32 s28, $0x1;
	[dreg:$0x2] =	wrdreg s2  }
0xa9: {  	[dreg:$0x3] =	wrdreg s4  }
0xaa: {  	[dreg:$0x4] =	wrdreg $0xC0  }
0xab: {  	_ =	task [dreg:s6], $0x5FFFF  }
0xac: {  	[dreg:$0x1] =	wrdreg $0xFFFFFFFF  }
0xad: {  	[dreg:$0x0] =	wrdreg $0x60  }
0xae: {  	[dreg:$0x2] =	wrdreg s24  }
0xaf: {  	[dreg:$0x3] =	wrdreg $0xA2200  }
0xb0: {  	[dreg:$0x4] =	wrdreg $0x9  }
0xb1: {  	_ =	task.clear_ibuf [dreg:s6], $0x5FFFF;
	_ =	strace $0x9000004C  }
0xb2: {  	s29 =	simm.s32 $0x9;
	_ =	strace $0x8000004E  }
0xb3: {  	_ =	swait.ge [sflag:s29], $0x1  }
0xb4: {  	[sflag:s29] =	ssyncadd.s32 $0xFFFFFFFF  }
0xb5: {  	_ =	strace $0x9000004E  }
0xb6: {  	_ =	sfence  }
0xb7: {  	s30 =	sld [smem:$0x0];
	_ =	sdelay $0x2  }
0xb8: {  	s31 =	sshll.u32 s1, $0xD;
	s1 =	sshrl.u32 s1, $0x2  }
0xb9: {  	s3 =	sand.u32 $0x4000, s31;
	s1 =	sadd.s32 s1, s30  }
0xba: {  	s0 =	sor.u32 s3, s0;
	s1 =	sshll.u32 s1, $0x11  }
0xbb: {  	s0 =	sor.u32 s1, s0  }
0xbc: {  	s0 =	sadd.s32 $0x8F2B, s0  }
0xbd: {  	[sflag:s0] =	ssyncadd.remote.s32 $0x1  }
0xbe: {  	_ =	sfence.sel $0xFFFF  }
0xbf: {  	[dreg:$0x0] =	wrdreg $0xFFFFFFFF;
	(pc) =	sbr.abs _section_cstart, $3  }
0xc0: {  	[dreg:$0x1] =	wrdreg $0xFFFFFFFF  }
0xc1: {  	_ =	task.clear_ibuf [dreg:s6], $0x2FFFF;
	_ =	strace $0x9FFFFFFF  }
0xc2: {  	(tm) =	ssettm $0x7FFFFFFF  }
0xc3: {  	_ =	shalt  }
tec
execute0_lowered:
.L_overlay_start_1:
0x0: {  	(tag) =	ssettag $0x1  }
0x1: {  	s0 =	srdreg.scid;
	s3 =	rddreg [dreg:$0x0]  }
0x2: {  	s10 =	stileid.u32;
	s2 =	rddreg [dreg:$0x1];
	s4 =	simm.s32 $0x0  }
0x3: {  	s28 =	simm.s32 $0x57D0;
	s30 =	simm.s32 $0x5FA0;
	s29 =	simm.s32 $0xB  }
0x4: {  	s31 =	simm.s32 $0x8;
	s0 =	sand.u32 $0x1, s0;
	s1 =	sshll.u32 s10, $0x1  }
0x5: {  	s5 =	smul.u32 $0x2800, s10;
	[smem:$0x7FF] =	sst s4;
	s25 =	sshll.u32 s10, $0x6  }
0x6: {  	s1 =	sor.u32 s0, s1;
	s9 =	smul.u32 $0x28000, s0;
	_ =	strace $0x8000004D  }
0x7: {  	s6 =	ssub.s32 $0x2, s0;
	p0 =	sne.s32 s0, $0x0;
	s0 =	sor.u32 $0x1C15, s25  }
0x8: {  	s1 =	smul.u32 $0x2800, s1;
	s8 =	sshrl.u32 s6, $0x1;
	s14 =	sadd.s32 s5, s2  }
0x9: {  	[dreg:$0x12] =	wrdreg s0;
	s0 =	simm.s32 $0xD;
	s4 =	sadd.s32 s5, s9  }
0xa: {  	s9 =	smul.u32 $0xA000, s10;
	s6 =	ssub.s32 s6, s8;
	s5 =	sshrl.u32 s5, $0x3  }
0xb: {  	s26 =	sshrl.u32 s14, $0x3;
	s1 =	sshrl.u32 s1, $0x3;
	s7 =	sshrl.u32 s4, $0x3  }
0xc: {  	s4 =	sadd.s32 $0x16800, s3;
	s15 =	smax.u32 s6, $0x1;
	[dreg:$0x13] =	wrdreg s26  }
0xd: {  	s1 =	sadd.s32 s1, s3;
	s5 =	sadd.s32 s4, s5;
	[dreg:$0x8] =	wrdreg s15  }
0xe: {  	s8 =	simm.s32 $0x6F40;
	s11 =	sadd.s32 $0x2800, s1;
	[dreg:$0x6] =	wrdreg s5  }
0xf: {  	s3 =	sadd.s32 s7, s3;
	s1 =	sadd.s32 $0xC800, s1;
	[dreg:$0x3] =	wrdreg s11  }
0x10: {  	s12 =	sshrl.u32 s9, $0x2;
	s3 =	sadd.s32 $0x1B800, s3;
	[dreg:$0x4] =	wrdreg s1  }
0x11: {  	s14 =	simm.s32 $0x3;
	s13 =	sadd.s32 s12, s2;
	[dreg:$0x7] =	wrdreg s3  }
0x12: {  	s26 =	simm.s32 $0x9650;
	s16 =	sadd.s32 $0x400, s13;
	[dreg:$0x5] =	wrdreg s13  }
0x13: {  	s6 =	simm.s32 $0x0;
	s17 =	sadd.s32 $0x800, s13;
	[dreg:$0x9] =	wrdreg s16  }
0x14: {  	s15 =	simm.s32 $0x86B0;
	s18 =	sadd.s32 $0xC00, s13;
	[dreg:$0xa] =	wrdreg s17  }
0x15: {  	s7 =	simm.s32 $0xA;
	s19 =	sadd.s32 $0x1000, s13;
	[dreg:$0xb] =	wrdreg s18  }
0x16: {  	s12 =	simm.s32 $0x7710;
	s20 =	sadd.s32 $0x1400, s13;
	[dreg:$0xc] =	wrdreg s19  }
0x17: {  	s21 =	sadd.s32 $0x1800, s13;
	s22 =	sadd.s32 $0x1C00, s13;
	[dreg:$0xd] =	wrdreg s20  }
0x18: {  	s23 =	sadd.s32 $0x2000, s13;
	s24 =	sadd.s32 $0x2400, s13;
	[dreg:$0xe] =	wrdreg s21  }
.Ltmp0:
0x19: {  	s1 =	simm.s32 $0x6770;
	[dreg:$0xf] =	wrdreg s22;
	(pc) =	sbr.rel .LBB2_1-.Ltmp0, $4  }
0x1a: {  	s11 =	simm.s32 $0x1;
	s13 =	simm.s32 $0x2;
	[dreg:$0x10] =	wrdreg s23  }
0x1b: {  	s3 =	simm.s32 $0xF;
	[dreg:$0x11] =	wrdreg s24;
	s20 =	simm.s32 $0x15  }
0x1c: {  	s24 =	simm.s32 $0x7D;
	s21 =	simm.s32 $0x7EE0;
	s16 =	simm.s32 $0x4  }
0x1d: {  	v0 =	vimm.f32 $0.0e+00;
	s17 =	simm.s32 $0x8E80;
	s18 =	simm.s32 $0x5;
	s19 =	simm.s32 $0x6  }
.LBB2_9:
0x1e: {  	s5 =	simm.s32 $0x10  }
0x1f: {  	_ =	swait.ge [sflag:s5], $0x7D0  }
0x20: {  	[sflag:s5] =	ssyncset.done $0x0  }
0x21: {  	s6 =	simm.s32 $0x11;
	[sflag:s5] =	ssyncadd.s32 $0xFFFFF830  }
0x22: {  	_ =	swait.ge [sflag:s6], $0x7D0  }
0x23: {  	[sflag:s6] =	ssyncset.done $0x0  }
0x24: {  	s9 =	simm.s32 $0x12;
	[sflag:s6] =	ssyncadd.s32 $0xFFFFF830  }
0x25: {  	_ =	swait.ge [sflag:s9], $0x7D0  }
0x26: {  	[sflag:s9] =	ssyncset.done $0x0  }
0x27: {  	s10 =	simm.s32 $0x13;
	[sflag:s9] =	ssyncadd.s32 $0xFFFFF830  }
0x28: {  	_ =	swait.ge [sflag:s10], $0x7D0  }
0x29: {  	[sflag:s10] =	ssyncset.done $0x0  }
0x2a: {  	s20 =	simm.s32 $0x14;
	[sflag:s10] =	ssyncadd.s32 $0xFFFFF830  }
0x2b: {  	_ =	swait.ge [sflag:s20], $0x7D0  }
0x2c: {  	[sflag:s20] =	ssyncset.done $0x0  }
0x2d: {  	[sflag:s20] =	ssyncadd.s32 $0xFFFFF830  }
0x2e: {  	[bflag:$0x0] =	sbarrier.arrive $0xFFFF  }
0x2f: {  	s22 =	rddreg [dreg:$0x7]  }
0x30: {  	s6 =	rddreg [dreg:$0x12]  }
0x31: {  	s20 =	simm.s32 $0x15;
	s9 =	rddreg [dreg:$0x13]  }
0x32: {  	[hbm:s22], [sflag:s6] =	dma.local [spmem:s9], $0x500  }
0x33: {  	_ =	swait.ge [sflag:s20], $0x500  }
0x34: {  	s23 =	rddreg [dreg:$0x14]  }
0x35: {  	s25 =	rddreg [dreg:$0x8];
	s6 =	sadd.s32 $0x1, s23  }
0x36: {  	p1 =	sne.s32 s6, s25  }
.Ltmp1:
0x37: {  	_ = 	snop;
	(pc) =	sbr.rel @!p1 .LBB2_10-.Ltmp1, $3  }
0x38: {  	_ =	sdelay $0x1  }
0x39: {  	[sflag:s20] =	ssyncset.done $0x0  }
0x3a: {  	[sflag:s20] =	ssyncadd.s32 $0xFFFFFB00  }
.LBB2_1:
0x3b: {  	[dreg:$0x14] =	wrdreg s6  }
0x3c: {  	s5 =	simm.s32 $0x0;
	s23 =	rddreg [dreg:$0x3]  }
0x3d: {  	[tilespmem:s5], [sflag:$0x15] =	stream.linear.gather [hbm4b:s23+s5], $0x2800, $0x38;
	[tilespmem:$0xCA20] =	vst v63  }
0x3e: {  	_ =	swait.ge [sflag:s20], $0x2800  }
0x3f: {  	s9 =	simm.s32 $0x2800;
	[sflag:s20] =	ssyncset.done $0x0  }
.Ltmp2:
0x40: {  	s25 =	rddreg [dreg:$0x4];
	[sflag:s20] =	ssyncadd.s32 $0xFFFFD800;
	(pc) =	sbr.rel @p0 .LBB2_3-.Ltmp2, $4  }
0x41: {  	[tilespmem:s9], [sflag:$0x15] =	stream.linear.gather [hbm4b:s25+s5], $0x2800, $0x38;
	[tilespmem:$0xCA20] =	vst v63  }
0x42: {  	_ =	swait.ge [sflag:s20], $0x2800  }
0x43: {  	[sflag:s20] =	ssyncset.done $0x0  }
0x44: {  	[sflag:s20] =	ssyncadd.s32 $0xFFFFD800  }
0x45: {  	s5 =	rddreg [dreg:$0x6]  }
0x46: {  	s6 =	rddreg [dreg:$0x12]  }
.Ltmp3:
0x47: {  	s9 =	rddreg [dreg:$0x13];
	(pc) =	sbr.rel .LBB2_6-.Ltmp3, $4  }
0x48: {  	[spmem:s9], [sflag:s6] =	dma.local [hbm:s5], $0x500  }
0x49: {  	_ =	swait.ge [sflag:s20], $0x500  }
0x4a: {  	[sflag:s20] =	ssyncset.done $0x0  }
0x4b: {  	[sflag:s20] =	ssyncadd.s32 $0xFFFFFB00  }
.LBB2_3:
0x4c: {  	s6 =	simm.s32 $0x40;
	s9 =	simm.s32 $0x0  }
.LBB2_4:
0x4d: {  	p1 =	sne.s32 s6, $0xFC0;
	[tilespmem:s9+$0x9E20] =	vst v0;
	s9 =	smov.u32 s6;
	s6 =	sadd.s32 $0x40, s6  }
.Ltmp4:
0x4e: {  	(pc) =	sbr.rel @p1 .LBB2_4-.Ltmp4, $2  }
0x4f: {  	_ =	sdelay $0x2  }
0x50: {  	s9 =	sshra.s32 s9, $0x2  }
0x51: {  	[tilespmem:s9+$0x9E20] =	vst v0;
	s5 =	rddreg [dreg:$0x5];
	s6 =	simm.s32 $0x9E20  }
0x52: {  	[spmem:s5] =	stream.linear.scatter [tilespmem:s6], [sflag:$0x15], $0x400, $0x38;
	[tilespmem:$0xCA20] =	vst v63  }
0x53: {  	_ =	swait.ge [sflag:s20], $0x400  }
0x54: {  	[sflag:s20] =	ssyncset.done $0x0  }
0x55: {  	s10 =	rddreg [dreg:$0x9];
	[sflag:s20] =	ssyncadd.s32 $0xFFFFFC00  }
0x56: {  	[spmem:s10] =	stream.linear.scatter [tilespmem:s6], [sflag:$0x15], $0x400, $0x38;
	[tilespmem:$0xCA20] =	vst v63  }
0x57: {  	_ =	swait.ge [sflag:s20], $0x400  }
0x58: {  	[sflag:s20] =	ssyncset.done $0x0  }
0x59: {  	s22 =	rddreg [dreg:$0xa];
	[sflag:s20] =	ssyncadd.s32 $0xFFFFFC00  }
0x5a: {  	[spmem:s22] =	stream.linear.scatter [tilespmem:s6], [sflag:$0x15], $0x400, $0x38;
	[tilespmem:$0xCA20] =	vst v63  }
0x5b: {  	_ =	swait.ge [sflag:s20], $0x400  }
0x5c: {  	[sflag:s20] =	ssyncset.done $0x0  }
0x5d: {  	s23 =	rddreg [dreg:$0xb];
	[sflag:s20] =	ssyncadd.s32 $0xFFFFFC00  }
0x5e: {  	[spmem:s23] =	stream.linear.scatter [tilespmem:s6], [sflag:$0x15], $0x400, $0x38;
	[tilespmem:$0xCA20] =	vst v63  }
0x5f: {  	_ =	swait.ge [sflag:s20], $0x400  }
0x60: {  	[sflag:s20] =	ssyncset.done $0x0  }
0x61: {  	s25 =	rddreg [dreg:$0xc];
	[sflag:s20] =	ssyncadd.s32 $0xFFFFFC00  }
0x62: {  	[spmem:s25] =	stream.linear.scatter [tilespmem:s6], [sflag:$0x15], $0x400, $0x38;
	[tilespmem:$0xCA20] =	vst v63  }
0x63: {  	_ =	swait.ge [sflag:s20], $0x400  }
0x64: {  	[sflag:s20] =	ssyncset.done $0x0  }
0x65: {  	s9 =	rddreg [dreg:$0xd];
	[sflag:s20] =	ssyncadd.s32 $0xFFFFFC00  }
0x66: {  	[spmem:s9] =	stream.linear.scatter [tilespmem:s6], [sflag:$0x15], $0x400, $0x38;
	[tilespmem:$0xCA20] =	vst v63  }
0x67: {  	_ =	swait.ge [sflag:s20], $0x400  }
0x68: {  	[sflag:s20] =	ssyncset.done $0x0  }
0x69: {  	s10 =	rddreg [dreg:$0xe];
	[sflag:s20] =	ssyncadd.s32 $0xFFFFFC00  }
0x6a: {  	[spmem:s10] =	stream.linear.scatter [tilespmem:s6], [sflag:$0x15], $0x400, $0x38;
	[tilespmem:$0xCA20] =	vst v63  }
0x6b: {  	_ =	swait.ge [sflag:s20], $0x400  }
0x6c: {  	[sflag:s20] =	ssyncset.done $0x0  }
0x6d: {  	s22 =	rddreg [dreg:$0xf];
	[sflag:s20] =	ssyncadd.s32 $0xFFFFFC00  }
0x6e: {  	[spmem:s22] =	stream.linear.scatter [tilespmem:s6], [sflag:$0x15], $0x400, $0x38;
	[tilespmem:$0xCA20] =	vst v63  }
0x6f: {  	_ =	swait.ge [sflag:s20], $0x400  }
0x70: {  	[sflag:s20] =	ssyncset.done $0x0  }
0x71: {  	s23 =	rddreg [dreg:$0x10];
	[sflag:s20] =	ssyncadd.s32 $0xFFFFFC00  }
0x72: {  	[spmem:s23] =	stream.linear.scatter [tilespmem:s6], [sflag:$0x15], $0x400, $0x38;
	[tilespmem:$0xCA20] =	vst v63  }
0x73: {  	_ =	swait.ge [sflag:s20], $0x400  }
0x74: {  	[sflag:s20] =	ssyncset.done $0x0  }
0x75: {  	s25 =	rddreg [dreg:$0x11];
	[sflag:s20] =	ssyncadd.s32 $0xFFFFFC00  }
0x76: {  	[spmem:s25] =	stream.linear.scatter [tilespmem:s6], [sflag:$0x15], $0x400, $0x38;
	[tilespmem:$0xCA20] =	vst v63  }
0x77: {  	_ =	swait.ge [sflag:s20], $0x400  }
0x78: {  	[sflag:s20] =	ssyncset.done $0x0  }
0x79: {  	[sflag:s20] =	ssyncadd.s32 $0xFFFFFC00  }
.LBB2_6:
0x7a: {  	[bflag:$0x0] =	sbarrier.arrive $0xFFFF;
	s6 =	simm.s32 $0x0;
	s5 =	simm.s32 $0x5000  }
0x7b: {  	[tilespmem:s5], [sflag:$0x1] =	stream.indirect.gather [hbm4b:s4+s24], $0x10, s6, s24, $0xb8;
	[tilespmem:$0xCA20] =	vst v63  }
0x7c: {  	s20 =	simm.s32 $0x80  }
0x7d: {  	[tilespmem:s28], [sflag:$0x2] =	stream.indirect.gather [hbm4b:s4+s24], $0x10, s20, s24, $0xb8;
	[tilespmem:$0xCA20] =	vst v63  }
0x7e: {  	s22 =	simm.s32 $0x100  }
0x7f: {  	[tilespmem:s30], [sflag:$0x3] =	stream.indirect.gather [hbm4b:s4+s24], $0x10, s22, s24, $0xb8;
	[tilespmem:$0xCA20] =	vst v63  }
0x80: {  	s23 =	simm.s32 $0x180  }
0x81: {  	[tilespmem:s1], [sflag:$0x4] =	stream.indirect.gather [hbm4b:s4+s24], $0x10, s23, s24, $0xb8;
	[tilespmem:$0xCA20] =	vst v63  }
0x82: {  	s25 =	simm.s32 $0x200  }
0x83: {  	[tilespmem:s8], [sflag:$0x5] =	stream.indirect.gather [hbm4b:s4+s24], $0x10, s25, s24, $0xb8;
	[tilespmem:$0xCA20] =	vst v63  }
.LBB2_7:
0x84: {  	_ =	swait.ge [sflag:s11], $0x7D0  }
0x85: {  	s9 =	sshra.s32 s6, $0x2;
	s5 =	simm.s32 $0x5000;
	[sflag:s11] =	ssyncset.done $0x0  }
0x86: {  	p1 =	seq.s32 s6, $0x0;
	s10 =	sadd.s32 $0x2800, s9;
	[sflag:s11] =	ssyncadd.s32 $0xFFFFF830  }
0x87: {  	[spmem:s2] =	stream.indirect.scatter.add.f32 [tilespmem:s5], [sflag:$0xB], $0x10, s10, s24, $0xb8;
	[tilespmem:$0xCA20] =	vst v63  }
0x88: {  	s10 =	simm.s32 @!p1 $0x10  }
0x89: {  	_ =	swait.ge @!p1 [sflag:s10], $0x7D0  }
0x8a: {  	[sflag:s10] =	ssyncset.done @!p1 $0x0  }
0x8b: {  	s25 =	sadd.s32 $0x280, s9;
	[sflag:s10] =	ssyncadd.s32 @!p1 $0xFFFFF830  }
0x8c: {  	[tilespmem:s12], [sflag:$0x6] =	stream.indirect.gather [hbm4b:s4+s24], $0x10, s25, s24, $0xb8;
	[tilespmem:$0xCA20] =	vst v63  }
0x8d: {  	_ =	swait.ge [sflag:s13], $0x7D0  }
0x8e: {  	[sflag:s13] =	ssyncset.done $0x0  }
0x8f: {  	s5 =	sadd.s32 $0x2880, s9;
	s10 =	simm.s32 @!p1 $0x11;
	[sflag:s13] =	ssyncadd.s32 $0xFFFFF830  }
0x90: {  	[spmem:s2] =	stream.indirect.scatter.add.f32 [tilespmem:s28], [sflag:$0xC], $0x10, s5, s24, $0xb8;
	[tilespmem:$0xCA20] =	vst v63  }
0x91: {  	_ =	swait.ge @!p1 [sflag:s10], $0x7D0  }
0x92: {  	[sflag:s10] =	ssyncset.done @!p1 $0x0  }
0x93: {  	s20 =	sadd.s32 $0x300, s9;
	[sflag:s10] =	ssyncadd.s32 @!p1 $0xFFFFF830  }
0x94: {  	[tilespmem:s21], [sflag:$0x7] =	stream.indirect.gather [hbm4b:s4+s24], $0x10, s20, s24, $0xb8;
	[tilespmem:$0xCA20] =	vst v63  }
0x95: {  	_ =	swait.ge [sflag:s14], $0x7D0  }
0x96: {  	[sflag:s14] =	ssyncset.done $0x0  }
0x97: {  	s22 =	sadd.s32 $0x2900, s9;
	s10 =	simm.s32 @!p1 $0x12;
	[sflag:s14] =	ssyncadd.s32 $0xFFFFF830  }
0x98: {  	[spmem:s2] =	stream.indirect.scatter.add.f32 [tilespmem:s30], [sflag:$0xD], $0x10, s22, s24, $0xb8;
	[tilespmem:$0xCA20] =	vst v63  }
0x99: {  	_ =	swait.ge @!p1 [sflag:s10], $0x7D0  }
0x9a: {  	[sflag:s10] =	ssyncset.done @!p1 $0x0  }
0x9b: {  	s23 =	sadd.s32 $0x380, s9;
	[sflag:s10] =	ssyncadd.s32 @!p1 $0xFFFFF830  }
0x9c: {  	[tilespmem:s15], [sflag:$0x8] =	stream.indirect.gather [hbm4b:s4+s24], $0x10, s23, s24, $0xb8;
	[tilespmem:$0xCA20] =	vst v63  }
0x9d: {  	_ =	swait.ge [sflag:s16], $0x7D0  }
0x9e: {  	[sflag:s16] =	ssyncset.done $0x0  }
0x9f: {  	s25 =	sadd.s32 $0x2980, s9;
	s10 =	simm.s32 @!p1 $0x13;
	[sflag:s16] =	ssyncadd.s32 $0xFFFFF830  }
0xa0: {  	[spmem:s2] =	stream.indirect.scatter.add.f32 [tilespmem:s1], [sflag:$0xE], $0x10, s25, s24, $0xb8;
	[tilespmem:$0xCA20] =	vst v63  }
0xa1: {  	_ =	swait.ge @!p1 [sflag:s10], $0x7D0  }
0xa2: {  	[sflag:s10] =	ssyncset.done @!p1 $0x0  }
0xa3: {  	s5 =	sadd.s32 $0x400, s9;
	[sflag:s10] =	ssyncadd.s32 @!p1 $0xFFFFF830  }
0xa4: {  	[tilespmem:s17], [sflag:$0x9] =	stream.indirect.gather [hbm4b:s4+s24], $0x10, s5, s24, $0xb8;
	[tilespmem:$0xCA20] =	vst v63  }
0xa5: {  	_ =	swait.ge [sflag:s18], $0x7D0  }
0xa6: {  	[sflag:s18] =	ssyncset.done $0x0  }
0xa7: {  	s20 =	sadd.s32 $0x2A00, s9;
	s10 =	simm.s32 @!p1 $0x14;
	[sflag:s18] =	ssyncadd.s32 $0xFFFFF830  }
0xa8: {  	[spmem:s2] =	stream.indirect.scatter.add.f32 [tilespmem:s8], [sflag:$0xF], $0x10, s20, s24, $0xb8;
	[tilespmem:$0xCA20] =	vst v63  }
0xa9: {  	_ =	swait.ge @!p1 [sflag:s10], $0x7D0  }
0xaa: {  	[sflag:s10] =	ssyncset.done @!p1 $0x0  }
0xab: {  	s22 =	sadd.s32 $0x480, s9;
	[sflag:s10] =	ssyncadd.s32 @!p1 $0xFFFFF830  }
0xac: {  	[tilespmem:s26], [sflag:$0xA] =	stream.indirect.gather [hbm4b:s4+s24], $0x10, s22, s24, $0xb8;
	[tilespmem:$0xCA20] =	vst v63  }
0xad: {  	_ =	swait.ge [sflag:s19], $0x7D0  }
0xae: {  	[sflag:s19] =	ssyncset.done $0x0  }
0xaf: {  	s23 =	sadd.s32 $0x2A80, s9;
	[sflag:s19] =	ssyncadd.s32 $0xFFFFF830  }
0xb0: {  	[spmem:s2] =	stream.indirect.scatter.add.f32 [tilespmem:s12], [sflag:$0x10], $0x10, s23, s24, $0xb8;
	[tilespmem:$0xCA20] =	vst v63  }
0xb1: {  	_ =	swait.ge [sflag:s29], $0x7D0  }
0xb2: {  	p1 =	seq.s32 s6, $0x8C00;
	[sflag:s29] =	ssyncset.done $0x0  }
0xb3: {  	s10 =	simm.s32 @p1 $0x7;
	[sflag:s29] =	ssyncadd.s32 $0xFFFFF830  }
0xb4: {  	_ =	swait.ge @p1 [sflag:s10], $0x7D0  }
0xb5: {  	[sflag:s10] =	ssyncset.done @p1 $0x0  }
0xb6: {  	[sflag:s10] =	ssyncadd.s32 @p1 $0xFFFFF830;
	s10 =	sshra.s32 @p1 s6, $0x2  }
0xb7: {  	s5 =	simm.s32 @p1 $0x7EE0;
	s23 =	simm.s32 @p1 $0x7D;
	s22 =	sadd.s32 @p1 $0x2B00, s10  }
0xb8: {  	[spmem:s2] =	stream.indirect.scatter.add.f32 @p1 [tilespmem:s5], [sflag:$0x11], $0x10, s22, s23, $0xb8;
	[tilespmem:$0xCA20] =	vst v63  }
0xb9: {  	s5 =	simm.s32 @p1 $0xC  }
0xba: {  	_ =	swait.ge @p1 [sflag:s5], $0x7D0  }
0xbb: {  	[sflag:s5] =	ssyncset.done @p1 $0x0  }
0xbc: {  	[sflag:s5] =	ssyncadd.s32 @p1 $0xFFFFF830;
	s5 =	sshra.s32 @!p1 s6, $0x2  }
0xbd: {  	s20 =	simm.s32 @!p1 $0x7D;
	s25 =	simm.s32 @!p1 $0x5000;
	s22 =	sadd.s32 @!p1 $0x500, s5  }
0xbe: {  	[tilespmem:s25], [sflag:$0x1] =	stream.indirect.gather @!p1 [hbm4b:s4+s20], $0x10, s22, s20, $0xb8;
	[tilespmem:$0xCA20] =	vst v63  }
0xbf: {  	s22 =	simm.s32 @!p1 $0x7  }
0xc0: {  	_ =	swait.ge @!p1 [sflag:s22], $0x7D0  }
0xc1: {  	[sflag:s22] =	ssyncset.done @!p1 $0x0  }
0xc2: {  	s25 =	simm.s32 @!p1 $0x7EE0;
	[sflag:s22] =	ssyncadd.s32 @!p1 $0xFFFFF830;
	s22 =	sadd.s32 @!p1 $0x2B00, s5  }
0xc3: {  	[spmem:s2] =	stream.indirect.scatter.add.f32 @!p1 [tilespmem:s25], [sflag:$0x11], $0x10, s22, s20, $0xb8;
	[tilespmem:$0xCA20] =	vst v63  }
0xc4: {  	s22 =	simm.s32 @!p1 $0xC  }
0xc5: {  	_ =	swait.ge @!p1 [sflag:s22], $0x7D0  }
0xc6: {  	[sflag:s22] =	ssyncset.done @!p1 $0x0  }
0xc7: {  	s25 =	simm.s32 @!p1 $0x57D0;
	[sflag:s22] =	ssyncadd.s32 @!p1 $0xFFFFF830;
	s22 =	sadd.s32 @!p1 $0x580, s5  }
0xc8: {  	[tilespmem:s25], [sflag:$0x2] =	stream.indirect.gather @!p1 [hbm4b:s4+s20], $0x10, s22, s20, $0xb8;
	[tilespmem:$0xCA20] =	vst v63  }
0xc9: {  	_ =	swait.ge [sflag:s31], $0x7D0  }
0xca: {  	[sflag:s31] =	ssyncset.done $0x0  }
0xcb: {  	s25 =	sadd.s32 $0x2B80, s9;
	[sflag:s31] =	ssyncadd.s32 $0xFFFFF830  }
0xcc: {  	[spmem:s2] =	stream.indirect.scatter.add.f32 [tilespmem:s15], [sflag:$0x12], $0x10, s25, s24, $0xb8;
	[tilespmem:$0xCA20] =	vst v63  }
0xcd: {  	_ =	swait.ge [sflag:s0], $0x7D0  }
0xce: {  	[sflag:s0] =	ssyncset.done $0x0  }
0xcf: {  	s22 =	simm.s32 @p1 $0x9;
	[sflag:s0] =	ssyncadd.s32 $0xFFFFF830  }
0xd0: {  	_ =	swait.ge @p1 [sflag:s22], $0x7D0  }
0xd1: {  	[sflag:s22] =	ssyncset.done @p1 $0x0  }
0xd2: {  	s10 =	sadd.s32 @p1 $0x2C00, s10;
	[sflag:s22] =	ssyncadd.s32 @p1 $0xFFFFF830;
	s22 =	simm.s32 @p1 $0x8E80  }
0xd3: {  	[spmem:s2] =	stream.indirect.scatter.add.f32 @p1 [tilespmem:s22], [sflag:$0x13], $0x10, s10, s23, $0xb8;
	[tilespmem:$0xCA20] =	vst v63  }
0xd4: {  	s10 =	simm.s32 @p1 $0xE  }
0xd5: {  	_ =	swait.ge @p1 [sflag:s10], $0x7D0  }
0xd6: {  	[sflag:s10] =	ssyncset.done @p1 $0x0  }
0xd7: {  	s22 =	simm.s32 @!p1 $0x5FA0;
	[sflag:s10] =	ssyncadd.s32 @p1 $0xFFFFF830;
	s10 =	sadd.s32 @!p1 $0x600, s5  }
0xd8: {  	[tilespmem:s22], [sflag:$0x3] =	stream.indirect.gather @!p1 [hbm4b:s4+s20], $0x10, s10, s20, $0xb8;
	[tilespmem:$0xCA20] =	vst v63  }
0xd9: {  	s10 =	simm.s32 @!p1 $0x9  }
0xda: {  	_ =	swait.ge @!p1 [sflag:s10], $0x7D0  }
0xdb: {  	[sflag:s10] =	ssyncset.done @!p1 $0x0  }
0xdc: {  	s22 =	simm.s32 @!p1 $0x8E80;
	[sflag:s10] =	ssyncadd.s32 @!p1 $0xFFFFF830;
	s10 =	sadd.s32 @!p1 $0x2C00, s5  }
0xdd: {  	[spmem:s2] =	stream.indirect.scatter.add.f32 @!p1 [tilespmem:s22], [sflag:$0x13], $0x10, s10, s20, $0xb8;
	[tilespmem:$0xCA20] =	vst v63  }
0xde: {  	s10 =	simm.s32 @!p1 $0xE  }
0xdf: {  	_ =	swait.ge @!p1 [sflag:s10], $0x7D0  }
0xe0: {  	[sflag:s10] =	ssyncset.done @!p1 $0x0  }
0xe1: {  	s5 =	sadd.s32 @!p1 $0x680, s5;
	[sflag:s10] =	ssyncadd.s32 @!p1 $0xFFFFF830;
	s10 =	simm.s32 @!p1 $0x6770  }
0xe2: {  	[tilespmem:s10], [sflag:$0x4] =	stream.indirect.gather @!p1 [hbm4b:s4+s20], $0x10, s5, s20, $0xb8;
	[tilespmem:$0xCA20] =	vst v63  }
0xe3: {  	_ =	swait.ge [sflag:s7], $0x7D0  }
0xe4: {  	[sflag:s7] =	ssyncset.done $0x0  }
.Ltmp5:
0xe5: {  	s25 =	sadd.s32 $0x2C80, s9;
	[sflag:s7] =	ssyncadd.s32 $0xFFFFF830;
	(pc) =	sbr.rel @p1 .LBB2_9-.Ltmp5, $4  }
0xe6: {  	[spmem:s2] =	stream.indirect.scatter.add.f32 [tilespmem:s26], [sflag:$0x14], $0x10, s25, s24, $0xb8;
	[tilespmem:$0xCA20] =	vst v63  }
0xe7: {  	_ =	swait.ge [sflag:s3], $0x7D0  }
0xe8: {  	[sflag:s3] =	ssyncset.done $0x0  }
0xe9: {  	[sflag:s3] =	ssyncadd.s32 $0xFFFFF830  }
.Ltmp6:
0xea: {  	(pc) =	sbr.rel .LBB2_7-.Ltmp6, $3  }
0xeb: {  	_ =	sdelay $0x1  }
0xec: {  	s5 =	sadd.s32 $0x700, s9;
	s6 =	sadd.s32 $0x1400, s6  }
0xed: {  	[tilespmem:s8], [sflag:$0x5] =	stream.indirect.gather [hbm4b:s4+s24], $0x10, s5, s24, $0xb8;
	[tilespmem:$0xCA20] =	vst v63  }
.LBB2_10:
0xee: {  	_ =	sfence.sel $0x180000  }
0xef: {  	[bflag:$0x0] =	sbarrier.arrive $0xFFFF  }
0xf0: {  	_ =	strace $0x9000004D  }
0xf1: {  	s0 =	stileid.u32;
	[bflag:$0x2] =	sbarrier.arrive $0xFFFF  }
0xf2: {  	p0 =	sne.s32 s0, $0x0;
	s0 =	rddreg [dreg:$0x2]  }
0xf3: {  	s0 =	sadd.s32 @!p0 $0x100000, s0  }
0xf4: {  	[sflag:s0] =	ssyncadd.tile.s32 @!p0 $0x1;
	_ =	shalt  }
.Lfunc_end2:
_tile_overlayer_lowered:
.L_overlay_start_2:
0xf5: {  	(tag) =	ssettag $0x2  }
0xf6: {  	s0 =	rddreg [dreg:$0x0];
	s2 =	stileid.u32  }
0xf7: {  	s1 =	rddreg [dreg:$0x1];
	p0 =	sne.s32 s2, $0x0  }
0xf8: {  	s3 =	rddreg [dreg:$0x2];
	[bflag:$0x3] =	sbarrier.arrive $0xFFFF;
	s2 =	simm.s32 @!p0 $0x1C15  }
0xf9: {  	[timem:s3], [sflag:s2] =	dma.local @!p0 [hbm:s0], s1  }
0xfa: {  	s0 =	simm.s32 @!p0 $0x15  }
0xfb: {  	_ =	swait.ge @!p0 [sflag:s0], s1  }
0xfc: {  	s1 =	ssub.s32 @!p0 $0x0, s1;
	[sflag:s0] =	ssyncset.done @!p0 $0x0  }
0xfd: {  	[sflag:s0] =	ssyncadd.s32 @!p0 s1  }
0xfe: {  	[bflag:$0x3] =	sbarrier.arrive $0xFFFF  }
0xff: {  	_ =	shalt  }

// kernel: kernel.8.cloned.1.call-start
scs
__scs_entry_jumppad:
0x0: {  	(pc) =	sbr.rel $0x88, $3  }
0x1: {  	(tag) =	ssettag $0x0;
	lr =	simm.s32 $0x1  }
0x2: {  	[smem:$0x3F9B] =	sst lr;
	_ =	strace $0xD0000000  }
0x3: {  	_ = 	snop  }
0x4: {  	_ = 	snop  }
0x5: {  	_ = 	snop  }
0x6: {  	_ = 	snop  }
0x7: {  	_ = 	snop  }
__scs_overlays_trampoline_lowered:
0x8: {  	[smem:$0x3FAA] =	sst s0  }
0x9: {  	[smem:$0x3FAB] =	sst s1  }
0xa: {  	[smem:$0x3FAC] =	sst s2  }
0xb: {  	[smem:$0x3FAD] =	sst s3  }
0xc: {  	[smem:$0x3FAE] =	sst s4  }
0xd: {  	[smem:$0x3FAF] =	sst s5  }
0xe: {  	[smem:$0x3FB0] =	sst s6  }
0xf: {  	[smem:$0x3FB1] =	sst s7  }
0x10: {  	[smem:$0x3FB2] =	sst s8  }
0x11: {  	[smem:$0x3FB3] =	sst s9;
	s0 =	simm.s32 @!p0 $0x0  }
0x12: {  	s1 =	sld [smem:$0x3F99];
	s0 =	simm.s32 @p0 $0x1  }
0x13: {  	[smem:$0x3FB4] =	sst s0;
	s0 =	simm.s32 @!p1 $0x0  }
0x14: {  	s2 =	sld [smem:$0x3F98];
	s0 =	simm.s32 @p1 $0x1  }
0x15: {  	[smem:$0x3FB5] =	sst s0;
	s0 =	simm.s32 @!p2 $0x0  }
0x16: {  	s3 =	sld [smem:$0x3FDB];
	s0 =	simm.s32 @p2 $0x1  }
0x17: {  	s4 =	simm.s32 $0x1BF5;
	[smem:$0x3FB7] =	sst s0  }
0x18: {  	s0 =	sld [smem:$0x3F9A];
	_ =	swait.ge [sflag:s4], $0x0  }
0x19: {  	s7 =	sld [smem:$0x3F9B]  }
0x1a: {  	s8 =	sadd.s32 $0xFFFFE003, lr  }
0x1b: {  	s9 =	sadd.s32 $0xFFFFFEF7, lr;
	s5 =	simm.s32 $0xFFFFFFFF;
	p2 =	slt.u32 s8, $0xFFFFF086  }
0x1c: {  	p1 =	slt.u32 s9, $0xF7A;
	s5 =	simm.s32 @!p2 $0x0  }
0x1d: {  	s5 =	simm.s32 @p1 $0x1;
	p0 =	seq.s32 s7, s2  }
0x1e: {  	s7 =	smul.u32 @!p0 $0xF7A, s2;
	p2 =	seq.s32 @!p0 s5, $0x0  }
0x1f: {  	s9 =	smul.u32 $0xF7A, s1;
	s8 =	simm.s32 @!p0 $0x1BF5;
	p2 =	por !p2, p0  }
0x20: {  	[sflag:s8] =	ssyncset.s32 @!p0 $0xFFFFF086;
	s6 =	sadd.s32 @!p0 s3, s7;
	s7 =	simm.s32 @!p0 $0x108  }
0x21: {  	s3 =	sadd.s32 s3, s9;
	s6 =	sadd.s32 @!p0 $0x88, s6;
	s7 =	simm.s32 @p2 $0x1082  }
0x22: {  	[simem:s7], [sflag:s8] =	dma.local @!p0 [hbm:s6], $0xF7A  }
0x23: {  	s9 =	sor.u32 $0xD0000000, s2;
	s6 =	simm.s32 $0x108;
	_ =	swait.ge @!p0 [sflag:s8], $0x0  }
0x24: {  	s3 =	sadd.s32 $0x88, s3;
	s6 =	simm.s32 @!p1 $0x1082;
	[sflag:s4] =	ssyncset.s32 $0xFFFFF086  }
0x25: {  	[simem:s6], [sflag:s4] =	dma.local [hbm:s3], $0xF7A  }
0x26: {  	[smem:$0x3F9B] =	sst s1;
	(tag) =	ssettag s2;
	_ =	strace s9  }
0x27: {  	s1 =	sld [smem:$0x3FAB]  }
0x28: {  	s2 =	sld [smem:$0x3FAC]  }
0x29: {  	s4 =	sld [smem:$0x3FAE]  }
0x2a: {  	p0 =	seq.s32 s5, $0x0;
	s5 =	sld [smem:$0x3FAF]  }
0x2b: {  	s6 =	sld [smem:$0x3FB0]  }
0x2c: {  	s7 =	sld [smem:$0x3FB1]  }
0x2d: {  	s3 =	simm.s32 $0x108;
	s8 =	sld [smem:$0x3FB2]  }
0x2e: {  	s3 =	simm.s32 @!p0 $0x1082;
	s9 =	sld [smem:$0x3FB3]  }
0x2f: {  	lr =	sadd.s32 s0, s3;
	s0 =	sld [smem:$0x3FAA]  }
0x30: {  	s3 =	sld [smem:$0x3FAD]  }
0x31: {  	[smem:$0x3FB6] =	sst s10  }
0x32: {  	s10 =	sld [smem:$0x3FB4];
	_ =	sdelay $0x3  }
0x33: {  	p0 =	seq.s32 s10, $0x1;
	s10 =	sld [smem:$0x3FB6];
	_ =	sdelay $0x3  }
0x34: {  	[smem:$0x3FB6] =	sst s10  }
0x35: {  	s10 =	sld [smem:$0x3FB5];
	_ =	sdelay $0x3  }
0x36: {  	p1 =	seq.s32 s10, $0x1;
	s10 =	sld [smem:$0x3FB6];
	_ =	sdelay $0x3  }
0x37: {  	[smem:$0x3FB6] =	sst s10  }
0x38: {  	s10 =	sld [smem:$0x3FB7]  }
0x39: {  	_ = 	snop;
	(pc) =	sbr.ind lr, $3  }
0x3a: {  	_ = 	snop  }
0x3b: {  	_ = 	snop  }
0x3c: {  	p2 =	seq.s32 s10, $0x1;
	s10 =	sld [smem:$0x3FB6]  }
0x3d: {  	_ =	shalt  }
0x3e: {  	_ =	shalt  }
0x3f: {  	_ =	shalt  }
0x40: {  	_ =	shalt  }
0x41: {  	_ =	shalt  }
0x42: {  	_ =	shalt  }
0x43: {  	_ =	shalt  }
0x44: {  	_ =	shalt  }
0x45: {  	_ =	shalt  }
0x46: {  	_ =	shalt  }
0x47: {  	_ =	shalt  }
0x48: {  	_ =	shalt  }
0x49: {  	_ =	shalt  }
0x4a: {  	_ =	shalt  }
0x4b: {  	_ =	shalt  }
0x4c: {  	_ =	shalt  }
0x4d: {  	_ =	shalt  }
0x4e: {  	_ =	shalt  }
0x4f: {  	_ =	shalt  }
0x50: {  	_ =	shalt  }
0x51: {  	_ =	shalt  }
0x52: {  	_ =	shalt  }
0x53: {  	_ =	shalt  }
0x54: {  	_ =	shalt  }
0x55: {  	_ =	shalt  }
0x56: {  	_ =	shalt  }
0x57: {  	_ =	shalt  }
0x58: {  	_ =	shalt  }
0x59: {  	_ =	shalt  }
0x5a: {  	_ =	shalt  }
0x5b: {  	_ =	shalt  }
0x5c: {  	_ =	shalt  }
0x5d: {  	_ =	shalt  }
0x5e: {  	_ =	shalt  }
0x5f: {  	_ =	shalt  }
0x60: {  	_ =	shalt  }
0x61: {  	_ =	shalt  }
0x62: {  	_ =	shalt  }
0x63: {  	_ =	shalt  }
0x64: {  	_ =	shalt  }
0x65: {  	_ =	shalt  }
0x66: {  	_ =	shalt  }
0x67: {  	_ =	shalt  }
0x68: {  	_ =	shalt  }
0x69: {  	_ =	shalt  }
0x6a: {  	_ =	shalt  }
0x6b: {  	_ =	shalt  }
0x6c: {  	_ =	shalt  }
0x6d: {  	_ =	shalt  }
0x6e: {  	_ =	shalt  }
0x6f: {  	_ =	shalt  }
0x70: {  	_ =	shalt  }
0x71: {  	_ =	shalt  }
0x72: {  	_ =	shalt  }
0x73: {  	_ =	shalt  }
0x74: {  	_ =	shalt  }
0x75: {  	_ =	shalt  }
0x76: {  	_ =	shalt  }
0x77: {  	_ =	shalt  }
0x78: {  	_ =	shalt  }
0x79: {  	_ =	shalt  }
0x7a: {  	_ =	shalt  }
0x7b: {  	_ =	shalt  }
0x7c: {  	_ =	shalt  }
0x7d: {  	_ =	shalt  }
0x7e: {  	_ =	shalt  }
0x7f: {  	_ =	shalt  }
0x80: {  	_ =	shalt  }
0x81: {  	_ =	shalt  }
0x82: {  	_ =	shalt  }
0x83: {  	_ =	shalt  }
0x84: {  	_ =	shalt  }
0x85: {  	_ =	shalt  }
0x86: {  	_ =	shalt  }
0x87: {  	_ =	shalt  }
.Lfunc_end0:
.L_simem_size_0:
called_computation_lowered:
.L_overlay_start_0:
0x88: {  	s2 =	sld [smem:$0x3FD9]  }
0x89: {  	s3 =	sld [smem:$0x3FFE];
	_ =	sdelay $0x1  }
0x8a: {  	s1 =	srdreg.scid  }
0x8b: {  	s0 =	sand.u32 $0x1, s1  }
0x8c: {  	s17 =	sshll.u32 s0, $0xA;
	s2 =	sadd.s32 s3, s2  }
0x8d: {  	s2 =	sadd.s32 s2, s17  }
0x8e: {  	[smem:$0x3FC2] =	sst s2  }
0x8f: {  	_ = 	snop  }
0x90: {  	s2 =	sld [smem:$0x3FD0];
	(tm) =	ssettm $0x1  }
0x91: {  	s18 =	sld [smem:$0x3FFB];
	_ =	sdelay $0x3  }
0x92: {  	_ =	strace s18  }
0x93: {  	s3 =	sld [smem:$0x3FFC];
	_ =	sdelay $0x3  }
0x94: {  	_ =	strace s3  }
0x95: {  	s3 =	sld [smem:$0x3FFD];
	_ =	sdelay $0x3  }
0x96: {  	_ =	strace s3  }
0x97: {  	_ =	strace $0x8FFFFFFF  }
0x98: {  	s19 =	sld [smem:$0x3FDB];
	_ =	sdelay $0x1  }
0x99: {  	s4 =	simm.s32 $_scs_section_size  }
0x9a: {  	s5 =	simm.s32 $_size__tile_overlayer_lowered;
	s6 =	simm.s32 $_tile_overlayer_lowered  }
0x9b: {  	s22 =	simm.s32 $0x1BFF;
	s21 =	sshll.u32 s6, $0x1;
	s3 =	sadd.s32 s4, s19  }
0x9c: {  	s7 =	simm.s32 $0x0;
	s20 =	sshll.u32 s5, $0x1;
	s5 =	sadd.s32 s21, s3  }
0x9d: {  	[timem:s7], [sflag:s22] =	dma.local [hbm:s5], s20  }
0x9e: {  	_ =	swait.ge [sflag:s22], s20  }
0x9f: {  	s4 =	ssub.s32 $0x0, s20;
	[sflag:s22] =	ssyncset.done $0x0  }
0xa0: {  	[sflag:s22] =	ssyncadd.s32 s4;
	_ =	sdelay $0x1  }
0xa1: {  	s23 =	simm.s32 $0x1B8B  }
0xa2: {  	_ =	swait.ge [sflag:s23], $0x1  }
0xa3: {  	[sflag:s23] =	ssyncset.done $0x0  }
0xa4: {  	s25 =	simm.s32 $0x1B8E;
	s24 =	sld [smem:$0x3FFE];
	[sflag:s23] =	ssyncadd.s32 $0xFFFFFFFF  }
0xa5: {  	s26 =	simm.s32 $execute0_lowered;
	[smem:$0x3FD2] =	sst s25  }
0xa6: {  	s5 =	sshll.u32 s26, $0x1;
	_ =	strace $0x80000046;
	[dreg:$0x1] =	wrdreg $0xFFFFFFFF  }
0xa7: {  	s28 =	simm.s32 $_size_execute0_lowered;
	s3 =	sadd.s32 s3, s5;
	[dreg:$0x0] =	wrdreg $0x0  }
0xa8: {  	s5 =	sshll.u32 s28, $0x1;
	[dreg:$0x2] =	wrdreg s3  }
0xa9: {  	[dreg:$0x3] =	wrdreg s5  }
0xaa: {  	[dreg:$0x4] =	wrdreg $0xC0  }
0xab: {  	_ =	task [dreg:s7], $0x5FFFF  }
0xac: {  	[dreg:$0x1] =	wrdreg $0xFFFFFFFF  }
0xad: {  	[dreg:$0x0] =	wrdreg $0x60  }
0xae: {  	[dreg:$0x2] =	wrdreg s24  }
0xaf: {  	[dreg:$0x3] =	wrdreg s2  }
0xb0: {  	[dreg:$0x4] =	wrdreg $0x36D00  }
0xb1: {  	[dreg:$0x5] =	wrdreg $0x5ED00  }
0xb2: {  	[dreg:$0x6] =	wrdreg $0x9  }
0xb3: {  	_ =	task.clear_ibuf [dreg:s7], $0x7FFFF;
	_ =	strace $0x90000046  }
0xb4: {  	s29 =	simm.s32 $0x9;
	_ =	strace $0x80000048  }
0xb5: {  	_ =	swait.ge [sflag:s29], $0x1  }
0xb6: {  	[sflag:s29] =	ssyncadd.s32 $0xFFFFFFFF  }
0xb7: {  	_ =	strace $0x90000048  }
0xb8: {  	_ =	sfence  }
0xb9: {  	s30 =	sld [smem:$0x0];
	_ =	sdelay $0x2  }
0xba: {  	s31 =	sshll.u32 s1, $0xD;
	s1 =	sshrl.u32 s1, $0x2  }
0xbb: {  	s3 =	sand.u32 $0x4000, s31;
	s1 =	sadd.s32 s1, s30  }
0xbc: {  	s0 =	sor.u32 s3, s0;
	s1 =	sshll.u32 s1, $0x11  }
0xbd: {  	s0 =	sor.u32 s1, s0  }
0xbe: {  	s0 =	sadd.s32 $0x8F2B, s0  }
0xbf: {  	[sflag:s0] =	ssyncadd.remote.s32 $0x1  }
0xc0: {  	_ =	sfence.sel $0xFFFF  }
0xc1: {  	[dreg:$0x0] =	wrdreg $0xFFFFFFFF;
	(pc) =	sbr.abs _section_cstart, $3  }
0xc2: {  	[dreg:$0x1] =	wrdreg $0xFFFFFFFF  }
0xc3: {  	_ =	task.clear_ibuf [dreg:s7], $0x2FFFF;
	_ =	strace $0x9FFFFFFF  }
0xc4: {  	(tm) =	ssettm $0x7FFFFFFF  }
0xc5: {  	_ =	shalt  }
tec
execute0_lowered:
.L_overlay_start_1:
0x0: {  	(tag) =	ssettag $0x1  }
0x1: {  	s0 =	rddreg [dreg:$0x0]  }
0x2: {  	s1 =	rddreg [dreg:$0x1];
	s3 =	srdreg.scid  }
0x3: {  	s2 =	rddreg [dreg:$0x2];
	s11 =	stileid.u32  }
0x4: {  	s4 =	simm.s32 $0x0;
	s28 =	simm.s32 $0x80;
	s8 =	smul.u32 $0x2800, s11  }
0x5: {  	s29 =	simm.s32 $0x100;
	s30 =	simm.s32 $0x180;
	s10 =	smul.u32 $0x280, s11  }
0x6: {  	s5 =	sand.u32 $0x1, s3;
	s7 =	sshll.u32 s11, $0x1;
	s11 =	smul.u32 $0xA000, s11  }
0x7: {  	s31 =	simm.s32 $0x200;
	[smem:$0x7FF] =	sst s4;
	s6 =	smul.u32 $0x28000, s5  }
0x8: {  	s7 =	sor.u32 s5, s7;
	s13 =	ssub.s32 $0x2, s5;
	s5 =	smul.u32 $0x2800, s5  }
0x9: {  	s3 =	rddreg [dreg:$0x3];
	_ =	strace $0x80000047;
	s7 =	smul.u32 $0x2800, s7  }
0xa: {  	s12 =	sshrl.u32 s13, $0x1;
	s14 =	sshrl.u32 s11, $0x2;
	s17 =	sadd.s32 s8, s2  }
0xb: {  	s11 =	simm.s32 $0x9;
	s6 =	sadd.s32 s8, s6;
	s12 =	ssub.s32 s13, s12  }
0xc: {  	s15 =	sadd.s32 s10, s5;
	s5 =	simm.s32 $0x7;
	s8 =	simm.s32 $0x3  }
0xd: {  	s13 =	simm.s32 $0xA;
	s6 =	sshrl.u32 s6, $0x3;
	s7 =	sshrl.u32 s7, $0x3  }
0xe: {  	s19 =	smax.u32 s12, $0x1;
	s9 =	sadd.s32 s6, s0;
	s0 =	sadd.s32 s0, s7  }
0xf: {  	s12 =	simm.s32 $0x5;
	[dreg:$0x8] =	wrdreg s19;
	s0 =	sadd.s32 $0xC800, s0  }
0x10: {  	s6 =	sadd.s32 s14, s2;
	s16 =	sadd.s32 $0x16800, s9;
	[dreg:$0x5] =	wrdreg s0  }
0x11: {  	s7 =	sadd.s32 s10, s3;
	s20 =	sadd.s32 $0x400, s6;
	[dreg:$0x6] =	wrdreg s16  }
0x12: {  	s10 =	simm.s32 $0x4;
	s21 =	sadd.s32 $0x800, s6;
	[dreg:$0x9] =	wrdreg s20  }
0x13: {  	s14 =	simm.s32 $0x0;
	s22 =	sadd.s32 $0xC00, s6;
	[dreg:$0xa] =	wrdreg s21  }
0x14: {  	s23 =	sadd.s32 $0x1000, s6;
	s24 =	sadd.s32 $0x1400, s6;
	[dreg:$0xb] =	wrdreg s22  }
0x15: {  	s25 =	sadd.s32 $0x1800, s6;
	s26 =	sadd.s32 $0x1C00, s6;
	[dreg:$0xc] =	wrdreg s23  }
0x16: {  	s18 =	sadd.s32 $0x2000, s6;
	s19 =	sadd.s32 $0x2400, s6;
	[dreg:$0xd] =	wrdreg s24  }
0x17: {  	s9 =	simm.s32 $0x8;
	s0 =	sshrl.u32 s15, $0x3;
	[dreg:$0xe] =	wrdreg s25  }
0x18: {  	[dreg:$0xf] =	wrdreg s26;
	s20 =	simm.s32 $0xB;
	s21 =	simm.s32 $0x3050  }
0x19: {  	s23 =	simm.s32 $0x7D;
	s24 =	simm.s32 $0x2800;
	s25 =	sshrl.u32 s17, $0x3  }
0x1a: {  	s26 =	simm.s32 $0x2FD0;
	s22 =	simm.s32 $0x6;
	s0 =	sadd.s32 s1, s0  }
0x1b: {  	v0 =	vimm.f32 $1.000000000e+00;
	v1 =	vimm.f32 $0.0e+00;
	s1 =	simm.s32 $0x1;
	[dreg:$0x7] =	wrdreg s0;
	s0 =	simm.s32 $0x2  }
.LBB2_1:
0x1c: {  	s15 =	rddreg [dreg:$0x5]  }
0x1d: {  	[tilespmem:s4], [sflag:$0xB] =	stream.linear.gather [hbm4b:s15+s4], $0x2800, $0x38;
	[tilespmem:$0x6150] =	vst v63  }
0x1e: {  	_ =	swait.ge [sflag:s20], $0x2800  }
0x1f: {  	[sflag:s20] =	ssyncset.done $0x0  }
0x20: {  	s16 =	simm.s32 $0x0;
	s15 =	simm.s32 $0x40;
	[sflag:s20] =	ssyncadd.s32 $0xFFFFD800  }
.LBB2_2:
0x21: {  	p0 =	sne.s32 s15, $0x1F00;
	[tilespmem:s16+$0x2800] =	vst v0;
	s16 =	smov.u32 s15;
	s15 =	sadd.s32 $0x40, s15  }
.Ltmp0:
0x22: {  	(pc) =	sbr.rel @p0 .LBB2_2-.Ltmp0, $2  }
0x23: {  	_ =	sdelay $0x2  }
0x24: {  	s16 =	sshra.s32 s16, $0x2  }
0x25: {  	[tilespmem:s16+$0x2800] =	vst v0  }
0x26: {  	[tilespmem:$0x2FD0] =	vst v0  }
0x27: {  	[tilespmem:$0x2FE0] =	vst v0  }
0x28: {  	[tilespmem:$0x2FF0] =	vst v0  }
0x29: {  	[tilespmem:$0x3000] =	vst v0  }
0x2a: {  	[tilespmem:$0x3010] =	vst v0  }
0x2b: {  	[tilespmem:$0x3020] =	vst v0  }
0x2c: {  	[tilespmem:$0x3030] =	vst v0  }
0x2d: {  	[tilespmem:$0x3040] =	vst v0  }
0x2e: {  	[tilespmem:$0x3450] =	vst v1  }
0x2f: {  	[tilespmem:$0x3460] =	vst v1  }
0x30: {  	[tilespmem:$0x3470] =	vst v1  }
0x31: {  	[tilespmem:$0x3480] =	vst v1  }
0x32: {  	[tilespmem:$0x3490] =	vst v1  }
0x33: {  	[tilespmem:$0x34A0] =	vst v1  }
0x34: {  	[tilespmem:$0x34B0] =	vst v1  }
0x35: {  	[tilespmem:$0x34C0] =	vst v1  }
0x36: {  	[tilespmem:$0x34D0] =	vst v1  }
0x37: {  	[tilespmem:$0x34E0] =	vst v1  }
0x38: {  	[tilespmem:$0x34F0] =	vst v1  }
0x39: {  	[tilespmem:$0x3500] =	vst v1  }
0x3a: {  	[tilespmem:$0x3510] =	vst v1  }
0x3b: {  	[tilespmem:$0x3520] =	vst v1  }
0x3c: {  	[tilespmem:$0x3530] =	vst v1  }
0x3d: {  	[tilespmem:$0x3540] =	vst v1  }
0x3e: {  	[tilespmem:$0x3550] =	vst v1  }
0x3f: {  	[tilespmem:$0x3560] =	vst v1  }
0x40: {  	[tilespmem:$0x3570] =	vst v1  }
0x41: {  	[tilespmem:$0x3580] =	vst v1  }
0x42: {  	[tilespmem:$0x3590] =	vst v1  }
0x43: {  	[tilespmem:$0x35A0] =	vst v1  }
0x44: {  	[tilespmem:$0x35B0] =	vst v1  }
0x45: {  	[tilespmem:$0x35C0] =	vst v1  }
0x46: {  	[tilespmem:$0x35D0] =	vst v1  }
0x47: {  	[tilespmem:$0x35E0] =	vst v1  }
0x48: {  	[tilespmem:$0x35F0] =	vst v1  }
0x49: {  	[tilespmem:$0x3600] =	vst v1  }
0x4a: {  	[tilespmem:$0x3610] =	vst v1  }
0x4b: {  	[tilespmem:$0x3620] =	vst v1  }
0x4c: {  	[tilespmem:$0x3630] =	vst v1  }
0x4d: {  	[tilespmem:$0x3640] =	vst v1  }
0x4e: {  	[tilespmem:$0x3650] =	vst v1  }
0x4f: {  	[tilespmem:$0x3660] =	vst v1  }
0x50: {  	[tilespmem:$0x3670] =	vst v1  }
0x51: {  	[tilespmem:$0x3680] =	vst v1  }
0x52: {  	[tilespmem:$0x3690] =	vst v1  }
0x53: {  	[tilespmem:$0x36A0] =	vst v1  }
0x54: {  	[tilespmem:$0x36B0] =	vst v1  }
0x55: {  	s15 =	simm.s32 $0x40;
	s16 =	simm.s32 $0x0;
	[tilespmem:$0x36C0] =	vst v1  }
.LBB2_4:
0x56: {  	p0 =	sne.s32 s15, $0xFC0;
	[tilespmem:s16+$0x3050] =	vst v1;
	s16 =	smov.u32 s15;
	s15 =	sadd.s32 $0x40, s15  }
.Ltmp1:
0x57: {  	(pc) =	sbr.rel @p0 .LBB2_4-.Ltmp1, $2  }
0x58: {  	_ =	sdelay $0x2  }
0x59: {  	s16 =	sshra.s32 s16, $0x2  }
0x5a: {  	[tilespmem:s16+$0x3050] =	vst v1  }
0x5b: {  	[spmem:s6] =	stream.linear.scatter [tilespmem:s21], [sflag:$0xB], $0x400, $0x38;
	[tilespmem:$0x6150] =	vst v63  }
0x5c: {  	_ =	swait.ge [sflag:s20], $0x400  }
0x5d: {  	[sflag:s20] =	ssyncset.done $0x0  }
0x5e: {  	s15 =	rddreg [dreg:$0x9];
	[sflag:s20] =	ssyncadd.s32 $0xFFFFFC00  }
0x5f: {  	[spmem:s15] =	stream.linear.scatter [tilespmem:s21], [sflag:$0xB], $0x400, $0x38;
	[tilespmem:$0x6150] =	vst v63  }
0x60: {  	_ =	swait.ge [sflag:s20], $0x400  }
0x61: {  	[sflag:s20] =	ssyncset.done $0x0  }
0x62: {  	s17 =	rddreg [dreg:$0xa];
	[sflag:s20] =	ssyncadd.s32 $0xFFFFFC00  }
0x63: {  	[spmem:s17] =	stream.linear.scatter [tilespmem:s21], [sflag:$0xB], $0x400, $0x38;
	[tilespmem:$0x6150] =	vst v63  }
0x64: {  	_ =	swait.ge [sflag:s20], $0x400  }
0x65: {  	[sflag:s20] =	ssyncset.done $0x0  }
0x66: {  	s16 =	rddreg [dreg:$0xb];
	[sflag:s20] =	ssyncadd.s32 $0xFFFFFC00  }
0x67: {  	[spmem:s16] =	stream.linear.scatter [tilespmem:s21], [sflag:$0xB], $0x400, $0x38;
	[tilespmem:$0x6150] =	vst v63  }
0x68: {  	_ =	swait.ge [sflag:s20], $0x400  }
0x69: {  	[sflag:s20] =	ssyncset.done $0x0  }
0x6a: {  	s17 =	rddreg [dreg:$0xc];
	[sflag:s20] =	ssyncadd.s32 $0xFFFFFC00  }
0x6b: {  	[spmem:s17] =	stream.linear.scatter [tilespmem:s21], [sflag:$0xB], $0x400, $0x38;
	[tilespmem:$0x6150] =	vst v63  }
0x6c: {  	_ =	swait.ge [sflag:s20], $0x400  }
0x6d: {  	[sflag:s20] =	ssyncset.done $0x0  }
0x6e: {  	s16 =	rddreg [dreg:$0xd];
	[sflag:s20] =	ssyncadd.s32 $0xFFFFFC00  }
0x6f: {  	[spmem:s16] =	stream.linear.scatter [tilespmem:s21], [sflag:$0xB], $0x400, $0x38;
	[tilespmem:$0x6150] =	vst v63  }
0x70: {  	_ =	swait.ge [sflag:s20], $0x400  }
0x71: {  	[sflag:s20] =	ssyncset.done $0x0  }
0x72: {  	s17 =	rddreg [dreg:$0xe];
	[sflag:s20] =	ssyncadd.s32 $0xFFFFFC00  }
0x73: {  	[spmem:s17] =	stream.linear.scatter [tilespmem:s21], [sflag:$0xB], $0x400, $0x38;
	[tilespmem:$0x6150] =	vst v63  }
0x74: {  	_ =	swait.ge [sflag:s20], $0x400  }
0x75: {  	[sflag:s20] =	ssyncset.done $0x0  }
0x76: {  	s16 =	rddreg [dreg:$0xf];
	[sflag:s20] =	ssyncadd.s32 $0xFFFFFC00  }
0x77: {  	[spmem:s16] =	stream.linear.scatter [tilespmem:s21], [sflag:$0xB], $0x400, $0x38;
	[tilespmem:$0x6150] =	vst v63  }
0x78: {  	_ =	swait.ge [sflag:s20], $0x400  }
0x79: {  	[sflag:s20] =	ssyncset.done $0x0  }
0x7a: {  	[sflag:s20] =	ssyncadd.s32 $0xFFFFFC00  }
0x7b: {  	[spmem:s18] =	stream.linear.scatter [tilespmem:s21], [sflag:$0xB], $0x400, $0x38;
	[tilespmem:$0x6150] =	vst v63  }
0x7c: {  	_ =	swait.ge [sflag:s20], $0x400  }
0x7d: {  	[sflag:s20] =	ssyncset.done $0x0  }
0x7e: {  	[sflag:s20] =	ssyncadd.s32 $0xFFFFFC00  }
0x7f: {  	[spmem:s19] =	stream.linear.scatter [tilespmem:s21], [sflag:$0xB], $0x400, $0x38;
	[tilespmem:$0x6150] =	vst v63  }
0x80: {  	_ =	swait.ge [sflag:s20], $0x400  }
0x81: {  	[sflag:s20] =	ssyncset.done $0x0  }
0x82: {  	s17 =	simm.s32 $0x3450;
	[sflag:s20] =	ssyncadd.s32 $0xFFFFFC00  }
0x83: {  	[spmem:s7] =	stream.linear.scatter [tilespmem:s17], [sflag:$0xB], $0x280, $0x38;
	[tilespmem:$0x6150] =	vst v63  }
0x84: {  	_ =	swait.ge [sflag:s20], $0x280  }
0x85: {  	[sflag:s20] =	ssyncset.done $0x0  }
0x86: {  	[sflag:s20] =	ssyncadd.s32 $0xFFFFFD80  }
0x87: {  	[bflag:$0x0] =	sbarrier.arrive $0xFFFF  }
0x88: {  	[spmem:s2] =	stream.indirect.scatter.add.f32 [tilespmem:s24], [sflag:$0x1], $0x10, s4, s23, $0xb8;
	[tilespmem:$0x6150] =	vst v63  }
0x89: {  	_ = 	snop  }
0x8a: {  	[spmem:s3] =	stream.indirect.scatter.add.f32 [tilespmem:s26], [sflag:$0x6], $0x1, s4, s23, $0xb8;
	[tilespmem:$0x6150] =	vst v63  }
0x8b: {  	_ = 	snop  }
0x8c: {  	[spmem:s2] =	stream.indirect.scatter.add.f32 [tilespmem:s24], [sflag:$0x2], $0x10, s28, s23, $0xb8;
	[tilespmem:$0x6150] =	vst v63  }
0x8d: {  	_ = 	snop  }
0x8e: {  	[spmem:s3] =	stream.indirect.scatter.add.f32 [tilespmem:s26], [sflag:$0x7], $0x1, s28, s23, $0xb8;
	[tilespmem:$0x6150] =	vst v63  }
0x8f: {  	_ = 	snop  }
0x90: {  	[spmem:s2] =	stream.indirect.scatter.add.f32 [tilespmem:s24], [sflag:$0x3], $0x10, s29, s23, $0xb8;
	[tilespmem:$0x6150] =	vst v63  }
0x91: {  	_ = 	snop  }
0x92: {  	[spmem:s3] =	stream.indirect.scatter.add.f32 [tilespmem:s26], [sflag:$0x8], $0x1, s29, s23, $0xb8;
	[tilespmem:$0x6150] =	vst v63  }
0x93: {  	_ = 	snop  }
0x94: {  	[spmem:s2] =	stream.indirect.scatter.add.f32 [tilespmem:s24], [sflag:$0x4], $0x10, s30, s23, $0xb8;
	[tilespmem:$0x6150] =	vst v63  }
0x95: {  	_ = 	snop  }
0x96: {  	[spmem:s3] =	stream.indirect.scatter.add.f32 [tilespmem:s26], [sflag:$0x9], $0x1, s30, s23, $0xb8;
	[tilespmem:$0x6150] =	vst v63  }
0x97: {  	_ = 	snop  }
0x98: {  	[spmem:s2] =	stream.indirect.scatter.add.f32 [tilespmem:s24], [sflag:$0x5], $0x10, s31, s23, $0xb8;
	[tilespmem:$0x6150] =	vst v63  }
0x99: {  	_ = 	snop  }
0x9a: {  	[spmem:s3] =	stream.indirect.scatter.add.f32 [tilespmem:s26], [sflag:$0xA], $0x1, s31, s23, $0xb8;
	[tilespmem:$0x6150] =	vst v63  }
0x9b: {  	_ =	swait.ge [sflag:s1], $0x7D0  }
0x9c: {  	[sflag:s1] =	ssyncset.done $0x0  }
0x9d: {  	[sflag:s1] =	ssyncadd.s32 $0xFFFFF830  }
0x9e: {  	_ =	swait.ge [sflag:s22], $0x7D  }
0x9f: {  	[sflag:s22] =	ssyncset.done $0x0  }
0xa0: {  	s16 =	simm.s32 $0x280;
	[sflag:s22] =	ssyncadd.s32 $0xFFFFFF83  }
0xa1: {  	[spmem:s2] =	stream.indirect.scatter.add.f32 [tilespmem:s24], [sflag:$0x1], $0x10, s16, s23, $0xb8;
	[tilespmem:$0x6150] =	vst v63  }
0xa2: {  	_ = 	snop  }
0xa3: {  	[spmem:s3] =	stream.indirect.scatter.add.f32 [tilespmem:s26], [sflag:$0x6], $0x1, s16, s23, $0xb8;
	[tilespmem:$0x6150] =	vst v63  }
0xa4: {  	_ =	swait.ge [sflag:s0], $0x7D0  }
0xa5: {  	[sflag:s0] =	ssyncset.done $0x0  }
0xa6: {  	[sflag:s0] =	ssyncadd.s32 $0xFFFFF830  }
0xa7: {  	_ =	swait.ge [sflag:s5], $0x7D  }
0xa8: {  	[sflag:s5] =	ssyncset.done $0x0  }
0xa9: {  	s17 =	simm.s32 $0x300;
	[sflag:s5] =	ssyncadd.s32 $0xFFFFFF83  }
0xaa: {  	[spmem:s2] =	stream.indirect.scatter.add.f32 [tilespmem:s24], [sflag:$0x2], $0x10, s17, s23, $0xb8;
	[tilespmem:$0x6150] =	vst v63  }
0xab: {  	_ = 	snop  }
0xac: {  	[spmem:s3] =	stream.indirect.scatter.add.f32 [tilespmem:s26], [sflag:$0x7], $0x1, s17, s23, $0xb8;
	[tilespmem:$0x6150] =	vst v63  }
0xad: {  	_ =	swait.ge [sflag:s8], $0x7D0  }
0xae: {  	[sflag:s8] =	ssyncset.done $0x0  }
0xaf: {  	[sflag:s8] =	ssyncadd.s32 $0xFFFFF830  }
0xb0: {  	_ =	swait.ge [sflag:s9], $0x7D  }
0xb1: {  	[sflag:s9] =	ssyncset.done $0x0  }
0xb2: {  	s16 =	simm.s32 $0x380;
	[sflag:s9] =	ssyncadd.s32 $0xFFFFFF83  }
0xb3: {  	[spmem:s2] =	stream.indirect.scatter.add.f32 [tilespmem:s24], [sflag:$0x3], $0x10, s16, s23, $0xb8;
	[tilespmem:$0x6150] =	vst v63  }
0xb4: {  	_ = 	snop  }
0xb5: {  	[spmem:s3] =	stream.indirect.scatter.add.f32 [tilespmem:s26], [sflag:$0x8], $0x1, s16, s23, $0xb8;
	[tilespmem:$0x6150] =	vst v63  }
0xb6: {  	_ =	swait.ge [sflag:s10], $0x7D0  }
0xb7: {  	[sflag:s10] =	ssyncset.done $0x0  }
0xb8: {  	[sflag:s10] =	ssyncadd.s32 $0xFFFFF830  }
0xb9: {  	_ =	swait.ge [sflag:s11], $0x7D  }
0xba: {  	[sflag:s11] =	ssyncset.done $0x0  }
0xbb: {  	s17 =	simm.s32 $0x400;
	[sflag:s11] =	ssyncadd.s32 $0xFFFFFF83  }
0xbc: {  	[spmem:s2] =	stream.indirect.scatter.add.f32 [tilespmem:s24], [sflag:$0x4], $0x10, s17, s23, $0xb8;
	[tilespmem:$0x6150] =	vst v63  }
0xbd: {  	_ = 	snop  }
0xbe: {  	[spmem:s3] =	stream.indirect.scatter.add.f32 [tilespmem:s26], [sflag:$0x9], $0x1, s17, s23, $0xb8;
	[tilespmem:$0x6150] =	vst v63  }
0xbf: {  	_ =	swait.ge [sflag:s12], $0x7D0  }
0xc0: {  	[sflag:s12] =	ssyncset.done $0x0  }
0xc1: {  	[sflag:s12] =	ssyncadd.s32 $0xFFFFF830  }
0xc2: {  	_ =	swait.ge [sflag:s13], $0x7D  }
0xc3: {  	[sflag:s13] =	ssyncset.done $0x0  }
0xc4: {  	s15 =	simm.s32 $0xFFFF7400;
	s16 =	simm.s32 $0x480;
	[sflag:s13] =	ssyncadd.s32 $0xFFFFFF83  }
0xc5: {  	[spmem:s2] =	stream.indirect.scatter.add.f32 [tilespmem:s24], [sflag:$0x5], $0x10, s16, s23, $0xb8;
	[tilespmem:$0x6150] =	vst v63  }
.LBB2_6:
0xc6: {  	[spmem:s3] =	stream.indirect.scatter.add.f32 [tilespmem:s26], [sflag:$0xA], $0x1, s16, s23, $0xb8;
	[tilespmem:$0x6150] =	vst v63  }
0xc7: {  	s16 =	smov.u32 s15  }
0xc8: {  	p0 =	sne.s32 s15, $0xFFFFF600;
	s15 =	sadd.s32 $0xA00, s15;
	_ =	swait.ge [sflag:s1], $0x7D0  }
0xc9: {  	[sflag:s1] =	ssyncset.done $0x0  }
0xca: {  	[sflag:s1] =	ssyncadd.s32 $0xFFFFF830  }
0xcb: {  	_ =	swait.ge [sflag:s22], $0x7D  }
0xcc: {  	s16 =	sshra.s32 s16, $0x2;
	[sflag:s22] =	ssyncset.done $0x0  }
0xcd: {  	s17 =	sadd.s32 $0x2800, s16;
	[sflag:s22] =	ssyncadd.s32 $0xFFFFFF83  }
0xce: {  	[spmem:s2] =	stream.indirect.scatter.add.f32 [tilespmem:s24], [sflag:$0x1], $0x10, s17, s23, $0xb8;
	[tilespmem:$0x6150] =	vst v63  }
0xcf: {  	_ = 	snop  }
0xd0: {  	[spmem:s3] =	stream.indirect.scatter.add.f32 [tilespmem:s26], [sflag:$0x6], $0x1, s17, s23, $0xb8;
	[tilespmem:$0x6150] =	vst v63  }
0xd1: {  	_ =	swait.ge [sflag:s0], $0x7D0  }
0xd2: {  	[sflag:s0] =	ssyncset.done $0x0  }
0xd3: {  	[sflag:s0] =	ssyncadd.s32 $0xFFFFF830  }
0xd4: {  	_ =	swait.ge [sflag:s5], $0x7D  }
0xd5: {  	[sflag:s5] =	ssyncset.done $0x0  }
0xd6: {  	s17 =	sadd.s32 $0x2880, s16;
	[sflag:s5] =	ssyncadd.s32 $0xFFFFFF83  }
0xd7: {  	[spmem:s2] =	stream.indirect.scatter.add.f32 [tilespmem:s24], [sflag:$0x2], $0x10, s17, s23, $0xb8;
	[tilespmem:$0x6150] =	vst v63  }
0xd8: {  	_ = 	snop  }
0xd9: {  	[spmem:s3] =	stream.indirect.scatter.add.f32 [tilespmem:s26], [sflag:$0x7], $0x1, s17, s23, $0xb8;
	[tilespmem:$0x6150] =	vst v63  }
0xda: {  	_ =	swait.ge [sflag:s8], $0x7D0  }
0xdb: {  	[sflag:s8] =	ssyncset.done $0x0  }
0xdc: {  	[sflag:s8] =	ssyncadd.s32 $0xFFFFF830  }
0xdd: {  	_ =	swait.ge [sflag:s9], $0x7D  }
0xde: {  	[sflag:s9] =	ssyncset.done $0x0  }
0xdf: {  	s17 =	sadd.s32 $0x2900, s16;
	[sflag:s9] =	ssyncadd.s32 $0xFFFFFF83  }
0xe0: {  	[spmem:s2] =	stream.indirect.scatter.add.f32 [tilespmem:s24], [sflag:$0x3], $0x10, s17, s23, $0xb8;
	[tilespmem:$0x6150] =	vst v63  }
0xe1: {  	_ = 	snop  }
0xe2: {  	[spmem:s3] =	stream.indirect.scatter.add.f32 [tilespmem:s26], [sflag:$0x8], $0x1, s17, s23, $0xb8;
	[tilespmem:$0x6150] =	vst v63  }
0xe3: {  	_ =	swait.ge [sflag:s10], $0x7D0  }
0xe4: {  	[sflag:s10] =	ssyncset.done $0x0  }
0xe5: {  	[sflag:s10] =	ssyncadd.s32 $0xFFFFF830  }
0xe6: {  	_ =	swait.ge [sflag:s11], $0x7D  }
0xe7: {  	[sflag:s11] =	ssyncset.done $0x0  }
0xe8: {  	s17 =	sadd.s32 $0x2980, s16;
	[sflag:s11] =	ssyncadd.s32 $0xFFFFFF83  }
0xe9: {  	[spmem:s2] =	stream.indirect.scatter.add.f32 [tilespmem:s24], [sflag:$0x4], $0x10, s17, s23, $0xb8;
	[tilespmem:$0x6150] =	vst v63  }
0xea: {  	_ = 	snop  }
0xeb: {  	[spmem:s3] =	stream.indirect.scatter.add.f32 [tilespmem:s26], [sflag:$0x9], $0x1, s17, s23, $0xb8;
	[tilespmem:$0x6150] =	vst v63  }
0xec: {  	_ =	swait.ge [sflag:s12], $0x7D0  }
0xed: {  	[sflag:s12] =	ssyncset.done $0x0  }
.Ltmp2:
0xee: {  	[sflag:s12] =	ssyncadd.s32 $0xFFFFF830;
	(pc) =	sbr.rel @p0 .LBB2_6-.Ltmp2, $4  }
0xef: {  	_ =	swait.ge [sflag:s13], $0x7D  }
0xf0: {  	[sflag:s13] =	ssyncset.done $0x0  }
0xf1: {  	s16 =	sadd.s32 $0x2A00, s16;
	[sflag:s13] =	ssyncadd.s32 $0xFFFFFF83  }
0xf2: {  	[spmem:s2] =	stream.indirect.scatter.add.f32 [tilespmem:s24], [sflag:$0x5], $0x10, s16, s23, $0xb8;
	[tilespmem:$0x6150] =	vst v63  }
0xf3: {  	[spmem:s3] =	stream.indirect.scatter.add.f32 [tilespmem:s26], [sflag:$0xA], $0x1, s16, s23, $0xb8;
	[tilespmem:$0x6150] =	vst v63  }
0xf4: {  	_ =	swait.ge [sflag:s1], $0x7D0  }
0xf5: {  	[sflag:s1] =	ssyncset.done $0x0  }
0xf6: {  	[sflag:s1] =	ssyncadd.s32 $0xFFFFF830  }
0xf7: {  	_ =	swait.ge [sflag:s22], $0x7D  }
0xf8: {  	[sflag:s22] =	ssyncset.done $0x0  }
0xf9: {  	[sflag:s22] =	ssyncadd.s32 $0xFFFFFF83  }
0xfa: {  	_ =	swait.ge [sflag:s0], $0x7D0  }
0xfb: {  	[sflag:s0] =	ssyncset.done $0x0  }
0xfc: {  	[sflag:s0] =	ssyncadd.s32 $0xFFFFF830  }
0xfd: {  	_ =	swait.ge [sflag:s5], $0x7D  }
0xfe: {  	[sflag:s5] =	ssyncset.done $0x0  }
0xff: {  	[sflag:s5] =	ssyncadd.s32 $0xFFFFFF83  }
0x100: {  	_ =	swait.ge [sflag:s8], $0x7D0  }
0x101: {  	[sflag:s8] =	ssyncset.done $0x0  }
0x102: {  	[sflag:s8] =	ssyncadd.s32 $0xFFFFF830  }
0x103: {  	_ =	swait.ge [sflag:s9], $0x7D  }
0x104: {  	[sflag:s9] =	ssyncset.done $0x0  }
0x105: {  	[sflag:s9] =	ssyncadd.s32 $0xFFFFFF83  }
0x106: {  	_ =	swait.ge [sflag:s10], $0x7D0  }
0x107: {  	[sflag:s10] =	ssyncset.done $0x0  }
0x108: {  	[sflag:s10] =	ssyncadd.s32 $0xFFFFF830  }
0x109: {  	_ =	swait.ge [sflag:s11], $0x7D  }
0x10a: {  	[sflag:s11] =	ssyncset.done $0x0  }
0x10b: {  	[sflag:s11] =	ssyncadd.s32 $0xFFFFFF83  }
0x10c: {  	_ =	swait.ge [sflag:s12], $0x7D0  }
0x10d: {  	[sflag:s12] =	ssyncset.done $0x0  }
0x10e: {  	[sflag:s12] =	ssyncadd.s32 $0xFFFFF830  }
0x10f: {  	_ =	swait.ge [sflag:s13], $0x7D  }
0x110: {  	[sflag:s13] =	ssyncset.done $0x0  }
0x111: {  	s15 =	stileid.u32;
	[sflag:s13] =	ssyncadd.s32 $0xFFFFFF83  }
0x112: {  	s15 =	sshll.u32 s15, $0x6;
	[bflag:$0x0] =	sbarrier.arrive $0xFFFF  }
0x113: {  	s15 =	sor.u32 $0x1C0B, s15;
	s17 =	rddreg [dreg:$0x6]  }
0x114: {  	[hbm:s17], [sflag:s15] =	dma.local [spmem:s25], $0x500  }
0x115: {  	_ =	swait.ge [sflag:s20], $0x500  }
0x116: {  	[sflag:s20] =	ssyncset.done $0x0  }
0x117: {  	s16 =	sshrl.u32 s7, $0x3;
	s17 =	rddreg [dreg:$0x7];
	[sflag:s20] =	ssyncadd.s32 $0xFFFFFB00  }
0x118: {  	[hbm:s17], [sflag:s15] =	dma.local [spmem:s16], $0x50  }
0x119: {  	_ =	swait.ge [sflag:s20], $0x50  }
0x11a: {  	s14 =	sadd.s32 $0x1, s14;
	s17 =	rddreg [dreg:$0x8]  }
0x11b: {  	p0 =	sne.s32 s14, s17  }
.Ltmp3:
0x11c: {  	_ = 	snop;
	(pc) =	sbr.rel @p0 .LBB2_1-.Ltmp3, $3  }
0x11d: {  	_ =	sdelay $0x1  }
0x11e: {  	[sflag:s20] =	ssyncset.done $0x0  }
0x11f: {  	[sflag:s20] =	ssyncadd.s32 $0xFFFFFFB0  }
0x120: {  	_ =	sfence.sel $0x180000  }
0x121: {  	[bflag:$0x0] =	sbarrier.arrive $0xFFFF  }
0x122: {  	_ =	strace $0x90000047  }
0x123: {  	s0 =	stileid.u32;
	[bflag:$0x2] =	sbarrier.arrive $0xFFFF  }
0x124: {  	p0 =	sne.s32 s0, $0x0;
	s0 =	rddreg [dreg:$0x4]  }
0x125: {  	s0 =	sadd.s32 @!p0 $0x100000, s0  }
0x126: {  	[sflag:s0] =	ssyncadd.tile.s32 @!p0 $0x1;
	_ =	shalt  }
.Lfunc_end2:
_tile_overlayer_lowered:
.L_overlay_start_2:
0x127: {  	(tag) =	ssettag $0x2  }
0x128: {  	s0 =	rddreg [dreg:$0x0];
	s2 =	stileid.u32  }
0x129: {  	s1 =	rddreg [dreg:$0x1];
	p0 =	sne.s32 s2, $0x0  }
0x12a: {  	s3 =	rddreg [dreg:$0x2];
	[bflag:$0x3] =	sbarrier.arrive $0xFFFF;
	s2 =	simm.s32 @!p0 $0x1C0B  }
0x12b: {  	[timem:s3], [sflag:s2] =	dma.local @!p0 [hbm:s0], s1  }
0x12c: {  	s0 =	simm.s32 @!p0 $0xB  }
0x12d: {  	_ =	swait.ge @!p0 [sflag:s0], s1  }
0x12e: {  	s1 =	ssub.s32 @!p0 $0x0, s1;
	[sflag:s0] =	ssyncset.done @!p0 $0x0  }
0x12f: {  	[sflag:s0] =	ssyncadd.s32 @!p0 s1  }
0x130: {  	[bflag:$0x3] =	sbarrier.arrive $0xFFFF  }
0x131: {  	_ =	shalt  }

</sc_bundles>
